<compile_context>
chip_gen: v7x
topology: tpu7x:2x2x1
jax: 0.10.2.dev20260603
libtpu: 0.0.44.dev20260713+nightly
codegen_flags: <defaults>
</compile_context>

<pallas_src>
import functools

import jax
import jax.numpy as jnp
from jax import lax
from jax.experimental import pallas as pl
from jax.experimental.pallas import tpu as pltpu
from jax.experimental.pallas import tpu_sc as plsc

B = 16384
V = 1000000
D = 32
H = 256

NC = 2
NS = 16
NW = NC * NS
BPW = B // NW
CH = 128
NCH = BPW // CH
L = 16
W = 4 * D

CHK = 4096
RG = 62
QR = RG * CHK
SB = 61
Q = SB * CHK


def _relayout_body(u0, u1, u2, u3, i0, i1, i2, i3, outu_r, outi_r):
    eye = (lax.broadcasted_iota(jnp.int32, (W, W), 0)
           == lax.broadcasted_iota(jnp.int32, (W, W), 1)).astype(jnp.float32)
    dn = (((0,), (0,)), ((), ()))
    cu = jnp.concatenate([u0[:], u1[:], u2[:], u3[:]], axis=0)
    ci = jnp.concatenate([i0[:], i1[:], i2[:], i3[:]], axis=0)
    outu_r[:] = lax.dot_general(cu, eye, dn,
                                precision=lax.Precision.DEFAULT,
                                preferred_element_type=jnp.float32)
    outi_r[:] = lax.dot_general(ci, eye, dn,
                                precision=lax.Precision.DEFAULT,
                                preferred_element_type=jnp.float32)


def _relayout(uetT, ietT):
    out4 = jax.ShapeDtypeStruct((QR, W), jnp.float32)
    mk = lambda k: pl.BlockSpec((D, CHK), lambda i, k=k: (0, k * SB + i))
    return pl.pallas_call(
        _relayout_body,
        grid=(RG,),
        in_specs=[mk(0), mk(1), mk(2), mk(3)] * 2,
        out_specs=[
            pl.BlockSpec((CHK, W), lambda i: (i, 0)),
            pl.BlockSpec((CHK, W), lambda i: (i, 0)),
        ],
        out_shape=[out4, out4],
    )(uetT, uetT, uetT, uetT, ietT, ietT, ietT, ietT)


def _sc_gather(user2d, item2d, ubt, ibt, uet4, iet4):
    mesh = plsc.VectorSubcoreMesh(core_axis_name="c", subcore_axis_name="s")

    @functools.partial(
        pl.kernel,
        out_type=(
            jax.ShapeDtypeStruct((B, W), jnp.float32),
            jax.ShapeDtypeStruct((B, W), jnp.float32),
            jax.ShapeDtypeStruct((B,), jnp.float32),
        ),
        mesh=mesh,
        scratch_types=[
            pltpu.VMEM((NCH, CH), jnp.int32),
            pltpu.VMEM((NCH, CH), jnp.int32),
            pltpu.VMEM((NCH, CH), jnp.int32),
            pltpu.VMEM((NCH, CH), jnp.int32),
            pltpu.VMEM((2, CH, W), jnp.float32),
            pltpu.VMEM((2, CH, W), jnp.float32),
            pltpu.VMEM((BPW,), jnp.float32),
            pltpu.VMEM((BPW,), jnp.float32),
            pltpu.SemaphoreType.DMA,
            pltpu.SemaphoreType.DMA,
            pltpu.SemaphoreType.DMA,
        ],
    )
    def k(user_h, item_h, ubt_h, ibt_h, uet_h, iet_h, xu_h, xi_h, wide_h,
          idx_u, idx_i, qidx_u, qidx_i, bufu, bufi, bu, bi, gsem, wsem, bsem):
        wid = lax.axis_index("s") * NC + lax.axis_index("c")
        base = wid * BPW
        pltpu.sync_copy(user_h.at[pl.ds(wid * NCH, NCH)], idx_u)
        pltpu.sync_copy(item_h.at[pl.ds(wid * NCH, NCH)], idx_i)
        bias_copies = []
        for j in range(NCH):
            dst = pl.ds(j * CH, CH)
            bias_copies.append(pltpu.async_copy(ubt_h.at[idx_u.at[j]],
                                                bu.at[dst], bsem))
            bias_copies.append(pltpu.async_copy(ibt_h.at[idx_i.at[j]],
                                                bi.at[dst], bsem))
        q1, q2, q3 = jnp.int32(Q), jnp.int32(2 * Q), jnp.int32(3 * Q)
        zero = jnp.int32(0)

        def _mod_q(v):
            sub = jnp.where(v >= q3, q3,
                            jnp.where(v >= q2, q2,
                                      jnp.where(v >= q1, q1, zero)))
            return v - sub

        for j in range(NCH):
            src_u, dst_u = idx_u.at[j], qidx_u.at[j]
            src_i, dst_i = idx_i.at[j], qidx_i.at[j]
            for t in range(CH // L):
                s = pl.ds(t * L, L)
                dst_u[s] = _mod_q(src_u[s])
                dst_i[s] = _mod_q(src_i[s])
        writes = [None] * NCH
        for j in range(NCH):
            s = j & 1
            if j >= 2:
                writes[j - 2][0].wait()
                writes[j - 2][1].wait()
            gu = pltpu.async_copy(uet_h.at[qidx_u.at[j]], bufu.at[s], gsem)
            gi = pltpu.async_copy(iet_h.at[qidx_i.at[j]], bufi.at[s], gsem)
            gu.wait()
            gi.wait()
            row = pl.ds(base + j * CH, CH)
            writes[j] = (
                pltpu.async_copy(bufu.at[s], xu_h.at[row], wsem),
                pltpu.async_copy(bufi.at[s], xi_h.at[row], wsem),
            )
        for c in bias_copies:
            c.wait()
        for t in range(BPW // L):
            s = pl.ds(t * L, L)
            bu[s] = bu[s] + bi[s]
        pltpu.sync_copy(bu, wide_h.at[pl.ds(base, BPW)])
        for j in range(NCH - 2, NCH):
            writes[j][0].wait()
            writes[j][1].wait()

    return k(user2d, item2d, ubt, ibt, uet4, iet4)


BT = 2048


def _quarter_mask(xw, idx):
    quarter = ((idx >= Q).astype(jnp.int32) + (idx >= 2 * Q).astype(jnp.int32)
               + (idx >= 3 * Q).astype(jnp.int32))
    lane_q = lax.shift_right_logical(
        lax.broadcasted_iota(jnp.int32, (BT, W), 1), jnp.int32(5))
    return xw * (lane_q == quarter).astype(jnp.float32)


def _mlp_body(u_r, i_r, xuw_r, xiw_r, w_r, W1u_r, W1i_r, b1_r, W2_r,
              b2_r, W3_r, b3_r, out_r):
    xu = _quarter_mask(xuw_r[:], u_r[:])
    xi = _quarter_mask(xiw_r[:], i_r[:])
    h = jnp.dot(xu, W1u_r[:], preferred_element_type=jnp.float32)
    h = h + jnp.dot(xi, W1i_r[:], preferred_element_type=jnp.float32)
    h = jnp.maximum(h + b1_r[:], 0.0)
    h = jnp.maximum(
        jnp.dot(h, W2_r[:], preferred_element_type=jnp.float32) + b2_r[:], 0.0)
    out_r[:] = (jnp.dot(h, W3_r[:], preferred_element_type=jnp.float32)
                + w_r[:] + b3_r[:])


def _mlp(u2d, i2d, xuw, xiw, wide2d, W1u, W1i, b1, W2, b2, W3, b3):
    rep = lambda shape: pl.BlockSpec(shape, lambda i: tuple(0 for _ in shape))
    return pl.pallas_call(
        _mlp_body,
        grid=(B // BT,),
        in_specs=[
            pl.BlockSpec((BT, 1), lambda i: (i, 0)),
            pl.BlockSpec((BT, 1), lambda i: (i, 0)),
            pl.BlockSpec((BT, W), lambda i: (i, 0)),
            pl.BlockSpec((BT, W), lambda i: (i, 0)),
            pl.BlockSpec((BT, 1), lambda i: (i, 0)),
            rep((W, H)),
            rep((W, H)),
            rep((H,)),
            rep((H, H // 2)),
            rep((H // 2,)),
            rep((H // 2, 1)),
            rep((1,)),
        ],
        out_specs=pl.BlockSpec((BT, 1), lambda i: (i, 0)),
        out_shape=jax.ShapeDtypeStruct((B, 1), jnp.float32),
    )(u2d, i2d, xuw, xiw, wide2d, W1u, W1i, b1, W2, b2, W3, b3)


def kernel(user, item, user_bias_table, item_bias_table, user_emb_table,
           item_emb_table, W1, b1, W2, b2, W3, b3):
    user = user.astype(jnp.int32)
    item = item.astype(jnp.int32)
    user2d = user.reshape(B // CH, CH)
    item2d = item.reshape(B // CH, CH)
    ubt = user_bias_table.reshape(V)
    ibt = item_bias_table.reshape(V)
    uet4, iet4 = _relayout(user_emb_table.T, item_emb_table.T)
    xuw, xiw, wide = _sc_gather(user2d, item2d, ubt, ibt, uet4, iet4)
    W1u4 = jnp.concatenate([W1[:D]] * 4, axis=0)
    W1i4 = jnp.concatenate([W1[D:]] * 4, axis=0)
    out = _mlp(user.reshape(B, 1), item.reshape(B, 1), xuw, xiw,
               wide.reshape(B, 1), W1u4, W1i4, b1, W2, b2, W3, b3)
    return out.reshape(B)

# --- scband reference (transcript-rebuilt; emitter-appended) ---
"""Pipeline reference for scband-wide-and-deep-14680198218363 (READ-ONLY COPY).

The authoritative reference and input builder live on the scoring server;
editing this copy changes nothing except your own understanding.
"""

import jax, jax.numpy as jnp
import numpy as np

B = 16384
V = 1000000
D = 32
H = 256


def setup_inputs(seed: int = 0) -> dict:
    key = jax.random.key(seed)
    ks = jax.random.split(key, 12)
    user = jax.random.randint(ks[0], (B,), 0, V)
    item = jax.random.randint(ks[1], (B,), 0, V)
    user_bias_table = jax.random.normal(ks[2], (V, 1), dtype=jnp.float32) * 0.01
    item_bias_table = jax.random.normal(ks[3], (V, 1), dtype=jnp.float32) * 0.01
    user_emb_table = jax.random.normal(ks[4], (V, D), dtype=jnp.float32) * 0.01
    item_emb_table = jax.random.normal(ks[5], (V, D), dtype=jnp.float32) * 0.01
    W1 = jax.random.normal(ks[6], (2 * D, H), dtype=jnp.float32) * (1.0 / np.sqrt(2 * D))
    b1 = jnp.zeros((H,), dtype=jnp.float32)
    W2 = jax.random.normal(ks[7], (H, H // 2), dtype=jnp.float32) * (1.0 / np.sqrt(H))
    b2 = jnp.zeros((H // 2,), dtype=jnp.float32)
    W3 = jax.random.normal(ks[8], (H // 2, 1), dtype=jnp.float32) * (1.0 / np.sqrt(H // 2))
    b3 = jnp.zeros((1,), dtype=jnp.float32)
    return {
        "user": user,
        "item": item,
        "user_bias_table": user_bias_table,
        "item_bias_table": item_bias_table,
        "user_emb_table": user_emb_table,
        "item_emb_table": item_emb_table,
        "W1": W1, "b1": b1,
        "W2": W2, "b2": b2,
        "W3": W3, "b3": b3,
    }


def reference(user, item, user_bias_table, item_bias_table, user_emb_table,
              item_emb_table, W1, b1, W2, b2, W3, b3):
    # Wide part: bias embedding lookups (gather) + add
    user_bias = jnp.take(user_bias_table, user, axis=0).squeeze(-1)
    item_bias = jnp.take(item_bias_table, item, axis=0).squeeze(-1)
    wide_output = user_bias + item_bias
    # Deep part: embedding lookups (gather) -> concat -> MLP
    user_emb = jnp.take(user_emb_table, user, axis=0)
    item_emb = jnp.take(item_emb_table, item, axis=0)
    x = jnp.concatenate([user_emb, item_emb], axis=-1)
    x = jax.nn.relu(x @ W1 + b1)
    # dropout is identity in eval mode
    x = jax.nn.relu(x @ W2 + b2)
    deep_output = (x @ W3 + b3).squeeze(-1)
    return wide_output + deep_output

if __name__ == "__main__":
    import jax
    _d = setup_inputs()
    print(jax.jit(kernel)(*tuple(_d.values())))

</pallas_src>

<mosaic_0001>
#map = affine_map<(d0, d1) -> (0, 0)>
#map1 = affine_map<(d0, d1) -> (0)>
module attributes {stable_mosaic.version = 14 : i64} {
  func.func @k(%arg0: i32, %arg1: i32, %arg2: memref<128x128xi32, #tpu.memory_space<hbm>>, %arg3: memref<128x128xi32, #tpu.memory_space<hbm>>, %arg4: memref<1000000xf32, #tpu.memory_space<hbm>>, %arg5: memref<1000000xf32, #tpu.memory_space<hbm>>, %arg6: memref<253952x128xf32, #tpu.memory_space<hbm>>, %arg7: memref<253952x128xf32, #tpu.memory_space<hbm>>, %arg8: memref<16384x128xf32, #tpu.memory_space<hbm>>, %arg9: memref<16384x128xf32, #tpu.memory_space<hbm>>, %arg10: memref<16384xf32, #tpu.memory_space<hbm>>, %arg11: memref<4x128xi32, #tpu.memory_space<vmem>>, %arg12: memref<4x128xi32, #tpu.memory_space<vmem>>, %arg13: memref<4x128xi32, #tpu.memory_space<vmem>>, %arg14: memref<4x128xi32, #tpu.memory_space<vmem>>, %arg15: memref<2x128x128xf32, #tpu.memory_space<vmem>>, %arg16: memref<2x128x128xf32, #tpu.memory_space<vmem>>, %arg17: memref<512xf32, #tpu.memory_space<vmem>>, %arg18: memref<512xf32, #tpu.memory_space<vmem>>, %arg19: memref<!tpu.dma_semaphore, #tpu.memory_space<semaphore_mem>>, %arg20: memref<!tpu.dma_semaphore, #tpu.memory_space<semaphore_mem>>, %arg21: memref<!tpu.dma_semaphore, #tpu.memory_space<semaphore_mem>>) attributes {dimension_semantics = [#tpu.dimension_semantics<core_parallel>, #tpu.dimension_semantics<subcore_parallel>], iteration_bounds = array<i64: 2, 16>, scalar_prefetch = 0 : i64, scratch_operands = 11 : i64, tpu.core_type = #tpu.core_type<sc_vector_subcore>, window_params = [{transform_indices = #map}, {transform_indices = #map}, {transform_indices = #map1}, {transform_indices = #map1}, {transform_indices = #map}, {transform_indices = #map}, {transform_indices = #map}, {transform_indices = #map}, {transform_indices = #map1}]} {
    %mul3A = arith.constant 2 : i32
    %mul3A_0 = arith.muli %arg1, %mul3A : i32
    %add3A = arith.addi %mul3A_0, %arg0 : i32
    %mul3A_1 = arith.constant 512 : i32
    %mul3A_2 = arith.muli %add3A, %mul3A_1 : i32
    %mul3A_3 = arith.constant 4 : i32
    %mul3A_4 = arith.muli %add3A, %mul3A_3 : i32
    "tpu.region"() ({
      %run_scoped3A = tpu.sem_alloc : memref<!tpu.dma_semaphore, #tpu.memory_space<semaphore_mem>>
      %dma_start3A_3190 = arith.constant 0 : i32
      %dma_start3A_3191 = tpu.memref_slice %arg2[%mul3A_4, %dma_start3A_3190] : memref<128x128xi32, #tpu.memory_space<hbm>> -> memref<4x128xi32, #tpu.memory_space<hbm>>
      %dma_start3A_3192 = arith.constant 0 : i32
      %dma_start3A_3193 = tpu.memref_slice %arg2[%mul3A_4, %dma_start3A_3192] : memref<128x128xi32, #tpu.memory_space<hbm>> -> memref<4x128xi32, #tpu.memory_space<hbm>>
      tpu.enqueue_dma source(%dma_start3A_3193 : memref<4x128xi32, #tpu.memory_space<hbm>>) target(%arg11 : memref<4x128xi32, #tpu.memory_space<vmem>>) target_semaphore(%run_scoped3A : memref<!tpu.dma_semaphore, #tpu.memory_space<semaphore_mem>>)
      %dma_wait3A_3194 = arith.constant 0 : i32
      %dma_wait3A_3195 = tpu.memref_slice %arg2[%mul3A_4, %dma_wait3A_3194] : memref<128x128xi32, #tpu.memory_space<hbm>> -> memref<4x128xi32, #tpu.memory_space<hbm>>
      %dma_wait3A_3196 = arith.constant 0 : i32
      %dma_wait3A_3197 = tpu.memref_slice %arg2[%mul3A_4, %dma_wait3A_3196] : memref<128x128xi32, #tpu.memory_space<hbm>> -> memref<4x128xi32, #tpu.memory_space<hbm>>
      tpu.wait_dma2 semaphore(%run_scoped3A : memref<!tpu.dma_semaphore, #tpu.memory_space<semaphore_mem>>) src(%dma_wait3A_3197 : memref<4x128xi32, #tpu.memory_space<hbm>>) dst(%arg11 : memref<4x128xi32, #tpu.memory_space<vmem>>)
      tpu.yield
    }) : () -> ()
    %mul3A_5 = arith.constant 4 : i32
    %mul3A_6 = arith.muli %add3A, %mul3A_5 : i32
    "tpu.region"() ({
      %run_scoped3A = tpu.sem_alloc : memref<!tpu.dma_semaphore, #tpu.memory_space<semaphore_mem>>
      %dma_start3A_3190 = arith.constant 0 : i32
      %dma_start3A_3191 = tpu.memref_slice %arg3[%mul3A_6, %dma_start3A_3190] : memref<128x128xi32, #tpu.memory_space<hbm>> -> memref<4x128xi32, #tpu.memory_space<hbm>>
      %dma_start3A_3192 = arith.constant 0 : i32
      %dma_start3A_3193 = tpu.memref_slice %arg3[%mul3A_6, %dma_start3A_3192] : memref<128x128xi32, #tpu.memory_space<hbm>> -> memref<4x128xi32, #tpu.memory_space<hbm>>
      tpu.enqueue_dma source(%dma_start3A_3193 : memref<4x128xi32, #tpu.memory_space<hbm>>) target(%arg12 : memref<4x128xi32, #tpu.memory_space<vmem>>) target_semaphore(%run_scoped3A : memref<!tpu.dma_semaphore, #tpu.memory_space<semaphore_mem>>)
      %dma_wait3A_3194 = arith.constant 0 : i32
      %dma_wait3A_3195 = tpu.memref_slice %arg3[%mul3A_6, %dma_wait3A_3194] : memref<128x128xi32, #tpu.memory_space<hbm>> -> memref<4x128xi32, #tpu.memory_space<hbm>>
      %dma_wait3A_3196 = arith.constant 0 : i32
      %dma_wait3A_3197 = tpu.memref_slice %arg3[%mul3A_6, %dma_wait3A_3196] : memref<128x128xi32, #tpu.memory_space<hbm>> -> memref<4x128xi32, #tpu.memory_space<hbm>>
      tpu.wait_dma2 semaphore(%run_scoped3A : memref<!tpu.dma_semaphore, #tpu.memory_space<semaphore_mem>>) src(%dma_wait3A_3197 : memref<4x128xi32, #tpu.memory_space<hbm>>) dst(%arg12 : memref<4x128xi32, #tpu.memory_space<vmem>>)
      tpu.yield
    }) : () -> ()
    %dma_start3A = arith.constant 0 : i32
    %dma_start3A_7 = arith.constant 0 : i32
    %dma_start3A_8 = tpu.memref_slice %arg17[%dma_start3A_7] : memref<512xf32, #tpu.memory_space<vmem>> -> memref<128xf32, #tpu.memory_space<vmem>>
    %dma_start3A_9 = arith.constant 0 : i32
    %dma_start3A_10 = tpu.memref_slice %arg11[%dma_start3A, %dma_start3A_9] : memref<4x128xi32, #tpu.memory_space<vmem>> -> memref<1x128xi32, #tpu.memory_space<vmem>>
    %dma_start3A_11 = tpu.memref_squeeze %dma_start3A_10 : memref<1x128xi32, #tpu.memory_space<vmem>> -> memref<128xi32, #tpu.memory_space<vmem>>
    %dma_start3A_12 = arith.constant 0 : i32
    %dma_start3A_13 = tpu.memref_slice %arg4[%dma_start3A_12] : memref<1000000xf32, #tpu.memory_space<hbm>> -> memref<1000000xf32, #tpu.memory_space<hbm>>
    tpu.enqueue_indirect_dma source(%dma_start3A_13 : memref<1000000xf32, #tpu.memory_space<hbm>>) target(%dma_start3A_8 : memref<128xf32, #tpu.memory_space<vmem>>) offsets(%dma_start3A_11 : memref<128xi32, #tpu.memory_space<vmem>>) semaphore(%arg21 : memref<!tpu.dma_semaphore, #tpu.memory_space<semaphore_mem>>)
    %dma_start3A_14 = arith.constant 0 : i32
    %dma_start3A_15 = arith.constant 0 : i32
    %dma_start3A_16 = tpu.memref_slice %arg18[%dma_start3A_15] : memref<512xf32, #tpu.memory_space<vmem>> -> memref<128xf32, #tpu.memory_space<vmem>>
    %dma_start3A_17 = arith.constant 0 : i32
    %dma_start3A_18 = tpu.memref_slice %arg12[%dma_start3A_14, %dma_start3A_17] : memref<4x128xi32, #tpu.memory_space<vmem>> -> memref<1x128xi32, #tpu.memory_space<vmem>>
    %dma_start3A_19 = tpu.memref_squeeze %dma_start3A_18 : memref<1x128xi32, #tpu.memory_space<vmem>> -> memref<128xi32, #tpu.memory_space<vmem>>
    %dma_start3A_20 = arith.constant 0 : i32
    %dma_start3A_21 = tpu.memref_slice %arg5[%dma_start3A_20] : memref<1000000xf32, #tpu.memory_space<hbm>> -> memref<1000000xf32, #tpu.memory_space<hbm>>
    tpu.enqueue_indirect_dma source(%dma_start3A_21 : memref<1000000xf32, #tpu.memory_space<hbm>>) target(%dma_start3A_16 : memref<128xf32, #tpu.memory_space<vmem>>) offsets(%dma_start3A_19 : memref<128xi32, #tpu.memory_space<vmem>>) semaphore(%arg21 : memref<!tpu.dma_semaphore, #tpu.memory_space<semaphore_mem>>)
    %dma_start3A_22 = arith.constant 1 : i32
    %dma_start3A_23 = arith.constant 128 : i32
    %dma_start3A_24 = tpu.memref_slice %arg17[%dma_start3A_23] : memref<512xf32, #tpu.memory_space<vmem>> -> memref<128xf32, #tpu.memory_space<vmem>>
    %dma_start3A_25 = arith.constant 0 : i32
    %dma_start3A_26 = tpu.memref_slice %arg11[%dma_start3A_22, %dma_start3A_25] : memref<4x128xi32, #tpu.memory_space<vmem>> -> memref<1x128xi32, #tpu.memory_space<vmem>>
    %dma_start3A_27 = tpu.memref_squeeze %dma_start3A_26 : memref<1x128xi32, #tpu.memory_space<vmem>> -> memref<128xi32, #tpu.memory_space<vmem>>
    %dma_start3A_28 = arith.constant 0 : i32
    %dma_start3A_29 = tpu.memref_slice %arg4[%dma_start3A_28] : memref<1000000xf32, #tpu.memory_space<hbm>> -> memref<1000000xf32, #tpu.memory_space<hbm>>
    tpu.enqueue_indirect_dma source(%dma_start3A_29 : memref<1000000xf32, #tpu.memory_space<hbm>>) target(%dma_start3A_24 : memref<128xf32, #tpu.memory_space<vmem>>) offsets(%dma_start3A_27 : memref<128xi32, #tpu.memory_space<vmem>>) semaphore(%arg21 : memref<!tpu.dma_semaphore, #tpu.memory_space<semaphore_mem>>)
    %dma_start3A_30 = arith.constant 1 : i32
    %dma_start3A_31 = arith.constant 128 : i32
    %dma_start3A_32 = tpu.memref_slice %arg18[%dma_start3A_31] : memref<512xf32, #tpu.memory_space<vmem>> -> memref<128xf32, #tpu.memory_space<vmem>>
    %dma_start3A_33 = arith.constant 0 : i32
    %dma_start3A_34 = tpu.memref_slice %arg12[%dma_start3A_30, %dma_start3A_33] : memref<4x128xi32, #tpu.memory_space<vmem>> -> memref<1x128xi32, #tpu.memory_space<vmem>>
    %dma_start3A_35 = tpu.memref_squeeze %dma_start3A_34 : memref<1x128xi32, #tpu.memory_space<vmem>> -> memref<128xi32, #tpu.memory_space<vmem>>
    %dma_start3A_36 = arith.constant 0 : i32
    %dma_start3A_37 = tpu.memref_slice %arg5[%dma_start3A_36] : memref<1000000xf32, #tpu.memory_space<hbm>> -> memref<1000000xf32, #tpu.memory_space<hbm>>
    tpu.enqueue_indirect_dma source(%dma_start3A_37 : memref<1000000xf32, #tpu.memory_space<hbm>>) target(%dma_start3A_32 : memref<128xf32, #tpu.memory_space<vmem>>) offsets(%dma_start3A_35 : memref<128xi32, #tpu.memory_space<vmem>>) semaphore(%arg21 : memref<!tpu.dma_semaphore, #tpu.memory_space<semaphore_mem>>)
    %dma_start3A_38 = arith.constant 2 : i32
    %dma_start3A_39 = arith.constant 256 : i32
    %dma_start3A_40 = tpu.memref_slice %arg17[%dma_start3A_39] : memref<512xf32, #tpu.memory_space<vmem>> -> memref<128xf32, #tpu.memory_space<vmem>>
    %dma_start3A_41 = arith.constant 0 : i32
    %dma_start3A_42 = tpu.memref_slice %arg11[%dma_start3A_38, %dma_start3A_41] : memref<4x128xi32, #tpu.memory_space<vmem>> -> memref<1x128xi32, #tpu.memory_space<vmem>>
    %dma_start3A_43 = tpu.memref_squeeze %dma_start3A_42 : memref<1x128xi32, #tpu.memory_space<vmem>> -> memref<128xi32, #tpu.memory_space<vmem>>
    %dma_start3A_44 = arith.constant 0 : i32
    %dma_start3A_45 = tpu.memref_slice %arg4[%dma_start3A_44] : memref<1000000xf32, #tpu.memory_space<hbm>> -> memref<1000000xf32, #tpu.memory_space<hbm>>
    tpu.enqueue_indirect_dma source(%dma_start3A_45 : memref<1000000xf32, #tpu.memory_space<hbm>>) target(%dma_start3A_40 : memref<128xf32, #tpu.memory_space<vmem>>) offsets(%dma_start3A_43 : memref<128xi32, #tpu.memory_space<vmem>>) semaphore(%arg21 : memref<!tpu.dma_semaphore, #tpu.memory_space<semaphore_mem>>)
    %dma_start3A_46 = arith.constant 2 : i32
    %dma_start3A_47 = arith.constant 256 : i32
    %dma_start3A_48 = tpu.memref_slice %arg18[%dma_start3A_47] : memref<512xf32, #tpu.memory_space<vmem>> -> memref<128xf32, #tpu.memory_space<vmem>>
    %dma_start3A_49 = arith.constant 0 : i32
    %dma_start3A_50 = tpu.memref_slice %arg12[%dma_start3A_46, %dma_start3A_49] : memref<4x128xi32, #tpu.memory_space<vmem>> -> memref<1x128xi32, #tpu.memory_space<vmem>>
    %dma_start3A_51 = tpu.memref_squeeze %dma_start3A_50 : memref<1x128xi32, #tpu.memory_space<vmem>> -> memref<128xi32, #tpu.memory_space<vmem>>
    %dma_start3A_52 = arith.constant 0 : i32
    %dma_start3A_53 = tpu.memref_slice %arg5[%dma_start3A_52] : memref<1000000xf32, #tpu.memory_space<hbm>> -> memref<1000000xf32, #tpu.memory_space<hbm>>
    tpu.enqueue_indirect_dma source(%dma_start3A_53 : memref<1000000xf32, #tpu.memory_space<hbm>>) target(%dma_start3A_48 : memref<128xf32, #tpu.memory_space<vmem>>) offsets(%dma_start3A_51 : memref<128xi32, #tpu.memory_space<vmem>>) semaphore(%arg21 : memref<!tpu.dma_semaphore, #tpu.memory_space<semaphore_mem>>)
    %dma_start3A_54 = arith.constant 3 : i32
    %dma_start3A_55 = arith.constant 384 : i32
    %dma_start3A_56 = tpu.memref_slice %arg17[%dma_start3A_55] : memref<512xf32, #tpu.memory_space<vmem>> -> memref<128xf32, #tpu.memory_space<vmem>>
    %dma_start3A_57 = arith.constant 0 : i32
    %dma_start3A_58 = tpu.memref_slice %arg11[%dma_start3A_54, %dma_start3A_57] : memref<4x128xi32, #tpu.memory_space<vmem>> -> memref<1x128xi32, #tpu.memory_space<vmem>>
    %dma_start3A_59 = tpu.memref_squeeze %dma_start3A_58 : memref<1x128xi32, #tpu.memory_space<vmem>> -> memref<128xi32, #tpu.memory_space<vmem>>
    %dma_start3A_60 = arith.constant 0 : i32
    %dma_start3A_61 = tpu.memref_slice %arg4[%dma_start3A_60] : memref<1000000xf32, #tpu.memory_space<hbm>> -> memref<1000000xf32, #tpu.memory_space<hbm>>
    tpu.enqueue_indirect_dma source(%dma_start3A_61 : memref<1000000xf32, #tpu.memory_space<hbm>>) target(%dma_start3A_56 : memref<128xf32, #tpu.memory_space<vmem>>) offsets(%dma_start3A_59 : memref<128xi32, #tpu.memory_space<vmem>>) semaphore(%arg21 : memref<!tpu.dma_semaphore, #tpu.memory_space<semaphore_mem>>)
    %dma_start3A_62 = arith.constant 3 : i32
    %dma_start3A_63 = arith.constant 384 : i32
    %dma_start3A_64 = tpu.memref_slice %arg18[%dma_start3A_63] : memref<512xf32, #tpu.memory_space<vmem>> -> memref<128xf32, #tpu.memory_space<vmem>>
    %dma_start3A_65 = arith.constant 0 : i32
    %dma_start3A_66 = tpu.memref_slice %arg12[%dma_start3A_62, %dma_start3A_65] : memref<4x128xi32, #tpu.memory_space<vmem>> -> memref<1x128xi32, #tpu.memory_space<vmem>>
    %dma_start3A_67 = tpu.memref_squeeze %dma_start3A_66 : memref<1x128xi32, #tpu.memory_space<vmem>> -> memref<128xi32, #tpu.memory_space<vmem>>
    %dma_start3A_68 = arith.constant 0 : i32
    %dma_start3A_69 = tpu.memref_slice %arg5[%dma_start3A_68] : memref<1000000xf32, #tpu.memory_space<hbm>> -> memref<1000000xf32, #tpu.memory_space<hbm>>
    tpu.enqueue_indirect_dma source(%dma_start3A_69 : memref<1000000xf32, #tpu.memory_space<hbm>>) target(%dma_start3A_64 : memref<128xf32, #tpu.memory_space<vmem>>) offsets(%dma_start3A_67 : memref<128xi32, #tpu.memory_space<vmem>>) semaphore(%arg21 : memref<!tpu.dma_semaphore, #tpu.memory_space<semaphore_mem>>)
    %get3A = arith.constant 0 : i32
    %get3A_70 = arith.constant 0 : i32
    %get3A_71 = tpu.memref_slice %arg11[%get3A, %get3A_70] : memref<4x128xi32, #tpu.memory_space<vmem>> -> memref<1x128xi32, #tpu.memory_space<vmem>>
    %get3A_72 = tpu.memref_squeeze %get3A_71 : memref<1x128xi32, #tpu.memory_space<vmem>> -> memref<128xi32, #tpu.memory_space<vmem>>
    %get3A_73 = arith.constant 0 : index
    %get3A_74 = tpu.vector_load %get3A_72[%get3A_73] {strides = array<i32>} : memref<128xi32, #tpu.memory_space<vmem>>, vector<16xi32>,
    %get3A_75 = vector.shape_cast %get3A_74 : vector<16xi32> to vector<16xi32>
    %ge3A = arith.constant 749568 : i32
    %ge3A_76 = vector.broadcast %ge3A : i32 to vector<16xi32>
    %ge3A_77 = arith.cmpi sge, %get3A_75, %ge3A_76 : vector<16xi32>
    %ge3A_78 = arith.constant 499712 : i32
    %ge3A_79 = vector.broadcast %ge3A_78 : i32 to vector<16xi32>
    %ge3A_80 = arith.cmpi sge, %get3A_75, %ge3A_79 : vector<16xi32>
    %ge3A_81 = arith.constant 249856 : i32
    %ge3A_82 = vector.broadcast %ge3A_81 : i32 to vector<16xi32>
    %ge3A_83 = arith.cmpi sge, %get3A_75, %ge3A_82 : vector<16xi32>
    %jit3A = arith.constant 249856 : i32
    %jit3A_84 = arith.constant 0 : i32
    %broadcast_in_dim3A = vector.broadcast %jit3A : i32 to vector<16xi32>
    %broadcast_in_dim3A_85 = vector.broadcast %jit3A_84 : i32 to vector<16xi32>
    %select_n3A = arith.select %ge3A_83, %broadcast_in_dim3A, %broadcast_in_dim3A_85 : vector<16xi1>, vector<16xi32>
    %jit3A_86 = arith.constant 499712 : i32
    %broadcast_in_dim3A_87 = vector.broadcast %jit3A_86 : i32 to vector<16xi32>
    %select_n3A_88 = arith.select %ge3A_80, %broadcast_in_dim3A_87, %select_n3A : vector<16xi1>, vector<16xi32>
    %jit3A_89 = arith.constant 749568 : i32
    %broadcast_in_dim3A_90 = vector.broadcast %jit3A_89 : i32 to vector<16xi32>
    %select_n3A_91 = arith.select %ge3A_77, %broadcast_in_dim3A_90, %select_n3A_88 : vector<16xi1>, vector<16xi32>
    %sub3A = arith.subi %get3A_75, %select_n3A_91 : vector<16xi32>
    %swap3A = arith.constant 0 : i32
    %swap3A_92 = arith.constant 0 : i32
    %swap3A_93 = tpu.memref_slice %arg13[%swap3A, %swap3A_92] : memref<4x128xi32, #tpu.memory_space<vmem>> -> memref<1x128xi32, #tpu.memory_space<vmem>>
    %swap3A_94 = tpu.memref_squeeze %swap3A_93 : memref<1x128xi32, #tpu.memory_space<vmem>> -> memref<128xi32, #tpu.memory_space<vmem>>
    %swap3A_95 = arith.constant 0 : index
    %swap3A_96 = tpu.vector_load %swap3A_94[%swap3A_95] {strides = array<i32>} : memref<128xi32, #tpu.memory_space<vmem>>, vector<16xi32>,
    %swap3A_97 = vector.shape_cast %swap3A_96 : vector<16xi32> to vector<16xi32>
    %swap3A_98 = vector.shape_cast %sub3A : vector<16xi32> to vector<16xi32>
    tpu.vector_store %swap3A_94[%swap3A_95], %swap3A_98 {strides = array<i32>} : memref<128xi32, #tpu.memory_space<vmem>>, vector<16xi32>,
    %get3A_99 = arith.constant 0 : i32
    %get3A_100 = arith.constant 0 : i32
    %get3A_101 = tpu.memref_slice %arg12[%get3A_99, %get3A_100] : memref<4x128xi32, #tpu.memory_space<vmem>> -> memref<1x128xi32, #tpu.memory_space<vmem>>
    %get3A_102 = tpu.memref_squeeze %get3A_101 : memref<1x128xi32, #tpu.memory_space<vmem>> -> memref<128xi32, #tpu.memory_space<vmem>>
    %get3A_103 = arith.constant 0 : index
    %get3A_104 = tpu.vector_load %get3A_102[%get3A_103] {strides = array<i32>} : memref<128xi32, #tpu.memory_space<vmem>>, vector<16xi32>,
    %get3A_105 = vector.shape_cast %get3A_104 : vector<16xi32> to vector<16xi32>
    %ge3A_106 = arith.constant 749568 : i32
    %ge3A_107 = vector.broadcast %ge3A_106 : i32 to vector<16xi32>
    %ge3A_108 = arith.cmpi sge, %get3A_105, %ge3A_107 : vector<16xi32>
    %ge3A_109 = arith.constant 499712 : i32
    %ge3A_110 = vector.broadcast %ge3A_109 : i32 to vector<16xi32>
    %ge3A_111 = arith.cmpi sge, %get3A_105, %ge3A_110 : vector<16xi32>
    %ge3A_112 = arith.constant 249856 : i32
    %ge3A_113 = vector.broadcast %ge3A_112 : i32 to vector<16xi32>
    %ge3A_114 = arith.cmpi sge, %get3A_105, %ge3A_113 : vector<16xi32>
    %jit3A_115 = arith.constant 249856 : i32
    %jit3A_116 = arith.constant 0 : i32
    %broadcast_in_dim3A_117 = vector.broadcast %jit3A_115 : i32 to vector<16xi32>
    %broadcast_in_dim3A_118 = vector.broadcast %jit3A_116 : i32 to vector<16xi32>
    %select_n3A_119 = arith.select %ge3A_114, %broadcast_in_dim3A_117, %broadcast_in_dim3A_118 : vector<16xi1>, vector<16xi32>
    %jit3A_120 = arith.constant 499712 : i32
    %broadcast_in_dim3A_121 = vector.broadcast %jit3A_120 : i32 to vector<16xi32>
    %select_n3A_122 = arith.select %ge3A_111, %broadcast_in_dim3A_121, %select_n3A_119 : vector<16xi1>, vector<16xi32>
    %jit3A_123 = arith.constant 749568 : i32
    %broadcast_in_dim3A_124 = vector.broadcast %jit3A_123 : i32 to vector<16xi32>
    %select_n3A_125 = arith.select %ge3A_108, %broadcast_in_dim3A_124, %select_n3A_122 : vector<16xi1>, vector<16xi32>
    %sub3A_126 = arith.subi %get3A_105, %select_n3A_125 : vector<16xi32>
    %swap3A_127 = arith.constant 0 : i32
    %swap3A_128 = arith.constant 0 : i32
    %swap3A_129 = tpu.memref_slice %arg14[%swap3A_127, %swap3A_128] : memref<4x128xi32, #tpu.memory_space<vmem>> -> memref<1x128xi32, #tpu.memory_space<vmem>>
    %swap3A_130 = tpu.memref_squeeze %swap3A_129 : memref<1x128xi32, #tpu.memory_space<vmem>> -> memref<128xi32, #tpu.memory_space<vmem>>
    %swap3A_131 = arith.constant 0 : index
    %swap3A_132 = tpu.vector_load %swap3A_130[%swap3A_131] {strides = array<i32>} : memref<128xi32, #tpu.memory_space<vmem>>, vector<16xi32>,
    %swap3A_133 = vector.shape_cast %swap3A_132 : vector<16xi32> to vector<16xi32>
    %swap3A_134 = vector.shape_cast %sub3A_126 : vector<16xi32> to vector<16xi32>
    tpu.vector_store %swap3A_130[%swap3A_131], %swap3A_134 {strides = array<i32>} : memref<128xi32, #tpu.memory_space<vmem>>, vector<16xi32>,
    %get3A_135 = arith.constant 0 : i32
    %get3A_136 = arith.constant 0 : i32
    %get3A_137 = tpu.memref_slice %arg11[%get3A_135, %get3A_136] : memref<4x128xi32, #tpu.memory_space<vmem>> -> memref<1x128xi32, #tpu.memory_space<vmem>>
    %get3A_138 = tpu.memref_squeeze %get3A_137 : memref<1x128xi32, #tpu.memory_space<vmem>> -> memref<128xi32, #tpu.memory_space<vmem>>
    %get3A_139 = arith.constant 16 : index
    %get3A_140 = tpu.vector_load %get3A_138[%get3A_139] {strides = array<i32>} : memref<128xi32, #tpu.memory_space<vmem>>, vector<16xi32>,
    %get3A_141 = vector.shape_cast %get3A_140 : vector<16xi32> to vector<16xi32>
    %ge3A_142 = arith.constant 749568 : i32
    %ge3A_143 = vector.broadcast %ge3A_142 : i32 to vector<16xi32>
    %ge3A_144 = arith.cmpi sge, %get3A_141, %ge3A_143 : vector<16xi32>
    %ge3A_145 = arith.constant 499712 : i32
    %ge3A_146 = vector.broadcast %ge3A_145 : i32 to vector<16xi32>
    %ge3A_147 = arith.cmpi sge, %get3A_141, %ge3A_146 : vector<16xi32>
    %ge3A_148 = arith.constant 249856 : i32
    %ge3A_149 = vector.broadcast %ge3A_148 : i32 to vector<16xi32>
    %ge3A_150 = arith.cmpi sge, %get3A_141, %ge3A_149 : vector<16xi32>
    %jit3A_151 = arith.constant 249856 : i32
    %jit3A_152 = arith.constant 0 : i32
    %broadcast_in_dim3A_153 = vector.broadcast %jit3A_151 : i32 to vector<16xi32>
    %broadcast_in_dim3A_154 = vector.broadcast %jit3A_152 : i32 to vector<16xi32>
    %select_n3A_155 = arith.select %ge3A_150, %broadcast_in_dim3A_153, %broadcast_in_dim3A_154 : vector<16xi1>, vector<16xi32>
    %jit3A_156 = arith.constant 499712 : i32
    %broadcast_in_dim3A_157 = vector.broadcast %jit3A_156 : i32 to vector<16xi32>
    %select_n3A_158 = arith.select %ge3A_147, %broadcast_in_dim3A_157, %select_n3A_155 : vector<16xi1>, vector<16xi32>
    %jit3A_159 = arith.constant 749568 : i32
    %broadcast_in_dim3A_160 = vector.broadcast %jit3A_159 : i32 to vector<16xi32>
    %select_n3A_161 = arith.select %ge3A_144, %broadcast_in_dim3A_160, %select_n3A_158 : vector<16xi1>, vector<16xi32>
    %sub3A_162 = arith.subi %get3A_141, %select_n3A_161 : vector<16xi32>
    %swap3A_163 = arith.constant 0 : i32
    %swap3A_164 = arith.constant 0 : i32
    %swap3A_165 = tpu.memref_slice %arg13[%swap3A_163, %swap3A_164] : memref<4x128xi32, #tpu.memory_space<vmem>> -> memref<1x128xi32, #tpu.memory_space<vmem>>
    %swap3A_166 = tpu.memref_squeeze %swap3A_165 : memref<1x128xi32, #tpu.memory_space<vmem>> -> memref<128xi32, #tpu.memory_space<vmem>>
    %swap3A_167 = arith.constant 16 : index
    %swap3A_168 = tpu.vector_load %swap3A_166[%swap3A_167] {strides = array<i32>} : memref<128xi32, #tpu.memory_space<vmem>>, vector<16xi32>,
    %swap3A_169 = vector.shape_cast %swap3A_168 : vector<16xi32> to vector<16xi32>
    %swap3A_170 = vector.shape_cast %sub3A_162 : vector<16xi32> to vector<16xi32>
    tpu.vector_store %swap3A_166[%swap3A_167], %swap3A_170 {strides = array<i32>} : memref<128xi32, #tpu.memory_space<vmem>>, vector<16xi32>,
    %get3A_171 = arith.constant 0 : i32
    %get3A_172 = arith.constant 0 : i32
    %get3A_173 = tpu.memref_slice %arg12[%get3A_171, %get3A_172] : memref<4x128xi32, #tpu.memory_space<vmem>> -> memref<1x128xi32, #tpu.memory_space<vmem>>
    %get3A_174 = tpu.memref_squeeze %get3A_173 : memref<1x128xi32, #tpu.memory_space<vmem>> -> memref<128xi32, #tpu.memory_space<vmem>>
    %get3A_175 = arith.constant 16 : index
    %get3A_176 = tpu.vector_load %get3A_174[%get3A_175] {strides = array<i32>} : memref<128xi32, #tpu.memory_space<vmem>>, vector<16xi32>,
    %get3A_177 = vector.shape_cast %get3A_176 : vector<16xi32> to vector<16xi32>
    %ge3A_178 = arith.constant 749568 : i32
    %ge3A_179 = vector.broadcast %ge3A_178 : i32 to vector<16xi32>
    %ge3A_180 = arith.cmpi sge, %get3A_177, %ge3A_179 : vector<16xi32>
    %ge3A_181 = arith.constant 499712 : i32
    %ge3A_182 = vector.broadcast %ge3A_181 : i32 to vector<16xi32>
    %ge3A_183 = arith.cmpi sge, %get3A_177, %ge3A_182 : vector<16xi32>
    %ge3A_184 = arith.constant 249856 : i32
    %ge3A_185 = vector.broadcast %ge3A_184 : i32 to vector<16xi32>
    %ge3A_186 = arith.cmpi sge, %get3A_177, %ge3A_185 : vector<16xi32>
    %jit3A_187 = arith.constant 249856 : i32
    %jit3A_188 = arith.constant 0 : i32
    %broadcast_in_dim3A_189 = vector.broadcast %jit3A_187 : i32 to vector<16xi32>
    %broadcast_in_dim3A_190 = vector.broadcast %jit3A_188 : i32 to vector<16xi32>
    %select_n3A_191 = arith.select %ge3A_186, %broadcast_in_dim3A_189, %broadcast_in_dim3A_190 : vector<16xi1>, vector<16xi32>
    %jit3A_192 = arith.constant 499712 : i32
    %broadcast_in_dim3A_193 = vector.broadcast %jit3A_192 : i32 to vector<16xi32>
    %select_n3A_194 = arith.select %ge3A_183, %broadcast_in_dim3A_193, %select_n3A_191 : vector<16xi1>, vector<16xi32>
    %jit3A_195 = arith.constant 749568 : i32
    %broadcast_in_dim3A_196 = vector.broadcast %jit3A_195 : i32 to vector<16xi32>
    %select_n3A_197 = arith.select %ge3A_180, %broadcast_in_dim3A_196, %select_n3A_194 : vector<16xi1>, vector<16xi32>
    %sub3A_198 = arith.subi %get3A_177, %select_n3A_197 : vector<16xi32>
    %swap3A_199 = arith.constant 0 : i32
    %swap3A_200 = arith.constant 0 : i32
    %swap3A_201 = tpu.memref_slice %arg14[%swap3A_199, %swap3A_200] : memref<4x128xi32, #tpu.memory_space<vmem>> -> memref<1x128xi32, #tpu.memory_space<vmem>>
    %swap3A_202 = tpu.memref_squeeze %swap3A_201 : memref<1x128xi32, #tpu.memory_space<vmem>> -> memref<128xi32, #tpu.memory_space<vmem>>
    %swap3A_203 = arith.constant 16 : index
    %swap3A_204 = tpu.vector_load %swap3A_202[%swap3A_203] {strides = array<i32>} : memref<128xi32, #tpu.memory_space<vmem>>, vector<16xi32>,
    %swap3A_205 = vector.shape_cast %swap3A_204 : vector<16xi32> to vector<16xi32>
    %swap3A_206 = vector.shape_cast %sub3A_198 : vector<16xi32> to vector<16xi32>
    tpu.vector_store %swap3A_202[%swap3A_203], %swap3A_206 {strides = array<i32>} : memref<128xi32, #tpu.memory_space<vmem>>, vector<16xi32>,
    %get3A_207 = arith.constant 0 : i32
    %get3A_208 = arith.constant 0 : i32
    %get3A_209 = tpu.memref_slice %arg11[%get3A_207, %get3A_208] : memref<4x128xi32, #tpu.memory_space<vmem>> -> memref<1x128xi32, #tpu.memory_space<vmem>>
    %get3A_210 = tpu.memref_squeeze %get3A_209 : memref<1x128xi32, #tpu.memory_space<vmem>> -> memref<128xi32, #tpu.memory_space<vmem>>
    %get3A_211 = arith.constant 32 : index
    %get3A_212 = tpu.vector_load %get3A_210[%get3A_211] {strides = array<i32>} : memref<128xi32, #tpu.memory_space<vmem>>, vector<16xi32>,
    %get3A_213 = vector.shape_cast %get3A_212 : vector<16xi32> to vector<16xi32>
    %ge3A_214 = arith.constant 749568 : i32
    %ge3A_215 = vector.broadcast %ge3A_214 : i32 to vector<16xi32>
    %ge3A_216 = arith.cmpi sge, %get3A_213, %ge3A_215 : vector<16xi32>
    %ge3A_217 = arith.constant 499712 : i32
    %ge3A_218 = vector.broadcast %ge3A_217 : i32 to vector<16xi32>
    %ge3A_219 = arith.cmpi sge, %get3A_213, %ge3A_218 : vector<16xi32>
    %ge3A_220 = arith.constant 249856 : i32
    %ge3A_221 = vector.broadcast %ge3A_220 : i32 to vector<16xi32>
    %ge3A_222 = arith.cmpi sge, %get3A_213, %ge3A_221 : vector<16xi32>
    %jit3A_223 = arith.constant 249856 : i32
    %jit3A_224 = arith.constant 0 : i32
    %broadcast_in_dim3A_225 = vector.broadcast %jit3A_223 : i32 to vector<16xi32>
    %broadcast_in_dim3A_226 = vector.broadcast %jit3A_224 : i32 to vector<16xi32>
    %select_n3A_227 = arith.select %ge3A_222, %broadcast_in_dim3A_225, %broadcast_in_dim3A_226 : vector<16xi1>, vector<16xi32>
    %jit3A_228 = arith.constant 499712 : i32
    %broadcast_in_dim3A_229 = vector.broadcast %jit3A_228 : i32 to vector<16xi32>
    %select_n3A_230 = arith.select %ge3A_219, %broadcast_in_dim3A_229, %select_n3A_227 : vector<16xi1>, vector<16xi32>
    %jit3A_231 = arith.constant 749568 : i32
    %broadcast_in_dim3A_232 = vector.broadcast %jit3A_231 : i32 to vector<16xi32>
    %select_n3A_233 = arith.select %ge3A_216, %broadcast_in_dim3A_232, %select_n3A_230 : vector<16xi1>, vector<16xi32>
    %sub3A_234 = arith.subi %get3A_213, %select_n3A_233 : vector<16xi32>
    %swap3A_235 = arith.constant 0 : i32
    %swap3A_236 = arith.constant 0 : i32
    %swap3A_237 = tpu.memref_slice %arg13[%swap3A_235, %swap3A_236] : memref<4x128xi32, #tpu.memory_space<vmem>> -> memref<1x128xi32, #tpu.memory_space<vmem>>
    %swap3A_238 = tpu.memref_squeeze %swap3A_237 : memref<1x128xi32, #tpu.memory_space<vmem>> -> memref<128xi32, #tpu.memory_space<vmem>>
    %swap3A_239 = arith.constant 32 : index
    %swap3A_240 = tpu.vector_load %swap3A_238[%swap3A_239] {strides = array<i32>} : memref<128xi32, #tpu.memory_space<vmem>>, vector<16xi32>,
    %swap3A_241 = vector.shape_cast %swap3A_240 : vector<16xi32> to vector<16xi32>
    %swap3A_242 = vector.shape_cast %sub3A_234 : vector<16xi32> to vector<16xi32>
    tpu.vector_store %swap3A_238[%swap3A_239], %swap3A_242 {strides = array<i32>} : memref<128xi32, #tpu.memory_space<vmem>>, vector<16xi32>,
    %get3A_243 = arith.constant 0 : i32
    %get3A_244 = arith.constant 0 : i32
    %get3A_245 = tpu.memref_slice %arg12[%get3A_243, %get3A_244] : memref<4x128xi32, #tpu.memory_space<vmem>> -> memref<1x128xi32, #tpu.memory_space<vmem>>
    %get3A_246 = tpu.memref_squeeze %get3A_245 : memref<1x128xi32, #tpu.memory_space<vmem>> -> memref<128xi32, #tpu.memory_space<vmem>>
    %get3A_247 = arith.constant 32 : index
    %get3A_248 = tpu.vector_load %get3A_246[%get3A_247] {strides = array<i32>} : memref<128xi32, #tpu.memory_space<vmem>>, vector<16xi32>,
    %get3A_249 = vector.shape_cast %get3A_248 : vector<16xi32> to vector<16xi32>
    %ge3A_250 = arith.constant 749568 : i32
    %ge3A_251 = vector.broadcast %ge3A_250 : i32 to vector<16xi32>
    %ge3A_252 = arith.cmpi sge, %get3A_249, %ge3A_251 : vector<16xi32>
    %ge3A_253 = arith.constant 499712 : i32
    %ge3A_254 = vector.broadcast %ge3A_253 : i32 to vector<16xi32>
    %ge3A_255 = arith.cmpi sge, %get3A_249, %ge3A_254 : vector<16xi32>
    %ge3A_256 = arith.constant 249856 : i32
    %ge3A_257 = vector.broadcast %ge3A_256 : i32 to vector<16xi32>
    %ge3A_258 = arith.cmpi sge, %get3A_249, %ge3A_257 : vector<16xi32>
    %jit3A_259 = arith.constant 249856 : i32
    %jit3A_260 = arith.constant 0 : i32
    %broadcast_in_dim3A_261 = vector.broadcast %jit3A_259 : i32 to vector<16xi32>
    %broadcast_in_dim3A_262 = vector.broadcast %jit3A_260 : i32 to vector<16xi32>
    %select_n3A_263 = arith.select %ge3A_258, %broadcast_in_dim3A_261, %broadcast_in_dim3A_262 : vector<16xi1>, vector<16xi32>
    %jit3A_264 = arith.constant 499712 : i32
    %broadcast_in_dim3A_265 = vector.broadcast %jit3A_264 : i32 to vector<16xi32>
    %select_n3A_266 = arith.select %ge3A_255, %broadcast_in_dim3A_265, %select_n3A_263 : vector<16xi1>, vector<16xi32>
    %jit3A_267 = arith.constant 749568 : i32
    %broadcast_in_dim3A_268 = vector.broadcast %jit3A_267 : i32 to vector<16xi32>
    %select_n3A_269 = arith.select %ge3A_252, %broadcast_in_dim3A_268, %select_n3A_266 : vector<16xi1>, vector<16xi32>
    %sub3A_270 = arith.subi %get3A_249, %select_n3A_269 : vector<16xi32>
    %swap3A_271 = arith.constant 0 : i32
    %swap3A_272 = arith.constant 0 : i32
    %swap3A_273 = tpu.memref_slice %arg14[%swap3A_271, %swap3A_272] : memref<4x128xi32, #tpu.memory_space<vmem>> -> memref<1x128xi32, #tpu.memory_space<vmem>>
    %swap3A_274 = tpu.memref_squeeze %swap3A_273 : memref<1x128xi32, #tpu.memory_space<vmem>> -> memref<128xi32, #tpu.memory_space<vmem>>
    %swap3A_275 = arith.constant 32 : index
    %swap3A_276 = tpu.vector_load %swap3A_274[%swap3A_275] {strides = array<i32>} : memref<128xi32, #tpu.memory_space<vmem>>, vector<16xi32>,
    %swap3A_277 = vector.shape_cast %swap3A_276 : vector<16xi32> to vector<16xi32>
    %swap3A_278 = vector.shape_cast %sub3A_270 : vector<16xi32> to vector<16xi32>
    tpu.vector_store %swap3A_274[%swap3A_275], %swap3A_278 {strides = array<i32>} : memref<128xi32, #tpu.memory_space<vmem>>, vector<16xi32>,
    %get3A_279 = arith.constant 0 : i32
    %get3A_280 = arith.constant 0 : i32
    %get3A_281 = tpu.memref_slice %arg11[%get3A_279, %get3A_280] : memref<4x128xi32, #tpu.memory_space<vmem>> -> memref<1x128xi32, #tpu.memory_space<vmem>>
    %get3A_282 = tpu.memref_squeeze %get3A_281 : memref<1x128xi32, #tpu.memory_space<vmem>> -> memref<128xi32, #tpu.memory_space<vmem>>
    %get3A_283 = arith.constant 48 : index
    %get3A_284 = tpu.vector_load %get3A_282[%get3A_283] {strides = array<i32>} : memref<128xi32, #tpu.memory_space<vmem>>, vector<16xi32>,
    %get3A_285 = vector.shape_cast %get3A_284 : vector<16xi32> to vector<16xi32>
    %ge3A_286 = arith.constant 749568 : i32
    %ge3A_287 = vector.broadcast %ge3A_286 : i32 to vector<16xi32>
    %ge3A_288 = arith.cmpi sge, %get3A_285, %ge3A_287 : vector<16xi32>
    %ge3A_289 = arith.constant 499712 : i32
    %ge3A_290 = vector.broadcast %ge3A_289 : i32 to vector<16xi32>
    %ge3A_291 = arith.cmpi sge, %get3A_285, %ge3A_290 : vector<16xi32>
    %ge3A_292 = arith.constant 249856 : i32
    %ge3A_293 = vector.broadcast %ge3A_292 : i32 to vector<16xi32>
    %ge3A_294 = arith.cmpi sge, %get3A_285, %ge3A_293 : vector<16xi32>
    %jit3A_295 = arith.constant 249856 : i32
    %jit3A_296 = arith.constant 0 : i32
    %broadcast_in_dim3A_297 = vector.broadcast %jit3A_295 : i32 to vector<16xi32>
    %broadcast_in_dim3A_298 = vector.broadcast %jit3A_296 : i32 to vector<16xi32>
    %select_n3A_299 = arith.select %ge3A_294, %broadcast_in_dim3A_297, %broadcast_in_dim3A_298 : vector<16xi1>, vector<16xi32>
    %jit3A_300 = arith.constant 499712 : i32
    %broadcast_in_dim3A_301 = vector.broadcast %jit3A_300 : i32 to vector<16xi32>
    %select_n3A_302 = arith.select %ge3A_291, %broadcast_in_dim3A_301, %select_n3A_299 : vector<16xi1>, vector<16xi32>
    %jit3A_303 = arith.constant 749568 : i32
    %broadcast_in_dim3A_304 = vector.broadcast %jit3A_303 : i32 to vector<16xi32>
    %select_n3A_305 = arith.select %ge3A_288, %broadcast_in_dim3A_304, %select_n3A_302 : vector<16xi1>, vector<16xi32>
    %sub3A_306 = arith.subi %get3A_285, %select_n3A_305 : vector<16xi32>
    %swap3A_307 = arith.constant 0 : i32
    %swap3A_308 = arith.constant 0 : i32
    %swap3A_309 = tpu.memref_slice %arg13[%swap3A_307, %swap3A_308] : memref<4x128xi32, #tpu.memory_space<vmem>> -> memref<1x128xi32, #tpu.memory_space<vmem>>
    %swap3A_310 = tpu.memref_squeeze %swap3A_309 : memref<1x128xi32, #tpu.memory_space<vmem>> -> memref<128xi32, #tpu.memory_space<vmem>>
    %swap3A_311 = arith.constant 48 : index
    %swap3A_312 = tpu.vector_load %swap3A_310[%swap3A_311] {strides = array<i32>} : memref<128xi32, #tpu.memory_space<vmem>>, vector<16xi32>,
    %swap3A_313 = vector.shape_cast %swap3A_312 : vector<16xi32> to vector<16xi32>
    %swap3A_314 = vector.shape_cast %sub3A_306 : vector<16xi32> to vector<16xi32>
    tpu.vector_store %swap3A_310[%swap3A_311], %swap3A_314 {strides = array<i32>} : memref<128xi32, #tpu.memory_space<vmem>>, vector<16xi32>,
    %get3A_315 = arith.constant 0 : i32
    %get3A_316 = arith.constant 0 : i32
    %get3A_317 = tpu.memref_slice %arg12[%get3A_315, %get3A_316] : memref<4x128xi32, #tpu.memory_space<vmem>> -> memref<1x128xi32, #tpu.memory_space<vmem>>
    %get3A_318 = tpu.memref_squeeze %get3A_317 : memref<1x128xi32, #tpu.memory_space<vmem>> -> memref<128xi32, #tpu.memory_space<vmem>>
    %get3A_319 = arith.constant 48 : index
    %get3A_320 = tpu.vector_load %get3A_318[%get3A_319] {strides = array<i32>} : memref<128xi32, #tpu.memory_space<vmem>>, vector<16xi32>,
    %get3A_321 = vector.shape_cast %get3A_320 : vector<16xi32> to vector<16xi32>
    %ge3A_322 = arith.constant 749568 : i32
    %ge3A_323 = vector.broadcast %ge3A_322 : i32 to vector<16xi32>
    %ge3A_324 = arith.cmpi sge, %get3A_321, %ge3A_323 : vector<16xi32>
    %ge3A_325 = arith.constant 499712 : i32
    %ge3A_326 = vector.broadcast %ge3A_325 : i32 to vector<16xi32>
    %ge3A_327 = arith.cmpi sge, %get3A_321, %ge3A_326 : vector<16xi32>
    %ge3A_328 = arith.constant 249856 : i32
    %ge3A_329 = vector.broadcast %ge3A_328 : i32 to vector<16xi32>
    %ge3A_330 = arith.cmpi sge, %get3A_321, %ge3A_329 : vector<16xi32>
    %jit3A_331 = arith.constant 249856 : i32
    %jit3A_332 = arith.constant 0 : i32
    %broadcast_in_dim3A_333 = vector.broadcast %jit3A_331 : i32 to vector<16xi32>
    %broadcast_in_dim3A_334 = vector.broadcast %jit3A_332 : i32 to vector<16xi32>
    %select_n3A_335 = arith.select %ge3A_330, %broadcast_in_dim3A_333, %broadcast_in_dim3A_334 : vector<16xi1>, vector<16xi32>
    %jit3A_336 = arith.constant 499712 : i32
    %broadcast_in_dim3A_337 = vector.broadcast %jit3A_336 : i32 to vector<16xi32>
    %select_n3A_338 = arith.select %ge3A_327, %broadcast_in_dim3A_337, %select_n3A_335 : vector<16xi1>, vector<16xi32>
    %jit3A_339 = arith.constant 749568 : i32
    %broadcast_in_dim3A_340 = vector.broadcast %jit3A_339 : i32 to vector<16xi32>
    %select_n3A_341 = arith.select %ge3A_324, %broadcast_in_dim3A_340, %select_n3A_338 : vector<16xi1>, vector<16xi32>
    %sub3A_342 = arith.subi %get3A_321, %select_n3A_341 : vector<16xi32>
    %swap3A_343 = arith.constant 0 : i32
    %swap3A_344 = arith.constant 0 : i32
    %swap3A_345 = tpu.memref_slice %arg14[%swap3A_343, %swap3A_344] : memref<4x128xi32, #tpu.memory_space<vmem>> -> memref<1x128xi32, #tpu.memory_space<vmem>>
    %swap3A_346 = tpu.memref_squeeze %swap3A_345 : memref<1x128xi32, #tpu.memory_space<vmem>> -> memref<128xi32, #tpu.memory_space<vmem>>
    %swap3A_347 = arith.constant 48 : index
    %swap3A_348 = tpu.vector_load %swap3A_346[%swap3A_347] {strides = array<i32>} : memref<128xi32, #tpu.memory_space<vmem>>, vector<16xi32>,
    %swap3A_349 = vector.shape_cast %swap3A_348 : vector<16xi32> to vector<16xi32>
    %swap3A_350 = vector.shape_cast %sub3A_342 : vector<16xi32> to vector<16xi32>
    tpu.vector_store %swap3A_346[%swap3A_347], %swap3A_350 {strides = array<i32>} : memref<128xi32, #tpu.memory_space<vmem>>, vector<16xi32>,
    %get3A_351 = arith.constant 0 : i32
    %get3A_352 = arith.constant 0 : i32
    %get3A_353 = tpu.memref_slice %arg11[%get3A_351, %get3A_352] : memref<4x128xi32, #tpu.memory_space<vmem>> -> memref<1x128xi32, #tpu.memory_space<vmem>>
    %get3A_354 = tpu.memref_squeeze %get3A_353 : memref<1x128xi32, #tpu.memory_space<vmem>> -> memref<128xi32, #tpu.memory_space<vmem>>
    %get3A_355 = arith.constant 64 : index
    %get3A_356 = tpu.vector_load %get3A_354[%get3A_355] {strides = array<i32>} : memref<128xi32, #tpu.memory_space<vmem>>, vector<16xi32>,
    %get3A_357 = vector.shape_cast %get3A_356 : vector<16xi32> to vector<16xi32>
    %ge3A_358 = arith.constant 749568 : i32
    %ge3A_359 = vector.broadcast %ge3A_358 : i32 to vector<16xi32>
    %ge3A_360 = arith.cmpi sge, %get3A_357, %ge3A_359 : vector<16xi32>
    %ge3A_361 = arith.constant 499712 : i32
    %ge3A_362 = vector.broadcast %ge3A_361 : i32 to vector<16xi32>
    %ge3A_363 = arith.cmpi sge, %get3A_357, %ge3A_362 : vector<16xi32>
    %ge3A_364 = arith.constant 249856 : i32
    %ge3A_365 = vector.broadcast %ge3A_364 : i32 to vector<16xi32>
    %ge3A_366 = arith.cmpi sge, %get3A_357, %ge3A_365 : vector<16xi32>
    %jit3A_367 = arith.constant 249856 : i32
    %jit3A_368 = arith.constant 0 : i32
    %broadcast_in_dim3A_369 = vector.broadcast %jit3A_367 : i32 to vector<16xi32>
    %broadcast_in_dim3A_370 = vector.broadcast %jit3A_368 : i32 to vector<16xi32>
    %select_n3A_371 = arith.select %ge3A_366, %broadcast_in_dim3A_369, %broadcast_in_dim3A_370 : vector<16xi1>, vector<16xi32>
    %jit3A_372 = arith.constant 499712 : i32
    %broadcast_in_dim3A_373 = vector.broadcast %jit3A_372 : i32 to vector<16xi32>
    %select_n3A_374 = arith.select %ge3A_363, %broadcast_in_dim3A_373, %select_n3A_371 : vector<16xi1>, vector<16xi32>
    %jit3A_375 = arith.constant 749568 : i32
    %broadcast_in_dim3A_376 = vector.broadcast %jit3A_375 : i32 to vector<16xi32>
    %select_n3A_377 = arith.select %ge3A_360, %broadcast_in_dim3A_376, %select_n3A_374 : vector<16xi1>, vector<16xi32>
    %sub3A_378 = arith.subi %get3A_357, %select_n3A_377 : vector<16xi32>
    %swap3A_379 = arith.constant 0 : i32
    %swap3A_380 = arith.constant 0 : i32
    %swap3A_381 = tpu.memref_slice %arg13[%swap3A_379, %swap3A_380] : memref<4x128xi32, #tpu.memory_space<vmem>> -> memref<1x128xi32, #tpu.memory_space<vmem>>
    %swap3A_382 = tpu.memref_squeeze %swap3A_381 : memref<1x128xi32, #tpu.memory_space<vmem>> -> memref<128xi32, #tpu.memory_space<vmem>>
    %swap3A_383 = arith.constant 64 : index
    %swap3A_384 = tpu.vector_load %swap3A_382[%swap3A_383] {strides = array<i32>} : memref<128xi32, #tpu.memory_space<vmem>>, vector<16xi32>,
    %swap3A_385 = vector.shape_cast %swap3A_384 : vector<16xi32> to vector<16xi32>
    %swap3A_386 = vector.shape_cast %sub3A_378 : vector<16xi32> to vector<16xi32>
    tpu.vector_store %swap3A_382[%swap3A_383], %swap3A_386 {strides = array<i32>} : memref<128xi32, #tpu.memory_space<vmem>>, vector<16xi32>,
    %get3A_387 = arith.constant 0 : i32
    %get3A_388 = arith.constant 0 : i32
    %get3A_389 = tpu.memref_slice %arg12[%get3A_387, %get3A_388] : memref<4x128xi32, #tpu.memory_space<vmem>> -> memref<1x128xi32, #tpu.memory_space<vmem>>
    %get3A_390 = tpu.memref_squeeze %get3A_389 : memref<1x128xi32, #tpu.memory_space<vmem>> -> memref<128xi32, #tpu.memory_space<vmem>>
    %get3A_391 = arith.constant 64 : index
    %get3A_392 = tpu.vector_load %get3A_390[%get3A_391] {strides = array<i32>} : memref<128xi32, #tpu.memory_space<vmem>>, vector<16xi32>,
    %get3A_393 = vector.shape_cast %get3A_392 : vector<16xi32> to vector<16xi32>
    %ge3A_394 = arith.constant 749568 : i32
    %ge3A_395 = vector.broadcast %ge3A_394 : i32 to vector<16xi32>
    %ge3A_396 = arith.cmpi sge, %get3A_393, %ge3A_395 : vector<16xi32>
    %ge3A_397 = arith.constant 499712 : i32
    %ge3A_398 = vector.broadcast %ge3A_397 : i32 to vector<16xi32>
    %ge3A_399 = arith.cmpi sge, %get3A_393, %ge3A_398 : vector<16xi32>
    %ge3A_400 = arith.constant 249856 : i32
    %ge3A_401 = vector.broadcast %ge3A_400 : i32 to vector<16xi32>
    %ge3A_402 = arith.cmpi sge, %get3A_393, %ge3A_401 : vector<16xi32>
    %jit3A_403 = arith.constant 249856 : i32
    %jit3A_404 = arith.constant 0 : i32
    %broadcast_in_dim3A_405 = vector.broadcast %jit3A_403 : i32 to vector<16xi32>
    %broadcast_in_dim3A_406 = vector.broadcast %jit3A_404 : i32 to vector<16xi32>
    %select_n3A_407 = arith.select %ge3A_402, %broadcast_in_dim3A_405, %broadcast_in_dim3A_406 : vector<16xi1>, vector<16xi32>
    %jit3A_408 = arith.constant 499712 : i32
    %broadcast_in_dim3A_409 = vector.broadcast %jit3A_408 : i32 to vector<16xi32>
    %select_n3A_410 = arith.select %ge3A_399, %broadcast_in_dim3A_409, %select_n3A_407 : vector<16xi1>, vector<16xi32>
    %jit3A_411 = arith.constant 749568 : i32
    %broadcast_in_dim3A_412 = vector.broadcast %jit3A_411 : i32 to vector<16xi32>
    %select_n3A_413 = arith.select %ge3A_396, %broadcast_in_dim3A_412, %select_n3A_410 : vector<16xi1>, vector<16xi32>
    %sub3A_414 = arith.subi %get3A_393, %select_n3A_413 : vector<16xi32>
    %swap3A_415 = arith.constant 0 : i32
    %swap3A_416 = arith.constant 0 : i32
    %swap3A_417 = tpu.memref_slice %arg14[%swap3A_415, %swap3A_416] : memref<4x128xi32, #tpu.memory_space<vmem>> -> memref<1x128xi32, #tpu.memory_space<vmem>>
    %swap3A_418 = tpu.memref_squeeze %swap3A_417 : memref<1x128xi32, #tpu.memory_space<vmem>> -> memref<128xi32, #tpu.memory_space<vmem>>
    %swap3A_419 = arith.constant 64 : index
    %swap3A_420 = tpu.vector_load %swap3A_418[%swap3A_419] {strides = array<i32>} : memref<128xi32, #tpu.memory_space<vmem>>, vector<16xi32>,
    %swap3A_421 = vector.shape_cast %swap3A_420 : vector<16xi32> to vector<16xi32>
    %swap3A_422 = vector.shape_cast %sub3A_414 : vector<16xi32> to vector<16xi32>
    tpu.vector_store %swap3A_418[%swap3A_419], %swap3A_422 {strides = array<i32>} : memref<128xi32, #tpu.memory_space<vmem>>, vector<16xi32>,
    %get3A_423 = arith.constant 0 : i32
    %get3A_424 = arith.constant 0 : i32
    %get3A_425 = tpu.memref_slice %arg11[%get3A_423, %get3A_424] : memref<4x128xi32, #tpu.memory_space<vmem>> -> memref<1x128xi32, #tpu.memory_space<vmem>>
    %get3A_426 = tpu.memref_squeeze %get3A_425 : memref<1x128xi32, #tpu.memory_space<vmem>> -> memref<128xi32, #tpu.memory_space<vmem>>
    %get3A_427 = arith.constant 80 : index
    %get3A_428 = tpu.vector_load %get3A_426[%get3A_427] {strides = array<i32>} : memref<128xi32, #tpu.memory_space<vmem>>, vector<16xi32>,
    %get3A_429 = vector.shape_cast %get3A_428 : vector<16xi32> to vector<16xi32>
    %ge3A_430 = arith.constant 749568 : i32
    %ge3A_431 = vector.broadcast %ge3A_430 : i32 to vector<16xi32>
    %ge3A_432 = arith.cmpi sge, %get3A_429, %ge3A_431 : vector<16xi32>
    %ge3A_433 = arith.constant 499712 : i32
    %ge3A_434 = vector.broadcast %ge3A_433 : i32 to vector<16xi32>
    %ge3A_435 = arith.cmpi sge, %get3A_429, %ge3A_434 : vector<16xi32>
    %ge3A_436 = arith.constant 249856 : i32
    %ge3A_437 = vector.broadcast %ge3A_436 : i32 to vector<16xi32>
    %ge3A_438 = arith.cmpi sge, %get3A_429, %ge3A_437 : vector<16xi32>
    %jit3A_439 = arith.constant 249856 : i32
    %jit3A_440 = arith.constant 0 : i32
    %broadcast_in_dim3A_441 = vector.broadcast %jit3A_439 : i32 to vector<16xi32>
    %broadcast_in_dim3A_442 = vector.broadcast %jit3A_440 : i32 to vector<16xi32>
    %select_n3A_443 = arith.select %ge3A_438, %broadcast_in_dim3A_441, %broadcast_in_dim3A_442 : vector<16xi1>, vector<16xi32>
    %jit3A_444 = arith.constant 499712 : i32
    %broadcast_in_dim3A_445 = vector.broadcast %jit3A_444 : i32 to vector<16xi32>
    %select_n3A_446 = arith.select %ge3A_435, %broadcast_in_dim3A_445, %select_n3A_443 : vector<16xi1>, vector<16xi32>
    %jit3A_447 = arith.constant 749568 : i32
    %broadcast_in_dim3A_448 = vector.broadcast %jit3A_447 : i32 to vector<16xi32>
    %select_n3A_449 = arith.select %ge3A_432, %broadcast_in_dim3A_448, %select_n3A_446 : vector<16xi1>, vector<16xi32>
    %sub3A_450 = arith.subi %get3A_429, %select_n3A_449 : vector<16xi32>
    %swap3A_451 = arith.constant 0 : i32
    %swap3A_452 = arith.constant 0 : i32
    %swap3A_453 = tpu.memref_slice %arg13[%swap3A_451, %swap3A_452] : memref<4x128xi32, #tpu.memory_space<vmem>> -> memref<1x128xi32, #tpu.memory_space<vmem>>
    %swap3A_454 = tpu.memref_squeeze %swap3A_453 : memref<1x128xi32, #tpu.memory_space<vmem>> -> memref<128xi32, #tpu.memory_space<vmem>>
    %swap3A_455 = arith.constant 80 : index
    %swap3A_456 = tpu.vector_load %swap3A_454[%swap3A_455] {strides = array<i32>} : memref<128xi32, #tpu.memory_space<vmem>>, vector<16xi32>,
    %swap3A_457 = vector.shape_cast %swap3A_456 : vector<16xi32> to vector<16xi32>
    %swap3A_458 = vector.shape_cast %sub3A_450 : vector<16xi32> to vector<16xi32>
    tpu.vector_store %swap3A_454[%swap3A_455], %swap3A_458 {strides = array<i32>} : memref<128xi32, #tpu.memory_space<vmem>>, vector<16xi32>,
    %get3A_459 = arith.constant 0 : i32
    %get3A_460 = arith.constant 0 : i32
    %get3A_461 = tpu.memref_slice %arg12[%get3A_459, %get3A_460] : memref<4x128xi32, #tpu.memory_space<vmem>> -> memref<1x128xi32, #tpu.memory_space<vmem>>
    %get3A_462 = tpu.memref_squeeze %get3A_461 : memref<1x128xi32, #tpu.memory_space<vmem>> -> memref<128xi32, #tpu.memory_space<vmem>>
    %get3A_463 = arith.constant 80 : index
    %get3A_464 = tpu.vector_load %get3A_462[%get3A_463] {strides = array<i32>} : memref<128xi32, #tpu.memory_space<vmem>>, vector<16xi32>,
    %get3A_465 = vector.shape_cast %get3A_464 : vector<16xi32> to vector<16xi32>
    %ge3A_466 = arith.constant 749568 : i32
    %ge3A_467 = vector.broadcast %ge3A_466 : i32 to vector<16xi32>
    %ge3A_468 = arith.cmpi sge, %get3A_465, %ge3A_467 : vector<16xi32>
    %ge3A_469 = arith.constant 499712 : i32
    %ge3A_470 = vector.broadcast %ge3A_469 : i32 to vector<16xi32>
    %ge3A_471 = arith.cmpi sge, %get3A_465, %ge3A_470 : vector<16xi32>
    %ge3A_472 = arith.constant 249856 : i32
    %ge3A_473 = vector.broadcast %ge3A_472 : i32 to vector<16xi32>
    %ge3A_474 = arith.cmpi sge, %get3A_465, %ge3A_473 : vector<16xi32>
    %jit3A_475 = arith.constant 249856 : i32
    %jit3A_476 = arith.constant 0 : i32
    %broadcast_in_dim3A_477 = vector.broadcast %jit3A_475 : i32 to vector<16xi32>
    %broadcast_in_dim3A_478 = vector.broadcast %jit3A_476 : i32 to vector<16xi32>
    %select_n3A_479 = arith.select %ge3A_474, %broadcast_in_dim3A_477, %broadcast_in_dim3A_478 : vector<16xi1>, vector<16xi32>
    %jit3A_480 = arith.constant 499712 : i32
    %broadcast_in_dim3A_481 = vector.broadcast %jit3A_480 : i32 to vector<16xi32>
    %select_n3A_482 = arith.select %ge3A_471, %broadcast_in_dim3A_481, %select_n3A_479 : vector<16xi1>, vector<16xi32>
    %jit3A_483 = arith.constant 749568 : i32
    %broadcast_in_dim3A_484 = vector.broadcast %jit3A_483 : i32 to vector<16xi32>
    %select_n3A_485 = arith.select %ge3A_468, %broadcast_in_dim3A_484, %select_n3A_482 : vector<16xi1>, vector<16xi32>
    %sub3A_486 = arith.subi %get3A_465, %select_n3A_485 : vector<16xi32>
    %swap3A_487 = arith.constant 0 : i32
    %swap3A_488 = arith.constant 0 : i32
    %swap3A_489 = tpu.memref_slice %arg14[%swap3A_487, %swap3A_488] : memref<4x128xi32, #tpu.memory_space<vmem>> -> memref<1x128xi32, #tpu.memory_space<vmem>>
    %swap3A_490 = tpu.memref_squeeze %swap3A_489 : memref<1x128xi32, #tpu.memory_space<vmem>> -> memref<128xi32, #tpu.memory_space<vmem>>
    %swap3A_491 = arith.constant 80 : index
    %swap3A_492 = tpu.vector_load %swap3A_490[%swap3A_491] {strides = array<i32>} : memref<128xi32, #tpu.memory_space<vmem>>, vector<16xi32>,
    %swap3A_493 = vector.shape_cast %swap3A_492 : vector<16xi32> to vector<16xi32>
    %swap3A_494 = vector.shape_cast %sub3A_486 : vector<16xi32> to vector<16xi32>
    tpu.vector_store %swap3A_490[%swap3A_491], %swap3A_494 {strides = array<i32>} : memref<128xi32, #tpu.memory_space<vmem>>, vector<16xi32>,
    %get3A_495 = arith.constant 0 : i32
    %get3A_496 = arith.constant 0 : i32
    %get3A_497 = tpu.memref_slice %arg11[%get3A_495, %get3A_496] : memref<4x128xi32, #tpu.memory_space<vmem>> -> memref<1x128xi32, #tpu.memory_space<vmem>>
    %get3A_498 = tpu.memref_squeeze %get3A_497 : memref<1x128xi32, #tpu.memory_space<vmem>> -> memref<128xi32, #tpu.memory_space<vmem>>
    %get3A_499 = arith.constant 96 : index
    %get3A_500 = tpu.vector_load %get3A_498[%get3A_499] {strides = array<i32>} : memref<128xi32, #tpu.memory_space<vmem>>, vector<16xi32>,
    %get3A_501 = vector.shape_cast %get3A_500 : vector<16xi32> to vector<16xi32>
    %ge3A_502 = arith.constant 749568 : i32
    %ge3A_503 = vector.broadcast %ge3A_502 : i32 to vector<16xi32>
    %ge3A_504 = arith.cmpi sge, %get3A_501, %ge3A_503 : vector<16xi32>
    %ge3A_505 = arith.constant 499712 : i32
    %ge3A_506 = vector.broadcast %ge3A_505 : i32 to vector<16xi32>
    %ge3A_507 = arith.cmpi sge, %get3A_501, %ge3A_506 : vector<16xi32>
    %ge3A_508 = arith.constant 249856 : i32
    %ge3A_509 = vector.broadcast %ge3A_508 : i32 to vector<16xi32>
    %ge3A_510 = arith.cmpi sge, %get3A_501, %ge3A_509 : vector<16xi32>
    %jit3A_511 = arith.constant 249856 : i32
    %jit3A_512 = arith.constant 0 : i32
    %broadcast_in_dim3A_513 = vector.broadcast %jit3A_511 : i32 to vector<16xi32>
    %broadcast_in_dim3A_514 = vector.broadcast %jit3A_512 : i32 to vector<16xi32>
    %select_n3A_515 = arith.select %ge3A_510, %broadcast_in_dim3A_513, %broadcast_in_dim3A_514 : vector<16xi1>, vector<16xi32>
    %jit3A_516 = arith.constant 499712 : i32
    %broadcast_in_dim3A_517 = vector.broadcast %jit3A_516 : i32 to vector<16xi32>
    %select_n3A_518 = arith.select %ge3A_507, %broadcast_in_dim3A_517, %select_n3A_515 : vector<16xi1>, vector<16xi32>
    %jit3A_519 = arith.constant 749568 : i32
    %broadcast_in_dim3A_520 = vector.broadcast %jit3A_519 : i32 to vector<16xi32>
    %select_n3A_521 = arith.select %ge3A_504, %broadcast_in_dim3A_520, %select_n3A_518 : vector<16xi1>, vector<16xi32>
    %sub3A_522 = arith.subi %get3A_501, %select_n3A_521 : vector<16xi32>
    %swap3A_523 = arith.constant 0 : i32
    %swap3A_524 = arith.constant 0 : i32
    %swap3A_525 = tpu.memref_slice %arg13[%swap3A_523, %swap3A_524] : memref<4x128xi32, #tpu.memory_space<vmem>> -> memref<1x128xi32, #tpu.memory_space<vmem>>
    %swap3A_526 = tpu.memref_squeeze %swap3A_525 : memref<1x128xi32, #tpu.memory_space<vmem>> -> memref<128xi32, #tpu.memory_space<vmem>>
    %swap3A_527 = arith.constant 96 : index
    %swap3A_528 = tpu.vector_load %swap3A_526[%swap3A_527] {strides = array<i32>} : memref<128xi32, #tpu.memory_space<vmem>>, vector<16xi32>,
    %swap3A_529 = vector.shape_cast %swap3A_528 : vector<16xi32> to vector<16xi32>
    %swap3A_530 = vector.shape_cast %sub3A_522 : vector<16xi32> to vector<16xi32>
    tpu.vector_store %swap3A_526[%swap3A_527], %swap3A_530 {strides = array<i32>} : memref<128xi32, #tpu.memory_space<vmem>>, vector<16xi32>,
    %get3A_531 = arith.constant 0 : i32
    %get3A_532 = arith.constant 0 : i32
    %get3A_533 = tpu.memref_slice %arg12[%get3A_531, %get3A_532] : memref<4x128xi32, #tpu.memory_space<vmem>> -> memref<1x128xi32, #tpu.memory_space<vmem>>
    %get3A_534 = tpu.memref_squeeze %get3A_533 : memref<1x128xi32, #tpu.memory_space<vmem>> -> memref<128xi32, #tpu.memory_space<vmem>>
    %get3A_535 = arith.constant 96 : index
    %get3A_536 = tpu.vector_load %get3A_534[%get3A_535] {strides = array<i32>} : memref<128xi32, #tpu.memory_space<vmem>>, vector<16xi32>,
    %get3A_537 = vector.shape_cast %get3A_536 : vector<16xi32> to vector<16xi32>
    %ge3A_538 = arith.constant 749568 : i32
    %ge3A_539 = vector.broadcast %ge3A_538 : i32 to vector<16xi32>
    %ge3A_540 = arith.cmpi sge, %get3A_537, %ge3A_539 : vector<16xi32>
    %ge3A_541 = arith.constant 499712 : i32
    %ge3A_542 = vector.broadcast %ge3A_541 : i32 to vector<16xi32>
    %ge3A_543 = arith.cmpi sge, %get3A_537, %ge3A_542 : vector<16xi32>
    %ge3A_544 = arith.constant 249856 : i32
    %ge3A_545 = vector.broadcast %ge3A_544 : i32 to vector<16xi32>
    %ge3A_546 = arith.cmpi sge, %get3A_537, %ge3A_545 : vector<16xi32>
    %jit3A_547 = arith.constant 249856 : i32
    %jit3A_548 = arith.constant 0 : i32
    %broadcast_in_dim3A_549 = vector.broadcast %jit3A_547 : i32 to vector<16xi32>
    %broadcast_in_dim3A_550 = vector.broadcast %jit3A_548 : i32 to vector<16xi32>
    %select_n3A_551 = arith.select %ge3A_546, %broadcast_in_dim3A_549, %broadcast_in_dim3A_550 : vector<16xi1>, vector<16xi32>
    %jit3A_552 = arith.constant 499712 : i32
    %broadcast_in_dim3A_553 = vector.broadcast %jit3A_552 : i32 to vector<16xi32>
    %select_n3A_554 = arith.select %ge3A_543, %broadcast_in_dim3A_553, %select_n3A_551 : vector<16xi1>, vector<16xi32>
    %jit3A_555 = arith.constant 749568 : i32
    %broadcast_in_dim3A_556 = vector.broadcast %jit3A_555 : i32 to vector<16xi32>
    %select_n3A_557 = arith.select %ge3A_540, %broadcast_in_dim3A_556, %select_n3A_554 : vector<16xi1>, vector<16xi32>
    %sub3A_558 = arith.subi %get3A_537, %select_n3A_557 : vector<16xi32>
    %swap3A_559 = arith.constant 0 : i32
    %swap3A_560 = arith.constant 0 : i32
    %swap3A_561 = tpu.memref_slice %arg14[%swap3A_559, %swap3A_560] : memref<4x128xi32, #tpu.memory_space<vmem>> -> memref<1x128xi32, #tpu.memory_space<vmem>>
    %swap3A_562 = tpu.memref_squeeze %swap3A_561 : memref<1x128xi32, #tpu.memory_space<vmem>> -> memref<128xi32, #tpu.memory_space<vmem>>
    %swap3A_563 = arith.constant 96 : index
    %swap3A_564 = tpu.vector_load %swap3A_562[%swap3A_563] {strides = array<i32>} : memref<128xi32, #tpu.memory_space<vmem>>, vector<16xi32>,
    %swap3A_565 = vector.shape_cast %swap3A_564 : vector<16xi32> to vector<16xi32>
    %swap3A_566 = vector.shape_cast %sub3A_558 : vector<16xi32> to vector<16xi32>
    tpu.vector_store %swap3A_562[%swap3A_563], %swap3A_566 {strides = array<i32>} : memref<128xi32, #tpu.memory_space<vmem>>, vector<16xi32>,
    %get3A_567 = arith.constant 0 : i32
    %get3A_568 = arith.constant 0 : i32
    %get3A_569 = tpu.memref_slice %arg11[%get3A_567, %get3A_568] : memref<4x128xi32, #tpu.memory_space<vmem>> -> memref<1x128xi32, #tpu.memory_space<vmem>>
    %get3A_570 = tpu.memref_squeeze %get3A_569 : memref<1x128xi32, #tpu.memory_space<vmem>> -> memref<128xi32, #tpu.memory_space<vmem>>
    %get3A_571 = arith.constant 112 : index
    %get3A_572 = tpu.vector_load %get3A_570[%get3A_571] {strides = array<i32>} : memref<128xi32, #tpu.memory_space<vmem>>, vector<16xi32>,
    %get3A_573 = vector.shape_cast %get3A_572 : vector<16xi32> to vector<16xi32>
    %ge3A_574 = arith.constant 749568 : i32
    %ge3A_575 = vector.broadcast %ge3A_574 : i32 to vector<16xi32>
    %ge3A_576 = arith.cmpi sge, %get3A_573, %ge3A_575 : vector<16xi32>
    %ge3A_577 = arith.constant 499712 : i32
    %ge3A_578 = vector.broadcast %ge3A_577 : i32 to vector<16xi32>
    %ge3A_579 = arith.cmpi sge, %get3A_573, %ge3A_578 : vector<16xi32>
    %ge3A_580 = arith.constant 249856 : i32
    %ge3A_581 = vector.broadcast %ge3A_580 : i32 to vector<16xi32>
    %ge3A_582 = arith.cmpi sge, %get3A_573, %ge3A_581 : vector<16xi32>
    %jit3A_583 = arith.constant 249856 : i32
    %jit3A_584 = arith.constant 0 : i32
    %broadcast_in_dim3A_585 = vector.broadcast %jit3A_583 : i32 to vector<16xi32>
    %broadcast_in_dim3A_586 = vector.broadcast %jit3A_584 : i32 to vector<16xi32>
    %select_n3A_587 = arith.select %ge3A_582, %broadcast_in_dim3A_585, %broadcast_in_dim3A_586 : vector<16xi1>, vector<16xi32>
    %jit3A_588 = arith.constant 499712 : i32
    %broadcast_in_dim3A_589 = vector.broadcast %jit3A_588 : i32 to vector<16xi32>
    %select_n3A_590 = arith.select %ge3A_579, %broadcast_in_dim3A_589, %select_n3A_587 : vector<16xi1>, vector<16xi32>
    %jit3A_591 = arith.constant 749568 : i32
    %broadcast_in_dim3A_592 = vector.broadcast %jit3A_591 : i32 to vector<16xi32>
    %select_n3A_593 = arith.select %ge3A_576, %broadcast_in_dim3A_592, %select_n3A_590 : vector<16xi1>, vector<16xi32>
    %sub3A_594 = arith.subi %get3A_573, %select_n3A_593 : vector<16xi32>
    %swap3A_595 = arith.constant 0 : i32
    %swap3A_596 = arith.constant 0 : i32
    %swap3A_597 = tpu.memref_slice %arg13[%swap3A_595, %swap3A_596] : memref<4x128xi32, #tpu.memory_space<vmem>> -> memref<1x128xi32, #tpu.memory_space<vmem>>
    %swap3A_598 = tpu.memref_squeeze %swap3A_597 : memref<1x128xi32, #tpu.memory_space<vmem>> -> memref<128xi32, #tpu.memory_space<vmem>>
    %swap3A_599 = arith.constant 112 : index
    %swap3A_600 = tpu.vector_load %swap3A_598[%swap3A_599] {strides = array<i32>} : memref<128xi32, #tpu.memory_space<vmem>>, vector<16xi32>,
    %swap3A_601 = vector.shape_cast %swap3A_600 : vector<16xi32> to vector<16xi32>
    %swap3A_602 = vector.shape_cast %sub3A_594 : vector<16xi32> to vector<16xi32>
    tpu.vector_store %swap3A_598[%swap3A_599], %swap3A_602 {strides = array<i32>} : memref<128xi32, #tpu.memory_space<vmem>>, vector<16xi32>,
    %get3A_603 = arith.constant 0 : i32
    %get3A_604 = arith.constant 0 : i32
    %get3A_605 = tpu.memref_slice %arg12[%get3A_603, %get3A_604] : memref<4x128xi32, #tpu.memory_space<vmem>> -> memref<1x128xi32, #tpu.memory_space<vmem>>
    %get3A_606 = tpu.memref_squeeze %get3A_605 : memref<1x128xi32, #tpu.memory_space<vmem>> -> memref<128xi32, #tpu.memory_space<vmem>>
    %get3A_607 = arith.constant 112 : index
    %get3A_608 = tpu.vector_load %get3A_606[%get3A_607] {strides = array<i32>} : memref<128xi32, #tpu.memory_space<vmem>>, vector<16xi32>,
    %get3A_609 = vector.shape_cast %get3A_608 : vector<16xi32> to vector<16xi32>
    %ge3A_610 = arith.constant 749568 : i32
    %ge3A_611 = vector.broadcast %ge3A_610 : i32 to vector<16xi32>
    %ge3A_612 = arith.cmpi sge, %get3A_609, %ge3A_611 : vector<16xi32>
    %ge3A_613 = arith.constant 499712 : i32
    %ge3A_614 = vector.broadcast %ge3A_613 : i32 to vector<16xi32>
    %ge3A_615 = arith.cmpi sge, %get3A_609, %ge3A_614 : vector<16xi32>
    %ge3A_616 = arith.constant 249856 : i32
    %ge3A_617 = vector.broadcast %ge3A_616 : i32 to vector<16xi32>
    %ge3A_618 = arith.cmpi sge, %get3A_609, %ge3A_617 : vector<16xi32>
    %jit3A_619 = arith.constant 249856 : i32
    %jit3A_620 = arith.constant 0 : i32
    %broadcast_in_dim3A_621 = vector.broadcast %jit3A_619 : i32 to vector<16xi32>
    %broadcast_in_dim3A_622 = vector.broadcast %jit3A_620 : i32 to vector<16xi32>
    %select_n3A_623 = arith.select %ge3A_618, %broadcast_in_dim3A_621, %broadcast_in_dim3A_622 : vector<16xi1>, vector<16xi32>
    %jit3A_624 = arith.constant 499712 : i32
    %broadcast_in_dim3A_625 = vector.broadcast %jit3A_624 : i32 to vector<16xi32>
    %select_n3A_626 = arith.select %ge3A_615, %broadcast_in_dim3A_625, %select_n3A_623 : vector<16xi1>, vector<16xi32>
    %jit3A_627 = arith.constant 749568 : i32
    %broadcast_in_dim3A_628 = vector.broadcast %jit3A_627 : i32 to vector<16xi32>
    %select_n3A_629 = arith.select %ge3A_612, %broadcast_in_dim3A_628, %select_n3A_626 : vector<16xi1>, vector<16xi32>
    %sub3A_630 = arith.subi %get3A_609, %select_n3A_629 : vector<16xi32>
    %swap3A_631 = arith.constant 0 : i32
    %swap3A_632 = arith.constant 0 : i32
    %swap3A_633 = tpu.memref_slice %arg14[%swap3A_631, %swap3A_632] : memref<4x128xi32, #tpu.memory_space<vmem>> -> memref<1x128xi32, #tpu.memory_space<vmem>>
    %swap3A_634 = tpu.memref_squeeze %swap3A_633 : memref<1x128xi32, #tpu.memory_space<vmem>> -> memref<128xi32, #tpu.memory_space<vmem>>
    %swap3A_635 = arith.constant 112 : index
    %swap3A_636 = tpu.vector_load %swap3A_634[%swap3A_635] {strides = array<i32>} : memref<128xi32, #tpu.memory_space<vmem>>, vector<16xi32>,
    %swap3A_637 = vector.shape_cast %swap3A_636 : vector<16xi32> to vector<16xi32>
    %swap3A_638 = vector.shape_cast %sub3A_630 : vector<16xi32> to vector<16xi32>
    tpu.vector_store %swap3A_634[%swap3A_635], %swap3A_638 {strides = array<i32>} : memref<128xi32, #tpu.memory_space<vmem>>, vector<16xi32>,
    %get3A_639 = arith.constant 1 : i32
    %get3A_640 = arith.constant 0 : i32
    %get3A_641 = tpu.memref_slice %arg11[%get3A_639, %get3A_640] : memref<4x128xi32, #tpu.memory_space<vmem>> -> memref<1x128xi32, #tpu.memory_space<vmem>>
    %get3A_642 = tpu.memref_squeeze %get3A_641 : memref<1x128xi32, #tpu.memory_space<vmem>> -> memref<128xi32, #tpu.memory_space<vmem>>
    %get3A_643 = arith.constant 0 : index
    %get3A_644 = tpu.vector_load %get3A_642[%get3A_643] {strides = array<i32>} : memref<128xi32, #tpu.memory_space<vmem>>, vector<16xi32>,
    %get3A_645 = vector.shape_cast %get3A_644 : vector<16xi32> to vector<16xi32>
    %ge3A_646 = arith.constant 749568 : i32
    %ge3A_647 = vector.broadcast %ge3A_646 : i32 to vector<16xi32>
    %ge3A_648 = arith.cmpi sge, %get3A_645, %ge3A_647 : vector<16xi32>
    %ge3A_649 = arith.constant 499712 : i32
    %ge3A_650 = vector.broadcast %ge3A_649 : i32 to vector<16xi32>
    %ge3A_651 = arith.cmpi sge, %get3A_645, %ge3A_650 : vector<16xi32>
    %ge3A_652 = arith.constant 249856 : i32
    %ge3A_653 = vector.broadcast %ge3A_652 : i32 to vector<16xi32>
    %ge3A_654 = arith.cmpi sge, %get3A_645, %ge3A_653 : vector<16xi32>
    %jit3A_655 = arith.constant 249856 : i32
    %jit3A_656 = arith.constant 0 : i32
    %broadcast_in_dim3A_657 = vector.broadcast %jit3A_655 : i32 to vector<16xi32>
    %broadcast_in_dim3A_658 = vector.broadcast %jit3A_656 : i32 to vector<16xi32>
    %select_n3A_659 = arith.select %ge3A_654, %broadcast_in_dim3A_657, %broadcast_in_dim3A_658 : vector<16xi1>, vector<16xi32>
    %jit3A_660 = arith.constant 499712 : i32
    %broadcast_in_dim3A_661 = vector.broadcast %jit3A_660 : i32 to vector<16xi32>
    %select_n3A_662 = arith.select %ge3A_651, %broadcast_in_dim3A_661, %select_n3A_659 : vector<16xi1>, vector<16xi32>
    %jit3A_663 = arith.constant 749568 : i32
    %broadcast_in_dim3A_664 = vector.broadcast %jit3A_663 : i32 to vector<16xi32>
    %select_n3A_665 = arith.select %ge3A_648, %broadcast_in_dim3A_664, %select_n3A_662 : vector<16xi1>, vector<16xi32>
    %sub3A_666 = arith.subi %get3A_645, %select_n3A_665 : vector<16xi32>
    %swap3A_667 = arith.constant 1 : i32
    %swap3A_668 = arith.constant 0 : i32
    %swap3A_669 = tpu.memref_slice %arg13[%swap3A_667, %swap3A_668] : memref<4x128xi32, #tpu.memory_space<vmem>> -> memref<1x128xi32, #tpu.memory_space<vmem>>
    %swap3A_670 = tpu.memref_squeeze %swap3A_669 : memref<1x128xi32, #tpu.memory_space<vmem>> -> memref<128xi32, #tpu.memory_space<vmem>>
    %swap3A_671 = arith.constant 0 : index
    %swap3A_672 = tpu.vector_load %swap3A_670[%swap3A_671] {strides = array<i32>} : memref<128xi32, #tpu.memory_space<vmem>>, vector<16xi32>,
    %swap3A_673 = vector.shape_cast %swap3A_672 : vector<16xi32> to vector<16xi32>
    %swap3A_674 = vector.shape_cast %sub3A_666 : vector<16xi32> to vector<16xi32>
    tpu.vector_store %swap3A_670[%swap3A_671], %swap3A_674 {strides = array<i32>} : memref<128xi32, #tpu.memory_space<vmem>>, vector<16xi32>,
    %get3A_675 = arith.constant 1 : i32
    %get3A_676 = arith.constant 0 : i32
    %get3A_677 = tpu.memref_slice %arg12[%get3A_675, %get3A_676] : memref<4x128xi32, #tpu.memory_space<vmem>> -> memref<1x128xi32, #tpu.memory_space<vmem>>
    %get3A_678 = tpu.memref_squeeze %get3A_677 : memref<1x128xi32, #tpu.memory_space<vmem>> -> memref<128xi32, #tpu.memory_space<vmem>>
    %get3A_679 = arith.constant 0 : index
    %get3A_680 = tpu.vector_load %get3A_678[%get3A_679] {strides = array<i32>} : memref<128xi32, #tpu.memory_space<vmem>>, vector<16xi32>,
    %get3A_681 = vector.shape_cast %get3A_680 : vector<16xi32> to vector<16xi32>
    %ge3A_682 = arith.constant 749568 : i32
    %ge3A_683 = vector.broadcast %ge3A_682 : i32 to vector<16xi32>
    %ge3A_684 = arith.cmpi sge, %get3A_681, %ge3A_683 : vector<16xi32>
    %ge3A_685 = arith.constant 499712 : i32
    %ge3A_686 = vector.broadcast %ge3A_685 : i32 to vector<16xi32>
    %ge3A_687 = arith.cmpi sge, %get3A_681, %ge3A_686 : vector<16xi32>
    %ge3A_688 = arith.constant 249856 : i32
    %ge3A_689 = vector.broadcast %ge3A_688 : i32 to vector<16xi32>
    %ge3A_690 = arith.cmpi sge, %get3A_681, %ge3A_689 : vector<16xi32>
    %jit3A_691 = arith.constant 249856 : i32
    %jit3A_692 = arith.constant 0 : i32
    %broadcast_in_dim3A_693 = vector.broadcast %jit3A_691 : i32 to vector<16xi32>
    %broadcast_in_dim3A_694 = vector.broadcast %jit3A_692 : i32 to vector<16xi32>
    %select_n3A_695 = arith.select %ge3A_690, %broadcast_in_dim3A_693, %broadcast_in_dim3A_694 : vector<16xi1>, vector<16xi32>
    %jit3A_696 = arith.constant 499712 : i32
    %broadcast_in_dim3A_697 = vector.broadcast %jit3A_696 : i32 to vector<16xi32>
    %select_n3A_698 = arith.select %ge3A_687, %broadcast_in_dim3A_697, %select_n3A_695 : vector<16xi1>, vector<16xi32>
    %jit3A_699 = arith.constant 749568 : i32
    %broadcast_in_dim3A_700 = vector.broadcast %jit3A_699 : i32 to vector<16xi32>
    %select_n3A_701 = arith.select %ge3A_684, %broadcast_in_dim3A_700, %select_n3A_698 : vector<16xi1>, vector<16xi32>
    %sub3A_702 = arith.subi %get3A_681, %select_n3A_701 : vector<16xi32>
    %swap3A_703 = arith.constant 1 : i32
    %swap3A_704 = arith.constant 0 : i32
    %swap3A_705 = tpu.memref_slice %arg14[%swap3A_703, %swap3A_704] : memref<4x128xi32, #tpu.memory_space<vmem>> -> memref<1x128xi32, #tpu.memory_space<vmem>>
    %swap3A_706 = tpu.memref_squeeze %swap3A_705 : memref<1x128xi32, #tpu.memory_space<vmem>> -> memref<128xi32, #tpu.memory_space<vmem>>
    %swap3A_707 = arith.constant 0 : index
    %swap3A_708 = tpu.vector_load %swap3A_706[%swap3A_707] {strides = array<i32>} : memref<128xi32, #tpu.memory_space<vmem>>, vector<16xi32>,
    %swap3A_709 = vector.shape_cast %swap3A_708 : vector<16xi32> to vector<16xi32>
    %swap3A_710 = vector.shape_cast %sub3A_702 : vector<16xi32> to vector<16xi32>
    tpu.vector_store %swap3A_706[%swap3A_707], %swap3A_710 {strides = array<i32>} : memref<128xi32, #tpu.memory_space<vmem>>, vector<16xi32>,
    %get3A_711 = arith.constant 1 : i32
    %get3A_712 = arith.constant 0 : i32
    %get3A_713 = tpu.memref_slice %arg11[%get3A_711, %get3A_712] : memref<4x128xi32, #tpu.memory_space<vmem>> -> memref<1x128xi32, #tpu.memory_space<vmem>>
    %get3A_714 = tpu.memref_squeeze %get3A_713 : memref<1x128xi32, #tpu.memory_space<vmem>> -> memref<128xi32, #tpu.memory_space<vmem>>
    %get3A_715 = arith.constant 16 : index
    %get3A_716 = tpu.vector_load %get3A_714[%get3A_715] {strides = array<i32>} : memref<128xi32, #tpu.memory_space<vmem>>, vector<16xi32>,
    %get3A_717 = vector.shape_cast %get3A_716 : vector<16xi32> to vector<16xi32>
    %ge3A_718 = arith.constant 749568 : i32
    %ge3A_719 = vector.broadcast %ge3A_718 : i32 to vector<16xi32>
    %ge3A_720 = arith.cmpi sge, %get3A_717, %ge3A_719 : vector<16xi32>
    %ge3A_721 = arith.constant 499712 : i32
    %ge3A_722 = vector.broadcast %ge3A_721 : i32 to vector<16xi32>
    %ge3A_723 = arith.cmpi sge, %get3A_717, %ge3A_722 : vector<16xi32>
    %ge3A_724 = arith.constant 249856 : i32
    %ge3A_725 = vector.broadcast %ge3A_724 : i32 to vector<16xi32>
    %ge3A_726 = arith.cmpi sge, %get3A_717, %ge3A_725 : vector<16xi32>
    %jit3A_727 = arith.constant 249856 : i32
    %jit3A_728 = arith.constant 0 : i32
    %broadcast_in_dim3A_729 = vector.broadcast %jit3A_727 : i32 to vector<16xi32>
    %broadcast_in_dim3A_730 = vector.broadcast %jit3A_728 : i32 to vector<16xi32>
    %select_n3A_731 = arith.select %ge3A_726, %broadcast_in_dim3A_729, %broadcast_in_dim3A_730 : vector<16xi1>, vector<16xi32>
    %jit3A_732 = arith.constant 499712 : i32
    %broadcast_in_dim3A_733 = vector.broadcast %jit3A_732 : i32 to vector<16xi32>
    %select_n3A_734 = arith.select %ge3A_723, %broadcast_in_dim3A_733, %select_n3A_731 : vector<16xi1>, vector<16xi32>
    %jit3A_735 = arith.constant 749568 : i32
    %broadcast_in_dim3A_736 = vector.broadcast %jit3A_735 : i32 to vector<16xi32>
    %select_n3A_737 = arith.select %ge3A_720, %broadcast_in_dim3A_736, %select_n3A_734 : vector<16xi1>, vector<16xi32>
    %sub3A_738 = arith.subi %get3A_717, %select_n3A_737 : vector<16xi32>
    %swap3A_739 = arith.constant 1 : i32
    %swap3A_740 = arith.constant 0 : i32
    %swap3A_741 = tpu.memref_slice %arg13[%swap3A_739, %swap3A_740] : memref<4x128xi32, #tpu.memory_space<vmem>> -> memref<1x128xi32, #tpu.memory_space<vmem>>
    %swap3A_742 = tpu.memref_squeeze %swap3A_741 : memref<1x128xi32, #tpu.memory_space<vmem>> -> memref<128xi32, #tpu.memory_space<vmem>>
    %swap3A_743 = arith.constant 16 : index
    %swap3A_744 = tpu.vector_load %swap3A_742[%swap3A_743] {strides = array<i32>} : memref<128xi32, #tpu.memory_space<vmem>>, vector<16xi32>,
    %swap3A_745 = vector.shape_cast %swap3A_744 : vector<16xi32> to vector<16xi32>
    %swap3A_746 = vector.shape_cast %sub3A_738 : vector<16xi32> to vector<16xi32>
    tpu.vector_store %swap3A_742[%swap3A_743], %swap3A_746 {strides = array<i32>} : memref<128xi32, #tpu.memory_space<vmem>>, vector<16xi32>,
    %get3A_747 = arith.constant 1 : i32
    %get3A_748 = arith.constant 0 : i32
    %get3A_749 = tpu.memref_slice %arg12[%get3A_747, %get3A_748] : memref<4x128xi32, #tpu.memory_space<vmem>> -> memref<1x128xi32, #tpu.memory_space<vmem>>
    %get3A_750 = tpu.memref_squeeze %get3A_749 : memref<1x128xi32, #tpu.memory_space<vmem>> -> memref<128xi32, #tpu.memory_space<vmem>>
    %get3A_751 = arith.constant 16 : index
    %get3A_752 = tpu.vector_load %get3A_750[%get3A_751] {strides = array<i32>} : memref<128xi32, #tpu.memory_space<vmem>>, vector<16xi32>,
    %get3A_753 = vector.shape_cast %get3A_752 : vector<16xi32> to vector<16xi32>
    %ge3A_754 = arith.constant 749568 : i32
    %ge3A_755 = vector.broadcast %ge3A_754 : i32 to vector<16xi32>
    %ge3A_756 = arith.cmpi sge, %get3A_753, %ge3A_755 : vector<16xi32>
    %ge3A_757 = arith.constant 499712 : i32
    %ge3A_758 = vector.broadcast %ge3A_757 : i32 to vector<16xi32>
    %ge3A_759 = arith.cmpi sge, %get3A_753, %ge3A_758 : vector<16xi32>
    %ge3A_760 = arith.constant 249856 : i32
    %ge3A_761 = vector.broadcast %ge3A_760 : i32 to vector<16xi32>
    %ge3A_762 = arith.cmpi sge, %get3A_753, %ge3A_761 : vector<16xi32>
    %jit3A_763 = arith.constant 249856 : i32
    %jit3A_764 = arith.constant 0 : i32
    %broadcast_in_dim3A_765 = vector.broadcast %jit3A_763 : i32 to vector<16xi32>
    %broadcast_in_dim3A_766 = vector.broadcast %jit3A_764 : i32 to vector<16xi32>
    %select_n3A_767 = arith.select %ge3A_762, %broadcast_in_dim3A_765, %broadcast_in_dim3A_766 : vector<16xi1>, vector<16xi32>
    %jit3A_768 = arith.constant 499712 : i32
    %broadcast_in_dim3A_769 = vector.broadcast %jit3A_768 : i32 to vector<16xi32>
    %select_n3A_770 = arith.select %ge3A_759, %broadcast_in_dim3A_769, %select_n3A_767 : vector<16xi1>, vector<16xi32>
    %jit3A_771 = arith.constant 749568 : i32
    %broadcast_in_dim3A_772 = vector.broadcast %jit3A_771 : i32 to vector<16xi32>
    %select_n3A_773 = arith.select %ge3A_756, %broadcast_in_dim3A_772, %select_n3A_770 : vector<16xi1>, vector<16xi32>
    %sub3A_774 = arith.subi %get3A_753, %select_n3A_773 : vector<16xi32>
    %swap3A_775 = arith.constant 1 : i32
    %swap3A_776 = arith.constant 0 : i32
    %swap3A_777 = tpu.memref_slice %arg14[%swap3A_775, %swap3A_776] : memref<4x128xi32, #tpu.memory_space<vmem>> -> memref<1x128xi32, #tpu.memory_space<vmem>>
    %swap3A_778 = tpu.memref_squeeze %swap3A_777 : memref<1x128xi32, #tpu.memory_space<vmem>> -> memref<128xi32, #tpu.memory_space<vmem>>
    %swap3A_779 = arith.constant 16 : index
    %swap3A_780 = tpu.vector_load %swap3A_778[%swap3A_779] {strides = array<i32>} : memref<128xi32, #tpu.memory_space<vmem>>, vector<16xi32>,
    %swap3A_781 = vector.shape_cast %swap3A_780 : vector<16xi32> to vector<16xi32>
    %swap3A_782 = vector.shape_cast %sub3A_774 : vector<16xi32> to vector<16xi32>
    tpu.vector_store %swap3A_778[%swap3A_779], %swap3A_782 {strides = array<i32>} : memref<128xi32, #tpu.memory_space<vmem>>, vector<16xi32>,
    %get3A_783 = arith.constant 1 : i32
    %get3A_784 = arith.constant 0 : i32
    %get3A_785 = tpu.memref_slice %arg11[%get3A_783, %get3A_784] : memref<4x128xi32, #tpu.memory_space<vmem>> -> memref<1x128xi32, #tpu.memory_space<vmem>>
    %get3A_786 = tpu.memref_squeeze %get3A_785 : memref<1x128xi32, #tpu.memory_space<vmem>> -> memref<128xi32, #tpu.memory_space<vmem>>
    %get3A_787 = arith.constant 32 : index
    %get3A_788 = tpu.vector_load %get3A_786[%get3A_787] {strides = array<i32>} : memref<128xi32, #tpu.memory_space<vmem>>, vector<16xi32>,
    %get3A_789 = vector.shape_cast %get3A_788 : vector<16xi32> to vector<16xi32>
    %ge3A_790 = arith.constant 749568 : i32
    %ge3A_791 = vector.broadcast %ge3A_790 : i32 to vector<16xi32>
    %ge3A_792 = arith.cmpi sge, %get3A_789, %ge3A_791 : vector<16xi32>
    %ge3A_793 = arith.constant 499712 : i32
    %ge3A_794 = vector.broadcast %ge3A_793 : i32 to vector<16xi32>
    %ge3A_795 = arith.cmpi sge, %get3A_789, %ge3A_794 : vector<16xi32>
    %ge3A_796 = arith.constant 249856 : i32
    %ge3A_797 = vector.broadcast %ge3A_796 : i32 to vector<16xi32>
    %ge3A_798 = arith.cmpi sge, %get3A_789, %ge3A_797 : vector<16xi32>
    %jit3A_799 = arith.constant 249856 : i32
    %jit3A_800 = arith.constant 0 : i32
    %broadcast_in_dim3A_801 = vector.broadcast %jit3A_799 : i32 to vector<16xi32>
    %broadcast_in_dim3A_802 = vector.broadcast %jit3A_800 : i32 to vector<16xi32>
    %select_n3A_803 = arith.select %ge3A_798, %broadcast_in_dim3A_801, %broadcast_in_dim3A_802 : vector<16xi1>, vector<16xi32>
    %jit3A_804 = arith.constant 499712 : i32
    %broadcast_in_dim3A_805 = vector.broadcast %jit3A_804 : i32 to vector<16xi32>
    %select_n3A_806 = arith.select %ge3A_795, %broadcast_in_dim3A_805, %select_n3A_803 : vector<16xi1>, vector<16xi32>
    %jit3A_807 = arith.constant 749568 : i32
    %broadcast_in_dim3A_808 = vector.broadcast %jit3A_807 : i32 to vector<16xi32>
    %select_n3A_809 = arith.select %ge3A_792, %broadcast_in_dim3A_808, %select_n3A_806 : vector<16xi1>, vector<16xi32>
    %sub3A_810 = arith.subi %get3A_789, %select_n3A_809 : vector<16xi32>
    %swap3A_811 = arith.constant 1 : i32
    %swap3A_812 = arith.constant 0 : i32
    %swap3A_813 = tpu.memref_slice %arg13[%swap3A_811, %swap3A_812] : memref<4x128xi32, #tpu.memory_space<vmem>> -> memref<1x128xi32, #tpu.memory_space<vmem>>
    %swap3A_814 = tpu.memref_squeeze %swap3A_813 : memref<1x128xi32, #tpu.memory_space<vmem>> -> memref<128xi32, #tpu.memory_space<vmem>>
    %swap3A_815 = arith.constant 32 : index
    %swap3A_816 = tpu.vector_load %swap3A_814[%swap3A_815] {strides = array<i32>} : memref<128xi32, #tpu.memory_space<vmem>>, vector<16xi32>,
    %swap3A_817 = vector.shape_cast %swap3A_816 : vector<16xi32> to vector<16xi32>
    %swap3A_818 = vector.shape_cast %sub3A_810 : vector<16xi32> to vector<16xi32>
    tpu.vector_store %swap3A_814[%swap3A_815], %swap3A_818 {strides = array<i32>} : memref<128xi32, #tpu.memory_space<vmem>>, vector<16xi32>,
    %get3A_819 = arith.constant 1 : i32
    %get3A_820 = arith.constant 0 : i32
    %get3A_821 = tpu.memref_slice %arg12[%get3A_819, %get3A_820] : memref<4x128xi32, #tpu.memory_space<vmem>> -> memref<1x128xi32, #tpu.memory_space<vmem>>
    %get3A_822 = tpu.memref_squeeze %get3A_821 : memref<1x128xi32, #tpu.memory_space<vmem>> -> memref<128xi32, #tpu.memory_space<vmem>>
    %get3A_823 = arith.constant 32 : index
    %get3A_824 = tpu.vector_load %get3A_822[%get3A_823] {strides = array<i32>} : memref<128xi32, #tpu.memory_space<vmem>>, vector<16xi32>,
    %get3A_825 = vector.shape_cast %get3A_824 : vector<16xi32> to vector<16xi32>
    %ge3A_826 = arith.constant 749568 : i32
    %ge3A_827 = vector.broadcast %ge3A_826 : i32 to vector<16xi32>
    %ge3A_828 = arith.cmpi sge, %get3A_825, %ge3A_827 : vector<16xi32>
    %ge3A_829 = arith.constant 499712 : i32
    %ge3A_830 = vector.broadcast %ge3A_829 : i32 to vector<16xi32>
    %ge3A_831 = arith.cmpi sge, %get3A_825, %ge3A_830 : vector<16xi32>
    %ge3A_832 = arith.constant 249856 : i32
    %ge3A_833 = vector.broadcast %ge3A_832 : i32 to vector<16xi32>
    %ge3A_834 = arith.cmpi sge, %get3A_825, %ge3A_833 : vector<16xi32>
    %jit3A_835 = arith.constant 249856 : i32
    %jit3A_836 = arith.constant 0 : i32
    %broadcast_in_dim3A_837 = vector.broadcast %jit3A_835 : i32 to vector<16xi32>
    %broadcast_in_dim3A_838 = vector.broadcast %jit3A_836 : i32 to vector<16xi32>
    %select_n3A_839 = arith.select %ge3A_834, %broadcast_in_dim3A_837, %broadcast_in_dim3A_838 : vector<16xi1>, vector<16xi32>
    %jit3A_840 = arith.constant 499712 : i32
    %broadcast_in_dim3A_841 = vector.broadcast %jit3A_840 : i32 to vector<16xi32>
    %select_n3A_842 = arith.select %ge3A_831, %broadcast_in_dim3A_841, %select_n3A_839 : vector<16xi1>, vector<16xi32>
    %jit3A_843 = arith.constant 749568 : i32
    %broadcast_in_dim3A_844 = vector.broadcast %jit3A_843 : i32 to vector<16xi32>
    %select_n3A_845 = arith.select %ge3A_828, %broadcast_in_dim3A_844, %select_n3A_842 : vector<16xi1>, vector<16xi32>
    %sub3A_846 = arith.subi %get3A_825, %select_n3A_845 : vector<16xi32>
    %swap3A_847 = arith.constant 1 : i32
    %swap3A_848 = arith.constant 0 : i32
    %swap3A_849 = tpu.memref_slice %arg14[%swap3A_847, %swap3A_848] : memref<4x128xi32, #tpu.memory_space<vmem>> -> memref<1x128xi32, #tpu.memory_space<vmem>>
    %swap3A_850 = tpu.memref_squeeze %swap3A_849 : memref<1x128xi32, #tpu.memory_space<vmem>> -> memref<128xi32, #tpu.memory_space<vmem>>
    %swap3A_851 = arith.constant 32 : index
    %swap3A_852 = tpu.vector_load %swap3A_850[%swap3A_851] {strides = array<i32>} : memref<128xi32, #tpu.memory_space<vmem>>, vector<16xi32>,
    %swap3A_853 = vector.shape_cast %swap3A_852 : vector<16xi32> to vector<16xi32>
    %swap3A_854 = vector.shape_cast %sub3A_846 : vector<16xi32> to vector<16xi32>
    tpu.vector_store %swap3A_850[%swap3A_851], %swap3A_854 {strides = array<i32>} : memref<128xi32, #tpu.memory_space<vmem>>, vector<16xi32>,
    %get3A_855 = arith.constant 1 : i32
    %get3A_856 = arith.constant 0 : i32
    %get3A_857 = tpu.memref_slice %arg11[%get3A_855, %get3A_856] : memref<4x128xi32, #tpu.memory_space<vmem>> -> memref<1x128xi32, #tpu.memory_space<vmem>>
    %get3A_858 = tpu.memref_squeeze %get3A_857 : memref<1x128xi32, #tpu.memory_space<vmem>> -> memref<128xi32, #tpu.memory_space<vmem>>
    %get3A_859 = arith.constant 48 : index
    %get3A_860 = tpu.vector_load %get3A_858[%get3A_859] {strides = array<i32>} : memref<128xi32, #tpu.memory_space<vmem>>, vector<16xi32>,
    %get3A_861 = vector.shape_cast %get3A_860 : vector<16xi32> to vector<16xi32>
    %ge3A_862 = arith.constant 749568 : i32
    %ge3A_863 = vector.broadcast %ge3A_862 : i32 to vector<16xi32>
    %ge3A_864 = arith.cmpi sge, %get3A_861, %ge3A_863 : vector<16xi32>
    %ge3A_865 = arith.constant 499712 : i32
    %ge3A_866 = vector.broadcast %ge3A_865 : i32 to vector<16xi32>
    %ge3A_867 = arith.cmpi sge, %get3A_861, %ge3A_866 : vector<16xi32>
    %ge3A_868 = arith.constant 249856 : i32
    %ge3A_869 = vector.broadcast %ge3A_868 : i32 to vector<16xi32>
    %ge3A_870 = arith.cmpi sge, %get3A_861, %ge3A_869 : vector<16xi32>
    %jit3A_871 = arith.constant 249856 : i32
    %jit3A_872 = arith.constant 0 : i32
    %broadcast_in_dim3A_873 = vector.broadcast %jit3A_871 : i32 to vector<16xi32>
    %broadcast_in_dim3A_874 = vector.broadcast %jit3A_872 : i32 to vector<16xi32>
    %select_n3A_875 = arith.select %ge3A_870, %broadcast_in_dim3A_873, %broadcast_in_dim3A_874 : vector<16xi1>, vector<16xi32>
    %jit3A_876 = arith.constant 499712 : i32
    %broadcast_in_dim3A_877 = vector.broadcast %jit3A_876 : i32 to vector<16xi32>
    %select_n3A_878 = arith.select %ge3A_867, %broadcast_in_dim3A_877, %select_n3A_875 : vector<16xi1>, vector<16xi32>
    %jit3A_879 = arith.constant 749568 : i32
    %broadcast_in_dim3A_880 = vector.broadcast %jit3A_879 : i32 to vector<16xi32>
    %select_n3A_881 = arith.select %ge3A_864, %broadcast_in_dim3A_880, %select_n3A_878 : vector<16xi1>, vector<16xi32>
    %sub3A_882 = arith.subi %get3A_861, %select_n3A_881 : vector<16xi32>
    %swap3A_883 = arith.constant 1 : i32
    %swap3A_884 = arith.constant 0 : i32
    %swap3A_885 = tpu.memref_slice %arg13[%swap3A_883, %swap3A_884] : memref<4x128xi32, #tpu.memory_space<vmem>> -> memref<1x128xi32, #tpu.memory_space<vmem>>
    %swap3A_886 = tpu.memref_squeeze %swap3A_885 : memref<1x128xi32, #tpu.memory_space<vmem>> -> memref<128xi32, #tpu.memory_space<vmem>>
    %swap3A_887 = arith.constant 48 : index
    %swap3A_888 = tpu.vector_load %swap3A_886[%swap3A_887] {strides = array<i32>} : memref<128xi32, #tpu.memory_space<vmem>>, vector<16xi32>,
    %swap3A_889 = vector.shape_cast %swap3A_888 : vector<16xi32> to vector<16xi32>
    %swap3A_890 = vector.shape_cast %sub3A_882 : vector<16xi32> to vector<16xi32>
    tpu.vector_store %swap3A_886[%swap3A_887], %swap3A_890 {strides = array<i32>} : memref<128xi32, #tpu.memory_space<vmem>>, vector<16xi32>,
    %get3A_891 = arith.constant 1 : i32
    %get3A_892 = arith.constant 0 : i32
    %get3A_893 = tpu.memref_slice %arg12[%get3A_891, %get3A_892] : memref<4x128xi32, #tpu.memory_space<vmem>> -> memref<1x128xi32, #tpu.memory_space<vmem>>
    %get3A_894 = tpu.memref_squeeze %get3A_893 : memref<1x128xi32, #tpu.memory_space<vmem>> -> memref<128xi32, #tpu.memory_space<vmem>>
    %get3A_895 = arith.constant 48 : index
    %get3A_896 = tpu.vector_load %get3A_894[%get3A_895] {strides = array<i32>} : memref<128xi32, #tpu.memory_space<vmem>>, vector<16xi32>,
    %get3A_897 = vector.shape_cast %get3A_896 : vector<16xi32> to vector<16xi32>
    %ge3A_898 = arith.constant 749568 : i32
    %ge3A_899 = vector.broadcast %ge3A_898 : i32 to vector<16xi32>
    %ge3A_900 = arith.cmpi sge, %get3A_897, %ge3A_899 : vector<16xi32>
    %ge3A_901 = arith.constant 499712 : i32
    %ge3A_902 = vector.broadcast %ge3A_901 : i32 to vector<16xi32>
    %ge3A_903 = arith.cmpi sge, %get3A_897, %ge3A_902 : vector<16xi32>
    %ge3A_904 = arith.constant 249856 : i32
    %ge3A_905 = vector.broadcast %ge3A_904 : i32 to vector<16xi32>
    %ge3A_906 = arith.cmpi sge, %get3A_897, %ge3A_905 : vector<16xi32>
    %jit3A_907 = arith.constant 249856 : i32
    %jit3A_908 = arith.constant 0 : i32
    %broadcast_in_dim3A_909 = vector.broadcast %jit3A_907 : i32 to vector<16xi32>
    %broadcast_in_dim3A_910 = vector.broadcast %jit3A_908 : i32 to vector<16xi32>
    %select_n3A_911 = arith.select %ge3A_906, %broadcast_in_dim3A_909, %broadcast_in_dim3A_910 : vector<16xi1>, vector<16xi32>
    %jit3A_912 = arith.constant 499712 : i32
    %broadcast_in_dim3A_913 = vector.broadcast %jit3A_912 : i32 to vector<16xi32>
    %select_n3A_914 = arith.select %ge3A_903, %broadcast_in_dim3A_913, %select_n3A_911 : vector<16xi1>, vector<16xi32>
    %jit3A_915 = arith.constant 749568 : i32
    %broadcast_in_dim3A_916 = vector.broadcast %jit3A_915 : i32 to vector<16xi32>
    %select_n3A_917 = arith.select %ge3A_900, %broadcast_in_dim3A_916, %select_n3A_914 : vector<16xi1>, vector<16xi32>
    %sub3A_918 = arith.subi %get3A_897, %select_n3A_917 : vector<16xi32>
    %swap3A_919 = arith.constant 1 : i32
    %swap3A_920 = arith.constant 0 : i32
    %swap3A_921 = tpu.memref_slice %arg14[%swap3A_919, %swap3A_920] : memref<4x128xi32, #tpu.memory_space<vmem>> -> memref<1x128xi32, #tpu.memory_space<vmem>>
    %swap3A_922 = tpu.memref_squeeze %swap3A_921 : memref<1x128xi32, #tpu.memory_space<vmem>> -> memref<128xi32, #tpu.memory_space<vmem>>
    %swap3A_923 = arith.constant 48 : index
    %swap3A_924 = tpu.vector_load %swap3A_922[%swap3A_923] {strides = array<i32>} : memref<128xi32, #tpu.memory_space<vmem>>, vector<16xi32>,
    %swap3A_925 = vector.shape_cast %swap3A_924 : vector<16xi32> to vector<16xi32>
    %swap3A_926 = vector.shape_cast %sub3A_918 : vector<16xi32> to vector<16xi32>
    tpu.vector_store %swap3A_922[%swap3A_923], %swap3A_926 {strides = array<i32>} : memref<128xi32, #tpu.memory_space<vmem>>, vector<16xi32>,
    %get3A_927 = arith.constant 1 : i32
    %get3A_928 = arith.constant 0 : i32
    %get3A_929 = tpu.memref_slice %arg11[%get3A_927, %get3A_928] : memref<4x128xi32, #tpu.memory_space<vmem>> -> memref<1x128xi32, #tpu.memory_space<vmem>>
    %get3A_930 = tpu.memref_squeeze %get3A_929 : memref<1x128xi32, #tpu.memory_space<vmem>> -> memref<128xi32, #tpu.memory_space<vmem>>
    %get3A_931 = arith.constant 64 : index
    %get3A_932 = tpu.vector_load %get3A_930[%get3A_931] {strides = array<i32>} : memref<128xi32, #tpu.memory_space<vmem>>, vector<16xi32>,
    %get3A_933 = vector.shape_cast %get3A_932 : vector<16xi32> to vector<16xi32>
    %ge3A_934 = arith.constant 749568 : i32
    %ge3A_935 = vector.broadcast %ge3A_934 : i32 to vector<16xi32>
    %ge3A_936 = arith.cmpi sge, %get3A_933, %ge3A_935 : vector<16xi32>
    %ge3A_937 = arith.constant 499712 : i32
    %ge3A_938 = vector.broadcast %ge3A_937 : i32 to vector<16xi32>
    %ge3A_939 = arith.cmpi sge, %get3A_933, %ge3A_938 : vector<16xi32>
    %ge3A_940 = arith.constant 249856 : i32
    %ge3A_941 = vector.broadcast %ge3A_940 : i32 to vector<16xi32>
    %ge3A_942 = arith.cmpi sge, %get3A_933, %ge3A_941 : vector<16xi32>
    %jit3A_943 = arith.constant 249856 : i32
    %jit3A_944 = arith.constant 0 : i32
    %broadcast_in_dim3A_945 = vector.broadcast %jit3A_943 : i32 to vector<16xi32>
    %broadcast_in_dim3A_946 = vector.broadcast %jit3A_944 : i32 to vector<16xi32>
    %select_n3A_947 = arith.select %ge3A_942, %broadcast_in_dim3A_945, %broadcast_in_dim3A_946 : vector<16xi1>, vector<16xi32>
    %jit3A_948 = arith.constant 499712 : i32
    %broadcast_in_dim3A_949 = vector.broadcast %jit3A_948 : i32 to vector<16xi32>
    %select_n3A_950 = arith.select %ge3A_939, %broadcast_in_dim3A_949, %select_n3A_947 : vector<16xi1>, vector<16xi32>
    %jit3A_951 = arith.constant 749568 : i32
    %broadcast_in_dim3A_952 = vector.broadcast %jit3A_951 : i32 to vector<16xi32>
    %select_n3A_953 = arith.select %ge3A_936, %broadcast_in_dim3A_952, %select_n3A_950 : vector<16xi1>, vector<16xi32>
    %sub3A_954 = arith.subi %get3A_933, %select_n3A_953 : vector<16xi32>
    %swap3A_955 = arith.constant 1 : i32
    %swap3A_956 = arith.constant 0 : i32
    %swap3A_957 = tpu.memref_slice %arg13[%swap3A_955, %swap3A_956] : memref<4x128xi32, #tpu.memory_space<vmem>> -> memref<1x128xi32, #tpu.memory_space<vmem>>
    %swap3A_958 = tpu.memref_squeeze %swap3A_957 : memref<1x128xi32, #tpu.memory_space<vmem>> -> memref<128xi32, #tpu.memory_space<vmem>>
    %swap3A_959 = arith.constant 64 : index
    %swap3A_960 = tpu.vector_load %swap3A_958[%swap3A_959] {strides = array<i32>} : memref<128xi32, #tpu.memory_space<vmem>>, vector<16xi32>,
    %swap3A_961 = vector.shape_cast %swap3A_960 : vector<16xi32> to vector<16xi32>
    %swap3A_962 = vector.shape_cast %sub3A_954 : vector<16xi32> to vector<16xi32>
    tpu.vector_store %swap3A_958[%swap3A_959], %swap3A_962 {strides = array<i32>} : memref<128xi32, #tpu.memory_space<vmem>>, vector<16xi32>,
    %get3A_963 = arith.constant 1 : i32
    %get3A_964 = arith.constant 0 : i32
    %get3A_965 = tpu.memref_slice %arg12[%get3A_963, %get3A_964] : memref<4x128xi32, #tpu.memory_space<vmem>> -> memref<1x128xi32, #tpu.memory_space<vmem>>
    %get3A_966 = tpu.memref_squeeze %get3A_965 : memref<1x128xi32, #tpu.memory_space<vmem>> -> memref<128xi32, #tpu.memory_space<vmem>>
    %get3A_967 = arith.constant 64 : index
    %get3A_968 = tpu.vector_load %get3A_966[%get3A_967] {strides = array<i32>} : memref<128xi32, #tpu.memory_space<vmem>>, vector<16xi32>,
    %get3A_969 = vector.shape_cast %get3A_968 : vector<16xi32> to vector<16xi32>
    %ge3A_970 = arith.constant 749568 : i32
    %ge3A_971 = vector.broadcast %ge3A_970 : i32 to vector<16xi32>
    %ge3A_972 = arith.cmpi sge, %get3A_969, %ge3A_971 : vector<16xi32>
    %ge3A_973 = arith.constant 499712 : i32
    %ge3A_974 = vector.broadcast %ge3A_973 : i32 to vector<16xi32>
    %ge3A_975 = arith.cmpi sge, %get3A_969, %ge3A_974 : vector<16xi32>
    %ge3A_976 = arith.constant 249856 : i32
    %ge3A_977 = vector.broadcast %ge3A_976 : i32 to vector<16xi32>
    %ge3A_978 = arith.cmpi sge, %get3A_969, %ge3A_977 : vector<16xi32>
    %jit3A_979 = arith.constant 249856 : i32
    %jit3A_980 = arith.constant 0 : i32
    %broadcast_in_dim3A_981 = vector.broadcast %jit3A_979 : i32 to vector<16xi32>
    %broadcast_in_dim3A_982 = vector.broadcast %jit3A_980 : i32 to vector<16xi32>
    %select_n3A_983 = arith.select %ge3A_978, %broadcast_in_dim3A_981, %broadcast_in_dim3A_982 : vector<16xi1>, vector<16xi32>
    %jit3A_984 = arith.constant 499712 : i32
    %broadcast_in_dim3A_985 = vector.broadcast %jit3A_984 : i32 to vector<16xi32>
    %select_n3A_986 = arith.select %ge3A_975, %broadcast_in_dim3A_985, %select_n3A_983 : vector<16xi1>, vector<16xi32>
    %jit3A_987 = arith.constant 749568 : i32
    %broadcast_in_dim3A_988 = vector.broadcast %jit3A_987 : i32 to vector<16xi32>
    %select_n3A_989 = arith.select %ge3A_972, %broadcast_in_dim3A_988, %select_n3A_986 : vector<16xi1>, vector<16xi32>
    %sub3A_990 = arith.subi %get3A_969, %select_n3A_989 : vector<16xi32>
    %swap3A_991 = arith.constant 1 : i32
    %swap3A_992 = arith.constant 0 : i32
    %swap3A_993 = tpu.memref_slice %arg14[%swap3A_991, %swap3A_992] : memref<4x128xi32, #tpu.memory_space<vmem>> -> memref<1x128xi32, #tpu.memory_space<vmem>>
    %swap3A_994 = tpu.memref_squeeze %swap3A_993 : memref<1x128xi32, #tpu.memory_space<vmem>> -> memref<128xi32, #tpu.memory_space<vmem>>
    %swap3A_995 = arith.constant 64 : index
    %swap3A_996 = tpu.vector_load %swap3A_994[%swap3A_995] {strides = array<i32>} : memref<128xi32, #tpu.memory_space<vmem>>, vector<16xi32>,
    %swap3A_997 = vector.shape_cast %swap3A_996 : vector<16xi32> to vector<16xi32>
    %swap3A_998 = vector.shape_cast %sub3A_990 : vector<16xi32> to vector<16xi32>
    tpu.vector_store %swap3A_994[%swap3A_995], %swap3A_998 {strides = array<i32>} : memref<128xi32, #tpu.memory_space<vmem>>, vector<16xi32>,
    %get3A_999 = arith.constant 1 : i32
    %get3A_1000 = arith.constant 0 : i32
    %get3A_1001 = tpu.memref_slice %arg11[%get3A_999, %get3A_1000] : memref<4x128xi32, #tpu.memory_space<vmem>> -> memref<1x128xi32, #tpu.memory_space<vmem>>
    %get3A_1002 = tpu.memref_squeeze %get3A_1001 : memref<1x128xi32, #tpu.memory_space<vmem>> -> memref<128xi32, #tpu.memory_space<vmem>>
    %get3A_1003 = arith.constant 80 : index
    %get3A_1004 = tpu.vector_load %get3A_1002[%get3A_1003] {strides = array<i32>} : memref<128xi32, #tpu.memory_space<vmem>>, vector<16xi32>,
    %get3A_1005 = vector.shape_cast %get3A_1004 : vector<16xi32> to vector<16xi32>
    %ge3A_1006 = arith.constant 749568 : i32
    %ge3A_1007 = vector.broadcast %ge3A_1006 : i32 to vector<16xi32>
    %ge3A_1008 = arith.cmpi sge, %get3A_1005, %ge3A_1007 : vector<16xi32>
    %ge3A_1009 = arith.constant 499712 : i32
    %ge3A_1010 = vector.broadcast %ge3A_1009 : i32 to vector<16xi32>
    %ge3A_1011 = arith.cmpi sge, %get3A_1005, %ge3A_1010 : vector<16xi32>
    %ge3A_1012 = arith.constant 249856 : i32
    %ge3A_1013 = vector.broadcast %ge3A_1012 : i32 to vector<16xi32>
    %ge3A_1014 = arith.cmpi sge, %get3A_1005, %ge3A_1013 : vector<16xi32>
    %jit3A_1015 = arith.constant 249856 : i32
    %jit3A_1016 = arith.constant 0 : i32
    %broadcast_in_dim3A_1017 = vector.broadcast %jit3A_1015 : i32 to vector<16xi32>
    %broadcast_in_dim3A_1018 = vector.broadcast %jit3A_1016 : i32 to vector<16xi32>
    %select_n3A_1019 = arith.select %ge3A_1014, %broadcast_in_dim3A_1017, %broadcast_in_dim3A_1018 : vector<16xi1>, vector<16xi32>
    %jit3A_1020 = arith.constant 499712 : i32
    %broadcast_in_dim3A_1021 = vector.broadcast %jit3A_1020 : i32 to vector<16xi32>
    %select_n3A_1022 = arith.select %ge3A_1011, %broadcast_in_dim3A_1021, %select_n3A_1019 : vector<16xi1>, vector<16xi32>
    %jit3A_1023 = arith.constant 749568 : i32
    %broadcast_in_dim3A_1024 = vector.broadcast %jit3A_1023 : i32 to vector<16xi32>
    %select_n3A_1025 = arith.select %ge3A_1008, %broadcast_in_dim3A_1024, %select_n3A_1022 : vector<16xi1>, vector<16xi32>
    %sub3A_1026 = arith.subi %get3A_1005, %select_n3A_1025 : vector<16xi32>
    %swap3A_1027 = arith.constant 1 : i32
    %swap3A_1028 = arith.constant 0 : i32
    %swap3A_1029 = tpu.memref_slice %arg13[%swap3A_1027, %swap3A_1028] : memref<4x128xi32, #tpu.memory_space<vmem>> -> memref<1x128xi32, #tpu.memory_space<vmem>>
    %swap3A_1030 = tpu.memref_squeeze %swap3A_1029 : memref<1x128xi32, #tpu.memory_space<vmem>> -> memref<128xi32, #tpu.memory_space<vmem>>
    %swap3A_1031 = arith.constant 80 : index
    %swap3A_1032 = tpu.vector_load %swap3A_1030[%swap3A_1031] {strides = array<i32>} : memref<128xi32, #tpu.memory_space<vmem>>, vector<16xi32>,
    %swap3A_1033 = vector.shape_cast %swap3A_1032 : vector<16xi32> to vector<16xi32>
    %swap3A_1034 = vector.shape_cast %sub3A_1026 : vector<16xi32> to vector<16xi32>
    tpu.vector_store %swap3A_1030[%swap3A_1031], %swap3A_1034 {strides = array<i32>} : memref<128xi32, #tpu.memory_space<vmem>>, vector<16xi32>,
    %get3A_1035 = arith.constant 1 : i32
    %get3A_1036 = arith.constant 0 : i32
    %get3A_1037 = tpu.memref_slice %arg12[%get3A_1035, %get3A_1036] : memref<4x128xi32, #tpu.memory_space<vmem>> -> memref<1x128xi32, #tpu.memory_space<vmem>>
    %get3A_1038 = tpu.memref_squeeze %get3A_1037 : memref<1x128xi32, #tpu.memory_space<vmem>> -> memref<128xi32, #tpu.memory_space<vmem>>
    %get3A_1039 = arith.constant 80 : index
    %get3A_1040 = tpu.vector_load %get3A_1038[%get3A_1039] {strides = array<i32>} : memref<128xi32, #tpu.memory_space<vmem>>, vector<16xi32>,
    %get3A_1041 = vector.shape_cast %get3A_1040 : vector<16xi32> to vector<16xi32>
    %ge3A_1042 = arith.constant 749568 : i32
    %ge3A_1043 = vector.broadcast %ge3A_1042 : i32 to vector<16xi32>
    %ge3A_1044 = arith.cmpi sge, %get3A_1041, %ge3A_1043 : vector<16xi32>
    %ge3A_1045 = arith.constant 499712 : i32
    %ge3A_1046 = vector.broadcast %ge3A_1045 : i32 to vector<16xi32>
    %ge3A_1047 = arith.cmpi sge, %get3A_1041, %ge3A_1046 : vector<16xi32>
    %ge3A_1048 = arith.constant 249856 : i32
    %ge3A_1049 = vector.broadcast %ge3A_1048 : i32 to vector<16xi32>
    %ge3A_1050 = arith.cmpi sge, %get3A_1041, %ge3A_1049 : vector<16xi32>
    %jit3A_1051 = arith.constant 249856 : i32
    %jit3A_1052 = arith.constant 0 : i32
    %broadcast_in_dim3A_1053 = vector.broadcast %jit3A_1051 : i32 to vector<16xi32>
    %broadcast_in_dim3A_1054 = vector.broadcast %jit3A_1052 : i32 to vector<16xi32>
    %select_n3A_1055 = arith.select %ge3A_1050, %broadcast_in_dim3A_1053, %broadcast_in_dim3A_1054 : vector<16xi1>, vector<16xi32>
    %jit3A_1056 = arith.constant 499712 : i32
    %broadcast_in_dim3A_1057 = vector.broadcast %jit3A_1056 : i32 to vector<16xi32>
    %select_n3A_1058 = arith.select %ge3A_1047, %broadcast_in_dim3A_1057, %select_n3A_1055 : vector<16xi1>, vector<16xi32>
    %jit3A_1059 = arith.constant 749568 : i32
    %broadcast_in_dim3A_1060 = vector.broadcast %jit3A_1059 : i32 to vector<16xi32>
    %select_n3A_1061 = arith.select %ge3A_1044, %broadcast_in_dim3A_1060, %select_n3A_1058 : vector<16xi1>, vector<16xi32>
    %sub3A_1062 = arith.subi %get3A_1041, %select_n3A_1061 : vector<16xi32>
    %swap3A_1063 = arith.constant 1 : i32
    %swap3A_1064 = arith.constant 0 : i32
    %swap3A_1065 = tpu.memref_slice %arg14[%swap3A_1063, %swap3A_1064] : memref<4x128xi32, #tpu.memory_space<vmem>> -> memref<1x128xi32, #tpu.memory_space<vmem>>
    %swap3A_1066 = tpu.memref_squeeze %swap3A_1065 : memref<1x128xi32, #tpu.memory_space<vmem>> -> memref<128xi32, #tpu.memory_space<vmem>>
    %swap3A_1067 = arith.constant 80 : index
    %swap3A_1068 = tpu.vector_load %swap3A_1066[%swap3A_1067] {strides = array<i32>} : memref<128xi32, #tpu.memory_space<vmem>>, vector<16xi32>,
    %swap3A_1069 = vector.shape_cast %swap3A_1068 : vector<16xi32> to vector<16xi32>
    %swap3A_1070 = vector.shape_cast %sub3A_1062 : vector<16xi32> to vector<16xi32>
    tpu.vector_store %swap3A_1066[%swap3A_1067], %swap3A_1070 {strides = array<i32>} : memref<128xi32, #tpu.memory_space<vmem>>, vector<16xi32>,
    %get3A_1071 = arith.constant 1 : i32
    %get3A_1072 = arith.constant 0 : i32
    %get3A_1073 = tpu.memref_slice %arg11[%get3A_1071, %get3A_1072] : memref<4x128xi32, #tpu.memory_space<vmem>> -> memref<1x128xi32, #tpu.memory_space<vmem>>
    %get3A_1074 = tpu.memref_squeeze %get3A_1073 : memref<1x128xi32, #tpu.memory_space<vmem>> -> memref<128xi32, #tpu.memory_space<vmem>>
    %get3A_1075 = arith.constant 96 : index
    %get3A_1076 = tpu.vector_load %get3A_1074[%get3A_1075] {strides = array<i32>} : memref<128xi32, #tpu.memory_space<vmem>>, vector<16xi32>,
    %get3A_1077 = vector.shape_cast %get3A_1076 : vector<16xi32> to vector<16xi32>
    %ge3A_1078 = arith.constant 749568 : i32
    %ge3A_1079 = vector.broadcast %ge3A_1078 : i32 to vector<16xi32>
    %ge3A_1080 = arith.cmpi sge, %get3A_1077, %ge3A_1079 : vector<16xi32>
    %ge3A_1081 = arith.constant 499712 : i32
    %ge3A_1082 = vector.broadcast %ge3A_1081 : i32 to vector<16xi32>
    %ge3A_1083 = arith.cmpi sge, %get3A_1077, %ge3A_1082 : vector<16xi32>
    %ge3A_1084 = arith.constant 249856 : i32
    %ge3A_1085 = vector.broadcast %ge3A_1084 : i32 to vector<16xi32>
    %ge3A_1086 = arith.cmpi sge, %get3A_1077, %ge3A_1085 : vector<16xi32>
    %jit3A_1087 = arith.constant 249856 : i32
    %jit3A_1088 = arith.constant 0 : i32
    %broadcast_in_dim3A_1089 = vector.broadcast %jit3A_1087 : i32 to vector<16xi32>
    %broadcast_in_dim3A_1090 = vector.broadcast %jit3A_1088 : i32 to vector<16xi32>
    %select_n3A_1091 = arith.select %ge3A_1086, %broadcast_in_dim3A_1089, %broadcast_in_dim3A_1090 : vector<16xi1>, vector<16xi32>
    %jit3A_1092 = arith.constant 499712 : i32
    %broadcast_in_dim3A_1093 = vector.broadcast %jit3A_1092 : i32 to vector<16xi32>
    %select_n3A_1094 = arith.select %ge3A_1083, %broadcast_in_dim3A_1093, %select_n3A_1091 : vector<16xi1>, vector<16xi32>
    %jit3A_1095 = arith.constant 749568 : i32
    %broadcast_in_dim3A_1096 = vector.broadcast %jit3A_1095 : i32 to vector<16xi32>
    %select_n3A_1097 = arith.select %ge3A_1080, %broadcast_in_dim3A_1096, %select_n3A_1094 : vector<16xi1>, vector<16xi32>
    %sub3A_1098 = arith.subi %get3A_1077, %select_n3A_1097 : vector<16xi32>
    %swap3A_1099 = arith.constant 1 : i32
    %swap3A_1100 = arith.constant 0 : i32
    %swap3A_1101 = tpu.memref_slice %arg13[%swap3A_1099, %swap3A_1100] : memref<4x128xi32, #tpu.memory_space<vmem>> -> memref<1x128xi32, #tpu.memory_space<vmem>>
    %swap3A_1102 = tpu.memref_squeeze %swap3A_1101 : memref<1x128xi32, #tpu.memory_space<vmem>> -> memref<128xi32, #tpu.memory_space<vmem>>
    %swap3A_1103 = arith.constant 96 : index
    %swap3A_1104 = tpu.vector_load %swap3A_1102[%swap3A_1103] {strides = array<i32>} : memref<128xi32, #tpu.memory_space<vmem>>, vector<16xi32>,
    %swap3A_1105 = vector.shape_cast %swap3A_1104 : vector<16xi32> to vector<16xi32>
    %swap3A_1106 = vector.shape_cast %sub3A_1098 : vector<16xi32> to vector<16xi32>
    tpu.vector_store %swap3A_1102[%swap3A_1103], %swap3A_1106 {strides = array<i32>} : memref<128xi32, #tpu.memory_space<vmem>>, vector<16xi32>,
    %get3A_1107 = arith.constant 1 : i32
    %get3A_1108 = arith.constant 0 : i32
    %get3A_1109 = tpu.memref_slice %arg12[%get3A_1107, %get3A_1108] : memref<4x128xi32, #tpu.memory_space<vmem>> -> memref<1x128xi32, #tpu.memory_space<vmem>>
    %get3A_1110 = tpu.memref_squeeze %get3A_1109 : memref<1x128xi32, #tpu.memory_space<vmem>> -> memref<128xi32, #tpu.memory_space<vmem>>
    %get3A_1111 = arith.constant 96 : index
    %get3A_1112 = tpu.vector_load %get3A_1110[%get3A_1111] {strides = array<i32>} : memref<128xi32, #tpu.memory_space<vmem>>, vector<16xi32>,
    %get3A_1113 = vector.shape_cast %get3A_1112 : vector<16xi32> to vector<16xi32>
    %ge3A_1114 = arith.constant 749568 : i32
    %ge3A_1115 = vector.broadcast %ge3A_1114 : i32 to vector<16xi32>
    %ge3A_1116 = arith.cmpi sge, %get3A_1113, %ge3A_1115 : vector<16xi32>
    %ge3A_1117 = arith.constant 499712 : i32
    %ge3A_1118 = vector.broadcast %ge3A_1117 : i32 to vector<16xi32>
    %ge3A_1119 = arith.cmpi sge, %get3A_1113, %ge3A_1118 : vector<16xi32>
    %ge3A_1120 = arith.constant 249856 : i32
    %ge3A_1121 = vector.broadcast %ge3A_1120 : i32 to vector<16xi32>
    %ge3A_1122 = arith.cmpi sge, %get3A_1113, %ge3A_1121 : vector<16xi32>
    %jit3A_1123 = arith.constant 249856 : i32
    %jit3A_1124 = arith.constant 0 : i32
    %broadcast_in_dim3A_1125 = vector.broadcast %jit3A_1123 : i32 to vector<16xi32>
    %broadcast_in_dim3A_1126 = vector.broadcast %jit3A_1124 : i32 to vector<16xi32>
    %select_n3A_1127 = arith.select %ge3A_1122, %broadcast_in_dim3A_1125, %broadcast_in_dim3A_1126 : vector<16xi1>, vector<16xi32>
    %jit3A_1128 = arith.constant 499712 : i32
    %broadcast_in_dim3A_1129 = vector.broadcast %jit3A_1128 : i32 to vector<16xi32>
    %select_n3A_1130 = arith.select %ge3A_1119, %broadcast_in_dim3A_1129, %select_n3A_1127 : vector<16xi1>, vector<16xi32>
    %jit3A_1131 = arith.constant 749568 : i32
    %broadcast_in_dim3A_1132 = vector.broadcast %jit3A_1131 : i32 to vector<16xi32>
    %select_n3A_1133 = arith.select %ge3A_1116, %broadcast_in_dim3A_1132, %select_n3A_1130 : vector<16xi1>, vector<16xi32>
    %sub3A_1134 = arith.subi %get3A_1113, %select_n3A_1133 : vector<16xi32>
    %swap3A_1135 = arith.constant 1 : i32
    %swap3A_1136 = arith.constant 0 : i32
    %swap3A_1137 = tpu.memref_slice %arg14[%swap3A_1135, %swap3A_1136] : memref<4x128xi32, #tpu.memory_space<vmem>> -> memref<1x128xi32, #tpu.memory_space<vmem>>
    %swap3A_1138 = tpu.memref_squeeze %swap3A_1137 : memref<1x128xi32, #tpu.memory_space<vmem>> -> memref<128xi32, #tpu.memory_space<vmem>>
    %swap3A_1139 = arith.constant 96 : index
    %swap3A_1140 = tpu.vector_load %swap3A_1138[%swap3A_1139] {strides = array<i32>} : memref<128xi32, #tpu.memory_space<vmem>>, vector<16xi32>,
    %swap3A_1141 = vector.shape_cast %swap3A_1140 : vector<16xi32> to vector<16xi32>
    %swap3A_1142 = vector.shape_cast %sub3A_1134 : vector<16xi32> to vector<16xi32>
    tpu.vector_store %swap3A_1138[%swap3A_1139], %swap3A_1142 {strides = array<i32>} : memref<128xi32, #tpu.memory_space<vmem>>, vector<16xi32>,
    %get3A_1143 = arith.constant 1 : i32
    %get3A_1144 = arith.constant 0 : i32
    %get3A_1145 = tpu.memref_slice %arg11[%get3A_1143, %get3A_1144] : memref<4x128xi32, #tpu.memory_space<vmem>> -> memref<1x128xi32, #tpu.memory_space<vmem>>
    %get3A_1146 = tpu.memref_squeeze %get3A_1145 : memref<1x128xi32, #tpu.memory_space<vmem>> -> memref<128xi32, #tpu.memory_space<vmem>>
    %get3A_1147 = arith.constant 112 : index
    %get3A_1148 = tpu.vector_load %get3A_1146[%get3A_1147] {strides = array<i32>} : memref<128xi32, #tpu.memory_space<vmem>>, vector<16xi32>,
    %get3A_1149 = vector.shape_cast %get3A_1148 : vector<16xi32> to vector<16xi32>
    %ge3A_1150 = arith.constant 749568 : i32
    %ge3A_1151 = vector.broadcast %ge3A_1150 : i32 to vector<16xi32>
    %ge3A_1152 = arith.cmpi sge, %get3A_1149, %ge3A_1151 : vector<16xi32>
    %ge3A_1153 = arith.constant 499712 : i32
    %ge3A_1154 = vector.broadcast %ge3A_1153 : i32 to vector<16xi32>
    %ge3A_1155 = arith.cmpi sge, %get3A_1149, %ge3A_1154 : vector<16xi32>
    %ge3A_1156 = arith.constant 249856 : i32
    %ge3A_1157 = vector.broadcast %ge3A_1156 : i32 to vector<16xi32>
    %ge3A_1158 = arith.cmpi sge, %get3A_1149, %ge3A_1157 : vector<16xi32>
    %jit3A_1159 = arith.constant 249856 : i32
    %jit3A_1160 = arith.constant 0 : i32
    %broadcast_in_dim3A_1161 = vector.broadcast %jit3A_1159 : i32 to vector<16xi32>
    %broadcast_in_dim3A_1162 = vector.broadcast %jit3A_1160 : i32 to vector<16xi32>
    %select_n3A_1163 = arith.select %ge3A_1158, %broadcast_in_dim3A_1161, %broadcast_in_dim3A_1162 : vector<16xi1>, vector<16xi32>
    %jit3A_1164 = arith.constant 499712 : i32
    %broadcast_in_dim3A_1165 = vector.broadcast %jit3A_1164 : i32 to vector<16xi32>
    %select_n3A_1166 = arith.select %ge3A_1155, %broadcast_in_dim3A_1165, %select_n3A_1163 : vector<16xi1>, vector<16xi32>
    %jit3A_1167 = arith.constant 749568 : i32
    %broadcast_in_dim3A_1168 = vector.broadcast %jit3A_1167 : i32 to vector<16xi32>
    %select_n3A_1169 = arith.select %ge3A_1152, %broadcast_in_dim3A_1168, %select_n3A_1166 : vector<16xi1>, vector<16xi32>
    %sub3A_1170 = arith.subi %get3A_1149, %select_n3A_1169 : vector<16xi32>
    %swap3A_1171 = arith.constant 1 : i32
    %swap3A_1172 = arith.constant 0 : i32
    %swap3A_1173 = tpu.memref_slice %arg13[%swap3A_1171, %swap3A_1172] : memref<4x128xi32, #tpu.memory_space<vmem>> -> memref<1x128xi32, #tpu.memory_space<vmem>>
    %swap3A_1174 = tpu.memref_squeeze %swap3A_1173 : memref<1x128xi32, #tpu.memory_space<vmem>> -> memref<128xi32, #tpu.memory_space<vmem>>
    %swap3A_1175 = arith.constant 112 : index
    %swap3A_1176 = tpu.vector_load %swap3A_1174[%swap3A_1175] {strides = array<i32>} : memref<128xi32, #tpu.memory_space<vmem>>, vector<16xi32>,
    %swap3A_1177 = vector.shape_cast %swap3A_1176 : vector<16xi32> to vector<16xi32>
    %swap3A_1178 = vector.shape_cast %sub3A_1170 : vector<16xi32> to vector<16xi32>
    tpu.vector_store %swap3A_1174[%swap3A_1175], %swap3A_1178 {strides = array<i32>} : memref<128xi32, #tpu.memory_space<vmem>>, vector<16xi32>,
    %get3A_1179 = arith.constant 1 : i32
    %get3A_1180 = arith.constant 0 : i32
    %get3A_1181 = tpu.memref_slice %arg12[%get3A_1179, %get3A_1180] : memref<4x128xi32, #tpu.memory_space<vmem>> -> memref<1x128xi32, #tpu.memory_space<vmem>>
    %get3A_1182 = tpu.memref_squeeze %get3A_1181 : memref<1x128xi32, #tpu.memory_space<vmem>> -> memref<128xi32, #tpu.memory_space<vmem>>
    %get3A_1183 = arith.constant 112 : index
    %get3A_1184 = tpu.vector_load %get3A_1182[%get3A_1183] {strides = array<i32>} : memref<128xi32, #tpu.memory_space<vmem>>, vector<16xi32>,
    %get3A_1185 = vector.shape_cast %get3A_1184 : vector<16xi32> to vector<16xi32>
    %ge3A_1186 = arith.constant 749568 : i32
    %ge3A_1187 = vector.broadcast %ge3A_1186 : i32 to vector<16xi32>
    %ge3A_1188 = arith.cmpi sge, %get3A_1185, %ge3A_1187 : vector<16xi32>
    %ge3A_1189 = arith.constant 499712 : i32
    %ge3A_1190 = vector.broadcast %ge3A_1189 : i32 to vector<16xi32>
    %ge3A_1191 = arith.cmpi sge, %get3A_1185, %ge3A_1190 : vector<16xi32>
    %ge3A_1192 = arith.constant 249856 : i32
    %ge3A_1193 = vector.broadcast %ge3A_1192 : i32 to vector<16xi32>
    %ge3A_1194 = arith.cmpi sge, %get3A_1185, %ge3A_1193 : vector<16xi32>
    %jit3A_1195 = arith.constant 249856 : i32
    %jit3A_1196 = arith.constant 0 : i32
    %broadcast_in_dim3A_1197 = vector.broadcast %jit3A_1195 : i32 to vector<16xi32>
    %broadcast_in_dim3A_1198 = vector.broadcast %jit3A_1196 : i32 to vector<16xi32>
    %select_n3A_1199 = arith.select %ge3A_1194, %broadcast_in_dim3A_1197, %broadcast_in_dim3A_1198 : vector<16xi1>, vector<16xi32>
    %jit3A_1200 = arith.constant 499712 : i32
    %broadcast_in_dim3A_1201 = vector.broadcast %jit3A_1200 : i32 to vector<16xi32>
    %select_n3A_1202 = arith.select %ge3A_1191, %broadcast_in_dim3A_1201, %select_n3A_1199 : vector<16xi1>, vector<16xi32>
    %jit3A_1203 = arith.constant 749568 : i32
    %broadcast_in_dim3A_1204 = vector.broadcast %jit3A_1203 : i32 to vector<16xi32>
    %select_n3A_1205 = arith.select %ge3A_1188, %broadcast_in_dim3A_1204, %select_n3A_1202 : vector<16xi1>, vector<16xi32>
    %sub3A_1206 = arith.subi %get3A_1185, %select_n3A_1205 : vector<16xi32>
    %swap3A_1207 = arith.constant 1 : i32
    %swap3A_1208 = arith.constant 0 : i32
    %swap3A_1209 = tpu.memref_slice %arg14[%swap3A_1207, %swap3A_1208] : memref<4x128xi32, #tpu.memory_space<vmem>> -> memref<1x128xi32, #tpu.memory_space<vmem>>
    %swap3A_1210 = tpu.memref_squeeze %swap3A_1209 : memref<1x128xi32, #tpu.memory_space<vmem>> -> memref<128xi32, #tpu.memory_space<vmem>>
    %swap3A_1211 = arith.constant 112 : index
    %swap3A_1212 = tpu.vector_load %swap3A_1210[%swap3A_1211] {strides = array<i32>} : memref<128xi32, #tpu.memory_space<vmem>>, vector<16xi32>,
    %swap3A_1213 = vector.shape_cast %swap3A_1212 : vector<16xi32> to vector<16xi32>
    %swap3A_1214 = vector.shape_cast %sub3A_1206 : vector<16xi32> to vector<16xi32>
    tpu.vector_store %swap3A_1210[%swap3A_1211], %swap3A_1214 {strides = array<i32>} : memref<128xi32, #tpu.memory_space<vmem>>, vector<16xi32>,
    %get3A_1215 = arith.constant 2 : i32
    %get3A_1216 = arith.constant 0 : i32
    %get3A_1217 = tpu.memref_slice %arg11[%get3A_1215, %get3A_1216] : memref<4x128xi32, #tpu.memory_space<vmem>> -> memref<1x128xi32, #tpu.memory_space<vmem>>
    %get3A_1218 = tpu.memref_squeeze %get3A_1217 : memref<1x128xi32, #tpu.memory_space<vmem>> -> memref<128xi32, #tpu.memory_space<vmem>>
    %get3A_1219 = arith.constant 0 : index
    %get3A_1220 = tpu.vector_load %get3A_1218[%get3A_1219] {strides = array<i32>} : memref<128xi32, #tpu.memory_space<vmem>>, vector<16xi32>,
    %get3A_1221 = vector.shape_cast %get3A_1220 : vector<16xi32> to vector<16xi32>
    %ge3A_1222 = arith.constant 749568 : i32
    %ge3A_1223 = vector.broadcast %ge3A_1222 : i32 to vector<16xi32>
    %ge3A_1224 = arith.cmpi sge, %get3A_1221, %ge3A_1223 : vector<16xi32>
    %ge3A_1225 = arith.constant 499712 : i32
    %ge3A_1226 = vector.broadcast %ge3A_1225 : i32 to vector<16xi32>
    %ge3A_1227 = arith.cmpi sge, %get3A_1221, %ge3A_1226 : vector<16xi32>
    %ge3A_1228 = arith.constant 249856 : i32
    %ge3A_1229 = vector.broadcast %ge3A_1228 : i32 to vector<16xi32>
    %ge3A_1230 = arith.cmpi sge, %get3A_1221, %ge3A_1229 : vector<16xi32>
    %jit3A_1231 = arith.constant 249856 : i32
    %jit3A_1232 = arith.constant 0 : i32
    %broadcast_in_dim3A_1233 = vector.broadcast %jit3A_1231 : i32 to vector<16xi32>
    %broadcast_in_dim3A_1234 = vector.broadcast %jit3A_1232 : i32 to vector<16xi32>
    %select_n3A_1235 = arith.select %ge3A_1230, %broadcast_in_dim3A_1233, %broadcast_in_dim3A_1234 : vector<16xi1>, vector<16xi32>
    %jit3A_1236 = arith.constant 499712 : i32
    %broadcast_in_dim3A_1237 = vector.broadcast %jit3A_1236 : i32 to vector<16xi32>
    %select_n3A_1238 = arith.select %ge3A_1227, %broadcast_in_dim3A_1237, %select_n3A_1235 : vector<16xi1>, vector<16xi32>
    %jit3A_1239 = arith.constant 749568 : i32
    %broadcast_in_dim3A_1240 = vector.broadcast %jit3A_1239 : i32 to vector<16xi32>
    %select_n3A_1241 = arith.select %ge3A_1224, %broadcast_in_dim3A_1240, %select_n3A_1238 : vector<16xi1>, vector<16xi32>
    %sub3A_1242 = arith.subi %get3A_1221, %select_n3A_1241 : vector<16xi32>
    %swap3A_1243 = arith.constant 2 : i32
    %swap3A_1244 = arith.constant 0 : i32
    %swap3A_1245 = tpu.memref_slice %arg13[%swap3A_1243, %swap3A_1244] : memref<4x128xi32, #tpu.memory_space<vmem>> -> memref<1x128xi32, #tpu.memory_space<vmem>>
    %swap3A_1246 = tpu.memref_squeeze %swap3A_1245 : memref<1x128xi32, #tpu.memory_space<vmem>> -> memref<128xi32, #tpu.memory_space<vmem>>
    %swap3A_1247 = arith.constant 0 : index
    %swap3A_1248 = tpu.vector_load %swap3A_1246[%swap3A_1247] {strides = array<i32>} : memref<128xi32, #tpu.memory_space<vmem>>, vector<16xi32>,
    %swap3A_1249 = vector.shape_cast %swap3A_1248 : vector<16xi32> to vector<16xi32>
    %swap3A_1250 = vector.shape_cast %sub3A_1242 : vector<16xi32> to vector<16xi32>
    tpu.vector_store %swap3A_1246[%swap3A_1247], %swap3A_1250 {strides = array<i32>} : memref<128xi32, #tpu.memory_space<vmem>>, vector<16xi32>,
    %get3A_1251 = arith.constant 2 : i32
    %get3A_1252 = arith.constant 0 : i32
    %get3A_1253 = tpu.memref_slice %arg12[%get3A_1251, %get3A_1252] : memref<4x128xi32, #tpu.memory_space<vmem>> -> memref<1x128xi32, #tpu.memory_space<vmem>>
    %get3A_1254 = tpu.memref_squeeze %get3A_1253 : memref<1x128xi32, #tpu.memory_space<vmem>> -> memref<128xi32, #tpu.memory_space<vmem>>
    %get3A_1255 = arith.constant 0 : index
    %get3A_1256 = tpu.vector_load %get3A_1254[%get3A_1255] {strides = array<i32>} : memref<128xi32, #tpu.memory_space<vmem>>, vector<16xi32>,
    %get3A_1257 = vector.shape_cast %get3A_1256 : vector<16xi32> to vector<16xi32>
    %ge3A_1258 = arith.constant 749568 : i32
    %ge3A_1259 = vector.broadcast %ge3A_1258 : i32 to vector<16xi32>
    %ge3A_1260 = arith.cmpi sge, %get3A_1257, %ge3A_1259 : vector<16xi32>
    %ge3A_1261 = arith.constant 499712 : i32
    %ge3A_1262 = vector.broadcast %ge3A_1261 : i32 to vector<16xi32>
    %ge3A_1263 = arith.cmpi sge, %get3A_1257, %ge3A_1262 : vector<16xi32>
    %ge3A_1264 = arith.constant 249856 : i32
    %ge3A_1265 = vector.broadcast %ge3A_1264 : i32 to vector<16xi32>
    %ge3A_1266 = arith.cmpi sge, %get3A_1257, %ge3A_1265 : vector<16xi32>
    %jit3A_1267 = arith.constant 249856 : i32
    %jit3A_1268 = arith.constant 0 : i32
    %broadcast_in_dim3A_1269 = vector.broadcast %jit3A_1267 : i32 to vector<16xi32>
    %broadcast_in_dim3A_1270 = vector.broadcast %jit3A_1268 : i32 to vector<16xi32>
    %select_n3A_1271 = arith.select %ge3A_1266, %broadcast_in_dim3A_1269, %broadcast_in_dim3A_1270 : vector<16xi1>, vector<16xi32>
    %jit3A_1272 = arith.constant 499712 : i32
    %broadcast_in_dim3A_1273 = vector.broadcast %jit3A_1272 : i32 to vector<16xi32>
    %select_n3A_1274 = arith.select %ge3A_1263, %broadcast_in_dim3A_1273, %select_n3A_1271 : vector<16xi1>, vector<16xi32>
    %jit3A_1275 = arith.constant 749568 : i32
    %broadcast_in_dim3A_1276 = vector.broadcast %jit3A_1275 : i32 to vector<16xi32>
    %select_n3A_1277 = arith.select %ge3A_1260, %broadcast_in_dim3A_1276, %select_n3A_1274 : vector<16xi1>, vector<16xi32>
    %sub3A_1278 = arith.subi %get3A_1257, %select_n3A_1277 : vector<16xi32>
    %swap3A_1279 = arith.constant 2 : i32
    %swap3A_1280 = arith.constant 0 : i32
    %swap3A_1281 = tpu.memref_slice %arg14[%swap3A_1279, %swap3A_1280] : memref<4x128xi32, #tpu.memory_space<vmem>> -> memref<1x128xi32, #tpu.memory_space<vmem>>
    %swap3A_1282 = tpu.memref_squeeze %swap3A_1281 : memref<1x128xi32, #tpu.memory_space<vmem>> -> memref<128xi32, #tpu.memory_space<vmem>>
    %swap3A_1283 = arith.constant 0 : index
    %swap3A_1284 = tpu.vector_load %swap3A_1282[%swap3A_1283] {strides = array<i32>} : memref<128xi32, #tpu.memory_space<vmem>>, vector<16xi32>,
    %swap3A_1285 = vector.shape_cast %swap3A_1284 : vector<16xi32> to vector<16xi32>
    %swap3A_1286 = vector.shape_cast %sub3A_1278 : vector<16xi32> to vector<16xi32>
    tpu.vector_store %swap3A_1282[%swap3A_1283], %swap3A_1286 {strides = array<i32>} : memref<128xi32, #tpu.memory_space<vmem>>, vector<16xi32>,
    %get3A_1287 = arith.constant 2 : i32
    %get3A_1288 = arith.constant 0 : i32
    %get3A_1289 = tpu.memref_slice %arg11[%get3A_1287, %get3A_1288] : memref<4x128xi32, #tpu.memory_space<vmem>> -> memref<1x128xi32, #tpu.memory_space<vmem>>
    %get3A_1290 = tpu.memref_squeeze %get3A_1289 : memref<1x128xi32, #tpu.memory_space<vmem>> -> memref<128xi32, #tpu.memory_space<vmem>>
    %get3A_1291 = arith.constant 16 : index
    %get3A_1292 = tpu.vector_load %get3A_1290[%get3A_1291] {strides = array<i32>} : memref<128xi32, #tpu.memory_space<vmem>>, vector<16xi32>,
    %get3A_1293 = vector.shape_cast %get3A_1292 : vector<16xi32> to vector<16xi32>
    %ge3A_1294 = arith.constant 749568 : i32
    %ge3A_1295 = vector.broadcast %ge3A_1294 : i32 to vector<16xi32>
    %ge3A_1296 = arith.cmpi sge, %get3A_1293, %ge3A_1295 : vector<16xi32>
    %ge3A_1297 = arith.constant 499712 : i32
    %ge3A_1298 = vector.broadcast %ge3A_1297 : i32 to vector<16xi32>
    %ge3A_1299 = arith.cmpi sge, %get3A_1293, %ge3A_1298 : vector<16xi32>
    %ge3A_1300 = arith.constant 249856 : i32
    %ge3A_1301 = vector.broadcast %ge3A_1300 : i32 to vector<16xi32>
    %ge3A_1302 = arith.cmpi sge, %get3A_1293, %ge3A_1301 : vector<16xi32>
    %jit3A_1303 = arith.constant 249856 : i32
    %jit3A_1304 = arith.constant 0 : i32
    %broadcast_in_dim3A_1305 = vector.broadcast %jit3A_1303 : i32 to vector<16xi32>
    %broadcast_in_dim3A_1306 = vector.broadcast %jit3A_1304 : i32 to vector<16xi32>
    %select_n3A_1307 = arith.select %ge3A_1302, %broadcast_in_dim3A_1305, %broadcast_in_dim3A_1306 : vector<16xi1>, vector<16xi32>
    %jit3A_1308 = arith.constant 499712 : i32
    %broadcast_in_dim3A_1309 = vector.broadcast %jit3A_1308 : i32 to vector<16xi32>
    %select_n3A_1310 = arith.select %ge3A_1299, %broadcast_in_dim3A_1309, %select_n3A_1307 : vector<16xi1>, vector<16xi32>
    %jit3A_1311 = arith.constant 749568 : i32
    %broadcast_in_dim3A_1312 = vector.broadcast %jit3A_1311 : i32 to vector<16xi32>
    %select_n3A_1313 = arith.select %ge3A_1296, %broadcast_in_dim3A_1312, %select_n3A_1310 : vector<16xi1>, vector<16xi32>
    %sub3A_1314 = arith.subi %get3A_1293, %select_n3A_1313 : vector<16xi32>
    %swap3A_1315 = arith.constant 2 : i32
    %swap3A_1316 = arith.constant 0 : i32
    %swap3A_1317 = tpu.memref_slice %arg13[%swap3A_1315, %swap3A_1316] : memref<4x128xi32, #tpu.memory_space<vmem>> -> memref<1x128xi32, #tpu.memory_space<vmem>>
    %swap3A_1318 = tpu.memref_squeeze %swap3A_1317 : memref<1x128xi32, #tpu.memory_space<vmem>> -> memref<128xi32, #tpu.memory_space<vmem>>
    %swap3A_1319 = arith.constant 16 : index
    %swap3A_1320 = tpu.vector_load %swap3A_1318[%swap3A_1319] {strides = array<i32>} : memref<128xi32, #tpu.memory_space<vmem>>, vector<16xi32>,
    %swap3A_1321 = vector.shape_cast %swap3A_1320 : vector<16xi32> to vector<16xi32>
    %swap3A_1322 = vector.shape_cast %sub3A_1314 : vector<16xi32> to vector<16xi32>
    tpu.vector_store %swap3A_1318[%swap3A_1319], %swap3A_1322 {strides = array<i32>} : memref<128xi32, #tpu.memory_space<vmem>>, vector<16xi32>,
    %get3A_1323 = arith.constant 2 : i32
    %get3A_1324 = arith.constant 0 : i32
    %get3A_1325 = tpu.memref_slice %arg12[%get3A_1323, %get3A_1324] : memref<4x128xi32, #tpu.memory_space<vmem>> -> memref<1x128xi32, #tpu.memory_space<vmem>>
    %get3A_1326 = tpu.memref_squeeze %get3A_1325 : memref<1x128xi32, #tpu.memory_space<vmem>> -> memref<128xi32, #tpu.memory_space<vmem>>
    %get3A_1327 = arith.constant 16 : index
    %get3A_1328 = tpu.vector_load %get3A_1326[%get3A_1327] {strides = array<i32>} : memref<128xi32, #tpu.memory_space<vmem>>, vector<16xi32>,
    %get3A_1329 = vector.shape_cast %get3A_1328 : vector<16xi32> to vector<16xi32>
    %ge3A_1330 = arith.constant 749568 : i32
    %ge3A_1331 = vector.broadcast %ge3A_1330 : i32 to vector<16xi32>
    %ge3A_1332 = arith.cmpi sge, %get3A_1329, %ge3A_1331 : vector<16xi32>
    %ge3A_1333 = arith.constant 499712 : i32
    %ge3A_1334 = vector.broadcast %ge3A_1333 : i32 to vector<16xi32>
    %ge3A_1335 = arith.cmpi sge, %get3A_1329, %ge3A_1334 : vector<16xi32>
    %ge3A_1336 = arith.constant 249856 : i32
    %ge3A_1337 = vector.broadcast %ge3A_1336 : i32 to vector<16xi32>
    %ge3A_1338 = arith.cmpi sge, %get3A_1329, %ge3A_1337 : vector<16xi32>
    %jit3A_1339 = arith.constant 249856 : i32
    %jit3A_1340 = arith.constant 0 : i32
    %broadcast_in_dim3A_1341 = vector.broadcast %jit3A_1339 : i32 to vector<16xi32>
    %broadcast_in_dim3A_1342 = vector.broadcast %jit3A_1340 : i32 to vector<16xi32>
    %select_n3A_1343 = arith.select %ge3A_1338, %broadcast_in_dim3A_1341, %broadcast_in_dim3A_1342 : vector<16xi1>, vector<16xi32>
    %jit3A_1344 = arith.constant 499712 : i32
    %broadcast_in_dim3A_1345 = vector.broadcast %jit3A_1344 : i32 to vector<16xi32>
    %select_n3A_1346 = arith.select %ge3A_1335, %broadcast_in_dim3A_1345, %select_n3A_1343 : vector<16xi1>, vector<16xi32>
    %jit3A_1347 = arith.constant 749568 : i32
    %broadcast_in_dim3A_1348 = vector.broadcast %jit3A_1347 : i32 to vector<16xi32>
    %select_n3A_1349 = arith.select %ge3A_1332, %broadcast_in_dim3A_1348, %select_n3A_1346 : vector<16xi1>, vector<16xi32>
    %sub3A_1350 = arith.subi %get3A_1329, %select_n3A_1349 : vector<16xi32>
    %swap3A_1351 = arith.constant 2 : i32
    %swap3A_1352 = arith.constant 0 : i32
    %swap3A_1353 = tpu.memref_slice %arg14[%swap3A_1351, %swap3A_1352] : memref<4x128xi32, #tpu.memory_space<vmem>> -> memref<1x128xi32, #tpu.memory_space<vmem>>
    %swap3A_1354 = tpu.memref_squeeze %swap3A_1353 : memref<1x128xi32, #tpu.memory_space<vmem>> -> memref<128xi32, #tpu.memory_space<vmem>>
    %swap3A_1355 = arith.constant 16 : index
    %swap3A_1356 = tpu.vector_load %swap3A_1354[%swap3A_1355] {strides = array<i32>} : memref<128xi32, #tpu.memory_space<vmem>>, vector<16xi32>,
    %swap3A_1357 = vector.shape_cast %swap3A_1356 : vector<16xi32> to vector<16xi32>
    %swap3A_1358 = vector.shape_cast %sub3A_1350 : vector<16xi32> to vector<16xi32>
    tpu.vector_store %swap3A_1354[%swap3A_1355], %swap3A_1358 {strides = array<i32>} : memref<128xi32, #tpu.memory_space<vmem>>, vector<16xi32>,
    %get3A_1359 = arith.constant 2 : i32
    %get3A_1360 = arith.constant 0 : i32
    %get3A_1361 = tpu.memref_slice %arg11[%get3A_1359, %get3A_1360] : memref<4x128xi32, #tpu.memory_space<vmem>> -> memref<1x128xi32, #tpu.memory_space<vmem>>
    %get3A_1362 = tpu.memref_squeeze %get3A_1361 : memref<1x128xi32, #tpu.memory_space<vmem>> -> memref<128xi32, #tpu.memory_space<vmem>>
    %get3A_1363 = arith.constant 32 : index
    %get3A_1364 = tpu.vector_load %get3A_1362[%get3A_1363] {strides = array<i32>} : memref<128xi32, #tpu.memory_space<vmem>>, vector<16xi32>,
    %get3A_1365 = vector.shape_cast %get3A_1364 : vector<16xi32> to vector<16xi32>
    %ge3A_1366 = arith.constant 749568 : i32
    %ge3A_1367 = vector.broadcast %ge3A_1366 : i32 to vector<16xi32>
    %ge3A_1368 = arith.cmpi sge, %get3A_1365, %ge3A_1367 : vector<16xi32>
    %ge3A_1369 = arith.constant 499712 : i32
    %ge3A_1370 = vector.broadcast %ge3A_1369 : i32 to vector<16xi32>
    %ge3A_1371 = arith.cmpi sge, %get3A_1365, %ge3A_1370 : vector<16xi32>
    %ge3A_1372 = arith.constant 249856 : i32
    %ge3A_1373 = vector.broadcast %ge3A_1372 : i32 to vector<16xi32>
    %ge3A_1374 = arith.cmpi sge, %get3A_1365, %ge3A_1373 : vector<16xi32>
    %jit3A_1375 = arith.constant 249856 : i32
    %jit3A_1376 = arith.constant 0 : i32
    %broadcast_in_dim3A_1377 = vector.broadcast %jit3A_1375 : i32 to vector<16xi32>
    %broadcast_in_dim3A_1378 = vector.broadcast %jit3A_1376 : i32 to vector<16xi32>
    %select_n3A_1379 = arith.select %ge3A_1374, %broadcast_in_dim3A_1377, %broadcast_in_dim3A_1378 : vector<16xi1>, vector<16xi32>
    %jit3A_1380 = arith.constant 499712 : i32
    %broadcast_in_dim3A_1381 = vector.broadcast %jit3A_1380 : i32 to vector<16xi32>
    %select_n3A_1382 = arith.select %ge3A_1371, %broadcast_in_dim3A_1381, %select_n3A_1379 : vector<16xi1>, vector<16xi32>
    %jit3A_1383 = arith.constant 749568 : i32
    %broadcast_in_dim3A_1384 = vector.broadcast %jit3A_1383 : i32 to vector<16xi32>
    %select_n3A_1385 = arith.select %ge3A_1368, %broadcast_in_dim3A_1384, %select_n3A_1382 : vector<16xi1>, vector<16xi32>
    %sub3A_1386 = arith.subi %get3A_1365, %select_n3A_1385 : vector<16xi32>
    %swap3A_1387 = arith.constant 2 : i32
    %swap3A_1388 = arith.constant 0 : i32
    %swap3A_1389 = tpu.memref_slice %arg13[%swap3A_1387, %swap3A_1388] : memref<4x128xi32, #tpu.memory_space<vmem>> -> memref<1x128xi32, #tpu.memory_space<vmem>>
    %swap3A_1390 = tpu.memref_squeeze %swap3A_1389 : memref<1x128xi32, #tpu.memory_space<vmem>> -> memref<128xi32, #tpu.memory_space<vmem>>
    %swap3A_1391 = arith.constant 32 : index
    %swap3A_1392 = tpu.vector_load %swap3A_1390[%swap3A_1391] {strides = array<i32>} : memref<128xi32, #tpu.memory_space<vmem>>, vector<16xi32>,
    %swap3A_1393 = vector.shape_cast %swap3A_1392 : vector<16xi32> to vector<16xi32>
    %swap3A_1394 = vector.shape_cast %sub3A_1386 : vector<16xi32> to vector<16xi32>
    tpu.vector_store %swap3A_1390[%swap3A_1391], %swap3A_1394 {strides = array<i32>} : memref<128xi32, #tpu.memory_space<vmem>>, vector<16xi32>,
    %get3A_1395 = arith.constant 2 : i32
    %get3A_1396 = arith.constant 0 : i32
    %get3A_1397 = tpu.memref_slice %arg12[%get3A_1395, %get3A_1396] : memref<4x128xi32, #tpu.memory_space<vmem>> -> memref<1x128xi32, #tpu.memory_space<vmem>>
    %get3A_1398 = tpu.memref_squeeze %get3A_1397 : memref<1x128xi32, #tpu.memory_space<vmem>> -> memref<128xi32, #tpu.memory_space<vmem>>
    %get3A_1399 = arith.constant 32 : index
    %get3A_1400 = tpu.vector_load %get3A_1398[%get3A_1399] {strides = array<i32>} : memref<128xi32, #tpu.memory_space<vmem>>, vector<16xi32>,
    %get3A_1401 = vector.shape_cast %get3A_1400 : vector<16xi32> to vector<16xi32>
    %ge3A_1402 = arith.constant 749568 : i32
    %ge3A_1403 = vector.broadcast %ge3A_1402 : i32 to vector<16xi32>
    %ge3A_1404 = arith.cmpi sge, %get3A_1401, %ge3A_1403 : vector<16xi32>
    %ge3A_1405 = arith.constant 499712 : i32
    %ge3A_1406 = vector.broadcast %ge3A_1405 : i32 to vector<16xi32>
    %ge3A_1407 = arith.cmpi sge, %get3A_1401, %ge3A_1406 : vector<16xi32>
    %ge3A_1408 = arith.constant 249856 : i32
    %ge3A_1409 = vector.broadcast %ge3A_1408 : i32 to vector<16xi32>
    %ge3A_1410 = arith.cmpi sge, %get3A_1401, %ge3A_1409 : vector<16xi32>
    %jit3A_1411 = arith.constant 249856 : i32
    %jit3A_1412 = arith.constant 0 : i32
    %broadcast_in_dim3A_1413 = vector.broadcast %jit3A_1411 : i32 to vector<16xi32>
    %broadcast_in_dim3A_1414 = vector.broadcast %jit3A_1412 : i32 to vector<16xi32>
    %select_n3A_1415 = arith.select %ge3A_1410, %broadcast_in_dim3A_1413, %broadcast_in_dim3A_1414 : vector<16xi1>, vector<16xi32>
    %jit3A_1416 = arith.constant 499712 : i32
    %broadcast_in_dim3A_1417 = vector.broadcast %jit3A_1416 : i32 to vector<16xi32>
    %select_n3A_1418 = arith.select %ge3A_1407, %broadcast_in_dim3A_1417, %select_n3A_1415 : vector<16xi1>, vector<16xi32>
    %jit3A_1419 = arith.constant 749568 : i32
    %broadcast_in_dim3A_1420 = vector.broadcast %jit3A_1419 : i32 to vector<16xi32>
    %select_n3A_1421 = arith.select %ge3A_1404, %broadcast_in_dim3A_1420, %select_n3A_1418 : vector<16xi1>, vector<16xi32>
    %sub3A_1422 = arith.subi %get3A_1401, %select_n3A_1421 : vector<16xi32>
    %swap3A_1423 = arith.constant 2 : i32
    %swap3A_1424 = arith.constant 0 : i32
    %swap3A_1425 = tpu.memref_slice %arg14[%swap3A_1423, %swap3A_1424] : memref<4x128xi32, #tpu.memory_space<vmem>> -> memref<1x128xi32, #tpu.memory_space<vmem>>
    %swap3A_1426 = tpu.memref_squeeze %swap3A_1425 : memref<1x128xi32, #tpu.memory_space<vmem>> -> memref<128xi32, #tpu.memory_space<vmem>>
    %swap3A_1427 = arith.constant 32 : index
    %swap3A_1428 = tpu.vector_load %swap3A_1426[%swap3A_1427] {strides = array<i32>} : memref<128xi32, #tpu.memory_space<vmem>>, vector<16xi32>,
    %swap3A_1429 = vector.shape_cast %swap3A_1428 : vector<16xi32> to vector<16xi32>
    %swap3A_1430 = vector.shape_cast %sub3A_1422 : vector<16xi32> to vector<16xi32>
    tpu.vector_store %swap3A_1426[%swap3A_1427], %swap3A_1430 {strides = array<i32>} : memref<128xi32, #tpu.memory_space<vmem>>, vector<16xi32>,
    %get3A_1431 = arith.constant 2 : i32
    %get3A_1432 = arith.constant 0 : i32
    %get3A_1433 = tpu.memref_slice %arg11[%get3A_1431, %get3A_1432] : memref<4x128xi32, #tpu.memory_space<vmem>> -> memref<1x128xi32, #tpu.memory_space<vmem>>
    %get3A_1434 = tpu.memref_squeeze %get3A_1433 : memref<1x128xi32, #tpu.memory_space<vmem>> -> memref<128xi32, #tpu.memory_space<vmem>>
    %get3A_1435 = arith.constant 48 : index
    %get3A_1436 = tpu.vector_load %get3A_1434[%get3A_1435] {strides = array<i32>} : memref<128xi32, #tpu.memory_space<vmem>>, vector<16xi32>,
    %get3A_1437 = vector.shape_cast %get3A_1436 : vector<16xi32> to vector<16xi32>
    %ge3A_1438 = arith.constant 749568 : i32
    %ge3A_1439 = vector.broadcast %ge3A_1438 : i32 to vector<16xi32>
    %ge3A_1440 = arith.cmpi sge, %get3A_1437, %ge3A_1439 : vector<16xi32>
    %ge3A_1441 = arith.constant 499712 : i32
    %ge3A_1442 = vector.broadcast %ge3A_1441 : i32 to vector<16xi32>
    %ge3A_1443 = arith.cmpi sge, %get3A_1437, %ge3A_1442 : vector<16xi32>
    %ge3A_1444 = arith.constant 249856 : i32
    %ge3A_1445 = vector.broadcast %ge3A_1444 : i32 to vector<16xi32>
    %ge3A_1446 = arith.cmpi sge, %get3A_1437, %ge3A_1445 : vector<16xi32>
    %jit3A_1447 = arith.constant 249856 : i32
    %jit3A_1448 = arith.constant 0 : i32
    %broadcast_in_dim3A_1449 = vector.broadcast %jit3A_1447 : i32 to vector<16xi32>
    %broadcast_in_dim3A_1450 = vector.broadcast %jit3A_1448 : i32 to vector<16xi32>
    %select_n3A_1451 = arith.select %ge3A_1446, %broadcast_in_dim3A_1449, %broadcast_in_dim3A_1450 : vector<16xi1>, vector<16xi32>
    %jit3A_1452 = arith.constant 499712 : i32
    %broadcast_in_dim3A_1453 = vector.broadcast %jit3A_1452 : i32 to vector<16xi32>
    %select_n3A_1454 = arith.select %ge3A_1443, %broadcast_in_dim3A_1453, %select_n3A_1451 : vector<16xi1>, vector<16xi32>
    %jit3A_1455 = arith.constant 749568 : i32
    %broadcast_in_dim3A_1456 = vector.broadcast %jit3A_1455 : i32 to vector<16xi32>
    %select_n3A_1457 = arith.select %ge3A_1440, %broadcast_in_dim3A_1456, %select_n3A_1454 : vector<16xi1>, vector<16xi32>
    %sub3A_1458 = arith.subi %get3A_1437, %select_n3A_1457 : vector<16xi32>
    %swap3A_1459 = arith.constant 2 : i32
    %swap3A_1460 = arith.constant 0 : i32
    %swap3A_1461 = tpu.memref_slice %arg13[%swap3A_1459, %swap3A_1460] : memref<4x128xi32, #tpu.memory_space<vmem>> -> memref<1x128xi32, #tpu.memory_space<vmem>>
    %swap3A_1462 = tpu.memref_squeeze %swap3A_1461 : memref<1x128xi32, #tpu.memory_space<vmem>> -> memref<128xi32, #tpu.memory_space<vmem>>
    %swap3A_1463 = arith.constant 48 : index
    %swap3A_1464 = tpu.vector_load %swap3A_1462[%swap3A_1463] {strides = array<i32>} : memref<128xi32, #tpu.memory_space<vmem>>, vector<16xi32>,
    %swap3A_1465 = vector.shape_cast %swap3A_1464 : vector<16xi32> to vector<16xi32>
    %swap3A_1466 = vector.shape_cast %sub3A_1458 : vector<16xi32> to vector<16xi32>
    tpu.vector_store %swap3A_1462[%swap3A_1463], %swap3A_1466 {strides = array<i32>} : memref<128xi32, #tpu.memory_space<vmem>>, vector<16xi32>,
    %get3A_1467 = arith.constant 2 : i32
    %get3A_1468 = arith.constant 0 : i32
    %get3A_1469 = tpu.memref_slice %arg12[%get3A_1467, %get3A_1468] : memref<4x128xi32, #tpu.memory_space<vmem>> -> memref<1x128xi32, #tpu.memory_space<vmem>>
    %get3A_1470 = tpu.memref_squeeze %get3A_1469 : memref<1x128xi32, #tpu.memory_space<vmem>> -> memref<128xi32, #tpu.memory_space<vmem>>
    %get3A_1471 = arith.constant 48 : index
    %get3A_1472 = tpu.vector_load %get3A_1470[%get3A_1471] {strides = array<i32>} : memref<128xi32, #tpu.memory_space<vmem>>, vector<16xi32>,
    %get3A_1473 = vector.shape_cast %get3A_1472 : vector<16xi32> to vector<16xi32>
    %ge3A_1474 = arith.constant 749568 : i32
    %ge3A_1475 = vector.broadcast %ge3A_1474 : i32 to vector<16xi32>
    %ge3A_1476 = arith.cmpi sge, %get3A_1473, %ge3A_1475 : vector<16xi32>
    %ge3A_1477 = arith.constant 499712 : i32
    %ge3A_1478 = vector.broadcast %ge3A_1477 : i32 to vector<16xi32>
    %ge3A_1479 = arith.cmpi sge, %get3A_1473, %ge3A_1478 : vector<16xi32>
    %ge3A_1480 = arith.constant 249856 : i32
    %ge3A_1481 = vector.broadcast %ge3A_1480 : i32 to vector<16xi32>
    %ge3A_1482 = arith.cmpi sge, %get3A_1473, %ge3A_1481 : vector<16xi32>
    %jit3A_1483 = arith.constant 249856 : i32
    %jit3A_1484 = arith.constant 0 : i32
    %broadcast_in_dim3A_1485 = vector.broadcast %jit3A_1483 : i32 to vector<16xi32>
    %broadcast_in_dim3A_1486 = vector.broadcast %jit3A_1484 : i32 to vector<16xi32>
    %select_n3A_1487 = arith.select %ge3A_1482, %broadcast_in_dim3A_1485, %broadcast_in_dim3A_1486 : vector<16xi1>, vector<16xi32>
    %jit3A_1488 = arith.constant 499712 : i32
    %broadcast_in_dim3A_1489 = vector.broadcast %jit3A_1488 : i32 to vector<16xi32>
    %select_n3A_1490 = arith.select %ge3A_1479, %broadcast_in_dim3A_1489, %select_n3A_1487 : vector<16xi1>, vector<16xi32>
    %jit3A_1491 = arith.constant 749568 : i32
    %broadcast_in_dim3A_1492 = vector.broadcast %jit3A_1491 : i32 to vector<16xi32>
    %select_n3A_1493 = arith.select %ge3A_1476, %broadcast_in_dim3A_1492, %select_n3A_1490 : vector<16xi1>, vector<16xi32>
    %sub3A_1494 = arith.subi %get3A_1473, %select_n3A_1493 : vector<16xi32>
    %swap3A_1495 = arith.constant 2 : i32
    %swap3A_1496 = arith.constant 0 : i32
    %swap3A_1497 = tpu.memref_slice %arg14[%swap3A_1495, %swap3A_1496] : memref<4x128xi32, #tpu.memory_space<vmem>> -> memref<1x128xi32, #tpu.memory_space<vmem>>
    %swap3A_1498 = tpu.memref_squeeze %swap3A_1497 : memref<1x128xi32, #tpu.memory_space<vmem>> -> memref<128xi32, #tpu.memory_space<vmem>>
    %swap3A_1499 = arith.constant 48 : index
    %swap3A_1500 = tpu.vector_load %swap3A_1498[%swap3A_1499] {strides = array<i32>} : memref<128xi32, #tpu.memory_space<vmem>>, vector<16xi32>,
    %swap3A_1501 = vector.shape_cast %swap3A_1500 : vector<16xi32> to vector<16xi32>
    %swap3A_1502 = vector.shape_cast %sub3A_1494 : vector<16xi32> to vector<16xi32>
    tpu.vector_store %swap3A_1498[%swap3A_1499], %swap3A_1502 {strides = array<i32>} : memref<128xi32, #tpu.memory_space<vmem>>, vector<16xi32>,
    %get3A_1503 = arith.constant 2 : i32
    %get3A_1504 = arith.constant 0 : i32
    %get3A_1505 = tpu.memref_slice %arg11[%get3A_1503, %get3A_1504] : memref<4x128xi32, #tpu.memory_space<vmem>> -> memref<1x128xi32, #tpu.memory_space<vmem>>
    %get3A_1506 = tpu.memref_squeeze %get3A_1505 : memref<1x128xi32, #tpu.memory_space<vmem>> -> memref<128xi32, #tpu.memory_space<vmem>>
    %get3A_1507 = arith.constant 64 : index
    %get3A_1508 = tpu.vector_load %get3A_1506[%get3A_1507] {strides = array<i32>} : memref<128xi32, #tpu.memory_space<vmem>>, vector<16xi32>,
    %get3A_1509 = vector.shape_cast %get3A_1508 : vector<16xi32> to vector<16xi32>
    %ge3A_1510 = arith.constant 749568 : i32
    %ge3A_1511 = vector.broadcast %ge3A_1510 : i32 to vector<16xi32>
    %ge3A_1512 = arith.cmpi sge, %get3A_1509, %ge3A_1511 : vector<16xi32>
    %ge3A_1513 = arith.constant 499712 : i32
    %ge3A_1514 = vector.broadcast %ge3A_1513 : i32 to vector<16xi32>
    %ge3A_1515 = arith.cmpi sge, %get3A_1509, %ge3A_1514 : vector<16xi32>
    %ge3A_1516 = arith.constant 249856 : i32
    %ge3A_1517 = vector.broadcast %ge3A_1516 : i32 to vector<16xi32>
    %ge3A_1518 = arith.cmpi sge, %get3A_1509, %ge3A_1517 : vector<16xi32>
    %jit3A_1519 = arith.constant 249856 : i32
    %jit3A_1520 = arith.constant 0 : i32
    %broadcast_in_dim3A_1521 = vector.broadcast %jit3A_1519 : i32 to vector<16xi32>
    %broadcast_in_dim3A_1522 = vector.broadcast %jit3A_1520 : i32 to vector<16xi32>
    %select_n3A_1523 = arith.select %ge3A_1518, %broadcast_in_dim3A_1521, %broadcast_in_dim3A_1522 : vector<16xi1>, vector<16xi32>
    %jit3A_1524 = arith.constant 499712 : i32
    %broadcast_in_dim3A_1525 = vector.broadcast %jit3A_1524 : i32 to vector<16xi32>
    %select_n3A_1526 = arith.select %ge3A_1515, %broadcast_in_dim3A_1525, %select_n3A_1523 : vector<16xi1>, vector<16xi32>
    %jit3A_1527 = arith.constant 749568 : i32
    %broadcast_in_dim3A_1528 = vector.broadcast %jit3A_1527 : i32 to vector<16xi32>
    %select_n3A_1529 = arith.select %ge3A_1512, %broadcast_in_dim3A_1528, %select_n3A_1526 : vector<16xi1>, vector<16xi32>
    %sub3A_1530 = arith.subi %get3A_1509, %select_n3A_1529 : vector<16xi32>
    %swap3A_1531 = arith.constant 2 : i32
    %swap3A_1532 = arith.constant 0 : i32
    %swap3A_1533 = tpu.memref_slice %arg13[%swap3A_1531, %swap3A_1532] : memref<4x128xi32, #tpu.memory_space<vmem>> -> memref<1x128xi32, #tpu.memory_space<vmem>>
    %swap3A_1534 = tpu.memref_squeeze %swap3A_1533 : memref<1x128xi32, #tpu.memory_space<vmem>> -> memref<128xi32, #tpu.memory_space<vmem>>
    %swap3A_1535 = arith.constant 64 : index
    %swap3A_1536 = tpu.vector_load %swap3A_1534[%swap3A_1535] {strides = array<i32>} : memref<128xi32, #tpu.memory_space<vmem>>, vector<16xi32>,
    %swap3A_1537 = vector.shape_cast %swap3A_1536 : vector<16xi32> to vector<16xi32>
    %swap3A_1538 = vector.shape_cast %sub3A_1530 : vector<16xi32> to vector<16xi32>
    tpu.vector_store %swap3A_1534[%swap3A_1535], %swap3A_1538 {strides = array<i32>} : memref<128xi32, #tpu.memory_space<vmem>>, vector<16xi32>,
    %get3A_1539 = arith.constant 2 : i32
    %get3A_1540 = arith.constant 0 : i32
    %get3A_1541 = tpu.memref_slice %arg12[%get3A_1539, %get3A_1540] : memref<4x128xi32, #tpu.memory_space<vmem>> -> memref<1x128xi32, #tpu.memory_space<vmem>>
    %get3A_1542 = tpu.memref_squeeze %get3A_1541 : memref<1x128xi32, #tpu.memory_space<vmem>> -> memref<128xi32, #tpu.memory_space<vmem>>
    %get3A_1543 = arith.constant 64 : index
    %get3A_1544 = tpu.vector_load %get3A_1542[%get3A_1543] {strides = array<i32>} : memref<128xi32, #tpu.memory_space<vmem>>, vector<16xi32>,
    %get3A_1545 = vector.shape_cast %get3A_1544 : vector<16xi32> to vector<16xi32>
    %ge3A_1546 = arith.constant 749568 : i32
    %ge3A_1547 = vector.broadcast %ge3A_1546 : i32 to vector<16xi32>
    %ge3A_1548 = arith.cmpi sge, %get3A_1545, %ge3A_1547 : vector<16xi32>
    %ge3A_1549 = arith.constant 499712 : i32
    %ge3A_1550 = vector.broadcast %ge3A_1549 : i32 to vector<16xi32>
    %ge3A_1551 = arith.cmpi sge, %get3A_1545, %ge3A_1550 : vector<16xi32>
    %ge3A_1552 = arith.constant 249856 : i32
    %ge3A_1553 = vector.broadcast %ge3A_1552 : i32 to vector<16xi32>
    %ge3A_1554 = arith.cmpi sge, %get3A_1545, %ge3A_1553 : vector<16xi32>
    %jit3A_1555 = arith.constant 249856 : i32
    %jit3A_1556 = arith.constant 0 : i32
    %broadcast_in_dim3A_1557 = vector.broadcast %jit3A_1555 : i32 to vector<16xi32>
    %broadcast_in_dim3A_1558 = vector.broadcast %jit3A_1556 : i32 to vector<16xi32>
    %select_n3A_1559 = arith.select %ge3A_1554, %broadcast_in_dim3A_1557, %broadcast_in_dim3A_1558 : vector<16xi1>, vector<16xi32>
    %jit3A_1560 = arith.constant 499712 : i32
    %broadcast_in_dim3A_1561 = vector.broadcast %jit3A_1560 : i32 to vector<16xi32>
    %select_n3A_1562 = arith.select %ge3A_1551, %broadcast_in_dim3A_1561, %select_n3A_1559 : vector<16xi1>, vector<16xi32>
    %jit3A_1563 = arith.constant 749568 : i32
    %broadcast_in_dim3A_1564 = vector.broadcast %jit3A_1563 : i32 to vector<16xi32>
    %select_n3A_1565 = arith.select %ge3A_1548, %broadcast_in_dim3A_1564, %select_n3A_1562 : vector<16xi1>, vector<16xi32>
    %sub3A_1566 = arith.subi %get3A_1545, %select_n3A_1565 : vector<16xi32>
    %swap3A_1567 = arith.constant 2 : i32
    %swap3A_1568 = arith.constant 0 : i32
    %swap3A_1569 = tpu.memref_slice %arg14[%swap3A_1567, %swap3A_1568] : memref<4x128xi32, #tpu.memory_space<vmem>> -> memref<1x128xi32, #tpu.memory_space<vmem>>
    %swap3A_1570 = tpu.memref_squeeze %swap3A_1569 : memref<1x128xi32, #tpu.memory_space<vmem>> -> memref<128xi32, #tpu.memory_space<vmem>>
    %swap3A_1571 = arith.constant 64 : index
    %swap3A_1572 = tpu.vector_load %swap3A_1570[%swap3A_1571] {strides = array<i32>} : memref<128xi32, #tpu.memory_space<vmem>>, vector<16xi32>,
    %swap3A_1573 = vector.shape_cast %swap3A_1572 : vector<16xi32> to vector<16xi32>
    %swap3A_1574 = vector.shape_cast %sub3A_1566 : vector<16xi32> to vector<16xi32>
    tpu.vector_store %swap3A_1570[%swap3A_1571], %swap3A_1574 {strides = array<i32>} : memref<128xi32, #tpu.memory_space<vmem>>, vector<16xi32>,
    %get3A_1575 = arith.constant 2 : i32
    %get3A_1576 = arith.constant 0 : i32
    %get3A_1577 = tpu.memref_slice %arg11[%get3A_1575, %get3A_1576] : memref<4x128xi32, #tpu.memory_space<vmem>> -> memref<1x128xi32, #tpu.memory_space<vmem>>
    %get3A_1578 = tpu.memref_squeeze %get3A_1577 : memref<1x128xi32, #tpu.memory_space<vmem>> -> memref<128xi32, #tpu.memory_space<vmem>>
    %get3A_1579 = arith.constant 80 : index
    %get3A_1580 = tpu.vector_load %get3A_1578[%get3A_1579] {strides = array<i32>} : memref<128xi32, #tpu.memory_space<vmem>>, vector<16xi32>,
    %get3A_1581 = vector.shape_cast %get3A_1580 : vector<16xi32> to vector<16xi32>
    %ge3A_1582 = arith.constant 749568 : i32
    %ge3A_1583 = vector.broadcast %ge3A_1582 : i32 to vector<16xi32>
    %ge3A_1584 = arith.cmpi sge, %get3A_1581, %ge3A_1583 : vector<16xi32>
    %ge3A_1585 = arith.constant 499712 : i32
    %ge3A_1586 = vector.broadcast %ge3A_1585 : i32 to vector<16xi32>
    %ge3A_1587 = arith.cmpi sge, %get3A_1581, %ge3A_1586 : vector<16xi32>
    %ge3A_1588 = arith.constant 249856 : i32
    %ge3A_1589 = vector.broadcast %ge3A_1588 : i32 to vector<16xi32>
    %ge3A_1590 = arith.cmpi sge, %get3A_1581, %ge3A_1589 : vector<16xi32>
    %jit3A_1591 = arith.constant 249856 : i32
    %jit3A_1592 = arith.constant 0 : i32
    %broadcast_in_dim3A_1593 = vector.broadcast %jit3A_1591 : i32 to vector<16xi32>
    %broadcast_in_dim3A_1594 = vector.broadcast %jit3A_1592 : i32 to vector<16xi32>
    %select_n3A_1595 = arith.select %ge3A_1590, %broadcast_in_dim3A_1593, %broadcast_in_dim3A_1594 : vector<16xi1>, vector<16xi32>
    %jit3A_1596 = arith.constant 499712 : i32
    %broadcast_in_dim3A_1597 = vector.broadcast %jit3A_1596 : i32 to vector<16xi32>
    %select_n3A_1598 = arith.select %ge3A_1587, %broadcast_in_dim3A_1597, %select_n3A_1595 : vector<16xi1>, vector<16xi32>
    %jit3A_1599 = arith.constant 749568 : i32
    %broadcast_in_dim3A_1600 = vector.broadcast %jit3A_1599 : i32 to vector<16xi32>
    %select_n3A_1601 = arith.select %ge3A_1584, %broadcast_in_dim3A_1600, %select_n3A_1598 : vector<16xi1>, vector<16xi32>
    %sub3A_1602 = arith.subi %get3A_1581, %select_n3A_1601 : vector<16xi32>
    %swap3A_1603 = arith.constant 2 : i32
    %swap3A_1604 = arith.constant 0 : i32
    %swap3A_1605 = tpu.memref_slice %arg13[%swap3A_1603, %swap3A_1604] : memref<4x128xi32, #tpu.memory_space<vmem>> -> memref<1x128xi32, #tpu.memory_space<vmem>>
    %swap3A_1606 = tpu.memref_squeeze %swap3A_1605 : memref<1x128xi32, #tpu.memory_space<vmem>> -> memref<128xi32, #tpu.memory_space<vmem>>
    %swap3A_1607 = arith.constant 80 : index
    %swap3A_1608 = tpu.vector_load %swap3A_1606[%swap3A_1607] {strides = array<i32>} : memref<128xi32, #tpu.memory_space<vmem>>, vector<16xi32>,
    %swap3A_1609 = vector.shape_cast %swap3A_1608 : vector<16xi32> to vector<16xi32>
    %swap3A_1610 = vector.shape_cast %sub3A_1602 : vector<16xi32> to vector<16xi32>
    tpu.vector_store %swap3A_1606[%swap3A_1607], %swap3A_1610 {strides = array<i32>} : memref<128xi32, #tpu.memory_space<vmem>>, vector<16xi32>,
    %get3A_1611 = arith.constant 2 : i32
    %get3A_1612 = arith.constant 0 : i32
    %get3A_1613 = tpu.memref_slice %arg12[%get3A_1611, %get3A_1612] : memref<4x128xi32, #tpu.memory_space<vmem>> -> memref<1x128xi32, #tpu.memory_space<vmem>>
    %get3A_1614 = tpu.memref_squeeze %get3A_1613 : memref<1x128xi32, #tpu.memory_space<vmem>> -> memref<128xi32, #tpu.memory_space<vmem>>
    %get3A_1615 = arith.constant 80 : index
    %get3A_1616 = tpu.vector_load %get3A_1614[%get3A_1615] {strides = array<i32>} : memref<128xi32, #tpu.memory_space<vmem>>, vector<16xi32>,
    %get3A_1617 = vector.shape_cast %get3A_1616 : vector<16xi32> to vector<16xi32>
    %ge3A_1618 = arith.constant 749568 : i32
    %ge3A_1619 = vector.broadcast %ge3A_1618 : i32 to vector<16xi32>
    %ge3A_1620 = arith.cmpi sge, %get3A_1617, %ge3A_1619 : vector<16xi32>
    %ge3A_1621 = arith.constant 499712 : i32
    %ge3A_1622 = vector.broadcast %ge3A_1621 : i32 to vector<16xi32>
    %ge3A_1623 = arith.cmpi sge, %get3A_1617, %ge3A_1622 : vector<16xi32>
    %ge3A_1624 = arith.constant 249856 : i32
    %ge3A_1625 = vector.broadcast %ge3A_1624 : i32 to vector<16xi32>
    %ge3A_1626 = arith.cmpi sge, %get3A_1617, %ge3A_1625 : vector<16xi32>
    %jit3A_1627 = arith.constant 249856 : i32
    %jit3A_1628 = arith.constant 0 : i32
    %broadcast_in_dim3A_1629 = vector.broadcast %jit3A_1627 : i32 to vector<16xi32>
    %broadcast_in_dim3A_1630 = vector.broadcast %jit3A_1628 : i32 to vector<16xi32>
    %select_n3A_1631 = arith.select %ge3A_1626, %broadcast_in_dim3A_1629, %broadcast_in_dim3A_1630 : vector<16xi1>, vector<16xi32>
    %jit3A_1632 = arith.constant 499712 : i32
    %broadcast_in_dim3A_1633 = vector.broadcast %jit3A_1632 : i32 to vector<16xi32>
    %select_n3A_1634 = arith.select %ge3A_1623, %broadcast_in_dim3A_1633, %select_n3A_1631 : vector<16xi1>, vector<16xi32>
    %jit3A_1635 = arith.constant 749568 : i32
    %broadcast_in_dim3A_1636 = vector.broadcast %jit3A_1635 : i32 to vector<16xi32>
    %select_n3A_1637 = arith.select %ge3A_1620, %broadcast_in_dim3A_1636, %select_n3A_1634 : vector<16xi1>, vector<16xi32>
    %sub3A_1638 = arith.subi %get3A_1617, %select_n3A_1637 : vector<16xi32>
    %swap3A_1639 = arith.constant 2 : i32
    %swap3A_1640 = arith.constant 0 : i32
    %swap3A_1641 = tpu.memref_slice %arg14[%swap3A_1639, %swap3A_1640] : memref<4x128xi32, #tpu.memory_space<vmem>> -> memref<1x128xi32, #tpu.memory_space<vmem>>
    %swap3A_1642 = tpu.memref_squeeze %swap3A_1641 : memref<1x128xi32, #tpu.memory_space<vmem>> -> memref<128xi32, #tpu.memory_space<vmem>>
    %swap3A_1643 = arith.constant 80 : index
    %swap3A_1644 = tpu.vector_load %swap3A_1642[%swap3A_1643] {strides = array<i32>} : memref<128xi32, #tpu.memory_space<vmem>>, vector<16xi32>,
    %swap3A_1645 = vector.shape_cast %swap3A_1644 : vector<16xi32> to vector<16xi32>
    %swap3A_1646 = vector.shape_cast %sub3A_1638 : vector<16xi32> to vector<16xi32>
    tpu.vector_store %swap3A_1642[%swap3A_1643], %swap3A_1646 {strides = array<i32>} : memref<128xi32, #tpu.memory_space<vmem>>, vector<16xi32>,
    %get3A_1647 = arith.constant 2 : i32
    %get3A_1648 = arith.constant 0 : i32
    %get3A_1649 = tpu.memref_slice %arg11[%get3A_1647, %get3A_1648] : memref<4x128xi32, #tpu.memory_space<vmem>> -> memref<1x128xi32, #tpu.memory_space<vmem>>
    %get3A_1650 = tpu.memref_squeeze %get3A_1649 : memref<1x128xi32, #tpu.memory_space<vmem>> -> memref<128xi32, #tpu.memory_space<vmem>>
    %get3A_1651 = arith.constant 96 : index
    %get3A_1652 = tpu.vector_load %get3A_1650[%get3A_1651] {strides = array<i32>} : memref<128xi32, #tpu.memory_space<vmem>>, vector<16xi32>,
    %get3A_1653 = vector.shape_cast %get3A_1652 : vector<16xi32> to vector<16xi32>
    %ge3A_1654 = arith.constant 749568 : i32
    %ge3A_1655 = vector.broadcast %ge3A_1654 : i32 to vector<16xi32>
    %ge3A_1656 = arith.cmpi sge, %get3A_1653, %ge3A_1655 : vector<16xi32>
    %ge3A_1657 = arith.constant 499712 : i32
    %ge3A_1658 = vector.broadcast %ge3A_1657 : i32 to vector<16xi32>
    %ge3A_1659 = arith.cmpi sge, %get3A_1653, %ge3A_1658 : vector<16xi32>
    %ge3A_1660 = arith.constant 249856 : i32
    %ge3A_1661 = vector.broadcast %ge3A_1660 : i32 to vector<16xi32>
    %ge3A_1662 = arith.cmpi sge, %get3A_1653, %ge3A_1661 : vector<16xi32>
    %jit3A_1663 = arith.constant 249856 : i32
    %jit3A_1664 = arith.constant 0 : i32
    %broadcast_in_dim3A_1665 = vector.broadcast %jit3A_1663 : i32 to vector<16xi32>
    %broadcast_in_dim3A_1666 = vector.broadcast %jit3A_1664 : i32 to vector<16xi32>
    %select_n3A_1667 = arith.select %ge3A_1662, %broadcast_in_dim3A_1665, %broadcast_in_dim3A_1666 : vector<16xi1>, vector<16xi32>
    %jit3A_1668 = arith.constant 499712 : i32
    %broadcast_in_dim3A_1669 = vector.broadcast %jit3A_1668 : i32 to vector<16xi32>
    %select_n3A_1670 = arith.select %ge3A_1659, %broadcast_in_dim3A_1669, %select_n3A_1667 : vector<16xi1>, vector<16xi32>
    %jit3A_1671 = arith.constant 749568 : i32
    %broadcast_in_dim3A_1672 = vector.broadcast %jit3A_1671 : i32 to vector<16xi32>
    %select_n3A_1673 = arith.select %ge3A_1656, %broadcast_in_dim3A_1672, %select_n3A_1670 : vector<16xi1>, vector<16xi32>
    %sub3A_1674 = arith.subi %get3A_1653, %select_n3A_1673 : vector<16xi32>
    %swap3A_1675 = arith.constant 2 : i32
    %swap3A_1676 = arith.constant 0 : i32
    %swap3A_1677 = tpu.memref_slice %arg13[%swap3A_1675, %swap3A_1676] : memref<4x128xi32, #tpu.memory_space<vmem>> -> memref<1x128xi32, #tpu.memory_space<vmem>>
    %swap3A_1678 = tpu.memref_squeeze %swap3A_1677 : memref<1x128xi32, #tpu.memory_space<vmem>> -> memref<128xi32, #tpu.memory_space<vmem>>
    %swap3A_1679 = arith.constant 96 : index
    %swap3A_1680 = tpu.vector_load %swap3A_1678[%swap3A_1679] {strides = array<i32>} : memref<128xi32, #tpu.memory_space<vmem>>, vector<16xi32>,
    %swap3A_1681 = vector.shape_cast %swap3A_1680 : vector<16xi32> to vector<16xi32>
    %swap3A_1682 = vector.shape_cast %sub3A_1674 : vector<16xi32> to vector<16xi32>
    tpu.vector_store %swap3A_1678[%swap3A_1679], %swap3A_1682 {strides = array<i32>} : memref<128xi32, #tpu.memory_space<vmem>>, vector<16xi32>,
    %get3A_1683 = arith.constant 2 : i32
    %get3A_1684 = arith.constant 0 : i32
    %get3A_1685 = tpu.memref_slice %arg12[%get3A_1683, %get3A_1684] : memref<4x128xi32, #tpu.memory_space<vmem>> -> memref<1x128xi32, #tpu.memory_space<vmem>>
    %get3A_1686 = tpu.memref_squeeze %get3A_1685 : memref<1x128xi32, #tpu.memory_space<vmem>> -> memref<128xi32, #tpu.memory_space<vmem>>
    %get3A_1687 = arith.constant 96 : index
    %get3A_1688 = tpu.vector_load %get3A_1686[%get3A_1687] {strides = array<i32>} : memref<128xi32, #tpu.memory_space<vmem>>, vector<16xi32>,
    %get3A_1689 = vector.shape_cast %get3A_1688 : vector<16xi32> to vector<16xi32>
    %ge3A_1690 = arith.constant 749568 : i32
    %ge3A_1691 = vector.broadcast %ge3A_1690 : i32 to vector<16xi32>
    %ge3A_1692 = arith.cmpi sge, %get3A_1689, %ge3A_1691 : vector<16xi32>
    %ge3A_1693 = arith.constant 499712 : i32
    %ge3A_1694 = vector.broadcast %ge3A_1693 : i32 to vector<16xi32>
    %ge3A_1695 = arith.cmpi sge, %get3A_1689, %ge3A_1694 : vector<16xi32>
    %ge3A_1696 = arith.constant 249856 : i32
    %ge3A_1697 = vector.broadcast %ge3A_1696 : i32 to vector<16xi32>
    %ge3A_1698 = arith.cmpi sge, %get3A_1689, %ge3A_1697 : vector<16xi32>
    %jit3A_1699 = arith.constant 249856 : i32
    %jit3A_1700 = arith.constant 0 : i32
    %broadcast_in_dim3A_1701 = vector.broadcast %jit3A_1699 : i32 to vector<16xi32>
    %broadcast_in_dim3A_1702 = vector.broadcast %jit3A_1700 : i32 to vector<16xi32>
    %select_n3A_1703 = arith.select %ge3A_1698, %broadcast_in_dim3A_1701, %broadcast_in_dim3A_1702 : vector<16xi1>, vector<16xi32>
    %jit3A_1704 = arith.constant 499712 : i32
    %broadcast_in_dim3A_1705 = vector.broadcast %jit3A_1704 : i32 to vector<16xi32>
    %select_n3A_1706 = arith.select %ge3A_1695, %broadcast_in_dim3A_1705, %select_n3A_1703 : vector<16xi1>, vector<16xi32>
    %jit3A_1707 = arith.constant 749568 : i32
    %broadcast_in_dim3A_1708 = vector.broadcast %jit3A_1707 : i32 to vector<16xi32>
    %select_n3A_1709 = arith.select %ge3A_1692, %broadcast_in_dim3A_1708, %select_n3A_1706 : vector<16xi1>, vector<16xi32>
    %sub3A_1710 = arith.subi %get3A_1689, %select_n3A_1709 : vector<16xi32>
    %swap3A_1711 = arith.constant 2 : i32
    %swap3A_1712 = arith.constant 0 : i32
    %swap3A_1713 = tpu.memref_slice %arg14[%swap3A_1711, %swap3A_1712] : memref<4x128xi32, #tpu.memory_space<vmem>> -> memref<1x128xi32, #tpu.memory_space<vmem>>
    %swap3A_1714 = tpu.memref_squeeze %swap3A_1713 : memref<1x128xi32, #tpu.memory_space<vmem>> -> memref<128xi32, #tpu.memory_space<vmem>>
    %swap3A_1715 = arith.constant 96 : index
    %swap3A_1716 = tpu.vector_load %swap3A_1714[%swap3A_1715] {strides = array<i32>} : memref<128xi32, #tpu.memory_space<vmem>>, vector<16xi32>,
    %swap3A_1717 = vector.shape_cast %swap3A_1716 : vector<16xi32> to vector<16xi32>
    %swap3A_1718 = vector.shape_cast %sub3A_1710 : vector<16xi32> to vector<16xi32>
    tpu.vector_store %swap3A_1714[%swap3A_1715], %swap3A_1718 {strides = array<i32>} : memref<128xi32, #tpu.memory_space<vmem>>, vector<16xi32>,
    %get3A_1719 = arith.constant 2 : i32
    %get3A_1720 = arith.constant 0 : i32
    %get3A_1721 = tpu.memref_slice %arg11[%get3A_1719, %get3A_1720] : memref<4x128xi32, #tpu.memory_space<vmem>> -> memref<1x128xi32, #tpu.memory_space<vmem>>
    %get3A_1722 = tpu.memref_squeeze %get3A_1721 : memref<1x128xi32, #tpu.memory_space<vmem>> -> memref<128xi32, #tpu.memory_space<vmem>>
    %get3A_1723 = arith.constant 112 : index
    %get3A_1724 = tpu.vector_load %get3A_1722[%get3A_1723] {strides = array<i32>} : memref<128xi32, #tpu.memory_space<vmem>>, vector<16xi32>,
    %get3A_1725 = vector.shape_cast %get3A_1724 : vector<16xi32> to vector<16xi32>
    %ge3A_1726 = arith.constant 749568 : i32
    %ge3A_1727 = vector.broadcast %ge3A_1726 : i32 to vector<16xi32>
    %ge3A_1728 = arith.cmpi sge, %get3A_1725, %ge3A_1727 : vector<16xi32>
    %ge3A_1729 = arith.constant 499712 : i32
    %ge3A_1730 = vector.broadcast %ge3A_1729 : i32 to vector<16xi32>
    %ge3A_1731 = arith.cmpi sge, %get3A_1725, %ge3A_1730 : vector<16xi32>
    %ge3A_1732 = arith.constant 249856 : i32
    %ge3A_1733 = vector.broadcast %ge3A_1732 : i32 to vector<16xi32>
    %ge3A_1734 = arith.cmpi sge, %get3A_1725, %ge3A_1733 : vector<16xi32>
    %jit3A_1735 = arith.constant 249856 : i32
    %jit3A_1736 = arith.constant 0 : i32
    %broadcast_in_dim3A_1737 = vector.broadcast %jit3A_1735 : i32 to vector<16xi32>
    %broadcast_in_dim3A_1738 = vector.broadcast %jit3A_1736 : i32 to vector<16xi32>
    %select_n3A_1739 = arith.select %ge3A_1734, %broadcast_in_dim3A_1737, %broadcast_in_dim3A_1738 : vector<16xi1>, vector<16xi32>
    %jit3A_1740 = arith.constant 499712 : i32
    %broadcast_in_dim3A_1741 = vector.broadcast %jit3A_1740 : i32 to vector<16xi32>
    %select_n3A_1742 = arith.select %ge3A_1731, %broadcast_in_dim3A_1741, %select_n3A_1739 : vector<16xi1>, vector<16xi32>
    %jit3A_1743 = arith.constant 749568 : i32
    %broadcast_in_dim3A_1744 = vector.broadcast %jit3A_1743 : i32 to vector<16xi32>
    %select_n3A_1745 = arith.select %ge3A_1728, %broadcast_in_dim3A_1744, %select_n3A_1742 : vector<16xi1>, vector<16xi32>
    %sub3A_1746 = arith.subi %get3A_1725, %select_n3A_1745 : vector<16xi32>
    %swap3A_1747 = arith.constant 2 : i32
    %swap3A_1748 = arith.constant 0 : i32
    %swap3A_1749 = tpu.memref_slice %arg13[%swap3A_1747, %swap3A_1748] : memref<4x128xi32, #tpu.memory_space<vmem>> -> memref<1x128xi32, #tpu.memory_space<vmem>>
    %swap3A_1750 = tpu.memref_squeeze %swap3A_1749 : memref<1x128xi32, #tpu.memory_space<vmem>> -> memref<128xi32, #tpu.memory_space<vmem>>
    %swap3A_1751 = arith.constant 112 : index
    %swap3A_1752 = tpu.vector_load %swap3A_1750[%swap3A_1751] {strides = array<i32>} : memref<128xi32, #tpu.memory_space<vmem>>, vector<16xi32>,
    %swap3A_1753 = vector.shape_cast %swap3A_1752 : vector<16xi32> to vector<16xi32>
    %swap3A_1754 = vector.shape_cast %sub3A_1746 : vector<16xi32> to vector<16xi32>
    tpu.vector_store %swap3A_1750[%swap3A_1751], %swap3A_1754 {strides = array<i32>} : memref<128xi32, #tpu.memory_space<vmem>>, vector<16xi32>,
    %get3A_1755 = arith.constant 2 : i32
    %get3A_1756 = arith.constant 0 : i32
    %get3A_1757 = tpu.memref_slice %arg12[%get3A_1755, %get3A_1756] : memref<4x128xi32, #tpu.memory_space<vmem>> -> memref<1x128xi32, #tpu.memory_space<vmem>>
    %get3A_1758 = tpu.memref_squeeze %get3A_1757 : memref<1x128xi32, #tpu.memory_space<vmem>> -> memref<128xi32, #tpu.memory_space<vmem>>
    %get3A_1759 = arith.constant 112 : index
    %get3A_1760 = tpu.vector_load %get3A_1758[%get3A_1759] {strides = array<i32>} : memref<128xi32, #tpu.memory_space<vmem>>, vector<16xi32>,
    %get3A_1761 = vector.shape_cast %get3A_1760 : vector<16xi32> to vector<16xi32>
    %ge3A_1762 = arith.constant 749568 : i32
    %ge3A_1763 = vector.broadcast %ge3A_1762 : i32 to vector<16xi32>
    %ge3A_1764 = arith.cmpi sge, %get3A_1761, %ge3A_1763 : vector<16xi32>
    %ge3A_1765 = arith.constant 499712 : i32
    %ge3A_1766 = vector.broadcast %ge3A_1765 : i32 to vector<16xi32>
    %ge3A_1767 = arith.cmpi sge, %get3A_1761, %ge3A_1766 : vector<16xi32>
    %ge3A_1768 = arith.constant 249856 : i32
    %ge3A_1769 = vector.broadcast %ge3A_1768 : i32 to vector<16xi32>
    %ge3A_1770 = arith.cmpi sge, %get3A_1761, %ge3A_1769 : vector<16xi32>
    %jit3A_1771 = arith.constant 249856 : i32
    %jit3A_1772 = arith.constant 0 : i32
    %broadcast_in_dim3A_1773 = vector.broadcast %jit3A_1771 : i32 to vector<16xi32>
    %broadcast_in_dim3A_1774 = vector.broadcast %jit3A_1772 : i32 to vector<16xi32>
    %select_n3A_1775 = arith.select %ge3A_1770, %broadcast_in_dim3A_1773, %broadcast_in_dim3A_1774 : vector<16xi1>, vector<16xi32>
    %jit3A_1776 = arith.constant 499712 : i32
    %broadcast_in_dim3A_1777 = vector.broadcast %jit3A_1776 : i32 to vector<16xi32>
    %select_n3A_1778 = arith.select %ge3A_1767, %broadcast_in_dim3A_1777, %select_n3A_1775 : vector<16xi1>, vector<16xi32>
    %jit3A_1779 = arith.constant 749568 : i32
    %broadcast_in_dim3A_1780 = vector.broadcast %jit3A_1779 : i32 to vector<16xi32>
    %select_n3A_1781 = arith.select %ge3A_1764, %broadcast_in_dim3A_1780, %select_n3A_1778 : vector<16xi1>, vector<16xi32>
    %sub3A_1782 = arith.subi %get3A_1761, %select_n3A_1781 : vector<16xi32>
    %swap3A_1783 = arith.constant 2 : i32
    %swap3A_1784 = arith.constant 0 : i32
    %swap3A_1785 = tpu.memref_slice %arg14[%swap3A_1783, %swap3A_1784] : memref<4x128xi32, #tpu.memory_space<vmem>> -> memref<1x128xi32, #tpu.memory_space<vmem>>
    %swap3A_1786 = tpu.memref_squeeze %swap3A_1785 : memref<1x128xi32, #tpu.memory_space<vmem>> -> memref<128xi32, #tpu.memory_space<vmem>>
    %swap3A_1787 = arith.constant 112 : index
    %swap3A_1788 = tpu.vector_load %swap3A_1786[%swap3A_1787] {strides = array<i32>} : memref<128xi32, #tpu.memory_space<vmem>>, vector<16xi32>,
    %swap3A_1789 = vector.shape_cast %swap3A_1788 : vector<16xi32> to vector<16xi32>
    %swap3A_1790 = vector.shape_cast %sub3A_1782 : vector<16xi32> to vector<16xi32>
    tpu.vector_store %swap3A_1786[%swap3A_1787], %swap3A_1790 {strides = array<i32>} : memref<128xi32, #tpu.memory_space<vmem>>, vector<16xi32>,
    %get3A_1791 = arith.constant 3 : i32
    %get3A_1792 = arith.constant 0 : i32
    %get3A_1793 = tpu.memref_slice %arg11[%get3A_1791, %get3A_1792] : memref<4x128xi32, #tpu.memory_space<vmem>> -> memref<1x128xi32, #tpu.memory_space<vmem>>
    %get3A_1794 = tpu.memref_squeeze %get3A_1793 : memref<1x128xi32, #tpu.memory_space<vmem>> -> memref<128xi32, #tpu.memory_space<vmem>>
    %get3A_1795 = arith.constant 0 : index
    %get3A_1796 = tpu.vector_load %get3A_1794[%get3A_1795] {strides = array<i32>} : memref<128xi32, #tpu.memory_space<vmem>>, vector<16xi32>,
    %get3A_1797 = vector.shape_cast %get3A_1796 : vector<16xi32> to vector<16xi32>
    %ge3A_1798 = arith.constant 749568 : i32
    %ge3A_1799 = vector.broadcast %ge3A_1798 : i32 to vector<16xi32>
    %ge3A_1800 = arith.cmpi sge, %get3A_1797, %ge3A_1799 : vector<16xi32>
    %ge3A_1801 = arith.constant 499712 : i32
    %ge3A_1802 = vector.broadcast %ge3A_1801 : i32 to vector<16xi32>
    %ge3A_1803 = arith.cmpi sge, %get3A_1797, %ge3A_1802 : vector<16xi32>
    %ge3A_1804 = arith.constant 249856 : i32
    %ge3A_1805 = vector.broadcast %ge3A_1804 : i32 to vector<16xi32>
    %ge3A_1806 = arith.cmpi sge, %get3A_1797, %ge3A_1805 : vector<16xi32>
    %jit3A_1807 = arith.constant 249856 : i32
    %jit3A_1808 = arith.constant 0 : i32
    %broadcast_in_dim3A_1809 = vector.broadcast %jit3A_1807 : i32 to vector<16xi32>
    %broadcast_in_dim3A_1810 = vector.broadcast %jit3A_1808 : i32 to vector<16xi32>
    %select_n3A_1811 = arith.select %ge3A_1806, %broadcast_in_dim3A_1809, %broadcast_in_dim3A_1810 : vector<16xi1>, vector<16xi32>
    %jit3A_1812 = arith.constant 499712 : i32
    %broadcast_in_dim3A_1813 = vector.broadcast %jit3A_1812 : i32 to vector<16xi32>
    %select_n3A_1814 = arith.select %ge3A_1803, %broadcast_in_dim3A_1813, %select_n3A_1811 : vector<16xi1>, vector<16xi32>
    %jit3A_1815 = arith.constant 749568 : i32
    %broadcast_in_dim3A_1816 = vector.broadcast %jit3A_1815 : i32 to vector<16xi32>
    %select_n3A_1817 = arith.select %ge3A_1800, %broadcast_in_dim3A_1816, %select_n3A_1814 : vector<16xi1>, vector<16xi32>
    %sub3A_1818 = arith.subi %get3A_1797, %select_n3A_1817 : vector<16xi32>
    %swap3A_1819 = arith.constant 3 : i32
    %swap3A_1820 = arith.constant 0 : i32
    %swap3A_1821 = tpu.memref_slice %arg13[%swap3A_1819, %swap3A_1820] : memref<4x128xi32, #tpu.memory_space<vmem>> -> memref<1x128xi32, #tpu.memory_space<vmem>>
    %swap3A_1822 = tpu.memref_squeeze %swap3A_1821 : memref<1x128xi32, #tpu.memory_space<vmem>> -> memref<128xi32, #tpu.memory_space<vmem>>
    %swap3A_1823 = arith.constant 0 : index
    %swap3A_1824 = tpu.vector_load %swap3A_1822[%swap3A_1823] {strides = array<i32>} : memref<128xi32, #tpu.memory_space<vmem>>, vector<16xi32>,
    %swap3A_1825 = vector.shape_cast %swap3A_1824 : vector<16xi32> to vector<16xi32>
    %swap3A_1826 = vector.shape_cast %sub3A_1818 : vector<16xi32> to vector<16xi32>
    tpu.vector_store %swap3A_1822[%swap3A_1823], %swap3A_1826 {strides = array<i32>} : memref<128xi32, #tpu.memory_space<vmem>>, vector<16xi32>,
    %get3A_1827 = arith.constant 3 : i32
    %get3A_1828 = arith.constant 0 : i32
    %get3A_1829 = tpu.memref_slice %arg12[%get3A_1827, %get3A_1828] : memref<4x128xi32, #tpu.memory_space<vmem>> -> memref<1x128xi32, #tpu.memory_space<vmem>>
    %get3A_1830 = tpu.memref_squeeze %get3A_1829 : memref<1x128xi32, #tpu.memory_space<vmem>> -> memref<128xi32, #tpu.memory_space<vmem>>
    %get3A_1831 = arith.constant 0 : index
    %get3A_1832 = tpu.vector_load %get3A_1830[%get3A_1831] {strides = array<i32>} : memref<128xi32, #tpu.memory_space<vmem>>, vector<16xi32>,
    %get3A_1833 = vector.shape_cast %get3A_1832 : vector<16xi32> to vector<16xi32>
    %ge3A_1834 = arith.constant 749568 : i32
    %ge3A_1835 = vector.broadcast %ge3A_1834 : i32 to vector<16xi32>
    %ge3A_1836 = arith.cmpi sge, %get3A_1833, %ge3A_1835 : vector<16xi32>
    %ge3A_1837 = arith.constant 499712 : i32
    %ge3A_1838 = vector.broadcast %ge3A_1837 : i32 to vector<16xi32>
    %ge3A_1839 = arith.cmpi sge, %get3A_1833, %ge3A_1838 : vector<16xi32>
    %ge3A_1840 = arith.constant 249856 : i32
    %ge3A_1841 = vector.broadcast %ge3A_1840 : i32 to vector<16xi32>
    %ge3A_1842 = arith.cmpi sge, %get3A_1833, %ge3A_1841 : vector<16xi32>
    %jit3A_1843 = arith.constant 249856 : i32
    %jit3A_1844 = arith.constant 0 : i32
    %broadcast_in_dim3A_1845 = vector.broadcast %jit3A_1843 : i32 to vector<16xi32>
    %broadcast_in_dim3A_1846 = vector.broadcast %jit3A_1844 : i32 to vector<16xi32>
    %select_n3A_1847 = arith.select %ge3A_1842, %broadcast_in_dim3A_1845, %broadcast_in_dim3A_1846 : vector<16xi1>, vector<16xi32>
    %jit3A_1848 = arith.constant 499712 : i32
    %broadcast_in_dim3A_1849 = vector.broadcast %jit3A_1848 : i32 to vector<16xi32>
    %select_n3A_1850 = arith.select %ge3A_1839, %broadcast_in_dim3A_1849, %select_n3A_1847 : vector<16xi1>, vector<16xi32>
    %jit3A_1851 = arith.constant 749568 : i32
    %broadcast_in_dim3A_1852 = vector.broadcast %jit3A_1851 : i32 to vector<16xi32>
    %select_n3A_1853 = arith.select %ge3A_1836, %broadcast_in_dim3A_1852, %select_n3A_1850 : vector<16xi1>, vector<16xi32>
    %sub3A_1854 = arith.subi %get3A_1833, %select_n3A_1853 : vector<16xi32>
    %swap3A_1855 = arith.constant 3 : i32
    %swap3A_1856 = arith.constant 0 : i32
    %swap3A_1857 = tpu.memref_slice %arg14[%swap3A_1855, %swap3A_1856] : memref<4x128xi32, #tpu.memory_space<vmem>> -> memref<1x128xi32, #tpu.memory_space<vmem>>
    %swap3A_1858 = tpu.memref_squeeze %swap3A_1857 : memref<1x128xi32, #tpu.memory_space<vmem>> -> memref<128xi32, #tpu.memory_space<vmem>>
    %swap3A_1859 = arith.constant 0 : index
    %swap3A_1860 = tpu.vector_load %swap3A_1858[%swap3A_1859] {strides = array<i32>} : memref<128xi32, #tpu.memory_space<vmem>>, vector<16xi32>,
    %swap3A_1861 = vector.shape_cast %swap3A_1860 : vector<16xi32> to vector<16xi32>
    %swap3A_1862 = vector.shape_cast %sub3A_1854 : vector<16xi32> to vector<16xi32>
    tpu.vector_store %swap3A_1858[%swap3A_1859], %swap3A_1862 {strides = array<i32>} : memref<128xi32, #tpu.memory_space<vmem>>, vector<16xi32>,
    %get3A_1863 = arith.constant 3 : i32
    %get3A_1864 = arith.constant 0 : i32
    %get3A_1865 = tpu.memref_slice %arg11[%get3A_1863, %get3A_1864] : memref<4x128xi32, #tpu.memory_space<vmem>> -> memref<1x128xi32, #tpu.memory_space<vmem>>
    %get3A_1866 = tpu.memref_squeeze %get3A_1865 : memref<1x128xi32, #tpu.memory_space<vmem>> -> memref<128xi32, #tpu.memory_space<vmem>>
    %get3A_1867 = arith.constant 16 : index
    %get3A_1868 = tpu.vector_load %get3A_1866[%get3A_1867] {strides = array<i32>} : memref<128xi32, #tpu.memory_space<vmem>>, vector<16xi32>,
    %get3A_1869 = vector.shape_cast %get3A_1868 : vector<16xi32> to vector<16xi32>
    %ge3A_1870 = arith.constant 749568 : i32
    %ge3A_1871 = vector.broadcast %ge3A_1870 : i32 to vector<16xi32>
    %ge3A_1872 = arith.cmpi sge, %get3A_1869, %ge3A_1871 : vector<16xi32>
    %ge3A_1873 = arith.constant 499712 : i32
    %ge3A_1874 = vector.broadcast %ge3A_1873 : i32 to vector<16xi32>
    %ge3A_1875 = arith.cmpi sge, %get3A_1869, %ge3A_1874 : vector<16xi32>
    %ge3A_1876 = arith.constant 249856 : i32
    %ge3A_1877 = vector.broadcast %ge3A_1876 : i32 to vector<16xi32>
    %ge3A_1878 = arith.cmpi sge, %get3A_1869, %ge3A_1877 : vector<16xi32>
    %jit3A_1879 = arith.constant 249856 : i32
    %jit3A_1880 = arith.constant 0 : i32
    %broadcast_in_dim3A_1881 = vector.broadcast %jit3A_1879 : i32 to vector<16xi32>
    %broadcast_in_dim3A_1882 = vector.broadcast %jit3A_1880 : i32 to vector<16xi32>
    %select_n3A_1883 = arith.select %ge3A_1878, %broadcast_in_dim3A_1881, %broadcast_in_dim3A_1882 : vector<16xi1>, vector<16xi32>
    %jit3A_1884 = arith.constant 499712 : i32
    %broadcast_in_dim3A_1885 = vector.broadcast %jit3A_1884 : i32 to vector<16xi32>
    %select_n3A_1886 = arith.select %ge3A_1875, %broadcast_in_dim3A_1885, %select_n3A_1883 : vector<16xi1>, vector<16xi32>
    %jit3A_1887 = arith.constant 749568 : i32
    %broadcast_in_dim3A_1888 = vector.broadcast %jit3A_1887 : i32 to vector<16xi32>
    %select_n3A_1889 = arith.select %ge3A_1872, %broadcast_in_dim3A_1888, %select_n3A_1886 : vector<16xi1>, vector<16xi32>
    %sub3A_1890 = arith.subi %get3A_1869, %select_n3A_1889 : vector<16xi32>
    %swap3A_1891 = arith.constant 3 : i32
    %swap3A_1892 = arith.constant 0 : i32
    %swap3A_1893 = tpu.memref_slice %arg13[%swap3A_1891, %swap3A_1892] : memref<4x128xi32, #tpu.memory_space<vmem>> -> memref<1x128xi32, #tpu.memory_space<vmem>>
    %swap3A_1894 = tpu.memref_squeeze %swap3A_1893 : memref<1x128xi32, #tpu.memory_space<vmem>> -> memref<128xi32, #tpu.memory_space<vmem>>
    %swap3A_1895 = arith.constant 16 : index
    %swap3A_1896 = tpu.vector_load %swap3A_1894[%swap3A_1895] {strides = array<i32>} : memref<128xi32, #tpu.memory_space<vmem>>, vector<16xi32>,
    %swap3A_1897 = vector.shape_cast %swap3A_1896 : vector<16xi32> to vector<16xi32>
    %swap3A_1898 = vector.shape_cast %sub3A_1890 : vector<16xi32> to vector<16xi32>
    tpu.vector_store %swap3A_1894[%swap3A_1895], %swap3A_1898 {strides = array<i32>} : memref<128xi32, #tpu.memory_space<vmem>>, vector<16xi32>,
    %get3A_1899 = arith.constant 3 : i32
    %get3A_1900 = arith.constant 0 : i32
    %get3A_1901 = tpu.memref_slice %arg12[%get3A_1899, %get3A_1900] : memref<4x128xi32, #tpu.memory_space<vmem>> -> memref<1x128xi32, #tpu.memory_space<vmem>>
    %get3A_1902 = tpu.memref_squeeze %get3A_1901 : memref<1x128xi32, #tpu.memory_space<vmem>> -> memref<128xi32, #tpu.memory_space<vmem>>
    %get3A_1903 = arith.constant 16 : index
    %get3A_1904 = tpu.vector_load %get3A_1902[%get3A_1903] {strides = array<i32>} : memref<128xi32, #tpu.memory_space<vmem>>, vector<16xi32>,
    %get3A_1905 = vector.shape_cast %get3A_1904 : vector<16xi32> to vector<16xi32>
    %ge3A_1906 = arith.constant 749568 : i32
    %ge3A_1907 = vector.broadcast %ge3A_1906 : i32 to vector<16xi32>
    %ge3A_1908 = arith.cmpi sge, %get3A_1905, %ge3A_1907 : vector<16xi32>
    %ge3A_1909 = arith.constant 499712 : i32
    %ge3A_1910 = vector.broadcast %ge3A_1909 : i32 to vector<16xi32>
    %ge3A_1911 = arith.cmpi sge, %get3A_1905, %ge3A_1910 : vector<16xi32>
    %ge3A_1912 = arith.constant 249856 : i32
    %ge3A_1913 = vector.broadcast %ge3A_1912 : i32 to vector<16xi32>
    %ge3A_1914 = arith.cmpi sge, %get3A_1905, %ge3A_1913 : vector<16xi32>
    %jit3A_1915 = arith.constant 249856 : i32
    %jit3A_1916 = arith.constant 0 : i32
    %broadcast_in_dim3A_1917 = vector.broadcast %jit3A_1915 : i32 to vector<16xi32>
    %broadcast_in_dim3A_1918 = vector.broadcast %jit3A_1916 : i32 to vector<16xi32>
    %select_n3A_1919 = arith.select %ge3A_1914, %broadcast_in_dim3A_1917, %broadcast_in_dim3A_1918 : vector<16xi1>, vector<16xi32>
    %jit3A_1920 = arith.constant 499712 : i32
    %broadcast_in_dim3A_1921 = vector.broadcast %jit3A_1920 : i32 to vector<16xi32>
    %select_n3A_1922 = arith.select %ge3A_1911, %broadcast_in_dim3A_1921, %select_n3A_1919 : vector<16xi1>, vector<16xi32>
    %jit3A_1923 = arith.constant 749568 : i32
    %broadcast_in_dim3A_1924 = vector.broadcast %jit3A_1923 : i32 to vector<16xi32>
    %select_n3A_1925 = arith.select %ge3A_1908, %broadcast_in_dim3A_1924, %select_n3A_1922 : vector<16xi1>, vector<16xi32>
    %sub3A_1926 = arith.subi %get3A_1905, %select_n3A_1925 : vector<16xi32>
    %swap3A_1927 = arith.constant 3 : i32
    %swap3A_1928 = arith.constant 0 : i32
    %swap3A_1929 = tpu.memref_slice %arg14[%swap3A_1927, %swap3A_1928] : memref<4x128xi32, #tpu.memory_space<vmem>> -> memref<1x128xi32, #tpu.memory_space<vmem>>
    %swap3A_1930 = tpu.memref_squeeze %swap3A_1929 : memref<1x128xi32, #tpu.memory_space<vmem>> -> memref<128xi32, #tpu.memory_space<vmem>>
    %swap3A_1931 = arith.constant 16 : index
    %swap3A_1932 = tpu.vector_load %swap3A_1930[%swap3A_1931] {strides = array<i32>} : memref<128xi32, #tpu.memory_space<vmem>>, vector<16xi32>,
    %swap3A_1933 = vector.shape_cast %swap3A_1932 : vector<16xi32> to vector<16xi32>
    %swap3A_1934 = vector.shape_cast %sub3A_1926 : vector<16xi32> to vector<16xi32>
    tpu.vector_store %swap3A_1930[%swap3A_1931], %swap3A_1934 {strides = array<i32>} : memref<128xi32, #tpu.memory_space<vmem>>, vector<16xi32>,
    %get3A_1935 = arith.constant 3 : i32
    %get3A_1936 = arith.constant 0 : i32
    %get3A_1937 = tpu.memref_slice %arg11[%get3A_1935, %get3A_1936] : memref<4x128xi32, #tpu.memory_space<vmem>> -> memref<1x128xi32, #tpu.memory_space<vmem>>
    %get3A_1938 = tpu.memref_squeeze %get3A_1937 : memref<1x128xi32, #tpu.memory_space<vmem>> -> memref<128xi32, #tpu.memory_space<vmem>>
    %get3A_1939 = arith.constant 32 : index
    %get3A_1940 = tpu.vector_load %get3A_1938[%get3A_1939] {strides = array<i32>} : memref<128xi32, #tpu.memory_space<vmem>>, vector<16xi32>,
    %get3A_1941 = vector.shape_cast %get3A_1940 : vector<16xi32> to vector<16xi32>
    %ge3A_1942 = arith.constant 749568 : i32
    %ge3A_1943 = vector.broadcast %ge3A_1942 : i32 to vector<16xi32>
    %ge3A_1944 = arith.cmpi sge, %get3A_1941, %ge3A_1943 : vector<16xi32>
    %ge3A_1945 = arith.constant 499712 : i32
    %ge3A_1946 = vector.broadcast %ge3A_1945 : i32 to vector<16xi32>
    %ge3A_1947 = arith.cmpi sge, %get3A_1941, %ge3A_1946 : vector<16xi32>
    %ge3A_1948 = arith.constant 249856 : i32
    %ge3A_1949 = vector.broadcast %ge3A_1948 : i32 to vector<16xi32>
    %ge3A_1950 = arith.cmpi sge, %get3A_1941, %ge3A_1949 : vector<16xi32>
    %jit3A_1951 = arith.constant 249856 : i32
    %jit3A_1952 = arith.constant 0 : i32
    %broadcast_in_dim3A_1953 = vector.broadcast %jit3A_1951 : i32 to vector<16xi32>
    %broadcast_in_dim3A_1954 = vector.broadcast %jit3A_1952 : i32 to vector<16xi32>
    %select_n3A_1955 = arith.select %ge3A_1950, %broadcast_in_dim3A_1953, %broadcast_in_dim3A_1954 : vector<16xi1>, vector<16xi32>
    %jit3A_1956 = arith.constant 499712 : i32
    %broadcast_in_dim3A_1957 = vector.broadcast %jit3A_1956 : i32 to vector<16xi32>
    %select_n3A_1958 = arith.select %ge3A_1947, %broadcast_in_dim3A_1957, %select_n3A_1955 : vector<16xi1>, vector<16xi32>
    %jit3A_1959 = arith.constant 749568 : i32
    %broadcast_in_dim3A_1960 = vector.broadcast %jit3A_1959 : i32 to vector<16xi32>
    %select_n3A_1961 = arith.select %ge3A_1944, %broadcast_in_dim3A_1960, %select_n3A_1958 : vector<16xi1>, vector<16xi32>
    %sub3A_1962 = arith.subi %get3A_1941, %select_n3A_1961 : vector<16xi32>
    %swap3A_1963 = arith.constant 3 : i32
    %swap3A_1964 = arith.constant 0 : i32
    %swap3A_1965 = tpu.memref_slice %arg13[%swap3A_1963, %swap3A_1964] : memref<4x128xi32, #tpu.memory_space<vmem>> -> memref<1x128xi32, #tpu.memory_space<vmem>>
    %swap3A_1966 = tpu.memref_squeeze %swap3A_1965 : memref<1x128xi32, #tpu.memory_space<vmem>> -> memref<128xi32, #tpu.memory_space<vmem>>
    %swap3A_1967 = arith.constant 32 : index
    %swap3A_1968 = tpu.vector_load %swap3A_1966[%swap3A_1967] {strides = array<i32>} : memref<128xi32, #tpu.memory_space<vmem>>, vector<16xi32>,
    %swap3A_1969 = vector.shape_cast %swap3A_1968 : vector<16xi32> to vector<16xi32>
    %swap3A_1970 = vector.shape_cast %sub3A_1962 : vector<16xi32> to vector<16xi32>
    tpu.vector_store %swap3A_1966[%swap3A_1967], %swap3A_1970 {strides = array<i32>} : memref<128xi32, #tpu.memory_space<vmem>>, vector<16xi32>,
    %get3A_1971 = arith.constant 3 : i32
    %get3A_1972 = arith.constant 0 : i32
    %get3A_1973 = tpu.memref_slice %arg12[%get3A_1971, %get3A_1972] : memref<4x128xi32, #tpu.memory_space<vmem>> -> memref<1x128xi32, #tpu.memory_space<vmem>>
    %get3A_1974 = tpu.memref_squeeze %get3A_1973 : memref<1x128xi32, #tpu.memory_space<vmem>> -> memref<128xi32, #tpu.memory_space<vmem>>
    %get3A_1975 = arith.constant 32 : index
    %get3A_1976 = tpu.vector_load %get3A_1974[%get3A_1975] {strides = array<i32>} : memref<128xi32, #tpu.memory_space<vmem>>, vector<16xi32>,
    %get3A_1977 = vector.shape_cast %get3A_1976 : vector<16xi32> to vector<16xi32>
    %ge3A_1978 = arith.constant 749568 : i32
    %ge3A_1979 = vector.broadcast %ge3A_1978 : i32 to vector<16xi32>
    %ge3A_1980 = arith.cmpi sge, %get3A_1977, %ge3A_1979 : vector<16xi32>
    %ge3A_1981 = arith.constant 499712 : i32
    %ge3A_1982 = vector.broadcast %ge3A_1981 : i32 to vector<16xi32>
    %ge3A_1983 = arith.cmpi sge, %get3A_1977, %ge3A_1982 : vector<16xi32>
    %ge3A_1984 = arith.constant 249856 : i32
    %ge3A_1985 = vector.broadcast %ge3A_1984 : i32 to vector<16xi32>
    %ge3A_1986 = arith.cmpi sge, %get3A_1977, %ge3A_1985 : vector<16xi32>
    %jit3A_1987 = arith.constant 249856 : i32
    %jit3A_1988 = arith.constant 0 : i32
    %broadcast_in_dim3A_1989 = vector.broadcast %jit3A_1987 : i32 to vector<16xi32>
    %broadcast_in_dim3A_1990 = vector.broadcast %jit3A_1988 : i32 to vector<16xi32>
    %select_n3A_1991 = arith.select %ge3A_1986, %broadcast_in_dim3A_1989, %broadcast_in_dim3A_1990 : vector<16xi1>, vector<16xi32>
    %jit3A_1992 = arith.constant 499712 : i32
    %broadcast_in_dim3A_1993 = vector.broadcast %jit3A_1992 : i32 to vector<16xi32>
    %select_n3A_1994 = arith.select %ge3A_1983, %broadcast_in_dim3A_1993, %select_n3A_1991 : vector<16xi1>, vector<16xi32>
    %jit3A_1995 = arith.constant 749568 : i32
    %broadcast_in_dim3A_1996 = vector.broadcast %jit3A_1995 : i32 to vector<16xi32>
    %select_n3A_1997 = arith.select %ge3A_1980, %broadcast_in_dim3A_1996, %select_n3A_1994 : vector<16xi1>, vector<16xi32>
    %sub3A_1998 = arith.subi %get3A_1977, %select_n3A_1997 : vector<16xi32>
    %swap3A_1999 = arith.constant 3 : i32
    %swap3A_2000 = arith.constant 0 : i32
    %swap3A_2001 = tpu.memref_slice %arg14[%swap3A_1999, %swap3A_2000] : memref<4x128xi32, #tpu.memory_space<vmem>> -> memref<1x128xi32, #tpu.memory_space<vmem>>
    %swap3A_2002 = tpu.memref_squeeze %swap3A_2001 : memref<1x128xi32, #tpu.memory_space<vmem>> -> memref<128xi32, #tpu.memory_space<vmem>>
    %swap3A_2003 = arith.constant 32 : index
    %swap3A_2004 = tpu.vector_load %swap3A_2002[%swap3A_2003] {strides = array<i32>} : memref<128xi32, #tpu.memory_space<vmem>>, vector<16xi32>,
    %swap3A_2005 = vector.shape_cast %swap3A_2004 : vector<16xi32> to vector<16xi32>
    %swap3A_2006 = vector.shape_cast %sub3A_1998 : vector<16xi32> to vector<16xi32>
    tpu.vector_store %swap3A_2002[%swap3A_2003], %swap3A_2006 {strides = array<i32>} : memref<128xi32, #tpu.memory_space<vmem>>, vector<16xi32>,
    %get3A_2007 = arith.constant 3 : i32
    %get3A_2008 = arith.constant 0 : i32
    %get3A_2009 = tpu.memref_slice %arg11[%get3A_2007, %get3A_2008] : memref<4x128xi32, #tpu.memory_space<vmem>> -> memref<1x128xi32, #tpu.memory_space<vmem>>
    %get3A_2010 = tpu.memref_squeeze %get3A_2009 : memref<1x128xi32, #tpu.memory_space<vmem>> -> memref<128xi32, #tpu.memory_space<vmem>>
    %get3A_2011 = arith.constant 48 : index
    %get3A_2012 = tpu.vector_load %get3A_2010[%get3A_2011] {strides = array<i32>} : memref<128xi32, #tpu.memory_space<vmem>>, vector<16xi32>,
    %get3A_2013 = vector.shape_cast %get3A_2012 : vector<16xi32> to vector<16xi32>
    %ge3A_2014 = arith.constant 749568 : i32
    %ge3A_2015 = vector.broadcast %ge3A_2014 : i32 to vector<16xi32>
    %ge3A_2016 = arith.cmpi sge, %get3A_2013, %ge3A_2015 : vector<16xi32>
    %ge3A_2017 = arith.constant 499712 : i32
    %ge3A_2018 = vector.broadcast %ge3A_2017 : i32 to vector<16xi32>
    %ge3A_2019 = arith.cmpi sge, %get3A_2013, %ge3A_2018 : vector<16xi32>
    %ge3A_2020 = arith.constant 249856 : i32
    %ge3A_2021 = vector.broadcast %ge3A_2020 : i32 to vector<16xi32>
    %ge3A_2022 = arith.cmpi sge, %get3A_2013, %ge3A_2021 : vector<16xi32>
    %jit3A_2023 = arith.constant 249856 : i32
    %jit3A_2024 = arith.constant 0 : i32
    %broadcast_in_dim3A_2025 = vector.broadcast %jit3A_2023 : i32 to vector<16xi32>
    %broadcast_in_dim3A_2026 = vector.broadcast %jit3A_2024 : i32 to vector<16xi32>
    %select_n3A_2027 = arith.select %ge3A_2022, %broadcast_in_dim3A_2025, %broadcast_in_dim3A_2026 : vector<16xi1>, vector<16xi32>
    %jit3A_2028 = arith.constant 499712 : i32
    %broadcast_in_dim3A_2029 = vector.broadcast %jit3A_2028 : i32 to vector<16xi32>
    %select_n3A_2030 = arith.select %ge3A_2019, %broadcast_in_dim3A_2029, %select_n3A_2027 : vector<16xi1>, vector<16xi32>
    %jit3A_2031 = arith.constant 749568 : i32
    %broadcast_in_dim3A_2032 = vector.broadcast %jit3A_2031 : i32 to vector<16xi32>
    %select_n3A_2033 = arith.select %ge3A_2016, %broadcast_in_dim3A_2032, %select_n3A_2030 : vector<16xi1>, vector<16xi32>
    %sub3A_2034 = arith.subi %get3A_2013, %select_n3A_2033 : vector<16xi32>
    %swap3A_2035 = arith.constant 3 : i32
    %swap3A_2036 = arith.constant 0 : i32
    %swap3A_2037 = tpu.memref_slice %arg13[%swap3A_2035, %swap3A_2036] : memref<4x128xi32, #tpu.memory_space<vmem>> -> memref<1x128xi32, #tpu.memory_space<vmem>>
    %swap3A_2038 = tpu.memref_squeeze %swap3A_2037 : memref<1x128xi32, #tpu.memory_space<vmem>> -> memref<128xi32, #tpu.memory_space<vmem>>
    %swap3A_2039 = arith.constant 48 : index
    %swap3A_2040 = tpu.vector_load %swap3A_2038[%swap3A_2039] {strides = array<i32>} : memref<128xi32, #tpu.memory_space<vmem>>, vector<16xi32>,
    %swap3A_2041 = vector.shape_cast %swap3A_2040 : vector<16xi32> to vector<16xi32>
    %swap3A_2042 = vector.shape_cast %sub3A_2034 : vector<16xi32> to vector<16xi32>
    tpu.vector_store %swap3A_2038[%swap3A_2039], %swap3A_2042 {strides = array<i32>} : memref<128xi32, #tpu.memory_space<vmem>>, vector<16xi32>,
    %get3A_2043 = arith.constant 3 : i32
    %get3A_2044 = arith.constant 0 : i32
    %get3A_2045 = tpu.memref_slice %arg12[%get3A_2043, %get3A_2044] : memref<4x128xi32, #tpu.memory_space<vmem>> -> memref<1x128xi32, #tpu.memory_space<vmem>>
    %get3A_2046 = tpu.memref_squeeze %get3A_2045 : memref<1x128xi32, #tpu.memory_space<vmem>> -> memref<128xi32, #tpu.memory_space<vmem>>
    %get3A_2047 = arith.constant 48 : index
    %get3A_2048 = tpu.vector_load %get3A_2046[%get3A_2047] {strides = array<i32>} : memref<128xi32, #tpu.memory_space<vmem>>, vector<16xi32>,
    %get3A_2049 = vector.shape_cast %get3A_2048 : vector<16xi32> to vector<16xi32>
    %ge3A_2050 = arith.constant 749568 : i32
    %ge3A_2051 = vector.broadcast %ge3A_2050 : i32 to vector<16xi32>
    %ge3A_2052 = arith.cmpi sge, %get3A_2049, %ge3A_2051 : vector<16xi32>
    %ge3A_2053 = arith.constant 499712 : i32
    %ge3A_2054 = vector.broadcast %ge3A_2053 : i32 to vector<16xi32>
    %ge3A_2055 = arith.cmpi sge, %get3A_2049, %ge3A_2054 : vector<16xi32>
    %ge3A_2056 = arith.constant 249856 : i32
    %ge3A_2057 = vector.broadcast %ge3A_2056 : i32 to vector<16xi32>
    %ge3A_2058 = arith.cmpi sge, %get3A_2049, %ge3A_2057 : vector<16xi32>
    %jit3A_2059 = arith.constant 249856 : i32
    %jit3A_2060 = arith.constant 0 : i32
    %broadcast_in_dim3A_2061 = vector.broadcast %jit3A_2059 : i32 to vector<16xi32>
    %broadcast_in_dim3A_2062 = vector.broadcast %jit3A_2060 : i32 to vector<16xi32>
    %select_n3A_2063 = arith.select %ge3A_2058, %broadcast_in_dim3A_2061, %broadcast_in_dim3A_2062 : vector<16xi1>, vector<16xi32>
    %jit3A_2064 = arith.constant 499712 : i32
    %broadcast_in_dim3A_2065 = vector.broadcast %jit3A_2064 : i32 to vector<16xi32>
    %select_n3A_2066 = arith.select %ge3A_2055, %broadcast_in_dim3A_2065, %select_n3A_2063 : vector<16xi1>, vector<16xi32>
    %jit3A_2067 = arith.constant 749568 : i32
    %broadcast_in_dim3A_2068 = vector.broadcast %jit3A_2067 : i32 to vector<16xi32>
    %select_n3A_2069 = arith.select %ge3A_2052, %broadcast_in_dim3A_2068, %select_n3A_2066 : vector<16xi1>, vector<16xi32>
    %sub3A_2070 = arith.subi %get3A_2049, %select_n3A_2069 : vector<16xi32>
    %swap3A_2071 = arith.constant 3 : i32
    %swap3A_2072 = arith.constant 0 : i32
    %swap3A_2073 = tpu.memref_slice %arg14[%swap3A_2071, %swap3A_2072] : memref<4x128xi32, #tpu.memory_space<vmem>> -> memref<1x128xi32, #tpu.memory_space<vmem>>
    %swap3A_2074 = tpu.memref_squeeze %swap3A_2073 : memref<1x128xi32, #tpu.memory_space<vmem>> -> memref<128xi32, #tpu.memory_space<vmem>>
    %swap3A_2075 = arith.constant 48 : index
    %swap3A_2076 = tpu.vector_load %swap3A_2074[%swap3A_2075] {strides = array<i32>} : memref<128xi32, #tpu.memory_space<vmem>>, vector<16xi32>,
    %swap3A_2077 = vector.shape_cast %swap3A_2076 : vector<16xi32> to vector<16xi32>
    %swap3A_2078 = vector.shape_cast %sub3A_2070 : vector<16xi32> to vector<16xi32>
    tpu.vector_store %swap3A_2074[%swap3A_2075], %swap3A_2078 {strides = array<i32>} : memref<128xi32, #tpu.memory_space<vmem>>, vector<16xi32>,
    %get3A_2079 = arith.constant 3 : i32
    %get3A_2080 = arith.constant 0 : i32
    %get3A_2081 = tpu.memref_slice %arg11[%get3A_2079, %get3A_2080] : memref<4x128xi32, #tpu.memory_space<vmem>> -> memref<1x128xi32, #tpu.memory_space<vmem>>
    %get3A_2082 = tpu.memref_squeeze %get3A_2081 : memref<1x128xi32, #tpu.memory_space<vmem>> -> memref<128xi32, #tpu.memory_space<vmem>>
    %get3A_2083 = arith.constant 64 : index
    %get3A_2084 = tpu.vector_load %get3A_2082[%get3A_2083] {strides = array<i32>} : memref<128xi32, #tpu.memory_space<vmem>>, vector<16xi32>,
    %get3A_2085 = vector.shape_cast %get3A_2084 : vector<16xi32> to vector<16xi32>
    %ge3A_2086 = arith.constant 749568 : i32
    %ge3A_2087 = vector.broadcast %ge3A_2086 : i32 to vector<16xi32>
    %ge3A_2088 = arith.cmpi sge, %get3A_2085, %ge3A_2087 : vector<16xi32>
    %ge3A_2089 = arith.constant 499712 : i32
    %ge3A_2090 = vector.broadcast %ge3A_2089 : i32 to vector<16xi32>
    %ge3A_2091 = arith.cmpi sge, %get3A_2085, %ge3A_2090 : vector<16xi32>
    %ge3A_2092 = arith.constant 249856 : i32
    %ge3A_2093 = vector.broadcast %ge3A_2092 : i32 to vector<16xi32>
    %ge3A_2094 = arith.cmpi sge, %get3A_2085, %ge3A_2093 : vector<16xi32>
    %jit3A_2095 = arith.constant 249856 : i32
    %jit3A_2096 = arith.constant 0 : i32
    %broadcast_in_dim3A_2097 = vector.broadcast %jit3A_2095 : i32 to vector<16xi32>
    %broadcast_in_dim3A_2098 = vector.broadcast %jit3A_2096 : i32 to vector<16xi32>
    %select_n3A_2099 = arith.select %ge3A_2094, %broadcast_in_dim3A_2097, %broadcast_in_dim3A_2098 : vector<16xi1>, vector<16xi32>
    %jit3A_2100 = arith.constant 499712 : i32
    %broadcast_in_dim3A_2101 = vector.broadcast %jit3A_2100 : i32 to vector<16xi32>
    %select_n3A_2102 = arith.select %ge3A_2091, %broadcast_in_dim3A_2101, %select_n3A_2099 : vector<16xi1>, vector<16xi32>
    %jit3A_2103 = arith.constant 749568 : i32
    %broadcast_in_dim3A_2104 = vector.broadcast %jit3A_2103 : i32 to vector<16xi32>
    %select_n3A_2105 = arith.select %ge3A_2088, %broadcast_in_dim3A_2104, %select_n3A_2102 : vector<16xi1>, vector<16xi32>
    %sub3A_2106 = arith.subi %get3A_2085, %select_n3A_2105 : vector<16xi32>
    %swap3A_2107 = arith.constant 3 : i32
    %swap3A_2108 = arith.constant 0 : i32
    %swap3A_2109 = tpu.memref_slice %arg13[%swap3A_2107, %swap3A_2108] : memref<4x128xi32, #tpu.memory_space<vmem>> -> memref<1x128xi32, #tpu.memory_space<vmem>>
    %swap3A_2110 = tpu.memref_squeeze %swap3A_2109 : memref<1x128xi32, #tpu.memory_space<vmem>> -> memref<128xi32, #tpu.memory_space<vmem>>
    %swap3A_2111 = arith.constant 64 : index
    %swap3A_2112 = tpu.vector_load %swap3A_2110[%swap3A_2111] {strides = array<i32>} : memref<128xi32, #tpu.memory_space<vmem>>, vector<16xi32>,
    %swap3A_2113 = vector.shape_cast %swap3A_2112 : vector<16xi32> to vector<16xi32>
    %swap3A_2114 = vector.shape_cast %sub3A_2106 : vector<16xi32> to vector<16xi32>
    tpu.vector_store %swap3A_2110[%swap3A_2111], %swap3A_2114 {strides = array<i32>} : memref<128xi32, #tpu.memory_space<vmem>>, vector<16xi32>,
    %get3A_2115 = arith.constant 3 : i32
    %get3A_2116 = arith.constant 0 : i32
    %get3A_2117 = tpu.memref_slice %arg12[%get3A_2115, %get3A_2116] : memref<4x128xi32, #tpu.memory_space<vmem>> -> memref<1x128xi32, #tpu.memory_space<vmem>>
    %get3A_2118 = tpu.memref_squeeze %get3A_2117 : memref<1x128xi32, #tpu.memory_space<vmem>> -> memref<128xi32, #tpu.memory_space<vmem>>
    %get3A_2119 = arith.constant 64 : index
    %get3A_2120 = tpu.vector_load %get3A_2118[%get3A_2119] {strides = array<i32>} : memref<128xi32, #tpu.memory_space<vmem>>, vector<16xi32>,
    %get3A_2121 = vector.shape_cast %get3A_2120 : vector<16xi32> to vector<16xi32>
    %ge3A_2122 = arith.constant 749568 : i32
    %ge3A_2123 = vector.broadcast %ge3A_2122 : i32 to vector<16xi32>
    %ge3A_2124 = arith.cmpi sge, %get3A_2121, %ge3A_2123 : vector<16xi32>
    %ge3A_2125 = arith.constant 499712 : i32
    %ge3A_2126 = vector.broadcast %ge3A_2125 : i32 to vector<16xi32>
    %ge3A_2127 = arith.cmpi sge, %get3A_2121, %ge3A_2126 : vector<16xi32>
    %ge3A_2128 = arith.constant 249856 : i32
    %ge3A_2129 = vector.broadcast %ge3A_2128 : i32 to vector<16xi32>
    %ge3A_2130 = arith.cmpi sge, %get3A_2121, %ge3A_2129 : vector<16xi32>
    %jit3A_2131 = arith.constant 249856 : i32
    %jit3A_2132 = arith.constant 0 : i32
    %broadcast_in_dim3A_2133 = vector.broadcast %jit3A_2131 : i32 to vector<16xi32>
    %broadcast_in_dim3A_2134 = vector.broadcast %jit3A_2132 : i32 to vector<16xi32>
    %select_n3A_2135 = arith.select %ge3A_2130, %broadcast_in_dim3A_2133, %broadcast_in_dim3A_2134 : vector<16xi1>, vector<16xi32>
    %jit3A_2136 = arith.constant 499712 : i32
    %broadcast_in_dim3A_2137 = vector.broadcast %jit3A_2136 : i32 to vector<16xi32>
    %select_n3A_2138 = arith.select %ge3A_2127, %broadcast_in_dim3A_2137, %select_n3A_2135 : vector<16xi1>, vector<16xi32>
    %jit3A_2139 = arith.constant 749568 : i32
    %broadcast_in_dim3A_2140 = vector.broadcast %jit3A_2139 : i32 to vector<16xi32>
    %select_n3A_2141 = arith.select %ge3A_2124, %broadcast_in_dim3A_2140, %select_n3A_2138 : vector<16xi1>, vector<16xi32>
    %sub3A_2142 = arith.subi %get3A_2121, %select_n3A_2141 : vector<16xi32>
    %swap3A_2143 = arith.constant 3 : i32
    %swap3A_2144 = arith.constant 0 : i32
    %swap3A_2145 = tpu.memref_slice %arg14[%swap3A_2143, %swap3A_2144] : memref<4x128xi32, #tpu.memory_space<vmem>> -> memref<1x128xi32, #tpu.memory_space<vmem>>
    %swap3A_2146 = tpu.memref_squeeze %swap3A_2145 : memref<1x128xi32, #tpu.memory_space<vmem>> -> memref<128xi32, #tpu.memory_space<vmem>>
    %swap3A_2147 = arith.constant 64 : index
    %swap3A_2148 = tpu.vector_load %swap3A_2146[%swap3A_2147] {strides = array<i32>} : memref<128xi32, #tpu.memory_space<vmem>>, vector<16xi32>,
    %swap3A_2149 = vector.shape_cast %swap3A_2148 : vector<16xi32> to vector<16xi32>
    %swap3A_2150 = vector.shape_cast %sub3A_2142 : vector<16xi32> to vector<16xi32>
    tpu.vector_store %swap3A_2146[%swap3A_2147], %swap3A_2150 {strides = array<i32>} : memref<128xi32, #tpu.memory_space<vmem>>, vector<16xi32>,
    %get3A_2151 = arith.constant 3 : i32
    %get3A_2152 = arith.constant 0 : i32
    %get3A_2153 = tpu.memref_slice %arg11[%get3A_2151, %get3A_2152] : memref<4x128xi32, #tpu.memory_space<vmem>> -> memref<1x128xi32, #tpu.memory_space<vmem>>
    %get3A_2154 = tpu.memref_squeeze %get3A_2153 : memref<1x128xi32, #tpu.memory_space<vmem>> -> memref<128xi32, #tpu.memory_space<vmem>>
    %get3A_2155 = arith.constant 80 : index
    %get3A_2156 = tpu.vector_load %get3A_2154[%get3A_2155] {strides = array<i32>} : memref<128xi32, #tpu.memory_space<vmem>>, vector<16xi32>,
    %get3A_2157 = vector.shape_cast %get3A_2156 : vector<16xi32> to vector<16xi32>
    %ge3A_2158 = arith.constant 749568 : i32
    %ge3A_2159 = vector.broadcast %ge3A_2158 : i32 to vector<16xi32>
    %ge3A_2160 = arith.cmpi sge, %get3A_2157, %ge3A_2159 : vector<16xi32>
    %ge3A_2161 = arith.constant 499712 : i32
    %ge3A_2162 = vector.broadcast %ge3A_2161 : i32 to vector<16xi32>
    %ge3A_2163 = arith.cmpi sge, %get3A_2157, %ge3A_2162 : vector<16xi32>
    %ge3A_2164 = arith.constant 249856 : i32
    %ge3A_2165 = vector.broadcast %ge3A_2164 : i32 to vector<16xi32>
    %ge3A_2166 = arith.cmpi sge, %get3A_2157, %ge3A_2165 : vector<16xi32>
    %jit3A_2167 = arith.constant 249856 : i32
    %jit3A_2168 = arith.constant 0 : i32
    %broadcast_in_dim3A_2169 = vector.broadcast %jit3A_2167 : i32 to vector<16xi32>
    %broadcast_in_dim3A_2170 = vector.broadcast %jit3A_2168 : i32 to vector<16xi32>
    %select_n3A_2171 = arith.select %ge3A_2166, %broadcast_in_dim3A_2169, %broadcast_in_dim3A_2170 : vector<16xi1>, vector<16xi32>
    %jit3A_2172 = arith.constant 499712 : i32
    %broadcast_in_dim3A_2173 = vector.broadcast %jit3A_2172 : i32 to vector<16xi32>
    %select_n3A_2174 = arith.select %ge3A_2163, %broadcast_in_dim3A_2173, %select_n3A_2171 : vector<16xi1>, vector<16xi32>
    %jit3A_2175 = arith.constant 749568 : i32
    %broadcast_in_dim3A_2176 = vector.broadcast %jit3A_2175 : i32 to vector<16xi32>
    %select_n3A_2177 = arith.select %ge3A_2160, %broadcast_in_dim3A_2176, %select_n3A_2174 : vector<16xi1>, vector<16xi32>
    %sub3A_2178 = arith.subi %get3A_2157, %select_n3A_2177 : vector<16xi32>
    %swap3A_2179 = arith.constant 3 : i32
    %swap3A_2180 = arith.constant 0 : i32
    %swap3A_2181 = tpu.memref_slice %arg13[%swap3A_2179, %swap3A_2180] : memref<4x128xi32, #tpu.memory_space<vmem>> -> memref<1x128xi32, #tpu.memory_space<vmem>>
    %swap3A_2182 = tpu.memref_squeeze %swap3A_2181 : memref<1x128xi32, #tpu.memory_space<vmem>> -> memref<128xi32, #tpu.memory_space<vmem>>
    %swap3A_2183 = arith.constant 80 : index
    %swap3A_2184 = tpu.vector_load %swap3A_2182[%swap3A_2183] {strides = array<i32>} : memref<128xi32, #tpu.memory_space<vmem>>, vector<16xi32>,
    %swap3A_2185 = vector.shape_cast %swap3A_2184 : vector<16xi32> to vector<16xi32>
    %swap3A_2186 = vector.shape_cast %sub3A_2178 : vector<16xi32> to vector<16xi32>
    tpu.vector_store %swap3A_2182[%swap3A_2183], %swap3A_2186 {strides = array<i32>} : memref<128xi32, #tpu.memory_space<vmem>>, vector<16xi32>,
    %get3A_2187 = arith.constant 3 : i32
    %get3A_2188 = arith.constant 0 : i32
    %get3A_2189 = tpu.memref_slice %arg12[%get3A_2187, %get3A_2188] : memref<4x128xi32, #tpu.memory_space<vmem>> -> memref<1x128xi32, #tpu.memory_space<vmem>>
    %get3A_2190 = tpu.memref_squeeze %get3A_2189 : memref<1x128xi32, #tpu.memory_space<vmem>> -> memref<128xi32, #tpu.memory_space<vmem>>
    %get3A_2191 = arith.constant 80 : index
    %get3A_2192 = tpu.vector_load %get3A_2190[%get3A_2191] {strides = array<i32>} : memref<128xi32, #tpu.memory_space<vmem>>, vector<16xi32>,
    %get3A_2193 = vector.shape_cast %get3A_2192 : vector<16xi32> to vector<16xi32>
    %ge3A_2194 = arith.constant 749568 : i32
    %ge3A_2195 = vector.broadcast %ge3A_2194 : i32 to vector<16xi32>
    %ge3A_2196 = arith.cmpi sge, %get3A_2193, %ge3A_2195 : vector<16xi32>
    %ge3A_2197 = arith.constant 499712 : i32
    %ge3A_2198 = vector.broadcast %ge3A_2197 : i32 to vector<16xi32>
    %ge3A_2199 = arith.cmpi sge, %get3A_2193, %ge3A_2198 : vector<16xi32>
    %ge3A_2200 = arith.constant 249856 : i32
    %ge3A_2201 = vector.broadcast %ge3A_2200 : i32 to vector<16xi32>
    %ge3A_2202 = arith.cmpi sge, %get3A_2193, %ge3A_2201 : vector<16xi32>
    %jit3A_2203 = arith.constant 249856 : i32
    %jit3A_2204 = arith.constant 0 : i32
    %broadcast_in_dim3A_2205 = vector.broadcast %jit3A_2203 : i32 to vector<16xi32>
    %broadcast_in_dim3A_2206 = vector.broadcast %jit3A_2204 : i32 to vector<16xi32>
    %select_n3A_2207 = arith.select %ge3A_2202, %broadcast_in_dim3A_2205, %broadcast_in_dim3A_2206 : vector<16xi1>, vector<16xi32>
    %jit3A_2208 = arith.constant 499712 : i32
    %broadcast_in_dim3A_2209 = vector.broadcast %jit3A_2208 : i32 to vector<16xi32>
    %select_n3A_2210 = arith.select %ge3A_2199, %broadcast_in_dim3A_2209, %select_n3A_2207 : vector<16xi1>, vector<16xi32>
    %jit3A_2211 = arith.constant 749568 : i32
    %broadcast_in_dim3A_2212 = vector.broadcast %jit3A_2211 : i32 to vector<16xi32>
    %select_n3A_2213 = arith.select %ge3A_2196, %broadcast_in_dim3A_2212, %select_n3A_2210 : vector<16xi1>, vector<16xi32>
    %sub3A_2214 = arith.subi %get3A_2193, %select_n3A_2213 : vector<16xi32>
    %swap3A_2215 = arith.constant 3 : i32
    %swap3A_2216 = arith.constant 0 : i32
    %swap3A_2217 = tpu.memref_slice %arg14[%swap3A_2215, %swap3A_2216] : memref<4x128xi32, #tpu.memory_space<vmem>> -> memref<1x128xi32, #tpu.memory_space<vmem>>
    %swap3A_2218 = tpu.memref_squeeze %swap3A_2217 : memref<1x128xi32, #tpu.memory_space<vmem>> -> memref<128xi32, #tpu.memory_space<vmem>>
    %swap3A_2219 = arith.constant 80 : index
    %swap3A_2220 = tpu.vector_load %swap3A_2218[%swap3A_2219] {strides = array<i32>} : memref<128xi32, #tpu.memory_space<vmem>>, vector<16xi32>,
    %swap3A_2221 = vector.shape_cast %swap3A_2220 : vector<16xi32> to vector<16xi32>
    %swap3A_2222 = vector.shape_cast %sub3A_2214 : vector<16xi32> to vector<16xi32>
    tpu.vector_store %swap3A_2218[%swap3A_2219], %swap3A_2222 {strides = array<i32>} : memref<128xi32, #tpu.memory_space<vmem>>, vector<16xi32>,
    %get3A_2223 = arith.constant 3 : i32
    %get3A_2224 = arith.constant 0 : i32
    %get3A_2225 = tpu.memref_slice %arg11[%get3A_2223, %get3A_2224] : memref<4x128xi32, #tpu.memory_space<vmem>> -> memref<1x128xi32, #tpu.memory_space<vmem>>
    %get3A_2226 = tpu.memref_squeeze %get3A_2225 : memref<1x128xi32, #tpu.memory_space<vmem>> -> memref<128xi32, #tpu.memory_space<vmem>>
    %get3A_2227 = arith.constant 96 : index
    %get3A_2228 = tpu.vector_load %get3A_2226[%get3A_2227] {strides = array<i32>} : memref<128xi32, #tpu.memory_space<vmem>>, vector<16xi32>,
    %get3A_2229 = vector.shape_cast %get3A_2228 : vector<16xi32> to vector<16xi32>
    %ge3A_2230 = arith.constant 749568 : i32
    %ge3A_2231 = vector.broadcast %ge3A_2230 : i32 to vector<16xi32>
    %ge3A_2232 = arith.cmpi sge, %get3A_2229, %ge3A_2231 : vector<16xi32>
    %ge3A_2233 = arith.constant 499712 : i32
    %ge3A_2234 = vector.broadcast %ge3A_2233 : i32 to vector<16xi32>
    %ge3A_2235 = arith.cmpi sge, %get3A_2229, %ge3A_2234 : vector<16xi32>
    %ge3A_2236 = arith.constant 249856 : i32
    %ge3A_2237 = vector.broadcast %ge3A_2236 : i32 to vector<16xi32>
    %ge3A_2238 = arith.cmpi sge, %get3A_2229, %ge3A_2237 : vector<16xi32>
    %jit3A_2239 = arith.constant 249856 : i32
    %jit3A_2240 = arith.constant 0 : i32
    %broadcast_in_dim3A_2241 = vector.broadcast %jit3A_2239 : i32 to vector<16xi32>
    %broadcast_in_dim3A_2242 = vector.broadcast %jit3A_2240 : i32 to vector<16xi32>
    %select_n3A_2243 = arith.select %ge3A_2238, %broadcast_in_dim3A_2241, %broadcast_in_dim3A_2242 : vector<16xi1>, vector<16xi32>
    %jit3A_2244 = arith.constant 499712 : i32
    %broadcast_in_dim3A_2245 = vector.broadcast %jit3A_2244 : i32 to vector<16xi32>
    %select_n3A_2246 = arith.select %ge3A_2235, %broadcast_in_dim3A_2245, %select_n3A_2243 : vector<16xi1>, vector<16xi32>
    %jit3A_2247 = arith.constant 749568 : i32
    %broadcast_in_dim3A_2248 = vector.broadcast %jit3A_2247 : i32 to vector<16xi32>
    %select_n3A_2249 = arith.select %ge3A_2232, %broadcast_in_dim3A_2248, %select_n3A_2246 : vector<16xi1>, vector<16xi32>
    %sub3A_2250 = arith.subi %get3A_2229, %select_n3A_2249 : vector<16xi32>
    %swap3A_2251 = arith.constant 3 : i32
    %swap3A_2252 = arith.constant 0 : i32
    %swap3A_2253 = tpu.memref_slice %arg13[%swap3A_2251, %swap3A_2252] : memref<4x128xi32, #tpu.memory_space<vmem>> -> memref<1x128xi32, #tpu.memory_space<vmem>>
    %swap3A_2254 = tpu.memref_squeeze %swap3A_2253 : memref<1x128xi32, #tpu.memory_space<vmem>> -> memref<128xi32, #tpu.memory_space<vmem>>
    %swap3A_2255 = arith.constant 96 : index
    %swap3A_2256 = tpu.vector_load %swap3A_2254[%swap3A_2255] {strides = array<i32>} : memref<128xi32, #tpu.memory_space<vmem>>, vector<16xi32>,
    %swap3A_2257 = vector.shape_cast %swap3A_2256 : vector<16xi32> to vector<16xi32>
    %swap3A_2258 = vector.shape_cast %sub3A_2250 : vector<16xi32> to vector<16xi32>
    tpu.vector_store %swap3A_2254[%swap3A_2255], %swap3A_2258 {strides = array<i32>} : memref<128xi32, #tpu.memory_space<vmem>>, vector<16xi32>,
    %get3A_2259 = arith.constant 3 : i32
    %get3A_2260 = arith.constant 0 : i32
    %get3A_2261 = tpu.memref_slice %arg12[%get3A_2259, %get3A_2260] : memref<4x128xi32, #tpu.memory_space<vmem>> -> memref<1x128xi32, #tpu.memory_space<vmem>>
    %get3A_2262 = tpu.memref_squeeze %get3A_2261 : memref<1x128xi32, #tpu.memory_space<vmem>> -> memref<128xi32, #tpu.memory_space<vmem>>
    %get3A_2263 = arith.constant 96 : index
    %get3A_2264 = tpu.vector_load %get3A_2262[%get3A_2263] {strides = array<i32>} : memref<128xi32, #tpu.memory_space<vmem>>, vector<16xi32>,
    %get3A_2265 = vector.shape_cast %get3A_2264 : vector<16xi32> to vector<16xi32>
    %ge3A_2266 = arith.constant 749568 : i32
    %ge3A_2267 = vector.broadcast %ge3A_2266 : i32 to vector<16xi32>
    %ge3A_2268 = arith.cmpi sge, %get3A_2265, %ge3A_2267 : vector<16xi32>
    %ge3A_2269 = arith.constant 499712 : i32
    %ge3A_2270 = vector.broadcast %ge3A_2269 : i32 to vector<16xi32>
    %ge3A_2271 = arith.cmpi sge, %get3A_2265, %ge3A_2270 : vector<16xi32>
    %ge3A_2272 = arith.constant 249856 : i32
    %ge3A_2273 = vector.broadcast %ge3A_2272 : i32 to vector<16xi32>
    %ge3A_2274 = arith.cmpi sge, %get3A_2265, %ge3A_2273 : vector<16xi32>
    %jit3A_2275 = arith.constant 249856 : i32
    %jit3A_2276 = arith.constant 0 : i32
    %broadcast_in_dim3A_2277 = vector.broadcast %jit3A_2275 : i32 to vector<16xi32>
    %broadcast_in_dim3A_2278 = vector.broadcast %jit3A_2276 : i32 to vector<16xi32>
    %select_n3A_2279 = arith.select %ge3A_2274, %broadcast_in_dim3A_2277, %broadcast_in_dim3A_2278 : vector<16xi1>, vector<16xi32>
    %jit3A_2280 = arith.constant 499712 : i32
    %broadcast_in_dim3A_2281 = vector.broadcast %jit3A_2280 : i32 to vector<16xi32>
    %select_n3A_2282 = arith.select %ge3A_2271, %broadcast_in_dim3A_2281, %select_n3A_2279 : vector<16xi1>, vector<16xi32>
    %jit3A_2283 = arith.constant 749568 : i32
    %broadcast_in_dim3A_2284 = vector.broadcast %jit3A_2283 : i32 to vector<16xi32>
    %select_n3A_2285 = arith.select %ge3A_2268, %broadcast_in_dim3A_2284, %select_n3A_2282 : vector<16xi1>, vector<16xi32>
    %sub3A_2286 = arith.subi %get3A_2265, %select_n3A_2285 : vector<16xi32>
    %swap3A_2287 = arith.constant 3 : i32
    %swap3A_2288 = arith.constant 0 : i32
    %swap3A_2289 = tpu.memref_slice %arg14[%swap3A_2287, %swap3A_2288] : memref<4x128xi32, #tpu.memory_space<vmem>> -> memref<1x128xi32, #tpu.memory_space<vmem>>
    %swap3A_2290 = tpu.memref_squeeze %swap3A_2289 : memref<1x128xi32, #tpu.memory_space<vmem>> -> memref<128xi32, #tpu.memory_space<vmem>>
    %swap3A_2291 = arith.constant 96 : index
    %swap3A_2292 = tpu.vector_load %swap3A_2290[%swap3A_2291] {strides = array<i32>} : memref<128xi32, #tpu.memory_space<vmem>>, vector<16xi32>,
    %swap3A_2293 = vector.shape_cast %swap3A_2292 : vector<16xi32> to vector<16xi32>
    %swap3A_2294 = vector.shape_cast %sub3A_2286 : vector<16xi32> to vector<16xi32>
    tpu.vector_store %swap3A_2290[%swap3A_2291], %swap3A_2294 {strides = array<i32>} : memref<128xi32, #tpu.memory_space<vmem>>, vector<16xi32>,
    %get3A_2295 = arith.constant 3 : i32
    %get3A_2296 = arith.constant 0 : i32
    %get3A_2297 = tpu.memref_slice %arg11[%get3A_2295, %get3A_2296] : memref<4x128xi32, #tpu.memory_space<vmem>> -> memref<1x128xi32, #tpu.memory_space<vmem>>
    %get3A_2298 = tpu.memref_squeeze %get3A_2297 : memref<1x128xi32, #tpu.memory_space<vmem>> -> memref<128xi32, #tpu.memory_space<vmem>>
    %get3A_2299 = arith.constant 112 : index
    %get3A_2300 = tpu.vector_load %get3A_2298[%get3A_2299] {strides = array<i32>} : memref<128xi32, #tpu.memory_space<vmem>>, vector<16xi32>,
    %get3A_2301 = vector.shape_cast %get3A_2300 : vector<16xi32> to vector<16xi32>
    %ge3A_2302 = arith.constant 749568 : i32
    %ge3A_2303 = vector.broadcast %ge3A_2302 : i32 to vector<16xi32>
    %ge3A_2304 = arith.cmpi sge, %get3A_2301, %ge3A_2303 : vector<16xi32>
    %ge3A_2305 = arith.constant 499712 : i32
    %ge3A_2306 = vector.broadcast %ge3A_2305 : i32 to vector<16xi32>
    %ge3A_2307 = arith.cmpi sge, %get3A_2301, %ge3A_2306 : vector<16xi32>
    %ge3A_2308 = arith.constant 249856 : i32
    %ge3A_2309 = vector.broadcast %ge3A_2308 : i32 to vector<16xi32>
    %ge3A_2310 = arith.cmpi sge, %get3A_2301, %ge3A_2309 : vector<16xi32>
    %jit3A_2311 = arith.constant 249856 : i32
    %jit3A_2312 = arith.constant 0 : i32
    %broadcast_in_dim3A_2313 = vector.broadcast %jit3A_2311 : i32 to vector<16xi32>
    %broadcast_in_dim3A_2314 = vector.broadcast %jit3A_2312 : i32 to vector<16xi32>
    %select_n3A_2315 = arith.select %ge3A_2310, %broadcast_in_dim3A_2313, %broadcast_in_dim3A_2314 : vector<16xi1>, vector<16xi32>
    %jit3A_2316 = arith.constant 499712 : i32
    %broadcast_in_dim3A_2317 = vector.broadcast %jit3A_2316 : i32 to vector<16xi32>
    %select_n3A_2318 = arith.select %ge3A_2307, %broadcast_in_dim3A_2317, %select_n3A_2315 : vector<16xi1>, vector<16xi32>
    %jit3A_2319 = arith.constant 749568 : i32
    %broadcast_in_dim3A_2320 = vector.broadcast %jit3A_2319 : i32 to vector<16xi32>
    %select_n3A_2321 = arith.select %ge3A_2304, %broadcast_in_dim3A_2320, %select_n3A_2318 : vector<16xi1>, vector<16xi32>
    %sub3A_2322 = arith.subi %get3A_2301, %select_n3A_2321 : vector<16xi32>
    %swap3A_2323 = arith.constant 3 : i32
    %swap3A_2324 = arith.constant 0 : i32
    %swap3A_2325 = tpu.memref_slice %arg13[%swap3A_2323, %swap3A_2324] : memref<4x128xi32, #tpu.memory_space<vmem>> -> memref<1x128xi32, #tpu.memory_space<vmem>>
    %swap3A_2326 = tpu.memref_squeeze %swap3A_2325 : memref<1x128xi32, #tpu.memory_space<vmem>> -> memref<128xi32, #tpu.memory_space<vmem>>
    %swap3A_2327 = arith.constant 112 : index
    %swap3A_2328 = tpu.vector_load %swap3A_2326[%swap3A_2327] {strides = array<i32>} : memref<128xi32, #tpu.memory_space<vmem>>, vector<16xi32>,
    %swap3A_2329 = vector.shape_cast %swap3A_2328 : vector<16xi32> to vector<16xi32>
    %swap3A_2330 = vector.shape_cast %sub3A_2322 : vector<16xi32> to vector<16xi32>
    tpu.vector_store %swap3A_2326[%swap3A_2327], %swap3A_2330 {strides = array<i32>} : memref<128xi32, #tpu.memory_space<vmem>>, vector<16xi32>,
    %get3A_2331 = arith.constant 3 : i32
    %get3A_2332 = arith.constant 0 : i32
    %get3A_2333 = tpu.memref_slice %arg12[%get3A_2331, %get3A_2332] : memref<4x128xi32, #tpu.memory_space<vmem>> -> memref<1x128xi32, #tpu.memory_space<vmem>>
    %get3A_2334 = tpu.memref_squeeze %get3A_2333 : memref<1x128xi32, #tpu.memory_space<vmem>> -> memref<128xi32, #tpu.memory_space<vmem>>
    %get3A_2335 = arith.constant 112 : index
    %get3A_2336 = tpu.vector_load %get3A_2334[%get3A_2335] {strides = array<i32>} : memref<128xi32, #tpu.memory_space<vmem>>, vector<16xi32>,
    %get3A_2337 = vector.shape_cast %get3A_2336 : vector<16xi32> to vector<16xi32>
    %ge3A_2338 = arith.constant 749568 : i32
    %ge3A_2339 = vector.broadcast %ge3A_2338 : i32 to vector<16xi32>
    %ge3A_2340 = arith.cmpi sge, %get3A_2337, %ge3A_2339 : vector<16xi32>
    %ge3A_2341 = arith.constant 499712 : i32
    %ge3A_2342 = vector.broadcast %ge3A_2341 : i32 to vector<16xi32>
    %ge3A_2343 = arith.cmpi sge, %get3A_2337, %ge3A_2342 : vector<16xi32>
    %ge3A_2344 = arith.constant 249856 : i32
    %ge3A_2345 = vector.broadcast %ge3A_2344 : i32 to vector<16xi32>
    %ge3A_2346 = arith.cmpi sge, %get3A_2337, %ge3A_2345 : vector<16xi32>
    %jit3A_2347 = arith.constant 249856 : i32
    %jit3A_2348 = arith.constant 0 : i32
    %broadcast_in_dim3A_2349 = vector.broadcast %jit3A_2347 : i32 to vector<16xi32>
    %broadcast_in_dim3A_2350 = vector.broadcast %jit3A_2348 : i32 to vector<16xi32>
    %select_n3A_2351 = arith.select %ge3A_2346, %broadcast_in_dim3A_2349, %broadcast_in_dim3A_2350 : vector<16xi1>, vector<16xi32>
    %jit3A_2352 = arith.constant 499712 : i32
    %broadcast_in_dim3A_2353 = vector.broadcast %jit3A_2352 : i32 to vector<16xi32>
    %select_n3A_2354 = arith.select %ge3A_2343, %broadcast_in_dim3A_2353, %select_n3A_2351 : vector<16xi1>, vector<16xi32>
    %jit3A_2355 = arith.constant 749568 : i32
    %broadcast_in_dim3A_2356 = vector.broadcast %jit3A_2355 : i32 to vector<16xi32>
    %select_n3A_2357 = arith.select %ge3A_2340, %broadcast_in_dim3A_2356, %select_n3A_2354 : vector<16xi1>, vector<16xi32>
    %sub3A_2358 = arith.subi %get3A_2337, %select_n3A_2357 : vector<16xi32>
    %swap3A_2359 = arith.constant 3 : i32
    %swap3A_2360 = arith.constant 0 : i32
    %swap3A_2361 = tpu.memref_slice %arg14[%swap3A_2359, %swap3A_2360] : memref<4x128xi32, #tpu.memory_space<vmem>> -> memref<1x128xi32, #tpu.memory_space<vmem>>
    %swap3A_2362 = tpu.memref_squeeze %swap3A_2361 : memref<1x128xi32, #tpu.memory_space<vmem>> -> memref<128xi32, #tpu.memory_space<vmem>>
    %swap3A_2363 = arith.constant 112 : index
    %swap3A_2364 = tpu.vector_load %swap3A_2362[%swap3A_2363] {strides = array<i32>} : memref<128xi32, #tpu.memory_space<vmem>>, vector<16xi32>,
    %swap3A_2365 = vector.shape_cast %swap3A_2364 : vector<16xi32> to vector<16xi32>
    %swap3A_2366 = vector.shape_cast %sub3A_2358 : vector<16xi32> to vector<16xi32>
    tpu.vector_store %swap3A_2362[%swap3A_2363], %swap3A_2366 {strides = array<i32>} : memref<128xi32, #tpu.memory_space<vmem>>, vector<16xi32>,
    %dma_start3A_2367 = arith.constant 0 : i32
    %dma_start3A_2368 = arith.constant 0 : i32
    %dma_start3A_2369 = arith.constant 0 : i32
    %dma_start3A_2370 = arith.constant 0 : i32
    %dma_start3A_2371 = tpu.memref_slice %arg15[%dma_start3A_2368, %dma_start3A_2369, %dma_start3A_2370] : memref<2x128x128xf32, #tpu.memory_space<vmem>> -> memref<1x128x128xf32, #tpu.memory_space<vmem>>
    %dma_start3A_2372 = tpu.memref_squeeze %dma_start3A_2371 : memref<1x128x128xf32, #tpu.memory_space<vmem>> -> memref<128x128xf32, #tpu.memory_space<vmem>>
    %dma_start3A_2373 = arith.constant 0 : i32
    %dma_start3A_2374 = tpu.memref_slice %arg13[%dma_start3A_2367, %dma_start3A_2373] : memref<4x128xi32, #tpu.memory_space<vmem>> -> memref<1x128xi32, #tpu.memory_space<vmem>>
    %dma_start3A_2375 = tpu.memref_squeeze %dma_start3A_2374 : memref<1x128xi32, #tpu.memory_space<vmem>> -> memref<128xi32, #tpu.memory_space<vmem>>
    %dma_start3A_2376 = arith.constant 0 : i32
    %dma_start3A_2377 = arith.constant 0 : i32
    %dma_start3A_2378 = tpu.memref_slice %arg6[%dma_start3A_2376, %dma_start3A_2377] : memref<253952x128xf32, #tpu.memory_space<hbm>> -> memref<253952x128xf32, #tpu.memory_space<hbm>>
    tpu.enqueue_indirect_dma source(%dma_start3A_2378 : memref<253952x128xf32, #tpu.memory_space<hbm>>) target(%dma_start3A_2372 : memref<128x128xf32, #tpu.memory_space<vmem>>) offsets(%dma_start3A_2375 : memref<128xi32, #tpu.memory_space<vmem>>) semaphore(%arg19 : memref<!tpu.dma_semaphore, #tpu.memory_space<semaphore_mem>>)
    %dma_start3A_2379 = arith.constant 0 : i32
    %dma_start3A_2380 = arith.constant 0 : i32
    %dma_start3A_2381 = arith.constant 0 : i32
    %dma_start3A_2382 = arith.constant 0 : i32
    %dma_start3A_2383 = tpu.memref_slice %arg16[%dma_start3A_2380, %dma_start3A_2381, %dma_start3A_2382] : memref<2x128x128xf32, #tpu.memory_space<vmem>> -> memref<1x128x128xf32, #tpu.memory_space<vmem>>
    %dma_start3A_2384 = tpu.memref_squeeze %dma_start3A_2383 : memref<1x128x128xf32, #tpu.memory_space<vmem>> -> memref<128x128xf32, #tpu.memory_space<vmem>>
    %dma_start3A_2385 = arith.constant 0 : i32
    %dma_start3A_2386 = tpu.memref_slice %arg14[%dma_start3A_2379, %dma_start3A_2385] : memref<4x128xi32, #tpu.memory_space<vmem>> -> memref<1x128xi32, #tpu.memory_space<vmem>>
    %dma_start3A_2387 = tpu.memref_squeeze %dma_start3A_2386 : memref<1x128xi32, #tpu.memory_space<vmem>> -> memref<128xi32, #tpu.memory_space<vmem>>
    %dma_start3A_2388 = arith.constant 0 : i32
    %dma_start3A_2389 = arith.constant 0 : i32
    %dma_start3A_2390 = tpu.memref_slice %arg7[%dma_start3A_2388, %dma_start3A_2389] : memref<253952x128xf32, #tpu.memory_space<hbm>> -> memref<253952x128xf32, #tpu.memory_space<hbm>>
    tpu.enqueue_indirect_dma source(%dma_start3A_2390 : memref<253952x128xf32, #tpu.memory_space<hbm>>) target(%dma_start3A_2384 : memref<128x128xf32, #tpu.memory_space<vmem>>) offsets(%dma_start3A_2387 : memref<128xi32, #tpu.memory_space<vmem>>) semaphore(%arg19 : memref<!tpu.dma_semaphore, #tpu.memory_space<semaphore_mem>>)
    %dma_wait3A = arith.constant 0 : i32
    %dma_wait3A_2391 = arith.constant 0 : i32
    %dma_wait3A_2392 = arith.constant 0 : i32
    %dma_wait3A_2393 = arith.constant 0 : i32
    %dma_wait3A_2394 = tpu.memref_slice %arg15[%dma_wait3A_2391, %dma_wait3A_2392, %dma_wait3A_2393] : memref<2x128x128xf32, #tpu.memory_space<vmem>> -> memref<1x128x128xf32, #tpu.memory_space<vmem>>
    %dma_wait3A_2395 = tpu.memref_squeeze %dma_wait3A_2394 : memref<1x128x128xf32, #tpu.memory_space<vmem>> -> memref<128x128xf32, #tpu.memory_space<vmem>>
    %dma_wait3A_2396 = arith.constant 0 : i32
    %dma_wait3A_2397 = tpu.memref_slice %arg13[%dma_wait3A, %dma_wait3A_2396] : memref<4x128xi32, #tpu.memory_space<vmem>> -> memref<1x128xi32, #tpu.memory_space<vmem>>
    %dma_wait3A_2398 = tpu.memref_squeeze %dma_wait3A_2397 : memref<1x128xi32, #tpu.memory_space<vmem>> -> memref<128xi32, #tpu.memory_space<vmem>>
    %dma_wait3A_2399 = arith.constant 0 : i32
    %dma_wait3A_2400 = arith.constant 0 : i32
    %dma_wait3A_2401 = tpu.memref_slice %arg6[%dma_wait3A_2399, %dma_wait3A_2400] : memref<253952x128xf32, #tpu.memory_space<hbm>> -> memref<253952x128xf32, #tpu.memory_space<hbm>>
    tpu.wait_indirect_dma semaphore(%arg19 : memref<!tpu.dma_semaphore, #tpu.memory_space<semaphore_mem>>) src(%dma_wait3A_2401 : memref<253952x128xf32, #tpu.memory_space<hbm>>) dst(%dma_wait3A_2395 : memref<128x128xf32, #tpu.memory_space<vmem>>)
    %dma_wait3A_2402 = arith.constant 0 : i32
    %dma_wait3A_2403 = arith.constant 0 : i32
    %dma_wait3A_2404 = arith.constant 0 : i32
    %dma_wait3A_2405 = arith.constant 0 : i32
    %dma_wait3A_2406 = tpu.memref_slice %arg16[%dma_wait3A_2403, %dma_wait3A_2404, %dma_wait3A_2405] : memref<2x128x128xf32, #tpu.memory_space<vmem>> -> memref<1x128x128xf32, #tpu.memory_space<vmem>>
    %dma_wait3A_2407 = tpu.memref_squeeze %dma_wait3A_2406 : memref<1x128x128xf32, #tpu.memory_space<vmem>> -> memref<128x128xf32, #tpu.memory_space<vmem>>
    %dma_wait3A_2408 = arith.constant 0 : i32
    %dma_wait3A_2409 = tpu.memref_slice %arg14[%dma_wait3A_2402, %dma_wait3A_2408] : memref<4x128xi32, #tpu.memory_space<vmem>> -> memref<1x128xi32, #tpu.memory_space<vmem>>
    %dma_wait3A_2410 = tpu.memref_squeeze %dma_wait3A_2409 : memref<1x128xi32, #tpu.memory_space<vmem>> -> memref<128xi32, #tpu.memory_space<vmem>>
    %dma_wait3A_2411 = arith.constant 0 : i32
    %dma_wait3A_2412 = arith.constant 0 : i32
    %dma_wait3A_2413 = tpu.memref_slice %arg7[%dma_wait3A_2411, %dma_wait3A_2412] : memref<253952x128xf32, #tpu.memory_space<hbm>> -> memref<253952x128xf32, #tpu.memory_space<hbm>>
    tpu.wait_indirect_dma semaphore(%arg19 : memref<!tpu.dma_semaphore, #tpu.memory_space<semaphore_mem>>) src(%dma_wait3A_2413 : memref<253952x128xf32, #tpu.memory_space<hbm>>) dst(%dma_wait3A_2407 : memref<128x128xf32, #tpu.memory_space<vmem>>)
    %add3A_2414 = arith.constant 0 : i32
    %add3A_2415 = arith.addi %mul3A_2, %add3A_2414 : i32
    %dma_start3A_2416 = arith.constant 0 : i32
    %dma_start3A_2417 = arith.constant 0 : i32
    %dma_start3A_2418 = arith.constant 0 : i32
    %dma_start3A_2419 = tpu.memref_slice %arg15[%dma_start3A_2416, %dma_start3A_2417, %dma_start3A_2418] : memref<2x128x128xf32, #tpu.memory_space<vmem>> -> memref<1x128x128xf32, #tpu.memory_space<vmem>>
    %dma_start3A_2420 = tpu.memref_squeeze %dma_start3A_2419 : memref<1x128x128xf32, #tpu.memory_space<vmem>> -> memref<128x128xf32, #tpu.memory_space<vmem>>
    %dma_start3A_2421 = arith.constant 0 : i32
    %dma_start3A_2422 = tpu.memref_slice %arg8[%add3A_2415, %dma_start3A_2421] : memref<16384x128xf32, #tpu.memory_space<hbm>> -> memref<128x128xf32, #tpu.memory_space<hbm>>
    %dma_start3A_2423 = arith.constant 0 : i32
    %dma_start3A_2424 = tpu.memref_slice %arg8[%add3A_2415, %dma_start3A_2423] : memref<16384x128xf32, #tpu.memory_space<hbm>> -> memref<128x128xf32, #tpu.memory_space<hbm>>
    %dma_start3A_2425 = arith.constant 0 : i32
    %dma_start3A_2426 = arith.constant 0 : i32
    %dma_start3A_2427 = tpu.memref_slice %arg15[%dma_start3A_2416, %dma_start3A_2425, %dma_start3A_2426] : memref<2x128x128xf32, #tpu.memory_space<vmem>> -> memref<1x128x128xf32, #tpu.memory_space<vmem>>
    %dma_start3A_2428 = tpu.memref_squeeze %dma_start3A_2427 : memref<1x128x128xf32, #tpu.memory_space<vmem>> -> memref<128x128xf32, #tpu.memory_space<vmem>>
    tpu.enqueue_dma source(%dma_start3A_2428 : memref<128x128xf32, #tpu.memory_space<vmem>>) target(%dma_start3A_2424 : memref<128x128xf32, #tpu.memory_space<hbm>>) target_semaphore(%arg20 : memref<!tpu.dma_semaphore, #tpu.memory_space<semaphore_mem>>)
    %dma_start3A_2429 = arith.constant 0 : i32
    %dma_start3A_2430 = arith.constant 0 : i32
    %dma_start3A_2431 = arith.constant 0 : i32
    %dma_start3A_2432 = tpu.memref_slice %arg16[%dma_start3A_2429, %dma_start3A_2430, %dma_start3A_2431] : memref<2x128x128xf32, #tpu.memory_space<vmem>> -> memref<1x128x128xf32, #tpu.memory_space<vmem>>
    %dma_start3A_2433 = tpu.memref_squeeze %dma_start3A_2432 : memref<1x128x128xf32, #tpu.memory_space<vmem>> -> memref<128x128xf32, #tpu.memory_space<vmem>>
    %dma_start3A_2434 = arith.constant 0 : i32
    %dma_start3A_2435 = tpu.memref_slice %arg9[%add3A_2415, %dma_start3A_2434] : memref<16384x128xf32, #tpu.memory_space<hbm>> -> memref<128x128xf32, #tpu.memory_space<hbm>>
    %dma_start3A_2436 = arith.constant 0 : i32
    %dma_start3A_2437 = tpu.memref_slice %arg9[%add3A_2415, %dma_start3A_2436] : memref<16384x128xf32, #tpu.memory_space<hbm>> -> memref<128x128xf32, #tpu.memory_space<hbm>>
    %dma_start3A_2438 = arith.constant 0 : i32
    %dma_start3A_2439 = arith.constant 0 : i32
    %dma_start3A_2440 = tpu.memref_slice %arg16[%dma_start3A_2429, %dma_start3A_2438, %dma_start3A_2439] : memref<2x128x128xf32, #tpu.memory_space<vmem>> -> memref<1x128x128xf32, #tpu.memory_space<vmem>>
    %dma_start3A_2441 = tpu.memref_squeeze %dma_start3A_2440 : memref<1x128x128xf32, #tpu.memory_space<vmem>> -> memref<128x128xf32, #tpu.memory_space<vmem>>
    tpu.enqueue_dma source(%dma_start3A_2441 : memref<128x128xf32, #tpu.memory_space<vmem>>) target(%dma_start3A_2437 : memref<128x128xf32, #tpu.memory_space<hbm>>) target_semaphore(%arg20 : memref<!tpu.dma_semaphore, #tpu.memory_space<semaphore_mem>>)
    %dma_start3A_2442 = arith.constant 1 : i32
    %dma_start3A_2443 = arith.constant 1 : i32
    %dma_start3A_2444 = arith.constant 0 : i32
    %dma_start3A_2445 = arith.constant 0 : i32
    %dma_start3A_2446 = tpu.memref_slice %arg15[%dma_start3A_2443, %dma_start3A_2444, %dma_start3A_2445] : memref<2x128x128xf32, #tpu.memory_space<vmem>> -> memref<1x128x128xf32, #tpu.memory_space<vmem>>
    %dma_start3A_2447 = tpu.memref_squeeze %dma_start3A_2446 : memref<1x128x128xf32, #tpu.memory_space<vmem>> -> memref<128x128xf32, #tpu.memory_space<vmem>>
    %dma_start3A_2448 = arith.constant 0 : i32
    %dma_start3A_2449 = tpu.memref_slice %arg13[%dma_start3A_2442, %dma_start3A_2448] : memref<4x128xi32, #tpu.memory_space<vmem>> -> memref<1x128xi32, #tpu.memory_space<vmem>>
    %dma_start3A_2450 = tpu.memref_squeeze %dma_start3A_2449 : memref<1x128xi32, #tpu.memory_space<vmem>> -> memref<128xi32, #tpu.memory_space<vmem>>
    %dma_start3A_2451 = arith.constant 0 : i32
    %dma_start3A_2452 = arith.constant 0 : i32
    %dma_start3A_2453 = tpu.memref_slice %arg6[%dma_start3A_2451, %dma_start3A_2452] : memref<253952x128xf32, #tpu.memory_space<hbm>> -> memref<253952x128xf32, #tpu.memory_space<hbm>>
    tpu.enqueue_indirect_dma source(%dma_start3A_2453 : memref<253952x128xf32, #tpu.memory_space<hbm>>) target(%dma_start3A_2447 : memref<128x128xf32, #tpu.memory_space<vmem>>) offsets(%dma_start3A_2450 : memref<128xi32, #tpu.memory_space<vmem>>) semaphore(%arg19 : memref<!tpu.dma_semaphore, #tpu.memory_space<semaphore_mem>>)
    %dma_start3A_2454 = arith.constant 1 : i32
    %dma_start3A_2455 = arith.constant 1 : i32
    %dma_start3A_2456 = arith.constant 0 : i32
    %dma_start3A_2457 = arith.constant 0 : i32
    %dma_start3A_2458 = tpu.memref_slice %arg16[%dma_start3A_2455, %dma_start3A_2456, %dma_start3A_2457] : memref<2x128x128xf32, #tpu.memory_space<vmem>> -> memref<1x128x128xf32, #tpu.memory_space<vmem>>
    %dma_start3A_2459 = tpu.memref_squeeze %dma_start3A_2458 : memref<1x128x128xf32, #tpu.memory_space<vmem>> -> memref<128x128xf32, #tpu.memory_space<vmem>>
    %dma_start3A_2460 = arith.constant 0 : i32
    %dma_start3A_2461 = tpu.memref_slice %arg14[%dma_start3A_2454, %dma_start3A_2460] : memref<4x128xi32, #tpu.memory_space<vmem>> -> memref<1x128xi32, #tpu.memory_space<vmem>>
    %dma_start3A_2462 = tpu.memref_squeeze %dma_start3A_2461 : memref<1x128xi32, #tpu.memory_space<vmem>> -> memref<128xi32, #tpu.memory_space<vmem>>
    %dma_start3A_2463 = arith.constant 0 : i32
    %dma_start3A_2464 = arith.constant 0 : i32
    %dma_start3A_2465 = tpu.memref_slice %arg7[%dma_start3A_2463, %dma_start3A_2464] : memref<253952x128xf32, #tpu.memory_space<hbm>> -> memref<253952x128xf32, #tpu.memory_space<hbm>>
    tpu.enqueue_indirect_dma source(%dma_start3A_2465 : memref<253952x128xf32, #tpu.memory_space<hbm>>) target(%dma_start3A_2459 : memref<128x128xf32, #tpu.memory_space<vmem>>) offsets(%dma_start3A_2462 : memref<128xi32, #tpu.memory_space<vmem>>) semaphore(%arg19 : memref<!tpu.dma_semaphore, #tpu.memory_space<semaphore_mem>>)
    %dma_wait3A_2466 = arith.constant 1 : i32
    %dma_wait3A_2467 = arith.constant 1 : i32
    %dma_wait3A_2468 = arith.constant 0 : i32
    %dma_wait3A_2469 = arith.constant 0 : i32
    %dma_wait3A_2470 = tpu.memref_slice %arg15[%dma_wait3A_2467, %dma_wait3A_2468, %dma_wait3A_2469] : memref<2x128x128xf32, #tpu.memory_space<vmem>> -> memref<1x128x128xf32, #tpu.memory_space<vmem>>
    %dma_wait3A_2471 = tpu.memref_squeeze %dma_wait3A_2470 : memref<1x128x128xf32, #tpu.memory_space<vmem>> -> memref<128x128xf32, #tpu.memory_space<vmem>>
    %dma_wait3A_2472 = arith.constant 0 : i32
    %dma_wait3A_2473 = tpu.memref_slice %arg13[%dma_wait3A_2466, %dma_wait3A_2472] : memref<4x128xi32, #tpu.memory_space<vmem>> -> memref<1x128xi32, #tpu.memory_space<vmem>>
    %dma_wait3A_2474 = tpu.memref_squeeze %dma_wait3A_2473 : memref<1x128xi32, #tpu.memory_space<vmem>> -> memref<128xi32, #tpu.memory_space<vmem>>
    %dma_wait3A_2475 = arith.constant 0 : i32
    %dma_wait3A_2476 = arith.constant 0 : i32
    %dma_wait3A_2477 = tpu.memref_slice %arg6[%dma_wait3A_2475, %dma_wait3A_2476] : memref<253952x128xf32, #tpu.memory_space<hbm>> -> memref<253952x128xf32, #tpu.memory_space<hbm>>
    tpu.wait_indirect_dma semaphore(%arg19 : memref<!tpu.dma_semaphore, #tpu.memory_space<semaphore_mem>>) src(%dma_wait3A_2477 : memref<253952x128xf32, #tpu.memory_space<hbm>>) dst(%dma_wait3A_2471 : memref<128x128xf32, #tpu.memory_space<vmem>>)
    %dma_wait3A_2478 = arith.constant 1 : i32
    %dma_wait3A_2479 = arith.constant 1 : i32
    %dma_wait3A_2480 = arith.constant 0 : i32
    %dma_wait3A_2481 = arith.constant 0 : i32
    %dma_wait3A_2482 = tpu.memref_slice %arg16[%dma_wait3A_2479, %dma_wait3A_2480, %dma_wait3A_2481] : memref<2x128x128xf32, #tpu.memory_space<vmem>> -> memref<1x128x128xf32, #tpu.memory_space<vmem>>
    %dma_wait3A_2483 = tpu.memref_squeeze %dma_wait3A_2482 : memref<1x128x128xf32, #tpu.memory_space<vmem>> -> memref<128x128xf32, #tpu.memory_space<vmem>>
    %dma_wait3A_2484 = arith.constant 0 : i32
    %dma_wait3A_2485 = tpu.memref_slice %arg14[%dma_wait3A_2478, %dma_wait3A_2484] : memref<4x128xi32, #tpu.memory_space<vmem>> -> memref<1x128xi32, #tpu.memory_space<vmem>>
    %dma_wait3A_2486 = tpu.memref_squeeze %dma_wait3A_2485 : memref<1x128xi32, #tpu.memory_space<vmem>> -> memref<128xi32, #tpu.memory_space<vmem>>
    %dma_wait3A_2487 = arith.constant 0 : i32
    %dma_wait3A_2488 = arith.constant 0 : i32
    %dma_wait3A_2489 = tpu.memref_slice %arg7[%dma_wait3A_2487, %dma_wait3A_2488] : memref<253952x128xf32, #tpu.memory_space<hbm>> -> memref<253952x128xf32, #tpu.memory_space<hbm>>
    tpu.wait_indirect_dma semaphore(%arg19 : memref<!tpu.dma_semaphore, #tpu.memory_space<semaphore_mem>>) src(%dma_wait3A_2489 : memref<253952x128xf32, #tpu.memory_space<hbm>>) dst(%dma_wait3A_2483 : memref<128x128xf32, #tpu.memory_space<vmem>>)
    %add3A_2490 = arith.constant 128 : i32
    %add3A_2491 = arith.addi %mul3A_2, %add3A_2490 : i32
    %dma_start3A_2492 = arith.constant 1 : i32
    %dma_start3A_2493 = arith.constant 0 : i32
    %dma_start3A_2494 = arith.constant 0 : i32
    %dma_start3A_2495 = tpu.memref_slice %arg15[%dma_start3A_2492, %dma_start3A_2493, %dma_start3A_2494] : memref<2x128x128xf32, #tpu.memory_space<vmem>> -> memref<1x128x128xf32, #tpu.memory_space<vmem>>
    %dma_start3A_2496 = tpu.memref_squeeze %dma_start3A_2495 : memref<1x128x128xf32, #tpu.memory_space<vmem>> -> memref<128x128xf32, #tpu.memory_space<vmem>>
    %dma_start3A_2497 = arith.constant 0 : i32
    %dma_start3A_2498 = tpu.memref_slice %arg8[%add3A_2491, %dma_start3A_2497] : memref<16384x128xf32, #tpu.memory_space<hbm>> -> memref<128x128xf32, #tpu.memory_space<hbm>>
    %dma_start3A_2499 = arith.constant 0 : i32
    %dma_start3A_2500 = tpu.memref_slice %arg8[%add3A_2491, %dma_start3A_2499] : memref<16384x128xf32, #tpu.memory_space<hbm>> -> memref<128x128xf32, #tpu.memory_space<hbm>>
    %dma_start3A_2501 = arith.constant 0 : i32
    %dma_start3A_2502 = arith.constant 0 : i32
    %dma_start3A_2503 = tpu.memref_slice %arg15[%dma_start3A_2492, %dma_start3A_2501, %dma_start3A_2502] : memref<2x128x128xf32, #tpu.memory_space<vmem>> -> memref<1x128x128xf32, #tpu.memory_space<vmem>>
    %dma_start3A_2504 = tpu.memref_squeeze %dma_start3A_2503 : memref<1x128x128xf32, #tpu.memory_space<vmem>> -> memref<128x128xf32, #tpu.memory_space<vmem>>
    tpu.enqueue_dma source(%dma_start3A_2504 : memref<128x128xf32, #tpu.memory_space<vmem>>) target(%dma_start3A_2500 : memref<128x128xf32, #tpu.memory_space<hbm>>) target_semaphore(%arg20 : memref<!tpu.dma_semaphore, #tpu.memory_space<semaphore_mem>>)
    %dma_start3A_2505 = arith.constant 1 : i32
    %dma_start3A_2506 = arith.constant 0 : i32
    %dma_start3A_2507 = arith.constant 0 : i32
    %dma_start3A_2508 = tpu.memref_slice %arg16[%dma_start3A_2505, %dma_start3A_2506, %dma_start3A_2507] : memref<2x128x128xf32, #tpu.memory_space<vmem>> -> memref<1x128x128xf32, #tpu.memory_space<vmem>>
    %dma_start3A_2509 = tpu.memref_squeeze %dma_start3A_2508 : memref<1x128x128xf32, #tpu.memory_space<vmem>> -> memref<128x128xf32, #tpu.memory_space<vmem>>
    %dma_start3A_2510 = arith.constant 0 : i32
    %dma_start3A_2511 = tpu.memref_slice %arg9[%add3A_2491, %dma_start3A_2510] : memref<16384x128xf32, #tpu.memory_space<hbm>> -> memref<128x128xf32, #tpu.memory_space<hbm>>
    %dma_start3A_2512 = arith.constant 0 : i32
    %dma_start3A_2513 = tpu.memref_slice %arg9[%add3A_2491, %dma_start3A_2512] : memref<16384x128xf32, #tpu.memory_space<hbm>> -> memref<128x128xf32, #tpu.memory_space<hbm>>
    %dma_start3A_2514 = arith.constant 0 : i32
    %dma_start3A_2515 = arith.constant 0 : i32
    %dma_start3A_2516 = tpu.memref_slice %arg16[%dma_start3A_2505, %dma_start3A_2514, %dma_start3A_2515] : memref<2x128x128xf32, #tpu.memory_space<vmem>> -> memref<1x128x128xf32, #tpu.memory_space<vmem>>
    %dma_start3A_2517 = tpu.memref_squeeze %dma_start3A_2516 : memref<1x128x128xf32, #tpu.memory_space<vmem>> -> memref<128x128xf32, #tpu.memory_space<vmem>>
    tpu.enqueue_dma source(%dma_start3A_2517 : memref<128x128xf32, #tpu.memory_space<vmem>>) target(%dma_start3A_2513 : memref<128x128xf32, #tpu.memory_space<hbm>>) target_semaphore(%arg20 : memref<!tpu.dma_semaphore, #tpu.memory_space<semaphore_mem>>)
    %dma_wait3A_2518 = arith.constant 0 : i32
    %dma_wait3A_2519 = arith.constant 0 : i32
    %dma_wait3A_2520 = arith.constant 0 : i32
    %dma_wait3A_2521 = tpu.memref_slice %arg15[%dma_wait3A_2518, %dma_wait3A_2519, %dma_wait3A_2520] : memref<2x128x128xf32, #tpu.memory_space<vmem>> -> memref<1x128x128xf32, #tpu.memory_space<vmem>>
    %dma_wait3A_2522 = tpu.memref_squeeze %dma_wait3A_2521 : memref<1x128x128xf32, #tpu.memory_space<vmem>> -> memref<128x128xf32, #tpu.memory_space<vmem>>
    %dma_wait3A_2523 = arith.constant 0 : i32
    %dma_wait3A_2524 = tpu.memref_slice %arg8[%add3A_2415, %dma_wait3A_2523] : memref<16384x128xf32, #tpu.memory_space<hbm>> -> memref<128x128xf32, #tpu.memory_space<hbm>>
    %dma_wait3A_2525 = arith.constant 0 : i32
    %dma_wait3A_2526 = tpu.memref_slice %arg8[%add3A_2415, %dma_wait3A_2525] : memref<16384x128xf32, #tpu.memory_space<hbm>> -> memref<128x128xf32, #tpu.memory_space<hbm>>
    %dma_wait3A_2527 = arith.constant 0 : i32
    %dma_wait3A_2528 = arith.constant 0 : i32
    %dma_wait3A_2529 = tpu.memref_slice %arg15[%dma_wait3A_2518, %dma_wait3A_2527, %dma_wait3A_2528] : memref<2x128x128xf32, #tpu.memory_space<vmem>> -> memref<1x128x128xf32, #tpu.memory_space<vmem>>
    %dma_wait3A_2530 = tpu.memref_squeeze %dma_wait3A_2529 : memref<1x128x128xf32, #tpu.memory_space<vmem>> -> memref<128x128xf32, #tpu.memory_space<vmem>>
    tpu.wait_dma2 semaphore(%arg20 : memref<!tpu.dma_semaphore, #tpu.memory_space<semaphore_mem>>) src(%dma_wait3A_2530 : memref<128x128xf32, #tpu.memory_space<vmem>>) dst(%dma_wait3A_2526 : memref<128x128xf32, #tpu.memory_space<hbm>>)
    %dma_wait3A_2531 = arith.constant 0 : i32
    %dma_wait3A_2532 = arith.constant 0 : i32
    %dma_wait3A_2533 = arith.constant 0 : i32
    %dma_wait3A_2534 = tpu.memref_slice %arg16[%dma_wait3A_2531, %dma_wait3A_2532, %dma_wait3A_2533] : memref<2x128x128xf32, #tpu.memory_space<vmem>> -> memref<1x128x128xf32, #tpu.memory_space<vmem>>
    %dma_wait3A_2535 = tpu.memref_squeeze %dma_wait3A_2534 : memref<1x128x128xf32, #tpu.memory_space<vmem>> -> memref<128x128xf32, #tpu.memory_space<vmem>>
    %dma_wait3A_2536 = arith.constant 0 : i32
    %dma_wait3A_2537 = tpu.memref_slice %arg9[%add3A_2415, %dma_wait3A_2536] : memref<16384x128xf32, #tpu.memory_space<hbm>> -> memref<128x128xf32, #tpu.memory_space<hbm>>
    %dma_wait3A_2538 = arith.constant 0 : i32
    %dma_wait3A_2539 = tpu.memref_slice %arg9[%add3A_2415, %dma_wait3A_2538] : memref<16384x128xf32, #tpu.memory_space<hbm>> -> memref<128x128xf32, #tpu.memory_space<hbm>>
    %dma_wait3A_2540 = arith.constant 0 : i32
    %dma_wait3A_2541 = arith.constant 0 : i32
    %dma_wait3A_2542 = tpu.memref_slice %arg16[%dma_wait3A_2531, %dma_wait3A_2540, %dma_wait3A_2541] : memref<2x128x128xf32, #tpu.memory_space<vmem>> -> memref<1x128x128xf32, #tpu.memory_space<vmem>>
    %dma_wait3A_2543 = tpu.memref_squeeze %dma_wait3A_2542 : memref<1x128x128xf32, #tpu.memory_space<vmem>> -> memref<128x128xf32, #tpu.memory_space<vmem>>
    tpu.wait_dma2 semaphore(%arg20 : memref<!tpu.dma_semaphore, #tpu.memory_space<semaphore_mem>>) src(%dma_wait3A_2543 : memref<128x128xf32, #tpu.memory_space<vmem>>) dst(%dma_wait3A_2539 : memref<128x128xf32, #tpu.memory_space<hbm>>)
    %dma_start3A_2544 = arith.constant 2 : i32
    %dma_start3A_2545 = arith.constant 0 : i32
    %dma_start3A_2546 = arith.constant 0 : i32
    %dma_start3A_2547 = arith.constant 0 : i32
    %dma_start3A_2548 = tpu.memref_slice %arg15[%dma_start3A_2545, %dma_start3A_2546, %dma_start3A_2547] : memref<2x128x128xf32, #tpu.memory_space<vmem>> -> memref<1x128x128xf32, #tpu.memory_space<vmem>>
    %dma_start3A_2549 = tpu.memref_squeeze %dma_start3A_2548 : memref<1x128x128xf32, #tpu.memory_space<vmem>> -> memref<128x128xf32, #tpu.memory_space<vmem>>
    %dma_start3A_2550 = arith.constant 0 : i32
    %dma_start3A_2551 = tpu.memref_slice %arg13[%dma_start3A_2544, %dma_start3A_2550] : memref<4x128xi32, #tpu.memory_space<vmem>> -> memref<1x128xi32, #tpu.memory_space<vmem>>
    %dma_start3A_2552 = tpu.memref_squeeze %dma_start3A_2551 : memref<1x128xi32, #tpu.memory_space<vmem>> -> memref<128xi32, #tpu.memory_space<vmem>>
    %dma_start3A_2553 = arith.constant 0 : i32
    %dma_start3A_2554 = arith.constant 0 : i32
    %dma_start3A_2555 = tpu.memref_slice %arg6[%dma_start3A_2553, %dma_start3A_2554] : memref<253952x128xf32, #tpu.memory_space<hbm>> -> memref<253952x128xf32, #tpu.memory_space<hbm>>
    tpu.enqueue_indirect_dma source(%dma_start3A_2555 : memref<253952x128xf32, #tpu.memory_space<hbm>>) target(%dma_start3A_2549 : memref<128x128xf32, #tpu.memory_space<vmem>>) offsets(%dma_start3A_2552 : memref<128xi32, #tpu.memory_space<vmem>>) semaphore(%arg19 : memref<!tpu.dma_semaphore, #tpu.memory_space<semaphore_mem>>)
    %dma_start3A_2556 = arith.constant 2 : i32
    %dma_start3A_2557 = arith.constant 0 : i32
    %dma_start3A_2558 = arith.constant 0 : i32
    %dma_start3A_2559 = arith.constant 0 : i32
    %dma_start3A_2560 = tpu.memref_slice %arg16[%dma_start3A_2557, %dma_start3A_2558, %dma_start3A_2559] : memref<2x128x128xf32, #tpu.memory_space<vmem>> -> memref<1x128x128xf32, #tpu.memory_space<vmem>>
    %dma_start3A_2561 = tpu.memref_squeeze %dma_start3A_2560 : memref<1x128x128xf32, #tpu.memory_space<vmem>> -> memref<128x128xf32, #tpu.memory_space<vmem>>
    %dma_start3A_2562 = arith.constant 0 : i32
    %dma_start3A_2563 = tpu.memref_slice %arg14[%dma_start3A_2556, %dma_start3A_2562] : memref<4x128xi32, #tpu.memory_space<vmem>> -> memref<1x128xi32, #tpu.memory_space<vmem>>
    %dma_start3A_2564 = tpu.memref_squeeze %dma_start3A_2563 : memref<1x128xi32, #tpu.memory_space<vmem>> -> memref<128xi32, #tpu.memory_space<vmem>>
    %dma_start3A_2565 = arith.constant 0 : i32
    %dma_start3A_2566 = arith.constant 0 : i32
    %dma_start3A_2567 = tpu.memref_slice %arg7[%dma_start3A_2565, %dma_start3A_2566] : memref<253952x128xf32, #tpu.memory_space<hbm>> -> memref<253952x128xf32, #tpu.memory_space<hbm>>
    tpu.enqueue_indirect_dma source(%dma_start3A_2567 : memref<253952x128xf32, #tpu.memory_space<hbm>>) target(%dma_start3A_2561 : memref<128x128xf32, #tpu.memory_space<vmem>>) offsets(%dma_start3A_2564 : memref<128xi32, #tpu.memory_space<vmem>>) semaphore(%arg19 : memref<!tpu.dma_semaphore, #tpu.memory_space<semaphore_mem>>)
    %dma_wait3A_2568 = arith.constant 2 : i32
    %dma_wait3A_2569 = arith.constant 0 : i32
    %dma_wait3A_2570 = arith.constant 0 : i32
    %dma_wait3A_2571 = arith.constant 0 : i32
    %dma_wait3A_2572 = tpu.memref_slice %arg15[%dma_wait3A_2569, %dma_wait3A_2570, %dma_wait3A_2571] : memref<2x128x128xf32, #tpu.memory_space<vmem>> -> memref<1x128x128xf32, #tpu.memory_space<vmem>>
    %dma_wait3A_2573 = tpu.memref_squeeze %dma_wait3A_2572 : memref<1x128x128xf32, #tpu.memory_space<vmem>> -> memref<128x128xf32, #tpu.memory_space<vmem>>
    %dma_wait3A_2574 = arith.constant 0 : i32
    %dma_wait3A_2575 = tpu.memref_slice %arg13[%dma_wait3A_2568, %dma_wait3A_2574] : memref<4x128xi32, #tpu.memory_space<vmem>> -> memref<1x128xi32, #tpu.memory_space<vmem>>
    %dma_wait3A_2576 = tpu.memref_squeeze %dma_wait3A_2575 : memref<1x128xi32, #tpu.memory_space<vmem>> -> memref<128xi32, #tpu.memory_space<vmem>>
    %dma_wait3A_2577 = arith.constant 0 : i32
    %dma_wait3A_2578 = arith.constant 0 : i32
    %dma_wait3A_2579 = tpu.memref_slice %arg6[%dma_wait3A_2577, %dma_wait3A_2578] : memref<253952x128xf32, #tpu.memory_space<hbm>> -> memref<253952x128xf32, #tpu.memory_space<hbm>>
    tpu.wait_indirect_dma semaphore(%arg19 : memref<!tpu.dma_semaphore, #tpu.memory_space<semaphore_mem>>) src(%dma_wait3A_2579 : memref<253952x128xf32, #tpu.memory_space<hbm>>) dst(%dma_wait3A_2573 : memref<128x128xf32, #tpu.memory_space<vmem>>)
    %dma_wait3A_2580 = arith.constant 2 : i32
    %dma_wait3A_2581 = arith.constant 0 : i32
    %dma_wait3A_2582 = arith.constant 0 : i32
    %dma_wait3A_2583 = arith.constant 0 : i32
    %dma_wait3A_2584 = tpu.memref_slice %arg16[%dma_wait3A_2581, %dma_wait3A_2582, %dma_wait3A_2583] : memref<2x128x128xf32, #tpu.memory_space<vmem>> -> memref<1x128x128xf32, #tpu.memory_space<vmem>>
    %dma_wait3A_2585 = tpu.memref_squeeze %dma_wait3A_2584 : memref<1x128x128xf32, #tpu.memory_space<vmem>> -> memref<128x128xf32, #tpu.memory_space<vmem>>
    %dma_wait3A_2586 = arith.constant 0 : i32
    %dma_wait3A_2587 = tpu.memref_slice %arg14[%dma_wait3A_2580, %dma_wait3A_2586] : memref<4x128xi32, #tpu.memory_space<vmem>> -> memref<1x128xi32, #tpu.memory_space<vmem>>
    %dma_wait3A_2588 = tpu.memref_squeeze %dma_wait3A_2587 : memref<1x128xi32, #tpu.memory_space<vmem>> -> memref<128xi32, #tpu.memory_space<vmem>>
    %dma_wait3A_2589 = arith.constant 0 : i32
    %dma_wait3A_2590 = arith.constant 0 : i32
    %dma_wait3A_2591 = tpu.memref_slice %arg7[%dma_wait3A_2589, %dma_wait3A_2590] : memref<253952x128xf32, #tpu.memory_space<hbm>> -> memref<253952x128xf32, #tpu.memory_space<hbm>>
    tpu.wait_indirect_dma semaphore(%arg19 : memref<!tpu.dma_semaphore, #tpu.memory_space<semaphore_mem>>) src(%dma_wait3A_2591 : memref<253952x128xf32, #tpu.memory_space<hbm>>) dst(%dma_wait3A_2585 : memref<128x128xf32, #tpu.memory_space<vmem>>)
    %add3A_2592 = arith.constant 256 : i32
    %add3A_2593 = arith.addi %mul3A_2, %add3A_2592 : i32
    %dma_start3A_2594 = arith.constant 0 : i32
    %dma_start3A_2595 = arith.constant 0 : i32
    %dma_start3A_2596 = arith.constant 0 : i32
    %dma_start3A_2597 = tpu.memref_slice %arg15[%dma_start3A_2594, %dma_start3A_2595, %dma_start3A_2596] : memref<2x128x128xf32, #tpu.memory_space<vmem>> -> memref<1x128x128xf32, #tpu.memory_space<vmem>>
    %dma_start3A_2598 = tpu.memref_squeeze %dma_start3A_2597 : memref<1x128x128xf32, #tpu.memory_space<vmem>> -> memref<128x128xf32, #tpu.memory_space<vmem>>
    %dma_start3A_2599 = arith.constant 0 : i32
    %dma_start3A_2600 = tpu.memref_slice %arg8[%add3A_2593, %dma_start3A_2599] : memref<16384x128xf32, #tpu.memory_space<hbm>> -> memref<128x128xf32, #tpu.memory_space<hbm>>
    %dma_start3A_2601 = arith.constant 0 : i32
    %dma_start3A_2602 = tpu.memref_slice %arg8[%add3A_2593, %dma_start3A_2601] : memref<16384x128xf32, #tpu.memory_space<hbm>> -> memref<128x128xf32, #tpu.memory_space<hbm>>
    %dma_start3A_2603 = arith.constant 0 : i32
    %dma_start3A_2604 = arith.constant 0 : i32
    %dma_start3A_2605 = tpu.memref_slice %arg15[%dma_start3A_2594, %dma_start3A_2603, %dma_start3A_2604] : memref<2x128x128xf32, #tpu.memory_space<vmem>> -> memref<1x128x128xf32, #tpu.memory_space<vmem>>
    %dma_start3A_2606 = tpu.memref_squeeze %dma_start3A_2605 : memref<1x128x128xf32, #tpu.memory_space<vmem>> -> memref<128x128xf32, #tpu.memory_space<vmem>>
    tpu.enqueue_dma source(%dma_start3A_2606 : memref<128x128xf32, #tpu.memory_space<vmem>>) target(%dma_start3A_2602 : memref<128x128xf32, #tpu.memory_space<hbm>>) target_semaphore(%arg20 : memref<!tpu.dma_semaphore, #tpu.memory_space<semaphore_mem>>)
    %dma_start3A_2607 = arith.constant 0 : i32
    %dma_start3A_2608 = arith.constant 0 : i32
    %dma_start3A_2609 = arith.constant 0 : i32
    %dma_start3A_2610 = tpu.memref_slice %arg16[%dma_start3A_2607, %dma_start3A_2608, %dma_start3A_2609] : memref<2x128x128xf32, #tpu.memory_space<vmem>> -> memref<1x128x128xf32, #tpu.memory_space<vmem>>
    %dma_start3A_2611 = tpu.memref_squeeze %dma_start3A_2610 : memref<1x128x128xf32, #tpu.memory_space<vmem>> -> memref<128x128xf32, #tpu.memory_space<vmem>>
    %dma_start3A_2612 = arith.constant 0 : i32
    %dma_start3A_2613 = tpu.memref_slice %arg9[%add3A_2593, %dma_start3A_2612] : memref<16384x128xf32, #tpu.memory_space<hbm>> -> memref<128x128xf32, #tpu.memory_space<hbm>>
    %dma_start3A_2614 = arith.constant 0 : i32
    %dma_start3A_2615 = tpu.memref_slice %arg9[%add3A_2593, %dma_start3A_2614] : memref<16384x128xf32, #tpu.memory_space<hbm>> -> memref<128x128xf32, #tpu.memory_space<hbm>>
    %dma_start3A_2616 = arith.constant 0 : i32
    %dma_start3A_2617 = arith.constant 0 : i32
    %dma_start3A_2618 = tpu.memref_slice %arg16[%dma_start3A_2607, %dma_start3A_2616, %dma_start3A_2617] : memref<2x128x128xf32, #tpu.memory_space<vmem>> -> memref<1x128x128xf32, #tpu.memory_space<vmem>>
    %dma_start3A_2619 = tpu.memref_squeeze %dma_start3A_2618 : memref<1x128x128xf32, #tpu.memory_space<vmem>> -> memref<128x128xf32, #tpu.memory_space<vmem>>
    tpu.enqueue_dma source(%dma_start3A_2619 : memref<128x128xf32, #tpu.memory_space<vmem>>) target(%dma_start3A_2615 : memref<128x128xf32, #tpu.memory_space<hbm>>) target_semaphore(%arg20 : memref<!tpu.dma_semaphore, #tpu.memory_space<semaphore_mem>>)
    %dma_wait3A_2620 = arith.constant 1 : i32
    %dma_wait3A_2621 = arith.constant 0 : i32
    %dma_wait3A_2622 = arith.constant 0 : i32
    %dma_wait3A_2623 = tpu.memref_slice %arg15[%dma_wait3A_2620, %dma_wait3A_2621, %dma_wait3A_2622] : memref<2x128x128xf32, #tpu.memory_space<vmem>> -> memref<1x128x128xf32, #tpu.memory_space<vmem>>
    %dma_wait3A_2624 = tpu.memref_squeeze %dma_wait3A_2623 : memref<1x128x128xf32, #tpu.memory_space<vmem>> -> memref<128x128xf32, #tpu.memory_space<vmem>>
    %dma_wait3A_2625 = arith.constant 0 : i32
    %dma_wait3A_2626 = tpu.memref_slice %arg8[%add3A_2491, %dma_wait3A_2625] : memref<16384x128xf32, #tpu.memory_space<hbm>> -> memref<128x128xf32, #tpu.memory_space<hbm>>
    %dma_wait3A_2627 = arith.constant 0 : i32
    %dma_wait3A_2628 = tpu.memref_slice %arg8[%add3A_2491, %dma_wait3A_2627] : memref<16384x128xf32, #tpu.memory_space<hbm>> -> memref<128x128xf32, #tpu.memory_space<hbm>>
    %dma_wait3A_2629 = arith.constant 0 : i32
    %dma_wait3A_2630 = arith.constant 0 : i32
    %dma_wait3A_2631 = tpu.memref_slice %arg15[%dma_wait3A_2620, %dma_wait3A_2629, %dma_wait3A_2630] : memref<2x128x128xf32, #tpu.memory_space<vmem>> -> memref<1x128x128xf32, #tpu.memory_space<vmem>>
    %dma_wait3A_2632 = tpu.memref_squeeze %dma_wait3A_2631 : memref<1x128x128xf32, #tpu.memory_space<vmem>> -> memref<128x128xf32, #tpu.memory_space<vmem>>
    tpu.wait_dma2 semaphore(%arg20 : memref<!tpu.dma_semaphore, #tpu.memory_space<semaphore_mem>>) src(%dma_wait3A_2632 : memref<128x128xf32, #tpu.memory_space<vmem>>) dst(%dma_wait3A_2628 : memref<128x128xf32, #tpu.memory_space<hbm>>)
    %dma_wait3A_2633 = arith.constant 1 : i32
    %dma_wait3A_2634 = arith.constant 0 : i32
    %dma_wait3A_2635 = arith.constant 0 : i32
    %dma_wait3A_2636 = tpu.memref_slice %arg16[%dma_wait3A_2633, %dma_wait3A_2634, %dma_wait3A_2635] : memref<2x128x128xf32, #tpu.memory_space<vmem>> -> memref<1x128x128xf32, #tpu.memory_space<vmem>>
    %dma_wait3A_2637 = tpu.memref_squeeze %dma_wait3A_2636 : memref<1x128x128xf32, #tpu.memory_space<vmem>> -> memref<128x128xf32, #tpu.memory_space<vmem>>
    %dma_wait3A_2638 = arith.constant 0 : i32
    %dma_wait3A_2639 = tpu.memref_slice %arg9[%add3A_2491, %dma_wait3A_2638] : memref<16384x128xf32, #tpu.memory_space<hbm>> -> memref<128x128xf32, #tpu.memory_space<hbm>>
    %dma_wait3A_2640 = arith.constant 0 : i32
    %dma_wait3A_2641 = tpu.memref_slice %arg9[%add3A_2491, %dma_wait3A_2640] : memref<16384x128xf32, #tpu.memory_space<hbm>> -> memref<128x128xf32, #tpu.memory_space<hbm>>
    %dma_wait3A_2642 = arith.constant 0 : i32
    %dma_wait3A_2643 = arith.constant 0 : i32
    %dma_wait3A_2644 = tpu.memref_slice %arg16[%dma_wait3A_2633, %dma_wait3A_2642, %dma_wait3A_2643] : memref<2x128x128xf32, #tpu.memory_space<vmem>> -> memref<1x128x128xf32, #tpu.memory_space<vmem>>
    %dma_wait3A_2645 = tpu.memref_squeeze %dma_wait3A_2644 : memref<1x128x128xf32, #tpu.memory_space<vmem>> -> memref<128x128xf32, #tpu.memory_space<vmem>>
    tpu.wait_dma2 semaphore(%arg20 : memref<!tpu.dma_semaphore, #tpu.memory_space<semaphore_mem>>) src(%dma_wait3A_2645 : memref<128x128xf32, #tpu.memory_space<vmem>>) dst(%dma_wait3A_2641 : memref<128x128xf32, #tpu.memory_space<hbm>>)
    %dma_start3A_2646 = arith.constant 3 : i32
    %dma_start3A_2647 = arith.constant 1 : i32
    %dma_start3A_2648 = arith.constant 0 : i32
    %dma_start3A_2649 = arith.constant 0 : i32
    %dma_start3A_2650 = tpu.memref_slice %arg15[%dma_start3A_2647, %dma_start3A_2648, %dma_start3A_2649] : memref<2x128x128xf32, #tpu.memory_space<vmem>> -> memref<1x128x128xf32, #tpu.memory_space<vmem>>
    %dma_start3A_2651 = tpu.memref_squeeze %dma_start3A_2650 : memref<1x128x128xf32, #tpu.memory_space<vmem>> -> memref<128x128xf32, #tpu.memory_space<vmem>>
    %dma_start3A_2652 = arith.constant 0 : i32
    %dma_start3A_2653 = tpu.memref_slice %arg13[%dma_start3A_2646, %dma_start3A_2652] : memref<4x128xi32, #tpu.memory_space<vmem>> -> memref<1x128xi32, #tpu.memory_space<vmem>>
    %dma_start3A_2654 = tpu.memref_squeeze %dma_start3A_2653 : memref<1x128xi32, #tpu.memory_space<vmem>> -> memref<128xi32, #tpu.memory_space<vmem>>
    %dma_start3A_2655 = arith.constant 0 : i32
    %dma_start3A_2656 = arith.constant 0 : i32
    %dma_start3A_2657 = tpu.memref_slice %arg6[%dma_start3A_2655, %dma_start3A_2656] : memref<253952x128xf32, #tpu.memory_space<hbm>> -> memref<253952x128xf32, #tpu.memory_space<hbm>>
    tpu.enqueue_indirect_dma source(%dma_start3A_2657 : memref<253952x128xf32, #tpu.memory_space<hbm>>) target(%dma_start3A_2651 : memref<128x128xf32, #tpu.memory_space<vmem>>) offsets(%dma_start3A_2654 : memref<128xi32, #tpu.memory_space<vmem>>) semaphore(%arg19 : memref<!tpu.dma_semaphore, #tpu.memory_space<semaphore_mem>>)
    %dma_start3A_2658 = arith.constant 3 : i32
    %dma_start3A_2659 = arith.constant 1 : i32
    %dma_start3A_2660 = arith.constant 0 : i32
    %dma_start3A_2661 = arith.constant 0 : i32
    %dma_start3A_2662 = tpu.memref_slice %arg16[%dma_start3A_2659, %dma_start3A_2660, %dma_start3A_2661] : memref<2x128x128xf32, #tpu.memory_space<vmem>> -> memref<1x128x128xf32, #tpu.memory_space<vmem>>
    %dma_start3A_2663 = tpu.memref_squeeze %dma_start3A_2662 : memref<1x128x128xf32, #tpu.memory_space<vmem>> -> memref<128x128xf32, #tpu.memory_space<vmem>>
    %dma_start3A_2664 = arith.constant 0 : i32
    %dma_start3A_2665 = tpu.memref_slice %arg14[%dma_start3A_2658, %dma_start3A_2664] : memref<4x128xi32, #tpu.memory_space<vmem>> -> memref<1x128xi32, #tpu.memory_space<vmem>>
    %dma_start3A_2666 = tpu.memref_squeeze %dma_start3A_2665 : memref<1x128xi32, #tpu.memory_space<vmem>> -> memref<128xi32, #tpu.memory_space<vmem>>
    %dma_start3A_2667 = arith.constant 0 : i32
    %dma_start3A_2668 = arith.constant 0 : i32
    %dma_start3A_2669 = tpu.memref_slice %arg7[%dma_start3A_2667, %dma_start3A_2668] : memref<253952x128xf32, #tpu.memory_space<hbm>> -> memref<253952x128xf32, #tpu.memory_space<hbm>>
    tpu.enqueue_indirect_dma source(%dma_start3A_2669 : memref<253952x128xf32, #tpu.memory_space<hbm>>) target(%dma_start3A_2663 : memref<128x128xf32, #tpu.memory_space<vmem>>) offsets(%dma_start3A_2666 : memref<128xi32, #tpu.memory_space<vmem>>) semaphore(%arg19 : memref<!tpu.dma_semaphore, #tpu.memory_space<semaphore_mem>>)
    %dma_wait3A_2670 = arith.constant 3 : i32
    %dma_wait3A_2671 = arith.constant 1 : i32
    %dma_wait3A_2672 = arith.constant 0 : i32
    %dma_wait3A_2673 = arith.constant 0 : i32
    %dma_wait3A_2674 = tpu.memref_slice %arg15[%dma_wait3A_2671, %dma_wait3A_2672, %dma_wait3A_2673] : memref<2x128x128xf32, #tpu.memory_space<vmem>> -> memref<1x128x128xf32, #tpu.memory_space<vmem>>
    %dma_wait3A_2675 = tpu.memref_squeeze %dma_wait3A_2674 : memref<1x128x128xf32, #tpu.memory_space<vmem>> -> memref<128x128xf32, #tpu.memory_space<vmem>>
    %dma_wait3A_2676 = arith.constant 0 : i32
    %dma_wait3A_2677 = tpu.memref_slice %arg13[%dma_wait3A_2670, %dma_wait3A_2676] : memref<4x128xi32, #tpu.memory_space<vmem>> -> memref<1x128xi32, #tpu.memory_space<vmem>>
    %dma_wait3A_2678 = tpu.memref_squeeze %dma_wait3A_2677 : memref<1x128xi32, #tpu.memory_space<vmem>> -> memref<128xi32, #tpu.memory_space<vmem>>
    %dma_wait3A_2679 = arith.constant 0 : i32
    %dma_wait3A_2680 = arith.constant 0 : i32
    %dma_wait3A_2681 = tpu.memref_slice %arg6[%dma_wait3A_2679, %dma_wait3A_2680] : memref<253952x128xf32, #tpu.memory_space<hbm>> -> memref<253952x128xf32, #tpu.memory_space<hbm>>
    tpu.wait_indirect_dma semaphore(%arg19 : memref<!tpu.dma_semaphore, #tpu.memory_space<semaphore_mem>>) src(%dma_wait3A_2681 : memref<253952x128xf32, #tpu.memory_space<hbm>>) dst(%dma_wait3A_2675 : memref<128x128xf32, #tpu.memory_space<vmem>>)
    %dma_wait3A_2682 = arith.constant 3 : i32
    %dma_wait3A_2683 = arith.constant 1 : i32
    %dma_wait3A_2684 = arith.constant 0 : i32
    %dma_wait3A_2685 = arith.constant 0 : i32
    %dma_wait3A_2686 = tpu.memref_slice %arg16[%dma_wait3A_2683, %dma_wait3A_2684, %dma_wait3A_2685] : memref<2x128x128xf32, #tpu.memory_space<vmem>> -> memref<1x128x128xf32, #tpu.memory_space<vmem>>
    %dma_wait3A_2687 = tpu.memref_squeeze %dma_wait3A_2686 : memref<1x128x128xf32, #tpu.memory_space<vmem>> -> memref<128x128xf32, #tpu.memory_space<vmem>>
    %dma_wait3A_2688 = arith.constant 0 : i32
    %dma_wait3A_2689 = tpu.memref_slice %arg14[%dma_wait3A_2682, %dma_wait3A_2688] : memref<4x128xi32, #tpu.memory_space<vmem>> -> memref<1x128xi32, #tpu.memory_space<vmem>>
    %dma_wait3A_2690 = tpu.memref_squeeze %dma_wait3A_2689 : memref<1x128xi32, #tpu.memory_space<vmem>> -> memref<128xi32, #tpu.memory_space<vmem>>
    %dma_wait3A_2691 = arith.constant 0 : i32
    %dma_wait3A_2692 = arith.constant 0 : i32
    %dma_wait3A_2693 = tpu.memref_slice %arg7[%dma_wait3A_2691, %dma_wait3A_2692] : memref<253952x128xf32, #tpu.memory_space<hbm>> -> memref<253952x128xf32, #tpu.memory_space<hbm>>
    tpu.wait_indirect_dma semaphore(%arg19 : memref<!tpu.dma_semaphore, #tpu.memory_space<semaphore_mem>>) src(%dma_wait3A_2693 : memref<253952x128xf32, #tpu.memory_space<hbm>>) dst(%dma_wait3A_2687 : memref<128x128xf32, #tpu.memory_space<vmem>>)
    %add3A_2694 = arith.constant 384 : i32
    %add3A_2695 = arith.addi %mul3A_2, %add3A_2694 : i32
    %dma_start3A_2696 = arith.constant 1 : i32
    %dma_start3A_2697 = arith.constant 0 : i32
    %dma_start3A_2698 = arith.constant 0 : i32
    %dma_start3A_2699 = tpu.memref_slice %arg15[%dma_start3A_2696, %dma_start3A_2697, %dma_start3A_2698] : memref<2x128x128xf32, #tpu.memory_space<vmem>> -> memref<1x128x128xf32, #tpu.memory_space<vmem>>
    %dma_start3A_2700 = tpu.memref_squeeze %dma_start3A_2699 : memref<1x128x128xf32, #tpu.memory_space<vmem>> -> memref<128x128xf32, #tpu.memory_space<vmem>>
    %dma_start3A_2701 = arith.constant 0 : i32
    %dma_start3A_2702 = tpu.memref_slice %arg8[%add3A_2695, %dma_start3A_2701] : memref<16384x128xf32, #tpu.memory_space<hbm>> -> memref<128x128xf32, #tpu.memory_space<hbm>>
    %dma_start3A_2703 = arith.constant 0 : i32
    %dma_start3A_2704 = tpu.memref_slice %arg8[%add3A_2695, %dma_start3A_2703] : memref<16384x128xf32, #tpu.memory_space<hbm>> -> memref<128x128xf32, #tpu.memory_space<hbm>>
    %dma_start3A_2705 = arith.constant 0 : i32
    %dma_start3A_2706 = arith.constant 0 : i32
    %dma_start3A_2707 = tpu.memref_slice %arg15[%dma_start3A_2696, %dma_start3A_2705, %dma_start3A_2706] : memref<2x128x128xf32, #tpu.memory_space<vmem>> -> memref<1x128x128xf32, #tpu.memory_space<vmem>>
    %dma_start3A_2708 = tpu.memref_squeeze %dma_start3A_2707 : memref<1x128x128xf32, #tpu.memory_space<vmem>> -> memref<128x128xf32, #tpu.memory_space<vmem>>
    tpu.enqueue_dma source(%dma_start3A_2708 : memref<128x128xf32, #tpu.memory_space<vmem>>) target(%dma_start3A_2704 : memref<128x128xf32, #tpu.memory_space<hbm>>) target_semaphore(%arg20 : memref<!tpu.dma_semaphore, #tpu.memory_space<semaphore_mem>>)
    %dma_start3A_2709 = arith.constant 1 : i32
    %dma_start3A_2710 = arith.constant 0 : i32
    %dma_start3A_2711 = arith.constant 0 : i32
    %dma_start3A_2712 = tpu.memref_slice %arg16[%dma_start3A_2709, %dma_start3A_2710, %dma_start3A_2711] : memref<2x128x128xf32, #tpu.memory_space<vmem>> -> memref<1x128x128xf32, #tpu.memory_space<vmem>>
    %dma_start3A_2713 = tpu.memref_squeeze %dma_start3A_2712 : memref<1x128x128xf32, #tpu.memory_space<vmem>> -> memref<128x128xf32, #tpu.memory_space<vmem>>
    %dma_start3A_2714 = arith.constant 0 : i32
    %dma_start3A_2715 = tpu.memref_slice %arg9[%add3A_2695, %dma_start3A_2714] : memref<16384x128xf32, #tpu.memory_space<hbm>> -> memref<128x128xf32, #tpu.memory_space<hbm>>
    %dma_start3A_2716 = arith.constant 0 : i32
    %dma_start3A_2717 = tpu.memref_slice %arg9[%add3A_2695, %dma_start3A_2716] : memref<16384x128xf32, #tpu.memory_space<hbm>> -> memref<128x128xf32, #tpu.memory_space<hbm>>
    %dma_start3A_2718 = arith.constant 0 : i32
    %dma_start3A_2719 = arith.constant 0 : i32
    %dma_start3A_2720 = tpu.memref_slice %arg16[%dma_start3A_2709, %dma_start3A_2718, %dma_start3A_2719] : memref<2x128x128xf32, #tpu.memory_space<vmem>> -> memref<1x128x128xf32, #tpu.memory_space<vmem>>
    %dma_start3A_2721 = tpu.memref_squeeze %dma_start3A_2720 : memref<1x128x128xf32, #tpu.memory_space<vmem>> -> memref<128x128xf32, #tpu.memory_space<vmem>>
    tpu.enqueue_dma source(%dma_start3A_2721 : memref<128x128xf32, #tpu.memory_space<vmem>>) target(%dma_start3A_2717 : memref<128x128xf32, #tpu.memory_space<hbm>>) target_semaphore(%arg20 : memref<!tpu.dma_semaphore, #tpu.memory_space<semaphore_mem>>)
    %dma_wait3A_2722 = arith.constant 0 : i32
    %dma_wait3A_2723 = arith.constant 0 : i32
    %dma_wait3A_2724 = tpu.memref_slice %arg17[%dma_wait3A_2723] : memref<512xf32, #tpu.memory_space<vmem>> -> memref<128xf32, #tpu.memory_space<vmem>>
    %dma_wait3A_2725 = arith.constant 0 : i32
    %dma_wait3A_2726 = tpu.memref_slice %arg11[%dma_wait3A_2722, %dma_wait3A_2725] : memref<4x128xi32, #tpu.memory_space<vmem>> -> memref<1x128xi32, #tpu.memory_space<vmem>>
    %dma_wait3A_2727 = tpu.memref_squeeze %dma_wait3A_2726 : memref<1x128xi32, #tpu.memory_space<vmem>> -> memref<128xi32, #tpu.memory_space<vmem>>
    %dma_wait3A_2728 = arith.constant 0 : i32
    %dma_wait3A_2729 = tpu.memref_slice %arg4[%dma_wait3A_2728] : memref<1000000xf32, #tpu.memory_space<hbm>> -> memref<1000000xf32, #tpu.memory_space<hbm>>
    tpu.wait_indirect_dma semaphore(%arg21 : memref<!tpu.dma_semaphore, #tpu.memory_space<semaphore_mem>>) src(%dma_wait3A_2729 : memref<1000000xf32, #tpu.memory_space<hbm>>) dst(%dma_wait3A_2724 : memref<128xf32, #tpu.memory_space<vmem>>)
    %dma_wait3A_2730 = arith.constant 0 : i32
    %dma_wait3A_2731 = arith.constant 0 : i32
    %dma_wait3A_2732 = tpu.memref_slice %arg18[%dma_wait3A_2731] : memref<512xf32, #tpu.memory_space<vmem>> -> memref<128xf32, #tpu.memory_space<vmem>>
    %dma_wait3A_2733 = arith.constant 0 : i32
    %dma_wait3A_2734 = tpu.memref_slice %arg12[%dma_wait3A_2730, %dma_wait3A_2733] : memref<4x128xi32, #tpu.memory_space<vmem>> -> memref<1x128xi32, #tpu.memory_space<vmem>>
    %dma_wait3A_2735 = tpu.memref_squeeze %dma_wait3A_2734 : memref<1x128xi32, #tpu.memory_space<vmem>> -> memref<128xi32, #tpu.memory_space<vmem>>
    %dma_wait3A_2736 = arith.constant 0 : i32
    %dma_wait3A_2737 = tpu.memref_slice %arg5[%dma_wait3A_2736] : memref<1000000xf32, #tpu.memory_space<hbm>> -> memref<1000000xf32, #tpu.memory_space<hbm>>
    tpu.wait_indirect_dma semaphore(%arg21 : memref<!tpu.dma_semaphore, #tpu.memory_space<semaphore_mem>>) src(%dma_wait3A_2737 : memref<1000000xf32, #tpu.memory_space<hbm>>) dst(%dma_wait3A_2732 : memref<128xf32, #tpu.memory_space<vmem>>)
    %dma_wait3A_2738 = arith.constant 1 : i32
    %dma_wait3A_2739 = arith.constant 128 : i32
    %dma_wait3A_2740 = tpu.memref_slice %arg17[%dma_wait3A_2739] : memref<512xf32, #tpu.memory_space<vmem>> -> memref<128xf32, #tpu.memory_space<vmem>>
    %dma_wait3A_2741 = arith.constant 0 : i32
    %dma_wait3A_2742 = tpu.memref_slice %arg11[%dma_wait3A_2738, %dma_wait3A_2741] : memref<4x128xi32, #tpu.memory_space<vmem>> -> memref<1x128xi32, #tpu.memory_space<vmem>>
    %dma_wait3A_2743 = tpu.memref_squeeze %dma_wait3A_2742 : memref<1x128xi32, #tpu.memory_space<vmem>> -> memref<128xi32, #tpu.memory_space<vmem>>
    %dma_wait3A_2744 = arith.constant 0 : i32
    %dma_wait3A_2745 = tpu.memref_slice %arg4[%dma_wait3A_2744] : memref<1000000xf32, #tpu.memory_space<hbm>> -> memref<1000000xf32, #tpu.memory_space<hbm>>
    tpu.wait_indirect_dma semaphore(%arg21 : memref<!tpu.dma_semaphore, #tpu.memory_space<semaphore_mem>>) src(%dma_wait3A_2745 : memref<1000000xf32, #tpu.memory_space<hbm>>) dst(%dma_wait3A_2740 : memref<128xf32, #tpu.memory_space<vmem>>)
    %dma_wait3A_2746 = arith.constant 1 : i32
    %dma_wait3A_2747 = arith.constant 128 : i32
    %dma_wait3A_2748 = tpu.memref_slice %arg18[%dma_wait3A_2747] : memref<512xf32, #tpu.memory_space<vmem>> -> memref<128xf32, #tpu.memory_space<vmem>>
    %dma_wait3A_2749 = arith.constant 0 : i32
    %dma_wait3A_2750 = tpu.memref_slice %arg12[%dma_wait3A_2746, %dma_wait3A_2749] : memref<4x128xi32, #tpu.memory_space<vmem>> -> memref<1x128xi32, #tpu.memory_space<vmem>>
    %dma_wait3A_2751 = tpu.memref_squeeze %dma_wait3A_2750 : memref<1x128xi32, #tpu.memory_space<vmem>> -> memref<128xi32, #tpu.memory_space<vmem>>
    %dma_wait3A_2752 = arith.constant 0 : i32
    %dma_wait3A_2753 = tpu.memref_slice %arg5[%dma_wait3A_2752] : memref<1000000xf32, #tpu.memory_space<hbm>> -> memref<1000000xf32, #tpu.memory_space<hbm>>
    tpu.wait_indirect_dma semaphore(%arg21 : memref<!tpu.dma_semaphore, #tpu.memory_space<semaphore_mem>>) src(%dma_wait3A_2753 : memref<1000000xf32, #tpu.memory_space<hbm>>) dst(%dma_wait3A_2748 : memref<128xf32, #tpu.memory_space<vmem>>)
    %dma_wait3A_2754 = arith.constant 2 : i32
    %dma_wait3A_2755 = arith.constant 256 : i32
    %dma_wait3A_2756 = tpu.memref_slice %arg17[%dma_wait3A_2755] : memref<512xf32, #tpu.memory_space<vmem>> -> memref<128xf32, #tpu.memory_space<vmem>>
    %dma_wait3A_2757 = arith.constant 0 : i32
    %dma_wait3A_2758 = tpu.memref_slice %arg11[%dma_wait3A_2754, %dma_wait3A_2757] : memref<4x128xi32, #tpu.memory_space<vmem>> -> memref<1x128xi32, #tpu.memory_space<vmem>>
    %dma_wait3A_2759 = tpu.memref_squeeze %dma_wait3A_2758 : memref<1x128xi32, #tpu.memory_space<vmem>> -> memref<128xi32, #tpu.memory_space<vmem>>
    %dma_wait3A_2760 = arith.constant 0 : i32
    %dma_wait3A_2761 = tpu.memref_slice %arg4[%dma_wait3A_2760] : memref<1000000xf32, #tpu.memory_space<hbm>> -> memref<1000000xf32, #tpu.memory_space<hbm>>
    tpu.wait_indirect_dma semaphore(%arg21 : memref<!tpu.dma_semaphore, #tpu.memory_space<semaphore_mem>>) src(%dma_wait3A_2761 : memref<1000000xf32, #tpu.memory_space<hbm>>) dst(%dma_wait3A_2756 : memref<128xf32, #tpu.memory_space<vmem>>)
    %dma_wait3A_2762 = arith.constant 2 : i32
    %dma_wait3A_2763 = arith.constant 256 : i32
    %dma_wait3A_2764 = tpu.memref_slice %arg18[%dma_wait3A_2763] : memref<512xf32, #tpu.memory_space<vmem>> -> memref<128xf32, #tpu.memory_space<vmem>>
    %dma_wait3A_2765 = arith.constant 0 : i32
    %dma_wait3A_2766 = tpu.memref_slice %arg12[%dma_wait3A_2762, %dma_wait3A_2765] : memref<4x128xi32, #tpu.memory_space<vmem>> -> memref<1x128xi32, #tpu.memory_space<vmem>>
    %dma_wait3A_2767 = tpu.memref_squeeze %dma_wait3A_2766 : memref<1x128xi32, #tpu.memory_space<vmem>> -> memref<128xi32, #tpu.memory_space<vmem>>
    %dma_wait3A_2768 = arith.constant 0 : i32
    %dma_wait3A_2769 = tpu.memref_slice %arg5[%dma_wait3A_2768] : memref<1000000xf32, #tpu.memory_space<hbm>> -> memref<1000000xf32, #tpu.memory_space<hbm>>
    tpu.wait_indirect_dma semaphore(%arg21 : memref<!tpu.dma_semaphore, #tpu.memory_space<semaphore_mem>>) src(%dma_wait3A_2769 : memref<1000000xf32, #tpu.memory_space<hbm>>) dst(%dma_wait3A_2764 : memref<128xf32, #tpu.memory_space<vmem>>)
    %dma_wait3A_2770 = arith.constant 3 : i32
    %dma_wait3A_2771 = arith.constant 384 : i32
    %dma_wait3A_2772 = tpu.memref_slice %arg17[%dma_wait3A_2771] : memref<512xf32, #tpu.memory_space<vmem>> -> memref<128xf32, #tpu.memory_space<vmem>>
    %dma_wait3A_2773 = arith.constant 0 : i32
    %dma_wait3A_2774 = tpu.memref_slice %arg11[%dma_wait3A_2770, %dma_wait3A_2773] : memref<4x128xi32, #tpu.memory_space<vmem>> -> memref<1x128xi32, #tpu.memory_space<vmem>>
    %dma_wait3A_2775 = tpu.memref_squeeze %dma_wait3A_2774 : memref<1x128xi32, #tpu.memory_space<vmem>> -> memref<128xi32, #tpu.memory_space<vmem>>
    %dma_wait3A_2776 = arith.constant 0 : i32
    %dma_wait3A_2777 = tpu.memref_slice %arg4[%dma_wait3A_2776] : memref<1000000xf32, #tpu.memory_space<hbm>> -> memref<1000000xf32, #tpu.memory_space<hbm>>
    tpu.wait_indirect_dma semaphore(%arg21 : memref<!tpu.dma_semaphore, #tpu.memory_space<semaphore_mem>>) src(%dma_wait3A_2777 : memref<1000000xf32, #tpu.memory_space<hbm>>) dst(%dma_wait3A_2772 : memref<128xf32, #tpu.memory_space<vmem>>)
    %dma_wait3A_2778 = arith.constant 3 : i32
    %dma_wait3A_2779 = arith.constant 384 : i32
    %dma_wait3A_2780 = tpu.memref_slice %arg18[%dma_wait3A_2779] : memref<512xf32, #tpu.memory_space<vmem>> -> memref<128xf32, #tpu.memory_space<vmem>>
    %dma_wait3A_2781 = arith.constant 0 : i32
    %dma_wait3A_2782 = tpu.memref_slice %arg12[%dma_wait3A_2778, %dma_wait3A_2781] : memref<4x128xi32, #tpu.memory_space<vmem>> -> memref<1x128xi32, #tpu.memory_space<vmem>>
    %dma_wait3A_2783 = tpu.memref_squeeze %dma_wait3A_2782 : memref<1x128xi32, #tpu.memory_space<vmem>> -> memref<128xi32, #tpu.memory_space<vmem>>
    %dma_wait3A_2784 = arith.constant 0 : i32
    %dma_wait3A_2785 = tpu.memref_slice %arg5[%dma_wait3A_2784] : memref<1000000xf32, #tpu.memory_space<hbm>> -> memref<1000000xf32, #tpu.memory_space<hbm>>
    tpu.wait_indirect_dma semaphore(%arg21 : memref<!tpu.dma_semaphore, #tpu.memory_space<semaphore_mem>>) src(%dma_wait3A_2785 : memref<1000000xf32, #tpu.memory_space<hbm>>) dst(%dma_wait3A_2780 : memref<128xf32, #tpu.memory_space<vmem>>)
    %get3A_2786 = arith.constant 0 : index
    %get3A_2787 = tpu.vector_load %arg17[%get3A_2786] {strides = array<i32>} : memref<512xf32, #tpu.memory_space<vmem>>, vector<16xf32>,
    %get3A_2788 = vector.shape_cast %get3A_2787 : vector<16xf32> to vector<16xf32>
    %get3A_2789 = arith.constant 0 : index
    %get3A_2790 = tpu.vector_load %arg18[%get3A_2789] {strides = array<i32>} : memref<512xf32, #tpu.memory_space<vmem>>, vector<16xf32>,
    %get3A_2791 = vector.shape_cast %get3A_2790 : vector<16xf32> to vector<16xf32>
    %add3A_2792 = arith.addf %get3A_2788, %get3A_2791 : vector<16xf32>
    %swap3A_2793 = arith.constant 0 : index
    %swap3A_2794 = tpu.vector_load %arg17[%swap3A_2793] {strides = array<i32>} : memref<512xf32, #tpu.memory_space<vmem>>, vector<16xf32>,
    %swap3A_2795 = vector.shape_cast %swap3A_2794 : vector<16xf32> to vector<16xf32>
    %swap3A_2796 = vector.shape_cast %add3A_2792 : vector<16xf32> to vector<16xf32>
    tpu.vector_store %arg17[%swap3A_2793], %swap3A_2796 {strides = array<i32>} : memref<512xf32, #tpu.memory_space<vmem>>, vector<16xf32>,
    %get3A_2797 = arith.constant 16 : index
    %get3A_2798 = tpu.vector_load %arg17[%get3A_2797] {strides = array<i32>} : memref<512xf32, #tpu.memory_space<vmem>>, vector<16xf32>,
    %get3A_2799 = vector.shape_cast %get3A_2798 : vector<16xf32> to vector<16xf32>
    %get3A_2800 = arith.constant 16 : index
    %get3A_2801 = tpu.vector_load %arg18[%get3A_2800] {strides = array<i32>} : memref<512xf32, #tpu.memory_space<vmem>>, vector<16xf32>,
    %get3A_2802 = vector.shape_cast %get3A_2801 : vector<16xf32> to vector<16xf32>
    %add3A_2803 = arith.addf %get3A_2799, %get3A_2802 : vector<16xf32>
    %swap3A_2804 = arith.constant 16 : index
    %swap3A_2805 = tpu.vector_load %arg17[%swap3A_2804] {strides = array<i32>} : memref<512xf32, #tpu.memory_space<vmem>>, vector<16xf32>,
    %swap3A_2806 = vector.shape_cast %swap3A_2805 : vector<16xf32> to vector<16xf32>
    %swap3A_2807 = vector.shape_cast %add3A_2803 : vector<16xf32> to vector<16xf32>
    tpu.vector_store %arg17[%swap3A_2804], %swap3A_2807 {strides = array<i32>} : memref<512xf32, #tpu.memory_space<vmem>>, vector<16xf32>,
    %get3A_2808 = arith.constant 32 : index
    %get3A_2809 = tpu.vector_load %arg17[%get3A_2808] {strides = array<i32>} : memref<512xf32, #tpu.memory_space<vmem>>, vector<16xf32>,
    %get3A_2810 = vector.shape_cast %get3A_2809 : vector<16xf32> to vector<16xf32>
    %get3A_2811 = arith.constant 32 : index
    %get3A_2812 = tpu.vector_load %arg18[%get3A_2811] {strides = array<i32>} : memref<512xf32, #tpu.memory_space<vmem>>, vector<16xf32>,
    %get3A_2813 = vector.shape_cast %get3A_2812 : vector<16xf32> to vector<16xf32>
    %add3A_2814 = arith.addf %get3A_2810, %get3A_2813 : vector<16xf32>
    %swap3A_2815 = arith.constant 32 : index
    %swap3A_2816 = tpu.vector_load %arg17[%swap3A_2815] {strides = array<i32>} : memref<512xf32, #tpu.memory_space<vmem>>, vector<16xf32>,
    %swap3A_2817 = vector.shape_cast %swap3A_2816 : vector<16xf32> to vector<16xf32>
    %swap3A_2818 = vector.shape_cast %add3A_2814 : vector<16xf32> to vector<16xf32>
    tpu.vector_store %arg17[%swap3A_2815], %swap3A_2818 {strides = array<i32>} : memref<512xf32, #tpu.memory_space<vmem>>, vector<16xf32>,
    %get3A_2819 = arith.constant 48 : index
    %get3A_2820 = tpu.vector_load %arg17[%get3A_2819] {strides = array<i32>} : memref<512xf32, #tpu.memory_space<vmem>>, vector<16xf32>,
    %get3A_2821 = vector.shape_cast %get3A_2820 : vector<16xf32> to vector<16xf32>
    %get3A_2822 = arith.constant 48 : index
    %get3A_2823 = tpu.vector_load %arg18[%get3A_2822] {strides = array<i32>} : memref<512xf32, #tpu.memory_space<vmem>>, vector<16xf32>,
    %get3A_2824 = vector.shape_cast %get3A_2823 : vector<16xf32> to vector<16xf32>
    %add3A_2825 = arith.addf %get3A_2821, %get3A_2824 : vector<16xf32>
    %swap3A_2826 = arith.constant 48 : index
    %swap3A_2827 = tpu.vector_load %arg17[%swap3A_2826] {strides = array<i32>} : memref<512xf32, #tpu.memory_space<vmem>>, vector<16xf32>,
    %swap3A_2828 = vector.shape_cast %swap3A_2827 : vector<16xf32> to vector<16xf32>
    %swap3A_2829 = vector.shape_cast %add3A_2825 : vector<16xf32> to vector<16xf32>
    tpu.vector_store %arg17[%swap3A_2826], %swap3A_2829 {strides = array<i32>} : memref<512xf32, #tpu.memory_space<vmem>>, vector<16xf32>,
    %get3A_2830 = arith.constant 64 : index
    %get3A_2831 = tpu.vector_load %arg17[%get3A_2830] {strides = array<i32>} : memref<512xf32, #tpu.memory_space<vmem>>, vector<16xf32>,
    %get3A_2832 = vector.shape_cast %get3A_2831 : vector<16xf32> to vector<16xf32>
    %get3A_2833 = arith.constant 64 : index
    %get3A_2834 = tpu.vector_load %arg18[%get3A_2833] {strides = array<i32>} : memref<512xf32, #tpu.memory_space<vmem>>, vector<16xf32>,
    %get3A_2835 = vector.shape_cast %get3A_2834 : vector<16xf32> to vector<16xf32>
    %add3A_2836 = arith.addf %get3A_2832, %get3A_2835 : vector<16xf32>
    %swap3A_2837 = arith.constant 64 : index
    %swap3A_2838 = tpu.vector_load %arg17[%swap3A_2837] {strides = array<i32>} : memref<512xf32, #tpu.memory_space<vmem>>, vector<16xf32>,
    %swap3A_2839 = vector.shape_cast %swap3A_2838 : vector<16xf32> to vector<16xf32>
    %swap3A_2840 = vector.shape_cast %add3A_2836 : vector<16xf32> to vector<16xf32>
    tpu.vector_store %arg17[%swap3A_2837], %swap3A_2840 {strides = array<i32>} : memref<512xf32, #tpu.memory_space<vmem>>, vector<16xf32>,
    %get3A_2841 = arith.constant 80 : index
    %get3A_2842 = tpu.vector_load %arg17[%get3A_2841] {strides = array<i32>} : memref<512xf32, #tpu.memory_space<vmem>>, vector<16xf32>,
    %get3A_2843 = vector.shape_cast %get3A_2842 : vector<16xf32> to vector<16xf32>
    %get3A_2844 = arith.constant 80 : index
    %get3A_2845 = tpu.vector_load %arg18[%get3A_2844] {strides = array<i32>} : memref<512xf32, #tpu.memory_space<vmem>>, vector<16xf32>,
    %get3A_2846 = vector.shape_cast %get3A_2845 : vector<16xf32> to vector<16xf32>
    %add3A_2847 = arith.addf %get3A_2843, %get3A_2846 : vector<16xf32>
    %swap3A_2848 = arith.constant 80 : index
    %swap3A_2849 = tpu.vector_load %arg17[%swap3A_2848] {strides = array<i32>} : memref<512xf32, #tpu.memory_space<vmem>>, vector<16xf32>,
    %swap3A_2850 = vector.shape_cast %swap3A_2849 : vector<16xf32> to vector<16xf32>
    %swap3A_2851 = vector.shape_cast %add3A_2847 : vector<16xf32> to vector<16xf32>
    tpu.vector_store %arg17[%swap3A_2848], %swap3A_2851 {strides = array<i32>} : memref<512xf32, #tpu.memory_space<vmem>>, vector<16xf32>,
    %get3A_2852 = arith.constant 96 : index
    %get3A_2853 = tpu.vector_load %arg17[%get3A_2852] {strides = array<i32>} : memref<512xf32, #tpu.memory_space<vmem>>, vector<16xf32>,
    %get3A_2854 = vector.shape_cast %get3A_2853 : vector<16xf32> to vector<16xf32>
    %get3A_2855 = arith.constant 96 : index
    %get3A_2856 = tpu.vector_load %arg18[%get3A_2855] {strides = array<i32>} : memref<512xf32, #tpu.memory_space<vmem>>, vector<16xf32>,
    %get3A_2857 = vector.shape_cast %get3A_2856 : vector<16xf32> to vector<16xf32>
    %add3A_2858 = arith.addf %get3A_2854, %get3A_2857 : vector<16xf32>
    %swap3A_2859 = arith.constant 96 : index
    %swap3A_2860 = tpu.vector_load %arg17[%swap3A_2859] {strides = array<i32>} : memref<512xf32, #tpu.memory_space<vmem>>, vector<16xf32>,
    %swap3A_2861 = vector.shape_cast %swap3A_2860 : vector<16xf32> to vector<16xf32>
    %swap3A_2862 = vector.shape_cast %add3A_2858 : vector<16xf32> to vector<16xf32>
    tpu.vector_store %arg17[%swap3A_2859], %swap3A_2862 {strides = array<i32>} : memref<512xf32, #tpu.memory_space<vmem>>, vector<16xf32>,
    %get3A_2863 = arith.constant 112 : index
    %get3A_2864 = tpu.vector_load %arg17[%get3A_2863] {strides = array<i32>} : memref<512xf32, #tpu.memory_space<vmem>>, vector<16xf32>,
    %get3A_2865 = vector.shape_cast %get3A_2864 : vector<16xf32> to vector<16xf32>
    %get3A_2866 = arith.constant 112 : index
    %get3A_2867 = tpu.vector_load %arg18[%get3A_2866] {strides = array<i32>} : memref<512xf32, #tpu.memory_space<vmem>>, vector<16xf32>,
    %get3A_2868 = vector.shape_cast %get3A_2867 : vector<16xf32> to vector<16xf32>
    %add3A_2869 = arith.addf %get3A_2865, %get3A_2868 : vector<16xf32>
    %swap3A_2870 = arith.constant 112 : index
    %swap3A_2871 = tpu.vector_load %arg17[%swap3A_2870] {strides = array<i32>} : memref<512xf32, #tpu.memory_space<vmem>>, vector<16xf32>,
    %swap3A_2872 = vector.shape_cast %swap3A_2871 : vector<16xf32> to vector<16xf32>
    %swap3A_2873 = vector.shape_cast %add3A_2869 : vector<16xf32> to vector<16xf32>
    tpu.vector_store %arg17[%swap3A_2870], %swap3A_2873 {strides = array<i32>} : memref<512xf32, #tpu.memory_space<vmem>>, vector<16xf32>,
    %get3A_2874 = arith.constant 128 : index
    %get3A_2875 = tpu.vector_load %arg17[%get3A_2874] {strides = array<i32>} : memref<512xf32, #tpu.memory_space<vmem>>, vector<16xf32>,
    %get3A_2876 = vector.shape_cast %get3A_2875 : vector<16xf32> to vector<16xf32>
    %get3A_2877 = arith.constant 128 : index
    %get3A_2878 = tpu.vector_load %arg18[%get3A_2877] {strides = array<i32>} : memref<512xf32, #tpu.memory_space<vmem>>, vector<16xf32>,
    %get3A_2879 = vector.shape_cast %get3A_2878 : vector<16xf32> to vector<16xf32>
    %add3A_2880 = arith.addf %get3A_2876, %get3A_2879 : vector<16xf32>
    %swap3A_2881 = arith.constant 128 : index
    %swap3A_2882 = tpu.vector_load %arg17[%swap3A_2881] {strides = array<i32>} : memref<512xf32, #tpu.memory_space<vmem>>, vector<16xf32>,
    %swap3A_2883 = vector.shape_cast %swap3A_2882 : vector<16xf32> to vector<16xf32>
    %swap3A_2884 = vector.shape_cast %add3A_2880 : vector<16xf32> to vector<16xf32>
    tpu.vector_store %arg17[%swap3A_2881], %swap3A_2884 {strides = array<i32>} : memref<512xf32, #tpu.memory_space<vmem>>, vector<16xf32>,
    %get3A_2885 = arith.constant 144 : index
    %get3A_2886 = tpu.vector_load %arg17[%get3A_2885] {strides = array<i32>} : memref<512xf32, #tpu.memory_space<vmem>>, vector<16xf32>,
    %get3A_2887 = vector.shape_cast %get3A_2886 : vector<16xf32> to vector<16xf32>
    %get3A_2888 = arith.constant 144 : index
    %get3A_2889 = tpu.vector_load %arg18[%get3A_2888] {strides = array<i32>} : memref<512xf32, #tpu.memory_space<vmem>>, vector<16xf32>,
    %get3A_2890 = vector.shape_cast %get3A_2889 : vector<16xf32> to vector<16xf32>
    %add3A_2891 = arith.addf %get3A_2887, %get3A_2890 : vector<16xf32>
    %swap3A_2892 = arith.constant 144 : index
    %swap3A_2893 = tpu.vector_load %arg17[%swap3A_2892] {strides = array<i32>} : memref<512xf32, #tpu.memory_space<vmem>>, vector<16xf32>,
    %swap3A_2894 = vector.shape_cast %swap3A_2893 : vector<16xf32> to vector<16xf32>
    %swap3A_2895 = vector.shape_cast %add3A_2891 : vector<16xf32> to vector<16xf32>
    tpu.vector_store %arg17[%swap3A_2892], %swap3A_2895 {strides = array<i32>} : memref<512xf32, #tpu.memory_space<vmem>>, vector<16xf32>,
    %get3A_2896 = arith.constant 160 : index
    %get3A_2897 = tpu.vector_load %arg17[%get3A_2896] {strides = array<i32>} : memref<512xf32, #tpu.memory_space<vmem>>, vector<16xf32>,
    %get3A_2898 = vector.shape_cast %get3A_2897 : vector<16xf32> to vector<16xf32>
    %get3A_2899 = arith.constant 160 : index
    %get3A_2900 = tpu.vector_load %arg18[%get3A_2899] {strides = array<i32>} : memref<512xf32, #tpu.memory_space<vmem>>, vector<16xf32>,
    %get3A_2901 = vector.shape_cast %get3A_2900 : vector<16xf32> to vector<16xf32>
    %add3A_2902 = arith.addf %get3A_2898, %get3A_2901 : vector<16xf32>
    %swap3A_2903 = arith.constant 160 : index
    %swap3A_2904 = tpu.vector_load %arg17[%swap3A_2903] {strides = array<i32>} : memref<512xf32, #tpu.memory_space<vmem>>, vector<16xf32>,
    %swap3A_2905 = vector.shape_cast %swap3A_2904 : vector<16xf32> to vector<16xf32>
    %swap3A_2906 = vector.shape_cast %add3A_2902 : vector<16xf32> to vector<16xf32>
    tpu.vector_store %arg17[%swap3A_2903], %swap3A_2906 {strides = array<i32>} : memref<512xf32, #tpu.memory_space<vmem>>, vector<16xf32>,
    %get3A_2907 = arith.constant 176 : index
    %get3A_2908 = tpu.vector_load %arg17[%get3A_2907] {strides = array<i32>} : memref<512xf32, #tpu.memory_space<vmem>>, vector<16xf32>,
    %get3A_2909 = vector.shape_cast %get3A_2908 : vector<16xf32> to vector<16xf32>
    %get3A_2910 = arith.constant 176 : index
    %get3A_2911 = tpu.vector_load %arg18[%get3A_2910] {strides = array<i32>} : memref<512xf32, #tpu.memory_space<vmem>>, vector<16xf32>,
    %get3A_2912 = vector.shape_cast %get3A_2911 : vector<16xf32> to vector<16xf32>
    %add3A_2913 = arith.addf %get3A_2909, %get3A_2912 : vector<16xf32>
    %swap3A_2914 = arith.constant 176 : index
    %swap3A_2915 = tpu.vector_load %arg17[%swap3A_2914] {strides = array<i32>} : memref<512xf32, #tpu.memory_space<vmem>>, vector<16xf32>,
    %swap3A_2916 = vector.shape_cast %swap3A_2915 : vector<16xf32> to vector<16xf32>
    %swap3A_2917 = vector.shape_cast %add3A_2913 : vector<16xf32> to vector<16xf32>
    tpu.vector_store %arg17[%swap3A_2914], %swap3A_2917 {strides = array<i32>} : memref<512xf32, #tpu.memory_space<vmem>>, vector<16xf32>,
    %get3A_2918 = arith.constant 192 : index
    %get3A_2919 = tpu.vector_load %arg17[%get3A_2918] {strides = array<i32>} : memref<512xf32, #tpu.memory_space<vmem>>, vector<16xf32>,
    %get3A_2920 = vector.shape_cast %get3A_2919 : vector<16xf32> to vector<16xf32>
    %get3A_2921 = arith.constant 192 : index
    %get3A_2922 = tpu.vector_load %arg18[%get3A_2921] {strides = array<i32>} : memref<512xf32, #tpu.memory_space<vmem>>, vector<16xf32>,
    %get3A_2923 = vector.shape_cast %get3A_2922 : vector<16xf32> to vector<16xf32>
    %add3A_2924 = arith.addf %get3A_2920, %get3A_2923 : vector<16xf32>
    %swap3A_2925 = arith.constant 192 : index
    %swap3A_2926 = tpu.vector_load %arg17[%swap3A_2925] {strides = array<i32>} : memref<512xf32, #tpu.memory_space<vmem>>, vector<16xf32>,
    %swap3A_2927 = vector.shape_cast %swap3A_2926 : vector<16xf32> to vector<16xf32>
    %swap3A_2928 = vector.shape_cast %add3A_2924 : vector<16xf32> to vector<16xf32>
    tpu.vector_store %arg17[%swap3A_2925], %swap3A_2928 {strides = array<i32>} : memref<512xf32, #tpu.memory_space<vmem>>, vector<16xf32>,
    %get3A_2929 = arith.constant 208 : index
    %get3A_2930 = tpu.vector_load %arg17[%get3A_2929] {strides = array<i32>} : memref<512xf32, #tpu.memory_space<vmem>>, vector<16xf32>,
    %get3A_2931 = vector.shape_cast %get3A_2930 : vector<16xf32> to vector<16xf32>
    %get3A_2932 = arith.constant 208 : index
    %get3A_2933 = tpu.vector_load %arg18[%get3A_2932] {strides = array<i32>} : memref<512xf32, #tpu.memory_space<vmem>>, vector<16xf32>,
    %get3A_2934 = vector.shape_cast %get3A_2933 : vector<16xf32> to vector<16xf32>
    %add3A_2935 = arith.addf %get3A_2931, %get3A_2934 : vector<16xf32>
    %swap3A_2936 = arith.constant 208 : index
    %swap3A_2937 = tpu.vector_load %arg17[%swap3A_2936] {strides = array<i32>} : memref<512xf32, #tpu.memory_space<vmem>>, vector<16xf32>,
    %swap3A_2938 = vector.shape_cast %swap3A_2937 : vector<16xf32> to vector<16xf32>
    %swap3A_2939 = vector.shape_cast %add3A_2935 : vector<16xf32> to vector<16xf32>
    tpu.vector_store %arg17[%swap3A_2936], %swap3A_2939 {strides = array<i32>} : memref<512xf32, #tpu.memory_space<vmem>>, vector<16xf32>,
    %get3A_2940 = arith.constant 224 : index
    %get3A_2941 = tpu.vector_load %arg17[%get3A_2940] {strides = array<i32>} : memref<512xf32, #tpu.memory_space<vmem>>, vector<16xf32>,
    %get3A_2942 = vector.shape_cast %get3A_2941 : vector<16xf32> to vector<16xf32>
    %get3A_2943 = arith.constant 224 : index
    %get3A_2944 = tpu.vector_load %arg18[%get3A_2943] {strides = array<i32>} : memref<512xf32, #tpu.memory_space<vmem>>, vector<16xf32>,
    %get3A_2945 = vector.shape_cast %get3A_2944 : vector<16xf32> to vector<16xf32>
    %add3A_2946 = arith.addf %get3A_2942, %get3A_2945 : vector<16xf32>
    %swap3A_2947 = arith.constant 224 : index
    %swap3A_2948 = tpu.vector_load %arg17[%swap3A_2947] {strides = array<i32>} : memref<512xf32, #tpu.memory_space<vmem>>, vector<16xf32>,
    %swap3A_2949 = vector.shape_cast %swap3A_2948 : vector<16xf32> to vector<16xf32>
    %swap3A_2950 = vector.shape_cast %add3A_2946 : vector<16xf32> to vector<16xf32>
    tpu.vector_store %arg17[%swap3A_2947], %swap3A_2950 {strides = array<i32>} : memref<512xf32, #tpu.memory_space<vmem>>, vector<16xf32>,
    %get3A_2951 = arith.constant 240 : index
    %get3A_2952 = tpu.vector_load %arg17[%get3A_2951] {strides = array<i32>} : memref<512xf32, #tpu.memory_space<vmem>>, vector<16xf32>,
    %get3A_2953 = vector.shape_cast %get3A_2952 : vector<16xf32> to vector<16xf32>
    %get3A_2954 = arith.constant 240 : index
    %get3A_2955 = tpu.vector_load %arg18[%get3A_2954] {strides = array<i32>} : memref<512xf32, #tpu.memory_space<vmem>>, vector<16xf32>,
    %get3A_2956 = vector.shape_cast %get3A_2955 : vector<16xf32> to vector<16xf32>
    %add3A_2957 = arith.addf %get3A_2953, %get3A_2956 : vector<16xf32>
    %swap3A_2958 = arith.constant 240 : index
    %swap3A_2959 = tpu.vector_load %arg17[%swap3A_2958] {strides = array<i32>} : memref<512xf32, #tpu.memory_space<vmem>>, vector<16xf32>,
    %swap3A_2960 = vector.shape_cast %swap3A_2959 : vector<16xf32> to vector<16xf32>
    %swap3A_2961 = vector.shape_cast %add3A_2957 : vector<16xf32> to vector<16xf32>
    tpu.vector_store %arg17[%swap3A_2958], %swap3A_2961 {strides = array<i32>} : memref<512xf32, #tpu.memory_space<vmem>>, vector<16xf32>,
    %get3A_2962 = arith.constant 256 : index
    %get3A_2963 = tpu.vector_load %arg17[%get3A_2962] {strides = array<i32>} : memref<512xf32, #tpu.memory_space<vmem>>, vector<16xf32>,
    %get3A_2964 = vector.shape_cast %get3A_2963 : vector<16xf32> to vector<16xf32>
    %get3A_2965 = arith.constant 256 : index
    %get3A_2966 = tpu.vector_load %arg18[%get3A_2965] {strides = array<i32>} : memref<512xf32, #tpu.memory_space<vmem>>, vector<16xf32>,
    %get3A_2967 = vector.shape_cast %get3A_2966 : vector<16xf32> to vector<16xf32>
    %add3A_2968 = arith.addf %get3A_2964, %get3A_2967 : vector<16xf32>
    %swap3A_2969 = arith.constant 256 : index
    %swap3A_2970 = tpu.vector_load %arg17[%swap3A_2969] {strides = array<i32>} : memref<512xf32, #tpu.memory_space<vmem>>, vector<16xf32>,
    %swap3A_2971 = vector.shape_cast %swap3A_2970 : vector<16xf32> to vector<16xf32>
    %swap3A_2972 = vector.shape_cast %add3A_2968 : vector<16xf32> to vector<16xf32>
    tpu.vector_store %arg17[%swap3A_2969], %swap3A_2972 {strides = array<i32>} : memref<512xf32, #tpu.memory_space<vmem>>, vector<16xf32>,
    %get3A_2973 = arith.constant 272 : index
    %get3A_2974 = tpu.vector_load %arg17[%get3A_2973] {strides = array<i32>} : memref<512xf32, #tpu.memory_space<vmem>>, vector<16xf32>,
    %get3A_2975 = vector.shape_cast %get3A_2974 : vector<16xf32> to vector<16xf32>
    %get3A_2976 = arith.constant 272 : index
    %get3A_2977 = tpu.vector_load %arg18[%get3A_2976] {strides = array<i32>} : memref<512xf32, #tpu.memory_space<vmem>>, vector<16xf32>,
    %get3A_2978 = vector.shape_cast %get3A_2977 : vector<16xf32> to vector<16xf32>
    %add3A_2979 = arith.addf %get3A_2975, %get3A_2978 : vector<16xf32>
    %swap3A_2980 = arith.constant 272 : index
    %swap3A_2981 = tpu.vector_load %arg17[%swap3A_2980] {strides = array<i32>} : memref<512xf32, #tpu.memory_space<vmem>>, vector<16xf32>,
    %swap3A_2982 = vector.shape_cast %swap3A_2981 : vector<16xf32> to vector<16xf32>
    %swap3A_2983 = vector.shape_cast %add3A_2979 : vector<16xf32> to vector<16xf32>
    tpu.vector_store %arg17[%swap3A_2980], %swap3A_2983 {strides = array<i32>} : memref<512xf32, #tpu.memory_space<vmem>>, vector<16xf32>,
    %get3A_2984 = arith.constant 288 : index
    %get3A_2985 = tpu.vector_load %arg17[%get3A_2984] {strides = array<i32>} : memref<512xf32, #tpu.memory_space<vmem>>, vector<16xf32>,
    %get3A_2986 = vector.shape_cast %get3A_2985 : vector<16xf32> to vector<16xf32>
    %get3A_2987 = arith.constant 288 : index
    %get3A_2988 = tpu.vector_load %arg18[%get3A_2987] {strides = array<i32>} : memref<512xf32, #tpu.memory_space<vmem>>, vector<16xf32>,
    %get3A_2989 = vector.shape_cast %get3A_2988 : vector<16xf32> to vector<16xf32>
    %add3A_2990 = arith.addf %get3A_2986, %get3A_2989 : vector<16xf32>
    %swap3A_2991 = arith.constant 288 : index
    %swap3A_2992 = tpu.vector_load %arg17[%swap3A_2991] {strides = array<i32>} : memref<512xf32, #tpu.memory_space<vmem>>, vector<16xf32>,
    %swap3A_2993 = vector.shape_cast %swap3A_2992 : vector<16xf32> to vector<16xf32>
    %swap3A_2994 = vector.shape_cast %add3A_2990 : vector<16xf32> to vector<16xf32>
    tpu.vector_store %arg17[%swap3A_2991], %swap3A_2994 {strides = array<i32>} : memref<512xf32, #tpu.memory_space<vmem>>, vector<16xf32>,
    %get3A_2995 = arith.constant 304 : index
    %get3A_2996 = tpu.vector_load %arg17[%get3A_2995] {strides = array<i32>} : memref<512xf32, #tpu.memory_space<vmem>>, vector<16xf32>,
    %get3A_2997 = vector.shape_cast %get3A_2996 : vector<16xf32> to vector<16xf32>
    %get3A_2998 = arith.constant 304 : index
    %get3A_2999 = tpu.vector_load %arg18[%get3A_2998] {strides = array<i32>} : memref<512xf32, #tpu.memory_space<vmem>>, vector<16xf32>,
    %get3A_3000 = vector.shape_cast %get3A_2999 : vector<16xf32> to vector<16xf32>
    %add3A_3001 = arith.addf %get3A_2997, %get3A_3000 : vector<16xf32>
    %swap3A_3002 = arith.constant 304 : index
    %swap3A_3003 = tpu.vector_load %arg17[%swap3A_3002] {strides = array<i32>} : memref<512xf32, #tpu.memory_space<vmem>>, vector<16xf32>,
    %swap3A_3004 = vector.shape_cast %swap3A_3003 : vector<16xf32> to vector<16xf32>
    %swap3A_3005 = vector.shape_cast %add3A_3001 : vector<16xf32> to vector<16xf32>
    tpu.vector_store %arg17[%swap3A_3002], %swap3A_3005 {strides = array<i32>} : memref<512xf32, #tpu.memory_space<vmem>>, vector<16xf32>,
    %get3A_3006 = arith.constant 320 : index
    %get3A_3007 = tpu.vector_load %arg17[%get3A_3006] {strides = array<i32>} : memref<512xf32, #tpu.memory_space<vmem>>, vector<16xf32>,
    %get3A_3008 = vector.shape_cast %get3A_3007 : vector<16xf32> to vector<16xf32>
    %get3A_3009 = arith.constant 320 : index
    %get3A_3010 = tpu.vector_load %arg18[%get3A_3009] {strides = array<i32>} : memref<512xf32, #tpu.memory_space<vmem>>, vector<16xf32>,
    %get3A_3011 = vector.shape_cast %get3A_3010 : vector<16xf32> to vector<16xf32>
    %add3A_3012 = arith.addf %get3A_3008, %get3A_3011 : vector<16xf32>
    %swap3A_3013 = arith.constant 320 : index
    %swap3A_3014 = tpu.vector_load %arg17[%swap3A_3013] {strides = array<i32>} : memref<512xf32, #tpu.memory_space<vmem>>, vector<16xf32>,
    %swap3A_3015 = vector.shape_cast %swap3A_3014 : vector<16xf32> to vector<16xf32>
    %swap3A_3016 = vector.shape_cast %add3A_3012 : vector<16xf32> to vector<16xf32>
    tpu.vector_store %arg17[%swap3A_3013], %swap3A_3016 {strides = array<i32>} : memref<512xf32, #tpu.memory_space<vmem>>, vector<16xf32>,
    %get3A_3017 = arith.constant 336 : index
    %get3A_3018 = tpu.vector_load %arg17[%get3A_3017] {strides = array<i32>} : memref<512xf32, #tpu.memory_space<vmem>>, vector<16xf32>,
    %get3A_3019 = vector.shape_cast %get3A_3018 : vector<16xf32> to vector<16xf32>
    %get3A_3020 = arith.constant 336 : index
    %get3A_3021 = tpu.vector_load %arg18[%get3A_3020] {strides = array<i32>} : memref<512xf32, #tpu.memory_space<vmem>>, vector<16xf32>,
    %get3A_3022 = vector.shape_cast %get3A_3021 : vector<16xf32> to vector<16xf32>
    %add3A_3023 = arith.addf %get3A_3019, %get3A_3022 : vector<16xf32>
    %swap3A_3024 = arith.constant 336 : index
    %swap3A_3025 = tpu.vector_load %arg17[%swap3A_3024] {strides = array<i32>} : memref<512xf32, #tpu.memory_space<vmem>>, vector<16xf32>,
    %swap3A_3026 = vector.shape_cast %swap3A_3025 : vector<16xf32> to vector<16xf32>
    %swap3A_3027 = vector.shape_cast %add3A_3023 : vector<16xf32> to vector<16xf32>
    tpu.vector_store %arg17[%swap3A_3024], %swap3A_3027 {strides = array<i32>} : memref<512xf32, #tpu.memory_space<vmem>>, vector<16xf32>,
    %get3A_3028 = arith.constant 352 : index
    %get3A_3029 = tpu.vector_load %arg17[%get3A_3028] {strides = array<i32>} : memref<512xf32, #tpu.memory_space<vmem>>, vector<16xf32>,
    %get3A_3030 = vector.shape_cast %get3A_3029 : vector<16xf32> to vector<16xf32>
    %get3A_3031 = arith.constant 352 : index
    %get3A_3032 = tpu.vector_load %arg18[%get3A_3031] {strides = array<i32>} : memref<512xf32, #tpu.memory_space<vmem>>, vector<16xf32>,
    %get3A_3033 = vector.shape_cast %get3A_3032 : vector<16xf32> to vector<16xf32>
    %add3A_3034 = arith.addf %get3A_3030, %get3A_3033 : vector<16xf32>
    %swap3A_3035 = arith.constant 352 : index
    %swap3A_3036 = tpu.vector_load %arg17[%swap3A_3035] {strides = array<i32>} : memref<512xf32, #tpu.memory_space<vmem>>, vector<16xf32>,
    %swap3A_3037 = vector.shape_cast %swap3A_3036 : vector<16xf32> to vector<16xf32>
    %swap3A_3038 = vector.shape_cast %add3A_3034 : vector<16xf32> to vector<16xf32>
    tpu.vector_store %arg17[%swap3A_3035], %swap3A_3038 {strides = array<i32>} : memref<512xf32, #tpu.memory_space<vmem>>, vector<16xf32>,
    %get3A_3039 = arith.constant 368 : index
    %get3A_3040 = tpu.vector_load %arg17[%get3A_3039] {strides = array<i32>} : memref<512xf32, #tpu.memory_space<vmem>>, vector<16xf32>,
    %get3A_3041 = vector.shape_cast %get3A_3040 : vector<16xf32> to vector<16xf32>
    %get3A_3042 = arith.constant 368 : index
    %get3A_3043 = tpu.vector_load %arg18[%get3A_3042] {strides = array<i32>} : memref<512xf32, #tpu.memory_space<vmem>>, vector<16xf32>,
    %get3A_3044 = vector.shape_cast %get3A_3043 : vector<16xf32> to vector<16xf32>
    %add3A_3045 = arith.addf %get3A_3041, %get3A_3044 : vector<16xf32>
    %swap3A_3046 = arith.constant 368 : index
    %swap3A_3047 = tpu.vector_load %arg17[%swap3A_3046] {strides = array<i32>} : memref<512xf32, #tpu.memory_space<vmem>>, vector<16xf32>,
    %swap3A_3048 = vector.shape_cast %swap3A_3047 : vector<16xf32> to vector<16xf32>
    %swap3A_3049 = vector.shape_cast %add3A_3045 : vector<16xf32> to vector<16xf32>
    tpu.vector_store %arg17[%swap3A_3046], %swap3A_3049 {strides = array<i32>} : memref<512xf32, #tpu.memory_space<vmem>>, vector<16xf32>,
    %get3A_3050 = arith.constant 384 : index
    %get3A_3051 = tpu.vector_load %arg17[%get3A_3050] {strides = array<i32>} : memref<512xf32, #tpu.memory_space<vmem>>, vector<16xf32>,
    %get3A_3052 = vector.shape_cast %get3A_3051 : vector<16xf32> to vector<16xf32>
    %get3A_3053 = arith.constant 384 : index
    %get3A_3054 = tpu.vector_load %arg18[%get3A_3053] {strides = array<i32>} : memref<512xf32, #tpu.memory_space<vmem>>, vector<16xf32>,
    %get3A_3055 = vector.shape_cast %get3A_3054 : vector<16xf32> to vector<16xf32>
    %add3A_3056 = arith.addf %get3A_3052, %get3A_3055 : vector<16xf32>
    %swap3A_3057 = arith.constant 384 : index
    %swap3A_3058 = tpu.vector_load %arg17[%swap3A_3057] {strides = array<i32>} : memref<512xf32, #tpu.memory_space<vmem>>, vector<16xf32>,
    %swap3A_3059 = vector.shape_cast %swap3A_3058 : vector<16xf32> to vector<16xf32>
    %swap3A_3060 = vector.shape_cast %add3A_3056 : vector<16xf32> to vector<16xf32>
    tpu.vector_store %arg17[%swap3A_3057], %swap3A_3060 {strides = array<i32>} : memref<512xf32, #tpu.memory_space<vmem>>, vector<16xf32>,
    %get3A_3061 = arith.constant 400 : index
    %get3A_3062 = tpu.vector_load %arg17[%get3A_3061] {strides = array<i32>} : memref<512xf32, #tpu.memory_space<vmem>>, vector<16xf32>,
    %get3A_3063 = vector.shape_cast %get3A_3062 : vector<16xf32> to vector<16xf32>
    %get3A_3064 = arith.constant 400 : index
    %get3A_3065 = tpu.vector_load %arg18[%get3A_3064] {strides = array<i32>} : memref<512xf32, #tpu.memory_space<vmem>>, vector<16xf32>,
    %get3A_3066 = vector.shape_cast %get3A_3065 : vector<16xf32> to vector<16xf32>
    %add3A_3067 = arith.addf %get3A_3063, %get3A_3066 : vector<16xf32>
    %swap3A_3068 = arith.constant 400 : index
    %swap3A_3069 = tpu.vector_load %arg17[%swap3A_3068] {strides = array<i32>} : memref<512xf32, #tpu.memory_space<vmem>>, vector<16xf32>,
    %swap3A_3070 = vector.shape_cast %swap3A_3069 : vector<16xf32> to vector<16xf32>
    %swap3A_3071 = vector.shape_cast %add3A_3067 : vector<16xf32> to vector<16xf32>
    tpu.vector_store %arg17[%swap3A_3068], %swap3A_3071 {strides = array<i32>} : memref<512xf32, #tpu.memory_space<vmem>>, vector<16xf32>,
    %get3A_3072 = arith.constant 416 : index
    %get3A_3073 = tpu.vector_load %arg17[%get3A_3072] {strides = array<i32>} : memref<512xf32, #tpu.memory_space<vmem>>, vector<16xf32>,
    %get3A_3074 = vector.shape_cast %get3A_3073 : vector<16xf32> to vector<16xf32>
    %get3A_3075 = arith.constant 416 : index
    %get3A_3076 = tpu.vector_load %arg18[%get3A_3075] {strides = array<i32>} : memref<512xf32, #tpu.memory_space<vmem>>, vector<16xf32>,
    %get3A_3077 = vector.shape_cast %get3A_3076 : vector<16xf32> to vector<16xf32>
    %add3A_3078 = arith.addf %get3A_3074, %get3A_3077 : vector<16xf32>
    %swap3A_3079 = arith.constant 416 : index
    %swap3A_3080 = tpu.vector_load %arg17[%swap3A_3079] {strides = array<i32>} : memref<512xf32, #tpu.memory_space<vmem>>, vector<16xf32>,
    %swap3A_3081 = vector.shape_cast %swap3A_3080 : vector<16xf32> to vector<16xf32>
    %swap3A_3082 = vector.shape_cast %add3A_3078 : vector<16xf32> to vector<16xf32>
    tpu.vector_store %arg17[%swap3A_3079], %swap3A_3082 {strides = array<i32>} : memref<512xf32, #tpu.memory_space<vmem>>, vector<16xf32>,
    %get3A_3083 = arith.constant 432 : index
    %get3A_3084 = tpu.vector_load %arg17[%get3A_3083] {strides = array<i32>} : memref<512xf32, #tpu.memory_space<vmem>>, vector<16xf32>,
    %get3A_3085 = vector.shape_cast %get3A_3084 : vector<16xf32> to vector<16xf32>
    %get3A_3086 = arith.constant 432 : index
    %get3A_3087 = tpu.vector_load %arg18[%get3A_3086] {strides = array<i32>} : memref<512xf32, #tpu.memory_space<vmem>>, vector<16xf32>,
    %get3A_3088 = vector.shape_cast %get3A_3087 : vector<16xf32> to vector<16xf32>
    %add3A_3089 = arith.addf %get3A_3085, %get3A_3088 : vector<16xf32>
    %swap3A_3090 = arith.constant 432 : index
    %swap3A_3091 = tpu.vector_load %arg17[%swap3A_3090] {strides = array<i32>} : memref<512xf32, #tpu.memory_space<vmem>>, vector<16xf32>,
    %swap3A_3092 = vector.shape_cast %swap3A_3091 : vector<16xf32> to vector<16xf32>
    %swap3A_3093 = vector.shape_cast %add3A_3089 : vector<16xf32> to vector<16xf32>
    tpu.vector_store %arg17[%swap3A_3090], %swap3A_3093 {strides = array<i32>} : memref<512xf32, #tpu.memory_space<vmem>>, vector<16xf32>,
    %get3A_3094 = arith.constant 448 : index
    %get3A_3095 = tpu.vector_load %arg17[%get3A_3094] {strides = array<i32>} : memref<512xf32, #tpu.memory_space<vmem>>, vector<16xf32>,
    %get3A_3096 = vector.shape_cast %get3A_3095 : vector<16xf32> to vector<16xf32>
    %get3A_3097 = arith.constant 448 : index
    %get3A_3098 = tpu.vector_load %arg18[%get3A_3097] {strides = array<i32>} : memref<512xf32, #tpu.memory_space<vmem>>, vector<16xf32>,
    %get3A_3099 = vector.shape_cast %get3A_3098 : vector<16xf32> to vector<16xf32>
    %add3A_3100 = arith.addf %get3A_3096, %get3A_3099 : vector<16xf32>
    %swap3A_3101 = arith.constant 448 : index
    %swap3A_3102 = tpu.vector_load %arg17[%swap3A_3101] {strides = array<i32>} : memref<512xf32, #tpu.memory_space<vmem>>, vector<16xf32>,
    %swap3A_3103 = vector.shape_cast %swap3A_3102 : vector<16xf32> to vector<16xf32>
    %swap3A_3104 = vector.shape_cast %add3A_3100 : vector<16xf32> to vector<16xf32>
    tpu.vector_store %arg17[%swap3A_3101], %swap3A_3104 {strides = array<i32>} : memref<512xf32, #tpu.memory_space<vmem>>, vector<16xf32>,
    %get3A_3105 = arith.constant 464 : index
    %get3A_3106 = tpu.vector_load %arg17[%get3A_3105] {strides = array<i32>} : memref<512xf32, #tpu.memory_space<vmem>>, vector<16xf32>,
    %get3A_3107 = vector.shape_cast %get3A_3106 : vector<16xf32> to vector<16xf32>
    %get3A_3108 = arith.constant 464 : index
    %get3A_3109 = tpu.vector_load %arg18[%get3A_3108] {strides = array<i32>} : memref<512xf32, #tpu.memory_space<vmem>>, vector<16xf32>,
    %get3A_3110 = vector.shape_cast %get3A_3109 : vector<16xf32> to vector<16xf32>
    %add3A_3111 = arith.addf %get3A_3107, %get3A_3110 : vector<16xf32>
    %swap3A_3112 = arith.constant 464 : index
    %swap3A_3113 = tpu.vector_load %arg17[%swap3A_3112] {strides = array<i32>} : memref<512xf32, #tpu.memory_space<vmem>>, vector<16xf32>,
    %swap3A_3114 = vector.shape_cast %swap3A_3113 : vector<16xf32> to vector<16xf32>
    %swap3A_3115 = vector.shape_cast %add3A_3111 : vector<16xf32> to vector<16xf32>
    tpu.vector_store %arg17[%swap3A_3112], %swap3A_3115 {strides = array<i32>} : memref<512xf32, #tpu.memory_space<vmem>>, vector<16xf32>,
    %get3A_3116 = arith.constant 480 : index
    %get3A_3117 = tpu.vector_load %arg17[%get3A_3116] {strides = array<i32>} : memref<512xf32, #tpu.memory_space<vmem>>, vector<16xf32>,
    %get3A_3118 = vector.shape_cast %get3A_3117 : vector<16xf32> to vector<16xf32>
    %get3A_3119 = arith.constant 480 : index
    %get3A_3120 = tpu.vector_load %arg18[%get3A_3119] {strides = array<i32>} : memref<512xf32, #tpu.memory_space<vmem>>, vector<16xf32>,
    %get3A_3121 = vector.shape_cast %get3A_3120 : vector<16xf32> to vector<16xf32>
    %add3A_3122 = arith.addf %get3A_3118, %get3A_3121 : vector<16xf32>
    %swap3A_3123 = arith.constant 480 : index
    %swap3A_3124 = tpu.vector_load %arg17[%swap3A_3123] {strides = array<i32>} : memref<512xf32, #tpu.memory_space<vmem>>, vector<16xf32>,
    %swap3A_3125 = vector.shape_cast %swap3A_3124 : vector<16xf32> to vector<16xf32>
    %swap3A_3126 = vector.shape_cast %add3A_3122 : vector<16xf32> to vector<16xf32>
    tpu.vector_store %arg17[%swap3A_3123], %swap3A_3126 {strides = array<i32>} : memref<512xf32, #tpu.memory_space<vmem>>, vector<16xf32>,
    %get3A_3127 = arith.constant 496 : index
    %get3A_3128 = tpu.vector_load %arg17[%get3A_3127] {strides = array<i32>} : memref<512xf32, #tpu.memory_space<vmem>>, vector<16xf32>,
    %get3A_3129 = vector.shape_cast %get3A_3128 : vector<16xf32> to vector<16xf32>
    %get3A_3130 = arith.constant 496 : index
    %get3A_3131 = tpu.vector_load %arg18[%get3A_3130] {strides = array<i32>} : memref<512xf32, #tpu.memory_space<vmem>>, vector<16xf32>,
    %get3A_3132 = vector.shape_cast %get3A_3131 : vector<16xf32> to vector<16xf32>
    %add3A_3133 = arith.addf %get3A_3129, %get3A_3132 : vector<16xf32>
    %swap3A_3134 = arith.constant 496 : index
    %swap3A_3135 = tpu.vector_load %arg17[%swap3A_3134] {strides = array<i32>} : memref<512xf32, #tpu.memory_space<vmem>>, vector<16xf32>,
    %swap3A_3136 = vector.shape_cast %swap3A_3135 : vector<16xf32> to vector<16xf32>
    %swap3A_3137 = vector.shape_cast %add3A_3133 : vector<16xf32> to vector<16xf32>
    tpu.vector_store %arg17[%swap3A_3134], %swap3A_3137 {strides = array<i32>} : memref<512xf32, #tpu.memory_space<vmem>>, vector<16xf32>,
    "tpu.region"() ({
      %run_scoped3A = tpu.sem_alloc : memref<!tpu.dma_semaphore, #tpu.memory_space<semaphore_mem>>
      %dma_start3A_3190 = tpu.memref_slice %arg10[%mul3A_2] : memref<16384xf32, #tpu.memory_space<hbm>> -> memref<512xf32, #tpu.memory_space<hbm>>
      %dma_start3A_3191 = tpu.memref_slice %arg10[%mul3A_2] : memref<16384xf32, #tpu.memory_space<hbm>> -> memref<512xf32, #tpu.memory_space<hbm>>
      tpu.enqueue_dma source(%arg17 : memref<512xf32, #tpu.memory_space<vmem>>) target(%dma_start3A_3191 : memref<512xf32, #tpu.memory_space<hbm>>) target_semaphore(%run_scoped3A : memref<!tpu.dma_semaphore, #tpu.memory_space<semaphore_mem>>)
      %dma_wait3A_3192 = tpu.memref_slice %arg10[%mul3A_2] : memref<16384xf32, #tpu.memory_space<hbm>> -> memref<512xf32, #tpu.memory_space<hbm>>
      %dma_wait3A_3193 = tpu.memref_slice %arg10[%mul3A_2] : memref<16384xf32, #tpu.memory_space<hbm>> -> memref<512xf32, #tpu.memory_space<hbm>>
      tpu.wait_dma2 semaphore(%run_scoped3A : memref<!tpu.dma_semaphore, #tpu.memory_space<semaphore_mem>>) src(%arg17 : memref<512xf32, #tpu.memory_space<vmem>>) dst(%dma_wait3A_3193 : memref<512xf32, #tpu.memory_space<hbm>>)
      tpu.yield
    }) : () -> ()
    %dma_wait3A_3138 = arith.constant 0 : i32
    %dma_wait3A_3139 = arith.constant 0 : i32
    %dma_wait3A_3140 = arith.constant 0 : i32
    %dma_wait3A_3141 = tpu.memref_slice %arg15[%dma_wait3A_3138, %dma_wait3A_3139, %dma_wait3A_3140] : memref<2x128x128xf32, #tpu.memory_space<vmem>> -> memref<1x128x128xf32, #tpu.memory_space<vmem>>
    %dma_wait3A_3142 = tpu.memref_squeeze %dma_wait3A_3141 : memref<1x128x128xf32, #tpu.memory_space<vmem>> -> memref<128x128xf32, #tpu.memory_space<vmem>>
    %dma_wait3A_3143 = arith.constant 0 : i32
    %dma_wait3A_3144 = tpu.memref_slice %arg8[%add3A_2593, %dma_wait3A_3143] : memref<16384x128xf32, #tpu.memory_space<hbm>> -> memref<128x128xf32, #tpu.memory_space<hbm>>
    %dma_wait3A_3145 = arith.constant 0 : i32
    %dma_wait3A_3146 = tpu.memref_slice %arg8[%add3A_2593, %dma_wait3A_3145] : memref<16384x128xf32, #tpu.memory_space<hbm>> -> memref<128x128xf32, #tpu.memory_space<hbm>>
    %dma_wait3A_3147 = arith.constant 0 : i32
    %dma_wait3A_3148 = arith.constant 0 : i32
    %dma_wait3A_3149 = tpu.memref_slice %arg15[%dma_wait3A_3138, %dma_wait3A_3147, %dma_wait3A_3148] : memref<2x128x128xf32, #tpu.memory_space<vmem>> -> memref<1x128x128xf32, #tpu.memory_space<vmem>>
    %dma_wait3A_3150 = tpu.memref_squeeze %dma_wait3A_3149 : memref<1x128x128xf32, #tpu.memory_space<vmem>> -> memref<128x128xf32, #tpu.memory_space<vmem>>
    tpu.wait_dma2 semaphore(%arg20 : memref<!tpu.dma_semaphore, #tpu.memory_space<semaphore_mem>>) src(%dma_wait3A_3150 : memref<128x128xf32, #tpu.memory_space<vmem>>) dst(%dma_wait3A_3146 : memref<128x128xf32, #tpu.memory_space<hbm>>)
    %dma_wait3A_3151 = arith.constant 0 : i32
    %dma_wait3A_3152 = arith.constant 0 : i32
    %dma_wait3A_3153 = arith.constant 0 : i32
    %dma_wait3A_3154 = tpu.memref_slice %arg16[%dma_wait3A_3151, %dma_wait3A_3152, %dma_wait3A_3153] : memref<2x128x128xf32, #tpu.memory_space<vmem>> -> memref<1x128x128xf32, #tpu.memory_space<vmem>>
    %dma_wait3A_3155 = tpu.memref_squeeze %dma_wait3A_3154 : memref<1x128x128xf32, #tpu.memory_space<vmem>> -> memref<128x128xf32, #tpu.memory_space<vmem>>
    %dma_wait3A_3156 = arith.constant 0 : i32
    %dma_wait3A_3157 = tpu.memref_slice %arg9[%add3A_2593, %dma_wait3A_3156] : memref<16384x128xf32, #tpu.memory_space<hbm>> -> memref<128x128xf32, #tpu.memory_space<hbm>>
    %dma_wait3A_3158 = arith.constant 0 : i32
    %dma_wait3A_3159 = tpu.memref_slice %arg9[%add3A_2593, %dma_wait3A_3158] : memref<16384x128xf32, #tpu.memory_space<hbm>> -> memref<128x128xf32, #tpu.memory_space<hbm>>
    %dma_wait3A_3160 = arith.constant 0 : i32
    %dma_wait3A_3161 = arith.constant 0 : i32
    %dma_wait3A_3162 = tpu.memref_slice %arg16[%dma_wait3A_3151, %dma_wait3A_3160, %dma_wait3A_3161] : memref<2x128x128xf32, #tpu.memory_space<vmem>> -> memref<1x128x128xf32, #tpu.memory_space<vmem>>
    %dma_wait3A_3163 = tpu.memref_squeeze %dma_wait3A_3162 : memref<1x128x128xf32, #tpu.memory_space<vmem>> -> memref<128x128xf32, #tpu.memory_space<vmem>>
    tpu.wait_dma2 semaphore(%arg20 : memref<!tpu.dma_semaphore, #tpu.memory_space<semaphore_mem>>) src(%dma_wait3A_3163 : memref<128x128xf32, #tpu.memory_space<vmem>>) dst(%dma_wait3A_3159 : memref<128x128xf32, #tpu.memory_space<hbm>>)
    %dma_wait3A_3164 = arith.constant 1 : i32
    %dma_wait3A_3165 = arith.constant 0 : i32
    %dma_wait3A_3166 = arith.constant 0 : i32
    %dma_wait3A_3167 = tpu.memref_slice %arg15[%dma_wait3A_3164, %dma_wait3A_3165, %dma_wait3A_3166] : memref<2x128x128xf32, #tpu.memory_space<vmem>> -> memref<1x128x128xf32, #tpu.memory_space<vmem>>
    %dma_wait3A_3168 = tpu.memref_squeeze %dma_wait3A_3167 : memref<1x128x128xf32, #tpu.memory_space<vmem>> -> memref<128x128xf32, #tpu.memory_space<vmem>>
    %dma_wait3A_3169 = arith.constant 0 : i32
    %dma_wait3A_3170 = tpu.memref_slice %arg8[%add3A_2695, %dma_wait3A_3169] : memref<16384x128xf32, #tpu.memory_space<hbm>> -> memref<128x128xf32, #tpu.memory_space<hbm>>
    %dma_wait3A_3171 = arith.constant 0 : i32
    %dma_wait3A_3172 = tpu.memref_slice %arg8[%add3A_2695, %dma_wait3A_3171] : memref<16384x128xf32, #tpu.memory_space<hbm>> -> memref<128x128xf32, #tpu.memory_space<hbm>>
    %dma_wait3A_3173 = arith.constant 0 : i32
    %dma_wait3A_3174 = arith.constant 0 : i32
    %dma_wait3A_3175 = tpu.memref_slice %arg15[%dma_wait3A_3164, %dma_wait3A_3173, %dma_wait3A_3174] : memref<2x128x128xf32, #tpu.memory_space<vmem>> -> memref<1x128x128xf32, #tpu.memory_space<vmem>>
    %dma_wait3A_3176 = tpu.memref_squeeze %dma_wait3A_3175 : memref<1x128x128xf32, #tpu.memory_space<vmem>> -> memref<128x128xf32, #tpu.memory_space<vmem>>
    tpu.wait_dma2 semaphore(%arg20 : memref<!tpu.dma_semaphore, #tpu.memory_space<semaphore_mem>>) src(%dma_wait3A_3176 : memref<128x128xf32, #tpu.memory_space<vmem>>) dst(%dma_wait3A_3172 : memref<128x128xf32, #tpu.memory_space<hbm>>)
    %dma_wait3A_3177 = arith.constant 1 : i32
    %dma_wait3A_3178 = arith.constant 0 : i32
    %dma_wait3A_3179 = arith.constant 0 : i32
    %dma_wait3A_3180 = tpu.memref_slice %arg16[%dma_wait3A_3177, %dma_wait3A_3178, %dma_wait3A_3179] : memref<2x128x128xf32, #tpu.memory_space<vmem>> -> memref<1x128x128xf32, #tpu.memory_space<vmem>>
    %dma_wait3A_3181 = tpu.memref_squeeze %dma_wait3A_3180 : memref<1x128x128xf32, #tpu.memory_space<vmem>> -> memref<128x128xf32, #tpu.memory_space<vmem>>
    %dma_wait3A_3182 = arith.constant 0 : i32
    %dma_wait3A_3183 = tpu.memref_slice %arg9[%add3A_2695, %dma_wait3A_3182] : memref<16384x128xf32, #tpu.memory_space<hbm>> -> memref<128x128xf32, #tpu.memory_space<hbm>>
    %dma_wait3A_3184 = arith.constant 0 : i32
    %dma_wait3A_3185 = tpu.memref_slice %arg9[%add3A_2695, %dma_wait3A_3184] : memref<16384x128xf32, #tpu.memory_space<hbm>> -> memref<128x128xf32, #tpu.memory_space<hbm>>
    %dma_wait3A_3186 = arith.constant 0 : i32
    %dma_wait3A_3187 = arith.constant 0 : i32
    %dma_wait3A_3188 = tpu.memref_slice %arg16[%dma_wait3A_3177, %dma_wait3A_3186, %dma_wait3A_3187] : memref<2x128x128xf32, #tpu.memory_space<vmem>> -> memref<1x128x128xf32, #tpu.memory_space<vmem>>
    %dma_wait3A_3189 = tpu.memref_squeeze %dma_wait3A_3188 : memref<1x128x128xf32, #tpu.memory_space<vmem>> -> memref<128x128xf32, #tpu.memory_space<vmem>>
    tpu.wait_dma2 semaphore(%arg20 : memref<!tpu.dma_semaphore, #tpu.memory_space<semaphore_mem>>) src(%dma_wait3A_3189 : memref<128x128xf32, #tpu.memory_space<vmem>>) dst(%dma_wait3A_3185 : memref<128x128xf32, #tpu.memory_space<hbm>>)
    return
  }
}

module attributes {stable_mosaic.version = 14 : i64} {
  func.func @_relayout_body(%arg0: i32, %arg1: memref<32x4096xf32, #tpu.memory_space<vmem>>, %arg2: memref<32x4096xf32, #tpu.memory_space<vmem>>, %arg3: memref<32x4096xf32, #tpu.memory_space<vmem>>, %arg4: memref<32x4096xf32, #tpu.memory_space<vmem>>, %arg5: memref<32x4096xf32, #tpu.memory_space<vmem>>, %arg6: memref<32x4096xf32, #tpu.memory_space<vmem>>, %arg7: memref<32x4096xf32, #tpu.memory_space<vmem>>, %arg8: memref<32x4096xf32, #tpu.memory_space<vmem>>, %arg9: memref<4096x128xf32, #tpu.memory_space<vmem>>, %arg10: memref<4096x128xf32, #tpu.memory_space<vmem>>) attributes {dimension_semantics = [#tpu.dimension_semantics<arbitrary>], iteration_bounds = array<i64: 62>, scalar_prefetch = 0 : i64, scratch_operands = 0 : i64, tpu.core_type = #tpu.core_type<tc>, window_params = [{transform_indices = @transform_0, window_bounds = array<i64: 32, 4096>}, {transform_indices = @transform_1, window_bounds = array<i64: 32, 4096>}, {transform_indices = @transform_2, window_bounds = array<i64: 32, 4096>}, {transform_indices = @transform_3, window_bounds = array<i64: 32, 4096>}, {transform_indices = @transform_4, window_bounds = array<i64: 32, 4096>}, {transform_indices = @transform_5, window_bounds = array<i64: 32, 4096>}, {transform_indices = @transform_6, window_bounds = array<i64: 32, 4096>}, {transform_indices = @transform_7, window_bounds = array<i64: 32, 4096>}, {transform_indices = @transform_8, window_bounds = array<i64: 4096, 128>}, {transform_indices = @transform_9, window_bounds = array<i64: 4096, 128>}]} {
    %iota3A = tpu.iota {dimensions = array<i32: 0>} : vector<128x128xi32>
    %iota3A_0 = tpu.iota {dimensions = array<i32: 1>} : vector<128x128xi32>
    %eq3A = arith.cmpi eq, %iota3A, %iota3A_0 : vector<128x128xi32>
    %convert_element_type3A = arith.extui %eq3A : vector<128x128xi1> to vector<128x128xi32>
    %convert_element_type3A_1 = arith.sitofp %convert_element_type3A : vector<128x128xi32> to vector<128x128xf32>
    %get3A = arith.constant 0 : index
    %get3A_2 = arith.constant 0 : index
    %get3A_3 = vector.load %arg1[%get3A, %get3A_2] : memref<32x4096xf32, #tpu.memory_space<vmem>>, vector<32x4096xf32>
    %get3A_4 = arith.constant 0 : index
    %get3A_5 = arith.constant 0 : index
    %get3A_6 = vector.load %arg2[%get3A_4, %get3A_5] : memref<32x4096xf32, #tpu.memory_space<vmem>>, vector<32x4096xf32>
    %get3A_7 = arith.constant 0 : index
    %get3A_8 = arith.constant 0 : index
    %get3A_9 = vector.load %arg3[%get3A_7, %get3A_8] : memref<32x4096xf32, #tpu.memory_space<vmem>>, vector<32x4096xf32>
    %get3A_10 = arith.constant 0 : index
    %get3A_11 = arith.constant 0 : index
    %get3A_12 = vector.load %arg4[%get3A_10, %get3A_11] : memref<32x4096xf32, #tpu.memory_space<vmem>>, vector<32x4096xf32>
    %concatenate3A = tpu.concatenate %get3A_3, %get3A_6, %get3A_9, %get3A_12 in 0 : vector<32x4096xf32>, vector<32x4096xf32>, vector<32x4096xf32>, vector<32x4096xf32> -> vector<128x4096xf32>
    %get3A_13 = arith.constant 0 : index
    %get3A_14 = arith.constant 0 : index
    %get3A_15 = vector.load %arg5[%get3A_13, %get3A_14] : memref<32x4096xf32, #tpu.memory_space<vmem>>, vector<32x4096xf32>
    %get3A_16 = arith.constant 0 : index
    %get3A_17 = arith.constant 0 : index
    %get3A_18 = vector.load %arg6[%get3A_16, %get3A_17] : memref<32x4096xf32, #tpu.memory_space<vmem>>, vector<32x4096xf32>
    %get3A_19 = arith.constant 0 : index
    %get3A_20 = arith.constant 0 : index
    %get3A_21 = vector.load %arg7[%get3A_19, %get3A_20] : memref<32x4096xf32, #tpu.memory_space<vmem>>, vector<32x4096xf32>
    %get3A_22 = arith.constant 0 : index
    %get3A_23 = arith.constant 0 : index
    %get3A_24 = vector.load %arg8[%get3A_22, %get3A_23] : memref<32x4096xf32, #tpu.memory_space<vmem>>, vector<32x4096xf32>
    %concatenate3A_25 = tpu.concatenate %get3A_15, %get3A_18, %get3A_21, %get3A_24 in 0 : vector<32x4096xf32>, vector<32x4096xf32>, vector<32x4096xf32>, vector<32x4096xf32> -> vector<128x4096xf32>
    %dot_general3A = arith.constant dense<0.000000e+00> : vector<4096x128xf32>
    %dot_general3A_26 = tpu.matmul %concatenate3A, %convert_element_type3A_1, %dot_general3A {dimension_numbers = #tpu.dot_dimension_numbers<[0], [0], [1], [1], [0, 1, 1, 1], [], []>, transpose_lhs_hint = false} : vector<128x4096xf32>, vector<128x128xf32>, vector<4096x128xf32> -> vector<4096x128xf32>
    %swap3A = arith.constant 0 : index
    %swap3A_27 = arith.constant 0 : index
    %swap3A_28 = vector.load %arg9[%swap3A, %swap3A_27] : memref<4096x128xf32, #tpu.memory_space<vmem>>, vector<4096x128xf32>
    tpu.vector_store %arg9[%swap3A, %swap3A_27], %dot_general3A_26 {strides = array<i32>} : memref<4096x128xf32, #tpu.memory_space<vmem>>, vector<4096x128xf32>,
    %dot_general3A_29 = arith.constant dense<0.000000e+00> : vector<4096x128xf32>
    %dot_general3A_30 = tpu.matmul %concatenate3A_25, %convert_element_type3A_1, %dot_general3A_29 {dimension_numbers = #tpu.dot_dimension_numbers<[0], [0], [1], [1], [0, 1, 1, 1], [], []>, transpose_lhs_hint = false} : vector<128x4096xf32>, vector<128x128xf32>, vector<4096x128xf32> -> vector<4096x128xf32>
    %swap3A_31 = arith.constant 0 : index
    %swap3A_32 = arith.constant 0 : index
    %swap3A_33 = vector.load %arg10[%swap3A_31, %swap3A_32] : memref<4096x128xf32, #tpu.memory_space<vmem>>, vector<4096x128xf32>
    tpu.vector_store %arg10[%swap3A_31, %swap3A_32], %dot_general3A_30 {strides = array<i32>} : memref<4096x128xf32, #tpu.memory_space<vmem>>, vector<4096x128xf32>,
    return
  }
  func.func @transform_0(%arg0: i32) -> (i32, i32) {
    %add3A = arith.constant 0 : i32
    %add3A_0 = arith.addi %add3A, %arg0 : i32
    %c0_i32 = arith.constant 0 : i32
    %c0_i32_1 = arith.constant 0 : i32
    return %c0_i32, %add3A_0 : i32, i32
  }
  func.func @transform_1(%arg0: i32) -> (i32, i32) {
    %add3A = arith.constant 61 : i32
    %add3A_0 = arith.addi %add3A, %arg0 : i32
    %c0_i32 = arith.constant 0 : i32
    %c0_i32_1 = arith.constant 0 : i32
    return %c0_i32, %add3A_0 : i32, i32
  }
  func.func @transform_2(%arg0: i32) -> (i32, i32) {
    %add3A = arith.constant 122 : i32
    %add3A_0 = arith.addi %add3A, %arg0 : i32
    %c0_i32 = arith.constant 0 : i32
    %c0_i32_1 = arith.constant 0 : i32
    return %c0_i32, %add3A_0 : i32, i32
  }
  func.func @transform_3(%arg0: i32) -> (i32, i32) {
    %add3A = arith.constant 183 : i32
    %add3A_0 = arith.addi %add3A, %arg0 : i32
    %c0_i32 = arith.constant 0 : i32
    %c0_i32_1 = arith.constant 0 : i32
    return %c0_i32, %add3A_0 : i32, i32
  }
  func.func @transform_4(%arg0: i32) -> (i32, i32) {
    %add3A = arith.constant 0 : i32
    %add3A_0 = arith.addi %add3A, %arg0 : i32
    %c0_i32 = arith.constant 0 : i32
    %c0_i32_1 = arith.constant 0 : i32
    return %c0_i32, %add3A_0 : i32, i32
  }
  func.func @transform_5(%arg0: i32) -> (i32, i32) {
    %add3A = arith.constant 61 : i32
    %add3A_0 = arith.addi %add3A, %arg0 : i32
    %c0_i32 = arith.constant 0 : i32
    %c0_i32_1 = arith.constant 0 : i32
    return %c0_i32, %add3A_0 : i32, i32
  }
  func.func @transform_6(%arg0: i32) -> (i32, i32) {
    %add3A = arith.constant 122 : i32
    %add3A_0 = arith.addi %add3A, %arg0 : i32
    %c0_i32 = arith.constant 0 : i32
    %c0_i32_1 = arith.constant 0 : i32
    return %c0_i32, %add3A_0 : i32, i32
  }
  func.func @transform_7(%arg0: i32) -> (i32, i32) {
    %add3A = arith.constant 183 : i32
    %add3A_0 = arith.addi %add3A, %arg0 : i32
    %c0_i32 = arith.constant 0 : i32
    %c0_i32_1 = arith.constant 0 : i32
    return %c0_i32, %add3A_0 : i32, i32
  }
  func.func @transform_8(%arg0: i32) -> (i32, i32) {
    %c0_i32 = arith.constant 0 : i32
    %c0_i32_0 = arith.constant 0 : i32
    return %arg0, %c0_i32 : i32, i32
  }
  func.func @transform_9(%arg0: i32) -> (i32, i32) {
    %c0_i32 = arith.constant 0 : i32
    %c0_i32_0 = arith.constant 0 : i32
    return %arg0, %c0_i32 : i32, i32
  }
}

module attributes {stable_mosaic.version = 14 : i64} {
  func.func @_mlp_body(%arg0: i32, %arg1: memref<2048x1xi32, #tpu.memory_space<vmem>>, %arg2: memref<2048x1xi32, #tpu.memory_space<vmem>>, %arg3: memref<2048x128xf32, #tpu.memory_space<vmem>>, %arg4: memref<2048x128xf32, #tpu.memory_space<vmem>>, %arg5: memref<2048x1xf32, #tpu.memory_space<vmem>>, %arg6: memref<128x256xf32, #tpu.memory_space<vmem>>, %arg7: memref<128x256xf32, #tpu.memory_space<vmem>>, %arg8: memref<256xf32, #tpu.memory_space<vmem>>, %arg9: memref<256x128xf32, #tpu.memory_space<vmem>>, %arg10: memref<128xf32, #tpu.memory_space<vmem>>, %arg11: memref<128x1xf32, #tpu.memory_space<vmem>>, %arg12: memref<1xf32, #tpu.memory_space<vmem>>, %arg13: memref<2048x1xf32, #tpu.memory_space<vmem>>) attributes {dimension_semantics = [#tpu.dimension_semantics<arbitrary>], iteration_bounds = array<i64: 8>, scalar_prefetch = 0 : i64, scratch_operands = 0 : i64, tpu.core_type = #tpu.core_type<tc>, window_params = [{transform_indices = @transform_0, window_bounds = array<i64: 2048, 1>}, {transform_indices = @transform_1, window_bounds = array<i64: 2048, 1>}, {transform_indices = @transform_2, window_bounds = array<i64: 2048, 128>}, {transform_indices = @transform_3, window_bounds = array<i64: 2048, 128>}, {transform_indices = @transform_4, window_bounds = array<i64: 2048, 1>}, {pipeline_mode = #tpu.pipeline_mode<synchronous>, transform_indices = @transform_5, window_bounds = array<i64: 128, 256>}, {pipeline_mode = #tpu.pipeline_mode<synchronous>, transform_indices = @transform_6, window_bounds = array<i64: 128, 256>}, {pipeline_mode = #tpu.pipeline_mode<synchronous>, transform_indices = @transform_7, window_bounds = array<i64: 256>}, {pipeline_mode = #tpu.pipeline_mode<synchronous>, transform_indices = @transform_8, window_bounds = array<i64: 256, 128>}, {pipeline_mode = #tpu.pipeline_mode<synchronous>, transform_indices = @transform_9, window_bounds = array<i64: 128>}, {pipeline_mode = #tpu.pipeline_mode<synchronous>, transform_indices = @transform_10, window_bounds = array<i64: 128, 1>}, {pipeline_mode = #tpu.pipeline_mode<synchronous>, transform_indices = @transform_11, window_bounds = array<i64: 1>}, {transform_indices = @transform_12, window_bounds = array<i64: 2048, 1>}]} {
    %get3A = arith.constant 0 : index
    %get3A_0 = arith.constant 0 : index
    %get3A_1 = vector.load %arg3[%get3A, %get3A_0] : memref<2048x128xf32, #tpu.memory_space<vmem>>, vector<2048x128xf32>
    %get3A_2 = arith.constant 0 : index
    %get3A_3 = arith.constant 0 : index
    %get3A_4 = vector.load %arg1[%get3A_2, %get3A_3] : memref<2048x1xi32, #tpu.memory_space<vmem>>, vector<2048x1xi32>
    %ge3A = arith.constant 249856 : i32
    %ge3A_5 = vector.broadcast %ge3A : i32 to vector<2048x1xi32>
    %ge3A_6 = arith.cmpi sge, %get3A_4, %ge3A_5 : vector<2048x1xi32>
    %convert_element_type3A = arith.extui %ge3A_6 : vector<2048x1xi1> to vector<2048x1xi32>
    %ge3A_7 = arith.constant 499712 : i32
    %ge3A_8 = vector.broadcast %ge3A_7 : i32 to vector<2048x1xi32>
    %ge3A_9 = arith.cmpi sge, %get3A_4, %ge3A_8 : vector<2048x1xi32>
    %convert_element_type3A_10 = arith.extui %ge3A_9 : vector<2048x1xi1> to vector<2048x1xi32>
    %add3A = arith.addi %convert_element_type3A, %convert_element_type3A_10 : vector<2048x1xi32>
    %ge3A_11 = arith.constant 749568 : i32
    %ge3A_12 = vector.broadcast %ge3A_11 : i32 to vector<2048x1xi32>
    %ge3A_13 = arith.cmpi sge, %get3A_4, %ge3A_12 : vector<2048x1xi32>
    %convert_element_type3A_14 = arith.extui %ge3A_13 : vector<2048x1xi1> to vector<2048x1xi32>
    %add3A_15 = arith.addi %add3A, %convert_element_type3A_14 : vector<2048x1xi32>
    %iota3A = tpu.iota {dimensions = array<i32: 1>} : vector<2048x128xi32>
    %shift_right_logical3A = arith.constant 5 : i32
    %shift_right_logical3A_16 = vector.broadcast %shift_right_logical3A : i32 to vector<2048x128xi32>
    %shift_right_logical3A_17 = arith.shrui %iota3A, %shift_right_logical3A_16 : vector<2048x128xi32>
    %eq3A = vector.broadcast %add3A_15 : vector<2048x1xi32> to vector<2048x128xi32>
    %eq3A_18 = arith.cmpi eq, %shift_right_logical3A_17, %eq3A : vector<2048x128xi32>
    %convert_element_type3A_19 = arith.extui %eq3A_18 : vector<2048x128xi1> to vector<2048x128xi32>
    %convert_element_type3A_20 = arith.sitofp %convert_element_type3A_19 : vector<2048x128xi32> to vector<2048x128xf32>
    %mul3A = arith.mulf %get3A_1, %convert_element_type3A_20 : vector<2048x128xf32>
    %get3A_21 = arith.constant 0 : index
    %get3A_22 = arith.constant 0 : index
    %get3A_23 = vector.load %arg4[%get3A_21, %get3A_22] : memref<2048x128xf32, #tpu.memory_space<vmem>>, vector<2048x128xf32>
    %get3A_24 = arith.constant 0 : index
    %get3A_25 = arith.constant 0 : index
    %get3A_26 = vector.load %arg2[%get3A_24, %get3A_25] : memref<2048x1xi32, #tpu.memory_space<vmem>>, vector<2048x1xi32>
    %ge3A_27 = arith.constant 249856 : i32
    %ge3A_28 = vector.broadcast %ge3A_27 : i32 to vector<2048x1xi32>
    %ge3A_29 = arith.cmpi sge, %get3A_26, %ge3A_28 : vector<2048x1xi32>
    %convert_element_type3A_30 = arith.extui %ge3A_29 : vector<2048x1xi1> to vector<2048x1xi32>
    %ge3A_31 = arith.constant 499712 : i32
    %ge3A_32 = vector.broadcast %ge3A_31 : i32 to vector<2048x1xi32>
    %ge3A_33 = arith.cmpi sge, %get3A_26, %ge3A_32 : vector<2048x1xi32>
    %convert_element_type3A_34 = arith.extui %ge3A_33 : vector<2048x1xi1> to vector<2048x1xi32>
    %add3A_35 = arith.addi %convert_element_type3A_30, %convert_element_type3A_34 : vector<2048x1xi32>
    %ge3A_36 = arith.constant 749568 : i32
    %ge3A_37 = vector.broadcast %ge3A_36 : i32 to vector<2048x1xi32>
    %ge3A_38 = arith.cmpi sge, %get3A_26, %ge3A_37 : vector<2048x1xi32>
    %convert_element_type3A_39 = arith.extui %ge3A_38 : vector<2048x1xi1> to vector<2048x1xi32>
    %add3A_40 = arith.addi %add3A_35, %convert_element_type3A_39 : vector<2048x1xi32>
    %iota3A_41 = tpu.iota {dimensions = array<i32: 1>} : vector<2048x128xi32>
    %shift_right_logical3A_42 = arith.constant 5 : i32
    %shift_right_logical3A_43 = vector.broadcast %shift_right_logical3A_42 : i32 to vector<2048x128xi32>
    %shift_right_logical3A_44 = arith.shrui %iota3A_41, %shift_right_logical3A_43 : vector<2048x128xi32>
    %eq3A_45 = vector.broadcast %add3A_40 : vector<2048x1xi32> to vector<2048x128xi32>
    %eq3A_46 = arith.cmpi eq, %shift_right_logical3A_44, %eq3A_45 : vector<2048x128xi32>
    %convert_element_type3A_47 = arith.extui %eq3A_46 : vector<2048x128xi1> to vector<2048x128xi32>
    %convert_element_type3A_48 = arith.sitofp %convert_element_type3A_47 : vector<2048x128xi32> to vector<2048x128xf32>
    %mul3A_49 = arith.mulf %get3A_23, %convert_element_type3A_48 : vector<2048x128xf32>
    %get3A_50 = arith.constant 0 : index
    %get3A_51 = arith.constant 0 : index
    %get3A_52 = vector.load %arg6[%get3A_50, %get3A_51] : memref<128x256xf32, #tpu.memory_space<vmem>>, vector<128x256xf32>
    %dot_general3A = arith.constant dense<0.000000e+00> : vector<2048x256xf32>
    %dot_general3A_53 = tpu.matmul %mul3A, %get3A_52, %dot_general3A {dimension_numbers = #tpu.dot_dimension_numbers<[1], [0], [0], [1], [0, 0, 1, 1], [], []>, transpose_lhs_hint = false} : vector<2048x128xf32>, vector<128x256xf32>, vector<2048x256xf32> -> vector<2048x256xf32>
    %get3A_54 = arith.constant 0 : index
    %get3A_55 = arith.constant 0 : index
    %get3A_56 = vector.load %arg7[%get3A_54, %get3A_55] : memref<128x256xf32, #tpu.memory_space<vmem>>, vector<128x256xf32>
    %dot_general3A_57 = arith.constant dense<0.000000e+00> : vector<2048x256xf32>
    %dot_general3A_58 = tpu.matmul %mul3A_49, %get3A_56, %dot_general3A_57 {dimension_numbers = #tpu.dot_dimension_numbers<[1], [0], [0], [1], [0, 0, 1, 1], [], []>, transpose_lhs_hint = false} : vector<2048x128xf32>, vector<128x256xf32>, vector<2048x256xf32> -> vector<2048x256xf32>
    %add3A_59 = arith.addf %dot_general3A_53, %dot_general3A_58 : vector<2048x256xf32>
    %get3A_60 = arith.constant 0 : index
    %get3A_61 = vector.load %arg8[%get3A_60] : memref<256xf32, #tpu.memory_space<vmem>>, vector<256xf32>
    %broadcast_in_dim3A = vector.shape_cast %get3A_61 : vector<256xf32> to vector<1x256xf32>
    %add3A_62 = vector.broadcast %broadcast_in_dim3A : vector<1x256xf32> to vector<2048x256xf32>
    %add3A_63 = arith.addf %add3A_59, %add3A_62 : vector<2048x256xf32>
    %max3A = arith.constant 0.000000e+00 : f32
    %max3A_64 = vector.broadcast %max3A : f32 to vector<2048x256xf32>
    %max3A_65 = arith.maximumf %add3A_63, %max3A_64 : vector<2048x256xf32>
    %get3A_66 = arith.constant 0 : index
    %get3A_67 = arith.constant 0 : index
    %get3A_68 = vector.load %arg9[%get3A_66, %get3A_67] : memref<256x128xf32, #tpu.memory_space<vmem>>, vector<256x128xf32>
    %dot_general3A_69 = arith.constant dense<0.000000e+00> : vector<2048x128xf32>
    %dot_general3A_70 = tpu.matmul %max3A_65, %get3A_68, %dot_general3A_69 {dimension_numbers = #tpu.dot_dimension_numbers<[1], [0], [0], [1], [0, 0, 1, 1], [], []>, transpose_lhs_hint = false} : vector<2048x256xf32>, vector<256x128xf32>, vector<2048x128xf32> -> vector<2048x128xf32>
    %get3A_71 = arith.constant 0 : index
    %get3A_72 = vector.load %arg10[%get3A_71] : memref<128xf32, #tpu.memory_space<vmem>>, vector<128xf32>
    %broadcast_in_dim3A_73 = vector.shape_cast %get3A_72 : vector<128xf32> to vector<1x128xf32>
    %add3A_74 = vector.broadcast %broadcast_in_dim3A_73 : vector<1x128xf32> to vector<2048x128xf32>
    %add3A_75 = arith.addf %dot_general3A_70, %add3A_74 : vector<2048x128xf32>
    %max3A_76 = arith.constant 0.000000e+00 : f32
    %max3A_77 = vector.broadcast %max3A_76 : f32 to vector<2048x128xf32>
    %max3A_78 = arith.maximumf %add3A_75, %max3A_77 : vector<2048x128xf32>
    %get3A_79 = arith.constant 0 : index
    %get3A_80 = arith.constant 0 : index
    %get3A_81 = vector.load %arg11[%get3A_79, %get3A_80] : memref<128x1xf32, #tpu.memory_space<vmem>>, vector<128x1xf32>
    %dot_general3A_82 = arith.constant dense<0.000000e+00> : vector<2048x1xf32>
    %dot_general3A_83 = tpu.matmul %max3A_78, %get3A_81, %dot_general3A_82 {dimension_numbers = #tpu.dot_dimension_numbers<[1], [0], [0], [1], [0, 0, 1, 1], [], []>, transpose_lhs_hint = false} : vector<2048x128xf32>, vector<128x1xf32>, vector<2048x1xf32> -> vector<2048x1xf32>
    %get3A_84 = arith.constant 0 : index
    %get3A_85 = arith.constant 0 : index
    %get3A_86 = vector.load %arg5[%get3A_84, %get3A_85] : memref<2048x1xf32, #tpu.memory_space<vmem>>, vector<2048x1xf32>
    %add3A_87 = arith.addf %dot_general3A_83, %get3A_86 : vector<2048x1xf32>
    %get3A_88 = arith.constant 0 : index
    %get3A_89 = vector.load %arg12[%get3A_88] : memref<1xf32, #tpu.memory_space<vmem>>, vector<1xf32>
    %broadcast_in_dim3A_90 = vector.shape_cast %get3A_89 : vector<1xf32> to vector<1x1xf32>
    %add3A_91 = vector.broadcast %broadcast_in_dim3A_90 : vector<1x1xf32> to vector<2048x1xf32>
    %add3A_92 = arith.addf %add3A_87, %add3A_91 : vector<2048x1xf32>
    %swap3A = arith.constant 0 : index
    %swap3A_93 = arith.constant 0 : index
    %swap3A_94 = vector.load %arg13[%swap3A, %swap3A_93] : memref<2048x1xf32, #tpu.memory_space<vmem>>, vector<2048x1xf32>
    tpu.vector_store %arg13[%swap3A, %swap3A_93], %add3A_92 {strides = array<i32>} : memref<2048x1xf32, #tpu.memory_space<vmem>>, vector<2048x1xf32>,
    return
  }
  func.func @transform_0(%arg0: i32) -> (i32, i32) {
    %c0_i32 = arith.constant 0 : i32
    %c0_i32_0 = arith.constant 0 : i32
    return %arg0, %c0_i32 : i32, i32
  }
  func.func @transform_1(%arg0: i32) -> (i32, i32) {
    %c0_i32 = arith.constant 0 : i32
    %c0_i32_0 = arith.constant 0 : i32
    return %arg0, %c0_i32 : i32, i32
  }
  func.func @transform_2(%arg0: i32) -> (i32, i32) {
    %c0_i32 = arith.constant 0 : i32
    %c0_i32_0 = arith.constant 0 : i32
    return %arg0, %c0_i32 : i32, i32
  }
  func.func @transform_3(%arg0: i32) -> (i32, i32) {
    %c0_i32 = arith.constant 0 : i32
    %c0_i32_0 = arith.constant 0 : i32
    return %arg0, %c0_i32 : i32, i32
  }
  func.func @transform_4(%arg0: i32) -> (i32, i32) {
    %c0_i32 = arith.constant 0 : i32
    %c0_i32_0 = arith.constant 0 : i32
    return %arg0, %c0_i32 : i32, i32
  }
  func.func @transform_5(%arg0: i32) -> (i32, i32) {
    %c0_i32 = arith.constant 0 : i32
    %c0_i32_0 = arith.constant 0 : i32
    %c0_i32_1 = arith.constant 0 : i32
    return %c0_i32, %c0_i32_0 : i32, i32
  }
  func.func @transform_6(%arg0: i32) -> (i32, i32) {
    %c0_i32 = arith.constant 0 : i32
    %c0_i32_0 = arith.constant 0 : i32
    %c0_i32_1 = arith.constant 0 : i32
    return %c0_i32, %c0_i32_0 : i32, i32
  }
  func.func @transform_7(%arg0: i32) -> i32 {
    %c0_i32 = arith.constant 0 : i32
    %c0_i32_0 = arith.constant 0 : i32
    return %c0_i32 : i32
  }
  func.func @transform_8(%arg0: i32) -> (i32, i32) {
    %c0_i32 = arith.constant 0 : i32
    %c0_i32_0 = arith.constant 0 : i32
    %c0_i32_1 = arith.constant 0 : i32
    return %c0_i32, %c0_i32_0 : i32, i32
  }
  func.func @transform_9(%arg0: i32) -> i32 {
    %c0_i32 = arith.constant 0 : i32
    %c0_i32_0 = arith.constant 0 : i32
    return %c0_i32 : i32
  }
  func.func @transform_10(%arg0: i32) -> (i32, i32) {
    %c0_i32 = arith.constant 0 : i32
    %c0_i32_0 = arith.constant 0 : i32
    %c0_i32_1 = arith.constant 0 : i32
    return %c0_i32, %c0_i32_0 : i32, i32
  }
  func.func @transform_11(%arg0: i32) -> i32 {
    %c0_i32 = arith.constant 0 : i32
    %c0_i32_0 = arith.constant 0 : i32
    return %c0_i32 : i32
  }
  func.func @transform_12(%arg0: i32) -> (i32, i32) {
    %c0_i32 = arith.constant 0 : i32
    %c0_i32_0 = arith.constant 0 : i32
    return %arg0, %c0_i32 : i32, i32
  }
}

</mosaic_0001>

<sc_bundles>
// kernel: kernel.5.cloned.1.call-start
scs
__scs_entry_jumppad:
0x0: {  	(pc) =	sbr.rel $0x88, $3  }
0x1: {  	(tag) =	ssettag $0x0;
	lr =	simm.s32 $0x1  }
0x2: {  	[smem:$0x3F95] =	sst lr;
	_ =	strace $0xD0000000  }
0x3: {  	_ = 	snop  }
0x4: {  	_ = 	snop  }
0x5: {  	_ = 	snop  }
0x6: {  	_ = 	snop  }
0x7: {  	_ = 	snop  }
__scs_overlays_trampoline_lowered:
0x8: {  	[smem:$0x3FA4] =	sst s0  }
0x9: {  	[smem:$0x3FA5] =	sst s1  }
0xa: {  	[smem:$0x3FA6] =	sst s2  }
0xb: {  	[smem:$0x3FA7] =	sst s3  }
0xc: {  	[smem:$0x3FA8] =	sst s4  }
0xd: {  	[smem:$0x3FA9] =	sst s5  }
0xe: {  	[smem:$0x3FAA] =	sst s6  }
0xf: {  	[smem:$0x3FAB] =	sst s7  }
0x10: {  	[smem:$0x3FAC] =	sst s8  }
0x11: {  	[smem:$0x3FAD] =	sst s9;
	s0 =	simm.s32 @!p0 $0x0  }
0x12: {  	s1 =	sld [smem:$0x3F93];
	s0 =	simm.s32 @p0 $0x1  }
0x13: {  	[smem:$0x3FAE] =	sst s0;
	s0 =	simm.s32 @!p1 $0x0  }
0x14: {  	s2 =	sld [smem:$0x3F92];
	s0 =	simm.s32 @p1 $0x1  }
0x15: {  	[smem:$0x3FAF] =	sst s0;
	s0 =	simm.s32 @!p2 $0x0  }
0x16: {  	s3 =	sld [smem:$0x3FDB];
	s0 =	simm.s32 @p2 $0x1  }
0x17: {  	s4 =	simm.s32 $0x1BF5;
	[smem:$0x3FB1] =	sst s0  }
0x18: {  	s0 =	sld [smem:$0x3F94];
	_ =	swait.ge [sflag:s4], $0x0  }
0x19: {  	s7 =	sld [smem:$0x3F95]  }
0x1a: {  	s8 =	sadd.s32 $0xFFFFE003, lr  }
0x1b: {  	s9 =	sadd.s32 $0xFFFFFEF7, lr;
	s5 =	simm.s32 $0xFFFFFFFF;
	p2 =	slt.u32 s8, $0xFFFFF086  }
0x1c: {  	p1 =	slt.u32 s9, $0xF7A;
	s5 =	simm.s32 @!p2 $0x0  }
0x1d: {  	s5 =	simm.s32 @p1 $0x1;
	p0 =	seq.s32 s7, s2  }
0x1e: {  	s7 =	smul.u32 @!p0 $0xF7A, s2;
	p2 =	seq.s32 @!p0 s5, $0x0  }
0x1f: {  	s9 =	smul.u32 $0xF7A, s1;
	s8 =	simm.s32 @!p0 $0x1BF5;
	p2 =	por !p2, p0  }
0x20: {  	[sflag:s8] =	ssyncset.s32 @!p0 $0xFFFFF086;
	s6 =	sadd.s32 @!p0 s3, s7;
	s7 =	simm.s32 @!p0 $0x108  }
0x21: {  	s3 =	sadd.s32 s3, s9;
	s6 =	sadd.s32 @!p0 $0x88, s6;
	s7 =	simm.s32 @p2 $0x1082  }
0x22: {  	[simem:s7], [sflag:s8] =	dma.local @!p0 [hbm:s6], $0xF7A  }
0x23: {  	s9 =	sor.u32 $0xD0000000, s2;
	s6 =	simm.s32 $0x108;
	_ =	swait.ge @!p0 [sflag:s8], $0x0  }
0x24: {  	s3 =	sadd.s32 $0x88, s3;
	s6 =	simm.s32 @!p1 $0x1082;
	[sflag:s4] =	ssyncset.s32 $0xFFFFF086  }
0x25: {  	[simem:s6], [sflag:s4] =	dma.local [hbm:s3], $0xF7A  }
0x26: {  	[smem:$0x3F95] =	sst s1;
	(tag) =	ssettag s2;
	_ =	strace s9  }
0x27: {  	s1 =	sld [smem:$0x3FA5]  }
0x28: {  	s2 =	sld [smem:$0x3FA6]  }
0x29: {  	s4 =	sld [smem:$0x3FA8]  }
0x2a: {  	p0 =	seq.s32 s5, $0x0;
	s5 =	sld [smem:$0x3FA9]  }
0x2b: {  	s6 =	sld [smem:$0x3FAA]  }
0x2c: {  	s7 =	sld [smem:$0x3FAB]  }
0x2d: {  	s3 =	simm.s32 $0x108;
	s8 =	sld [smem:$0x3FAC]  }
0x2e: {  	s3 =	simm.s32 @!p0 $0x1082;
	s9 =	sld [smem:$0x3FAD]  }
0x2f: {  	lr =	sadd.s32 s0, s3;
	s0 =	sld [smem:$0x3FA4]  }
0x30: {  	s3 =	sld [smem:$0x3FA7]  }
0x31: {  	[smem:$0x3FB0] =	sst s10  }
0x32: {  	s10 =	sld [smem:$0x3FAE];
	_ =	sdelay $0x3  }
0x33: {  	p0 =	seq.s32 s10, $0x1;
	s10 =	sld [smem:$0x3FB0];
	_ =	sdelay $0x3  }
0x34: {  	[smem:$0x3FB0] =	sst s10  }
0x35: {  	s10 =	sld [smem:$0x3FAF];
	_ =	sdelay $0x3  }
0x36: {  	p1 =	seq.s32 s10, $0x1;
	s10 =	sld [smem:$0x3FB0];
	_ =	sdelay $0x3  }
0x37: {  	[smem:$0x3FB0] =	sst s10  }
0x38: {  	s10 =	sld [smem:$0x3FB1]  }
0x39: {  	_ = 	snop;
	(pc) =	sbr.ind lr, $3  }
0x3a: {  	_ = 	snop  }
0x3b: {  	_ = 	snop  }
0x3c: {  	p2 =	seq.s32 s10, $0x1;
	s10 =	sld [smem:$0x3FB0]  }
0x3d: {  	_ =	shalt  }
0x3e: {  	_ =	shalt  }
0x3f: {  	_ =	shalt  }
0x40: {  	_ =	shalt  }
0x41: {  	_ =	shalt  }
0x42: {  	_ =	shalt  }
0x43: {  	_ =	shalt  }
0x44: {  	_ =	shalt  }
0x45: {  	_ =	shalt  }
0x46: {  	_ =	shalt  }
0x47: {  	_ =	shalt  }
0x48: {  	_ =	shalt  }
0x49: {  	_ =	shalt  }
0x4a: {  	_ =	shalt  }
0x4b: {  	_ =	shalt  }
0x4c: {  	_ =	shalt  }
0x4d: {  	_ =	shalt  }
0x4e: {  	_ =	shalt  }
0x4f: {  	_ =	shalt  }
0x50: {  	_ =	shalt  }
0x51: {  	_ =	shalt  }
0x52: {  	_ =	shalt  }
0x53: {  	_ =	shalt  }
0x54: {  	_ =	shalt  }
0x55: {  	_ =	shalt  }
0x56: {  	_ =	shalt  }
0x57: {  	_ =	shalt  }
0x58: {  	_ =	shalt  }
0x59: {  	_ =	shalt  }
0x5a: {  	_ =	shalt  }
0x5b: {  	_ =	shalt  }
0x5c: {  	_ =	shalt  }
0x5d: {  	_ =	shalt  }
0x5e: {  	_ =	shalt  }
0x5f: {  	_ =	shalt  }
0x60: {  	_ =	shalt  }
0x61: {  	_ =	shalt  }
0x62: {  	_ =	shalt  }
0x63: {  	_ =	shalt  }
0x64: {  	_ =	shalt  }
0x65: {  	_ =	shalt  }
0x66: {  	_ =	shalt  }
0x67: {  	_ =	shalt  }
0x68: {  	_ =	shalt  }
0x69: {  	_ =	shalt  }
0x6a: {  	_ =	shalt  }
0x6b: {  	_ =	shalt  }
0x6c: {  	_ =	shalt  }
0x6d: {  	_ =	shalt  }
0x6e: {  	_ =	shalt  }
0x6f: {  	_ =	shalt  }
0x70: {  	_ =	shalt  }
0x71: {  	_ =	shalt  }
0x72: {  	_ =	shalt  }
0x73: {  	_ =	shalt  }
0x74: {  	_ =	shalt  }
0x75: {  	_ =	shalt  }
0x76: {  	_ =	shalt  }
0x77: {  	_ =	shalt  }
0x78: {  	_ =	shalt  }
0x79: {  	_ =	shalt  }
0x7a: {  	_ =	shalt  }
0x7b: {  	_ =	shalt  }
0x7c: {  	_ =	shalt  }
0x7d: {  	_ =	shalt  }
0x7e: {  	_ =	shalt  }
0x7f: {  	_ =	shalt  }
0x80: {  	_ =	shalt  }
0x81: {  	_ =	shalt  }
0x82: {  	_ =	shalt  }
0x83: {  	_ =	shalt  }
0x84: {  	_ =	shalt  }
0x85: {  	_ =	shalt  }
0x86: {  	_ =	shalt  }
0x87: {  	_ =	shalt  }
.Lfunc_end0:
.L_simem_size_0:
called_computation_lowered:
.L_overlay_start_0:
0x88: {  	s2 =	sld [smem:$0x3FD9]  }
0x89: {  	s3 =	sld [smem:$0x3FFE];
	_ =	sdelay $0x1  }
0x8a: {  	s1 =	srdreg.scid  }
0x8b: {  	s0 =	sand.u32 $0x1, s1  }
0x8c: {  	s17 =	sshll.u32 s0, $0xA;
	s2 =	sadd.s32 s3, s2  }
0x8d: {  	s2 =	sadd.s32 s2, s17  }
0x8e: {  	[smem:$0x3FBC] =	sst s2  }
0x8f: {  	_ = 	snop  }
0x90: {  	s2 =	sld [smem:$0x3FC9]  }
0x91: {  	s18 =	sld [smem:$0x3FC8]  }
0x92: {  	s4 =	sld [smem:$0x3FD0];
	(tm) =	ssettm $0x1  }
0x93: {  	s5 =	sld [smem:$0x3FFB];
	_ =	sdelay $0x3  }
0x94: {  	_ =	strace s5  }
0x95: {  	s5 =	sld [smem:$0x3FFC];
	_ =	sdelay $0x3  }
0x96: {  	_ =	strace s5  }
0x97: {  	s5 =	sld [smem:$0x3FFD];
	_ =	sdelay $0x3  }
0x98: {  	_ =	strace s5  }
0x99: {  	_ =	strace $0x8FFFFFFF  }
0x9a: {  	s19 =	sld [smem:$0x3FDB];
	_ =	sdelay $0x1  }
0x9b: {  	s6 =	simm.s32 $_scs_section_size  }
0x9c: {  	s7 =	simm.s32 $_size__tile_overlayer_lowered;
	s8 =	simm.s32 $_tile_overlayer_lowered  }
0x9d: {  	s22 =	simm.s32 $0x1BFF;
	s21 =	sshll.u32 s8, $0x1;
	s5 =	sadd.s32 s6, s19  }
0x9e: {  	s9 =	simm.s32 $0x0;
	s20 =	sshll.u32 s7, $0x1;
	s7 =	sadd.s32 s21, s5  }
0x9f: {  	[timem:s9], [sflag:s22] =	dma.local [hbm:s7], s20  }
0xa0: {  	_ =	swait.ge [sflag:s22], s20  }
0xa1: {  	s6 =	ssub.s32 $0x0, s20;
	[sflag:s22] =	ssyncset.done $0x0  }
0xa2: {  	[sflag:s22] =	ssyncadd.s32 s6;
	_ =	sdelay $0x1  }
0xa3: {  	s23 =	simm.s32 $0x1B8B  }
0xa4: {  	_ =	swait.ge [sflag:s23], $0x1  }
0xa5: {  	[sflag:s23] =	ssyncset.done $0x0  }
0xa6: {  	s25 =	simm.s32 $0x1B8E;
	s24 =	sld [smem:$0x3FFE];
	[sflag:s23] =	ssyncadd.s32 $0xFFFFFFFF  }
0xa7: {  	s26 =	simm.s32 $execute0_lowered;
	[smem:$0x3FD2] =	sst s25  }
0xa8: {  	s7 =	sshll.u32 s26, $0x1;
	_ =	strace $0x80000046;
	[dreg:$0x1] =	wrdreg $0xFFFFFFFF  }
0xa9: {  	s28 =	simm.s32 $_size_execute0_lowered;
	s5 =	sadd.s32 s5, s7;
	[dreg:$0x0] =	wrdreg $0x0  }
0xaa: {  	s7 =	sshll.u32 s28, $0x1;
	[dreg:$0x2] =	wrdreg s5  }
0xab: {  	[dreg:$0x3] =	wrdreg s7  }
0xac: {  	[dreg:$0x4] =	wrdreg $0xC0  }
0xad: {  	_ =	task [dreg:s9], $0x5FFFF  }
0xae: {  	[dreg:$0x1] =	wrdreg $0xFFFFFFFF  }
0xaf: {  	[dreg:$0x0] =	wrdreg $0x60  }
0xb0: {  	[dreg:$0x2] =	wrdreg s2  }
0xb1: {  	[dreg:$0x3] =	wrdreg s18  }
0xb2: {  	[dreg:$0x4] =	wrdreg s24  }
0xb3: {  	[dreg:$0x5] =	wrdreg s4  }
0xb4: {  	[dreg:$0x6] =	wrdreg $0x9  }
0xb5: {  	_ =	task.clear_ibuf [dreg:s9], $0x7FFFF;
	_ =	strace $0x90000046  }
0xb6: {  	s29 =	simm.s32 $0x9;
	_ =	strace $0x80000048  }
0xb7: {  	_ =	swait.ge [sflag:s29], $0x1  }
0xb8: {  	[sflag:s29] =	ssyncadd.s32 $0xFFFFFFFF  }
0xb9: {  	_ =	strace $0x90000048  }
0xba: {  	_ =	sfence  }
0xbb: {  	s30 =	sld [smem:$0x0];
	_ =	sdelay $0x2  }
0xbc: {  	s31 =	sshll.u32 s1, $0xD;
	s1 =	sshrl.u32 s1, $0x2  }
0xbd: {  	s3 =	sand.u32 $0x4000, s31;
	s1 =	sadd.s32 s1, s30  }
0xbe: {  	s0 =	sor.u32 s3, s0;
	s1 =	sshll.u32 s1, $0x11  }
0xbf: {  	s0 =	sor.u32 s1, s0  }
0xc0: {  	s0 =	sadd.s32 $0x8F2B, s0  }
0xc1: {  	[sflag:s0] =	ssyncadd.remote.s32 $0x1  }
0xc2: {  	_ =	sfence.sel $0xFFFF  }
0xc3: {  	[dreg:$0x0] =	wrdreg $0xFFFFFFFF;
	(pc) =	sbr.abs _section_cstart, $3  }
0xc4: {  	[dreg:$0x1] =	wrdreg $0xFFFFFFFF  }
0xc5: {  	_ =	task.clear_ibuf [dreg:s9], $0x2FFFF;
	_ =	strace $0x9FFFFFFF  }
0xc6: {  	(tm) =	ssettm $0x7FFFFFFF  }
0xc7: {  	_ =	shalt  }
tec
execute0_lowered:
.L_overlay_start_1:
0x0: {  	(tag) =	ssettag $0x1  }
0x1: {  	s0 =	rddreg [dreg:$0x0]  }
0x2: {  	s4 =	rddreg [dreg:$0x1]  }
0x3: {  	s6 =	rddreg [dreg:$0x2]  }
0x4: {  	s7 =	rddreg [dreg:$0x3];
	s2 =	simm.s32 $0x0;
	s3 =	srdreg.scid  }
0x5: {  	s1 =	stileid.u32;
	s28 =	simm.s32 $0x500;
	s29 =	simm.s32 $0x700  }
0x6: {  	s30 =	simm.s32 $0x580;
	s31 =	simm.s32 $0x780;
	[smem:$0x7FF] =	sst s2  }
0x7: {  	s8 =	sand.u32 $0x1, s3;
	s5 =	sshll.u32 s1, $0x7;
	s3 =	sadd.s32 $0xE00, s6  }
0x8: {  	s10 =	sshll.u32 s1, $0x1;
	s20 =	sadd.s32 $0x7FE200, s6;
	s12 =	sadd.s32 $0x83E200, s6  }
0x9: {  	_ =	strace $0x80000047;
	s9 =	sshll.u32 s8, $0x6;
	s10 =	sor.u32 s8, s10  }
0xa: {  	s8 =	ssub.s32 $0x2, s8;
	s5 =	sor.u32 s9, s5;
	s11 =	sshll.u32 s10, $0xD  }
0xb: {  	s17 =	sshll.u32 s10, $0x6;
	s19 =	sshrl.u32 s8, $0x1;
	s0 =	sadd.s32 s0, s5  }
0xc: {  	s9 =	simm.s32 $0x200;
	s21 =	sadd.s32 s4, s5;
	[dreg:$0x5] =	wrdreg s0  }
0xd: {  	s10 =	simm.s32 $0x80;
	s22 =	sadd.s32 s20, s11;
	[dreg:$0x6] =	wrdreg s21  }
0xe: {  	s23 =	sadd.s32 s12, s11;
	s24 =	sor.u32 $0x800, s11;
	[dreg:$0x7] =	wrdreg s22  }
0xf: {  	s4 =	sadd.s32 $0x1F800, s6;
	s18 =	sadd.s32 s7, s17;
	[dreg:$0x8] =	wrdreg s23  }
0x10: {  	s13 =	sor.u32 $0x1000, s11;
	s25 =	sadd.s32 s20, s24;
	[dreg:$0xf] =	wrdreg s18  }
0x11: {  	s5 =	sadd.s32 $0x3E200, s6;
	s26 =	sadd.s32 s12, s24;
	[dreg:$0x9] =	wrdreg s25  }
0x12: {  	s11 =	sor.u32 $0x1800, s11;
	s1 =	sadd.s32 s20, s13;
	[dreg:$0xa] =	wrdreg s26  }
0x13: {  	s6 =	sadd.s32 $0x41E200, s6;
	s14 =	sadd.s32 s12, s13;
	[dreg:$0xb] =	wrdreg s1  }
0x14: {  	s7 =	ssub.s32 s8, s19;
	s15 =	sadd.s32 s20, s11;
	[dreg:$0xc] =	wrdreg s14  }
0x15: {  	s8 =	simm.s32 $0x4;
	s16 =	sadd.s32 s12, s11;
	[dreg:$0xd] =	wrdreg s15  }
0x16: {  	s17 =	simm.s32 $0x400;
	s20 =	simm.s32 $0x10A00;
	[dreg:$0xe] =	wrdreg s16  }
0x17: {  	s19 =	simm.s32 $0x600;
	s21 =	simm.s32 $0x10880;
	[dreg:$0x10] =	wrdreg s20  }
0x18: {  	s7 =	smax.u32 s7, $0x1;
	s22 =	simm.s32 $0x280;
	[dreg:$0x11] =	wrdreg s21  }
0x19: {  	s23 =	simm.s32 $0x10A80;
	s24 =	simm.s32 $0x100;
	[dreg:$0x12] =	wrdreg s22  }
0x1a: {  	s11 =	simm.s32 $0x10800;
	s18 =	simm.s32 $0x800;
	[dreg:$0x13] =	wrdreg s23  }
0x1b: {  	s0 =	simm.s32 $0x3;
	[dreg:$0x14] =	wrdreg s24;
	s25 =	simm.s32 $0x10900  }
0x1c: {  	s26 =	simm.s32 $0x300;
	s15 =	simm.s32 $0x380;
	s16 =	simm.s32 $0x10B80  }
0x1d: {  	s20 =	simm.s32 $0x8800;
	s21 =	simm.s32 $0x1;
	s22 =	simm.s32 $0x480  }
0x1e: {  	s23 =	simm.s32 $0x4800;
	s24 =	simm.s32 $0x680;
	[dreg:$0x15] =	wrdreg s25  }
0x1f: {  	v31 =	vimm.s32 $0xFFFC3000;
	[dreg:$0x16] =	wrdreg s26;
	s25 =	simm.s32 $0xC800;
	s26 =	simm.s32 $0x2  }
.LBB2_1:
0x20: {  	s1 =	rddreg [dreg:$0x5]  }
0x21: {  	[tilespmem:s2], [sflag:$0x4] =	stream.linear.gather [hbm4b:s1+s2], $0x200, $0x38;
	[tilespmem:$0x10C00] =	vst v63  }
0x22: {  	_ =	swait.ge [sflag:s8], $0x200  }
0x23: {  	[sflag:s8] =	ssyncset.done $0x0  }
0x24: {  	s13 =	rddreg [dreg:$0x6];
	[sflag:s8] =	ssyncadd.s32 $0xFFFFFE00  }
0x25: {  	[tilespmem:s9], [sflag:$0x4] =	stream.linear.gather [hbm4b:s13+s2], $0x200, $0x38;
	[tilespmem:$0x10C00] =	vst v63  }
0x26: {  	_ =	swait.ge [sflag:s8], $0x200  }
0x27: {  	[sflag:s8] =	ssyncset.done $0x0;
	s14 =	rddreg [dreg:$0x10]  }
0x28: {  	s12 =	rddreg [dreg:$0x11];
	[sflag:s8] =	ssyncadd.s32 $0xFFFFFE00  }
0x29: {  	[tilespmem:s11], [sflag:$0x3] =	stream.indirect.gather [hbm4b:s3+s10], $0x1, s2, s10, $0xb8;
	[tilespmem:$0x10C00] =	vst v63  }
0x2a: {  	s1 =	rddreg [dreg:$0x12]  }
0x2b: {  	[tilespmem:s14], [sflag:$0x3] =	stream.indirect.gather [hbm4b:s4+s10], $0x1, s9, s10, $0xb8;
	[tilespmem:$0x10C00] =	vst v63  }
0x2c: {  	s13 =	rddreg [dreg:$0x14]  }
0x2d: {  	[tilespmem:s12], [sflag:$0x3] =	stream.indirect.gather [hbm4b:s3+s10], $0x1, s10, s10, $0xb8;
	[tilespmem:$0x10C00] =	vst v63  }
0x2e: {  	s12 =	rddreg [dreg:$0x13]  }
0x2f: {  	[tilespmem:s12], [sflag:$0x3] =	stream.indirect.gather [hbm4b:s4+s10], $0x1, s1, s10, $0xb8;
	[tilespmem:$0x10C00] =	vst v63  }
0x30: {  	s14 =	rddreg [dreg:$0x15]  }
0x31: {  	[tilespmem:s14], [sflag:$0x3] =	stream.indirect.gather [hbm4b:s3+s10], $0x1, s13, s10, $0xb8;
	[tilespmem:$0x10C00] =	vst v63  }
0x32: {  	s12 =	rddreg [dreg:$0x16];
	s14 =	simm.s32 $0x10B00  }
0x33: {  	[tilespmem:s14], [sflag:$0x3] =	stream.indirect.gather [hbm4b:s4+s10], $0x1, s12, s10, $0xb8;
	[tilespmem:$0x10C00] =	vst v63  }
0x34: {  	s13 =	simm.s32 $0x180;
	s14 =	simm.s32 $0x10980  }
0x35: {  	[tilespmem:s14], [sflag:$0x3] =	stream.indirect.gather [hbm4b:s3+s10], $0x1, s13, s10, $0xb8;
	[tilespmem:$0x10C00] =	vst v63  }
0x36: {  	_ = 	snop  }
0x37: {  	[tilespmem:s16], [sflag:$0x3] =	stream.indirect.gather [hbm4b:s4+s10], $0x1, s15, s10, $0xb8;
	[tilespmem:$0x10C00] =	vst v63  }
0x38: {  	v1 =	vld [tilespmem:$0x0]  }
0x39: {  	v2 =	vld [tilespmem:$0x200]  }
0x3a: {  	v3 =	vld [tilespmem:$0x10]  }
0x3b: {  	v5 =	vld [tilespmem:$0x210]  }
0x3c: {  	v6 =	vld [tilespmem:$0x20]  }
0x3d: {  	v57 =	vld [tilespmem:$0x220];
	vm0 =	vlt.s32 v1, $0x3D000  }
0x3e: {  	v8 =	vld [tilespmem:$0x30];
	vm7 =	vlt.s32 v1, $0x7A000;
	vm8 =	vlt.s32 v1, $0xB7000;
	vm9 =	vlt.s32 v2, $0x3D000  }
0x3f: {  	v63 =	vld [tilespmem:$0x40];
	vm10 =	vlt.s32 v2, $0x7A000;
	vm11 =	vlt.s32 v2, $0xB7000;
	vm1 =	vlt.s32 v3, $0x3D000  }
0x40: {  	vm12 =	vlt.s32 v3, $0x7A000;
	vm13 =	vlt.s32 v5, $0x3D000;
	vm14 =	vlt.s32 v3, $0xB7000  }
0x41: {  	vm15 =	vlt.s32 v5, $0x7A000;
	vm4 =	vlt.s32 v5, $0xB7000;
	vm5 =	vlt.s32 v6, $0x3D000  }
0x42: {  	v19 =	vld [tilespmem:$0x250];
	vm6 =	vlt.s32 v6, $0x7A000;
	v4 =	vsel vm0, $0x0, v31;
	v55 =	vsel vm9, $0x0, v31  }
0x43: {  	v7 =	vsel vm1, $0x0, v31;
	v58 =	vsel vm13, $0x0, v31;
	v60 =	vsel vm5, $0x0, v31  }
0x44: {  	vm9 =	vlt.s32 v57, $0x7A000;
	vm13 =	vlt.s32 v8, $0xB7000;
	vm5 =	vlt.s32 v63, $0x3D000  }
0x45: {  	v11 =	vld [tilespmem:$0x240];
	v4 =	vnsel vm7, $0xFFF86000, v4;
	v56 =	vnsel vm12, $0xFFF86000, v7;
	vm7 =	vlt.s32 v6, $0xB7000  }
0x46: {  	vm12 =	vlt.s32 v8, $0x7A000;
	v17 =	vsel vm5, $0x0, v31;
	v4 =	vnsel vm8, $0xFFF49000, v4  }
0x47: {  	v61 =	vld [tilespmem:$0x230];
	vm5 =	vlt.s32 v19, $0xB7000;
	vm8 =	vlt.s32 v57, $0x3D000;
	v1 =	vadd.s32 v1, v4  }
0x48: {  	v16 =	vld [tilespmem:$0x50];
	v4 =	vnsel vm10, $0xFFF86000, v55;
	v9 =	vsel vm8, $0x0, v31;
	vm10 =	vlt.s32 v8, $0x3D000  }
0x49: {  	vm8 =	vlt.s32 v63, $0xB7000;
	v4 =	vnsel vm11, $0xFFF49000, v4;
	v62 =	vnsel vm9, $0xFFF86000, v9  }
0x4a: {  	vm11 =	vlt.s32 v57, $0xB7000;
	v12 =	vsel vm10, $0x0, v31;
	vm9 =	vlt.s32 v11, $0x7A000  }
0x4b: {  	vm10 =	vlt.s32 v11, $0xB7000;
	v0 =	vadd.s32 v2, v4;
	v2 =	vnsel vm14, $0xFFF49000, v56  }
0x4c: {  	v4 =	vnsel vm15, $0xFFF86000, v58;
	v9 =	vnsel vm12, $0xFFF86000, v12;
	vm14 =	vlt.s32 v61, $0x3D000  }
0x4d: {  	v26 =	vld [tilespmem:$0x70];
	vm15 =	vlt.s32 v61, $0x7A000;
	vm12 =	vlt.s32 v16, $0x7A000;
	v3 =	vadd.s32 v3, v2  }
0x4e: {  	v59 =	vnsel vm4, $0xFFF49000, v4;
	v2 =	vnsel vm6, $0xFFF86000, v60;
	v13 =	vnsel vm13, $0xFFF49000, v9  }
0x4f: {  	v15 =	vsel vm14, $0x0, v31;
	vm4 =	vlt.s32 v61, $0xB7000;
	vm6 =	vlt.s32 v63, $0x7A000  }
0x50: {  	v23 =	vld [tilespmem:$0x260];
	vm13 =	vlt.s32 v16, $0xB7000;
	vm14 =	vlt.s32 v19, $0x3D000;
	v14 =	vadd.s32 v5, v59  }
0x51: {  	v12 =	vld [tilespmem:$0x60];
	v2 =	vnsel vm7, $0xFFF49000, v2;
	v18 =	vnsel vm6, $0xFFF86000, v17;
	vm7 =	vlt.s32 v11, $0x3D000  }
0x52: {  	v24 =	vsel vm14, $0x0, v31;
	vm14 =	vlt.s32 v26, $0xB7000;
	v4 =	vadd.s32 v6, v2  }
0x53: {  	v37 =	vld [tilespmem:$0x280];
	v2 =	vnsel vm11, $0xFFF49000, v62;
	v20 =	vsel vm7, $0x0, v31;
	vm11 =	vlt.s32 v16, $0x3D000  }
0x54: {  	v2 =	vadd.s32 v57, v2;
	v9 =	vnsel vm9, $0xFFF86000, v20;
	v22 =	vsel vm11, $0x0, v31  }
0x55: {  	vm9 =	vlt.s32 v23, $0x7A000;
	vm11 =	vlt.s32 v26, $0x3D000;
	[tilespmem:$0x1FF40] =	vst v2;
	v2 =	vadd.s32 v8, v13  }
0x56: {  	v21 =	vnsel vm10, $0xFFF49000, v9;
	vm6 =	vlt.s32 v12, $0x7A000;
	vm7 =	vlt.s32 v12, $0xB7000  }
0x57: {  	v34 =	vld [tilespmem:$0x80];
	vm10 =	vlt.s32 v23, $0xB7000;
	v35 =	vsel vm11, $0x0, v31;
	[tilespmem:$0x1FF50] =	vst v2;
	v2 =	vnsel vm15, $0xFFF86000, v15  }
0x58: {  	vm11 =	vlt.s32 v37, $0xB7000;
	vm15 =	vlt.s32 v19, $0x7A000;
	v2 =	vnsel vm4, $0xFFF49000, v2  }
0x59: {  	v13 =	vld [tilespmem:$0x270];
	v25 =	vnsel vm15, $0xFFF86000, v24;
	vm4 =	vlt.s32 v12, $0x3D000;
	v7 =	vadd.s32 v61, v2  }
0x5a: {  	v2 =	vnsel vm8, $0xFFF49000, v18;
	v27 =	vsel vm4, $0x0, v31;
	vm8 =	vlt.s32 v23, $0x3D000  }
0x5b: {  	v10 =	vadd.s32 v63, v2;
	v2 =	vadd.s32 v11, v21;
	v9 =	vnsel vm6, $0xFFF86000, v27  }
0x5c: {  	v33 =	vsel vm8, $0x0, v31;
	vm6 =	vlt.s32 v34, $0x7A000;
	vm8 =	vlt.s32 v37, $0x3D000  }
0x5d: {  	v15 =	vld [tilespmem:$0x290];
	[tilespmem:$0x1FF60] =	vst v2;
	v2 =	vnsel vm12, $0xFFF86000, v22;
	v32 =	vnsel vm7, $0xFFF49000, v9;
	vm12 =	vlt.s32 v26, $0x7A000  }
0x5e: {  	vm15 =	vlt.s32 v13, $0x7A000;
	vm4 =	vlt.s32 v13, $0xB7000;
	vm7 =	vlt.s32 v34, $0xB7000  }
0x5f: {  	v41 =	vsel vm8, $0x0, v31;
	v2 =	vnsel vm13, $0xFFF49000, v2;
	vm13 =	vlt.s32 v13, $0x3D000  }
0x60: {  	v36 =	vnsel vm12, $0xFFF86000, v35;
	v2 =	vadd.s32 v16, v2;
	v38 =	vsel vm13, $0x0, v31;
	v16 =	vld [tilespmem:$0xA0]  }
0x61: {  	[tilespmem:$0x1FF70] =	vst v2;
	v2 =	vnsel vm5, $0xFFF49000, v25;
	v9 =	vnsel vm15, $0xFFF86000, v38;
	vm5 =	vlt.s32 v34, $0x3D000  }
0x62: {  	vm15 =	vlt.s32 v15, $0x7A000;
	v11 =	vadd.s32 v19, v2;
	v2 =	vadd.s32 v12, v32;
	v12 =	vld [tilespmem:$0x90]  }
0x63: {  	v22 =	vld [tilespmem:$0x2B0];
	v39 =	vnsel vm4, $0xFFF49000, v9;
	[tilespmem:$0x1FF80] =	vst v2;
	v2 =	vnsel vm9, $0xFFF86000, v33;
	vm9 =	vlt.s32 v37, $0x7A000  }
0x64: {  	v40 =	vsel vm5, $0x0, v31;
	v19 =	vld [tilespmem:$0x2A0];
	v2 =	vnsel vm10, $0xFFF49000, v2;
	v42 =	vnsel vm9, $0xFFF86000, v41  }
0x65: {  	v30 =	vld [tilespmem:$0x2D0];
	v2 =	vadd.s32 v23, v2;
	vm4 =	vlt.s32 v16, $0x3D000;
	vm5 =	vlt.s32 v16, $0x7A000  }
0x66: {  	v18 =	vld [tilespmem:$0xB0];
	[tilespmem:$0x1FF90] =	vst v2;
	v2 =	vnsel vm14, $0xFFF49000, v36;
	vm14 =	vlt.s32 v15, $0x3D000;
	v46 =	vsel vm4, $0x0, v31  }
0x67: {  	v25 =	vld [tilespmem:$0x2C0];
	v17 =	vadd.s32 v26, v2;
	v2 =	vadd.s32 v13, v39;
	vm10 =	vlt.s32 v12, $0x3D000  }
0x68: {  	vm12 =	vlt.s32 v12, $0x7A000;
	vm13 =	vlt.s32 v12, $0xB7000;
	v45 =	vsel vm14, $0x0, v31  }
0x69: {  	vm8 =	vlt.s32 v19, $0x3D000;
	vm9 =	vlt.s32 v19, $0x7A000;
	vm14 =	vlt.s32 v22, $0x3D000  }
0x6a: {  	v32 =	vld [tilespmem:$0x2E0];
	[tilespmem:$0x1FFA0] =	vst v2;
	v2 =	vnsel vm6, $0xFFF86000, v40;
	v43 =	vsel vm10, $0x0, v31;
	vm6 =	vlt.s32 v15, $0xB7000  }
0x6b: {  	v23 =	vld [tilespmem:$0xC0];
	v48 =	vsel vm8, $0x0, v31;
	vm10 =	vlt.s32 v18, $0x3D000;
	v50 =	vsel vm14, $0x0, v31  }
0x6c: {  	v41 =	vld [tilespmem:$0x300];
	vm8 =	vlt.s32 v25, $0x3D000;
	vm14 =	vlt.s32 v30, $0x3D000;
	v2 =	vnsel vm7, $0xFFF49000, v2  }
0x6d: {  	v5 =	vnsel vm12, $0xFFF86000, v43;
	vm7 =	vlt.s32 v16, $0xB7000;
	v49 =	vsel vm10, $0x0, v31  }
0x6e: {  	v29 =	vld [tilespmem:$0xE0];
	vm12 =	vlt.s32 v19, $0xB7000;
	v52 =	vsel vm8, $0x0, v31;
	v54 =	vsel vm14, $0x0, v31  }
0x6f: {  	v36 =	vld [tilespmem:$0x2F0];
	vm8 =	vlt.s32 v32, $0x3D000;
	v2 =	vadd.s32 v34, v2;
	v44 =	vnsel vm13, $0xFFF49000, v5  }
0x70: {  	v26 =	vld [tilespmem:$0xD0];
	v5 =	vnsel vm5, $0xFFF86000, v46;
	vm13 =	vlt.s32 v18, $0xB7000;
	vm4 =	vlt.s32 v23, $0x3D000  }
0x71: {  	vm5 =	vlt.s32 v23, $0x7A000;
	v56 =	vsel vm8, $0x0, v31;
	vm8 =	vlt.s32 v41, $0x3D000  }
0x72: {  	[tilespmem:$0x1FFB0] =	vst v2;
	v2 =	vnsel vm11, $0xFFF49000, v42;
	v47 =	vnsel vm7, $0xFFF49000, v5;
	vm11 =	vlt.s32 v18, $0x7A000  }
0x73: {  	v51 =	vsel vm4, $0x0, v31;
	vm7 =	vlt.s32 v23, $0xB7000;
	vm4 =	vlt.s32 v29, $0x3D000  }
0x74: {  	v33 =	vld [tilespmem:$0xF0];
	vm14 =	vlt.s32 v36, $0x3D000;
	v60 =	vsel vm8, $0x0, v31;
	v2 =	vadd.s32 v37, v2  }
0x75: {  	v5 =	vnsel vm11, $0xFFF86000, v49;
	vm10 =	vlt.s32 v26, $0x3D000;
	vm11 =	vlt.s32 v26, $0x7A000  }
0x76: {  	v40 =	vld [tilespmem:$0x110];
	v55 =	vsel vm4, $0x0, v31;
	v58 =	vsel vm14, $0x0, v31;
	[tilespmem:$0x1FFC0] =	vst v2;
	v2 =	vnsel vm15, $0xFFF86000, v45  }
0x77: {  	v35 =	vnsel vm13, $0xFFF49000, v5;
	vm15 =	vlt.s32 v22, $0x7A000;
	v5 =	vnsel vm5, $0xFFF86000, v51  }
0x78: {  	v53 =	vsel vm10, $0x0, v31;
	vm13 =	vlt.s32 v26, $0xB7000;
	vm5 =	vlt.s32 v29, $0x7A000  }
0x79: {  	vm10 =	vlt.s32 v33, $0x3D000;
	v2 =	vnsel vm6, $0xFFF49000, v2;
	vm6 =	vlt.s32 v22, $0xB7000  }
0x7a: {  	v39 =	vnsel vm7, $0xFFF49000, v5;
	v5 =	vnsel vm11, $0xFFF86000, v53;
	vm7 =	vlt.s32 v29, $0xB7000  }
0x7b: {  	[tilespmem:$0x1FFD0] =	vst v44;
	v44 =	vld [tilespmem:$0x310];
	v57 =	vsel vm10, $0x0, v31;
	vm11 =	vlt.s32 v33, $0x7A000;
	vm10 =	vlt.s32 v40, $0x3D000  }
0x7c: {  	[tilespmem:$0x1FFE0] =	vst v2;
	v2 =	vnsel vm9, $0xFFF86000, v48;
	vm9 =	vlt.s32 v25, $0x7A000;
	v43 =	vnsel vm13, $0xFFF49000, v5  }
0x7d: {  	v37 =	vld [tilespmem:$0x100];
	v5 =	vnsel vm5, $0xFFF86000, v55;
	vm13 =	vlt.s32 v33, $0xB7000;
	v61 =	vsel vm10, $0x0, v31  }
0x7e: {  	v38 =	vnsel vm12, $0xFFF49000, v2;
	v2 =	vnsel vm15, $0xFFF86000, v50;
	vm12 =	vlt.s32 v25, $0xB7000  }
0x7f: {  	[tilespmem:$0x1FFF0] =	vst v47;
	v49 =	vld [tilespmem:$0x130];
	vm15 =	vlt.s32 v30, $0x7A000;
	v47 =	vnsel vm7, $0xFFF49000, v5;
	v5 =	vnsel vm11, $0xFFF86000, v57  }
0x80: {  	vm11 =	vlt.s32 v40, $0x7A000;
	vm14 =	vlt.s32 v44, $0x3D000;
	v42 =	vnsel vm6, $0xFFF49000, v2  }
0x81: {  	v45 =	vld [tilespmem:$0x120];
	v2 =	vnsel vm9, $0xFFF86000, v52;
	vm6 =	vlt.s32 v30, $0xB7000;
	vm9 =	vlt.s32 v32, $0x7A000  }
0x82: {  	v51 =	vnsel vm13, $0xFFF49000, v5;
	vm4 =	vlt.s32 v37, $0x3D000;
	vm5 =	vlt.s32 v37, $0x7A000  }
0x83: {  	vm7 =	vlt.s32 v37, $0xB7000;
	vm13 =	vlt.s32 v40, $0xB7000;
	v62 =	vsel vm14, $0x0, v31  }
0x84: {  	vm10 =	vlt.s32 v49, $0x3D000;
	v38 =	vadd.s32 v19, v38;
	v47 =	vadd.s32 v29, v47  }
0x85: {  	v46 =	vnsel vm12, $0xFFF49000, v2;
	v2 =	vnsel vm15, $0xFFF86000, v54;
	vm12 =	vlt.s32 v32, $0xB7000  }
0x86: {  	v53 =	vld [tilespmem:$0x330];
	vm15 =	vlt.s32 v36, $0x7A000;
	v59 =	vsel vm4, $0x0, v31;
	vm4 =	vlt.s32 v45, $0x3D000  }
0x87: {  	v8 =	vsel vm10, $0x0, v31;
	[tilespmem:$0x6A0] =	vst v38;
	v38 =	vadd.s32 v18, v35;
	v22 =	vadd.s32 v22, v42  }
0x88: {  	v35 =	vadd.s32 v23, v39;
	v42 =	vadd.s32 v26, v43;
	v51 =	vadd.s32 v33, v51  }
0x89: {  	v48 =	vld [tilespmem:$0x320];
	v50 =	vnsel vm6, $0xFFF49000, v2;
	v2 =	vnsel vm9, $0xFFF86000, v56;
	vm6 =	vlt.s32 v36, $0xB7000  }
0x8a: {  	v5 =	vnsel vm5, $0xFFF86000, v59;
	vm9 =	vlt.s32 v41, $0x7A000;
	v63 =	vsel vm4, $0x0, v31  }
0x8b: {  	vm5 =	vlt.s32 v45, $0x7A000;
	vm14 =	vlt.s32 v53, $0x3D000;
	v39 =	vadd.s32 v25, v46  }
0x8c: {  	v54 =	vnsel vm12, $0xFFF49000, v2;
	v2 =	vnsel vm15, $0xFFF86000, v58;
	v55 =	vnsel vm7, $0xFFF49000, v5  }
0x8d: {  	v57 =	vld [tilespmem:$0x150];
	vm12 =	vlt.s32 v41, $0xB7000;
	v5 =	vnsel vm11, $0xFFF86000, v61;
	vm15 =	vlt.s32 v44, $0x7A000  }
0x8e: {  	vm7 =	vlt.s32 v45, $0xB7000;
	vm8 =	vlt.s32 v48, $0x3D000;
	vm11 =	vlt.s32 v49, $0x7A000  }
0x8f: {  	v9 =	vsel vm14, $0x0, v31;
	v43 =	vadd.s32 v30, v50;
	v58 =	vnsel vm6, $0xFFF49000, v2  }
0x90: {  	v52 =	vld [tilespmem:$0x140];
	v2 =	vnsel vm9, $0xFFF86000, v60;
	v59 =	vnsel vm13, $0xFFF49000, v5;
	vm6 =	vlt.s32 v44, $0xB7000  }
0x91: {  	v5 =	vnsel vm5, $0xFFF86000, v63;
	v6 =	vsel vm8, $0x0, v31;
	vm9 =	vlt.s32 v48, $0x7A000  }
0x92: {  	vm13 =	vlt.s32 v49, $0xB7000;
	vm5 =	vlt.s32 v53, $0xB7000;
	vm10 =	vlt.s32 v57, $0x7A000  }
0x93: {  	v50 =	vadd.s32 v32, v54;
	v32 =	vadd.s32 v37, v55;
	v61 =	vnsel vm12, $0xFFF49000, v2  }
0x94: {  	[tilespmem:$0x600] =	vst v0;
	v0 =	vld [tilespmem:$0x1FFA0];
	v2 =	vnsel vm15, $0xFFF86000, v62;
	v62 =	vnsel vm7, $0xFFF49000, v5;
	vm12 =	vlt.s32 v48, $0xB7000  }
0x95: {  	v56 =	vld [tilespmem:$0x340];
	v5 =	vnsel vm11, $0xFFF86000, v8;
	vm15 =	vlt.s32 v53, $0x7A000;
	vm2 =	vlt.s32 v52, $0x3D000  }
0x96: {  	[tilespmem:$0x4C0] =	vst v35;
	vm4 =	vlt.s32 v52, $0x7A000;
	v58 =	vadd.s32 v36, v58;
	v35 =	vadd.s32 v40, v59  }
0x97: {  	[tilespmem:$0x420] =	vst v4;
	v4 =	vld [tilespmem:$0x170];
	v63 =	vnsel vm6, $0xFFF49000, v2;
	v2 =	vnsel vm9, $0xFFF86000, v6;
	v34 =	vnsel vm13, $0xFFF49000, v5  }
0x98: {  	[tilespmem:$0x410] =	vst v3;
	v3 =	vld [tilespmem:$0x360];
	v13 =	vsel vm2, $0x0, v31;
	vm6 =	vlt.s32 v52, $0xB7000;
	vm9 =	vlt.s32 v57, $0x3D000  }
0x99: {  	[tilespmem:$0x670] =	vst v0;
	v0 =	vld [tilespmem:$0x1FFB0];
	v33 =	vadd.s32 v41, v61;
	v37 =	vadd.s32 v45, v62;
	v28 =	vnsel vm12, $0xFFF49000, v2  }
0x9a: {  	[tilespmem:$0x610] =	vst v14;
	v14 =	vld [tilespmem:$0x1FF50];
	v2 =	vnsel vm15, $0xFFF86000, v9;
	v5 =	vnsel vm4, $0xFFF86000, v13;
	vm7 =	vlt.s32 v56, $0x3D000  }
0x9b: {  	v60 =	vld [tilespmem:$0x350];
	vm8 =	vlt.s32 v56, $0x7A000;
	v21 =	vsel vm9, $0x0, v31;
	vm11 =	vlt.s32 v56, $0xB7000  }
0x9c: {  	[tilespmem:$0x400] =	vst v1;
	vm12 =	vlt.s32 v57, $0xB7000;
	vm9 =	vlt.s32 v4, $0x3D000;
	v36 =	vadd.s32 v44, v63  }
0x9d: {  	[tilespmem:$0x630] =	vst v7;
	v7 =	vld [tilespmem:$0x370];
	v41 =	vadd.s32 v49, v34;
	v24 =	vnsel vm5, $0xFFF49000, v2;
	v27 =	vnsel vm6, $0xFFF49000, v5  }
0x9e: {  	[tilespmem:$0x480] =	vst v0;
	v0 =	vld [tilespmem:$0x1FFC0];
	v20 =	vsel vm7, $0x0, v31;
	v8 =	vnsel vm10, $0xFFF86000, v21;
	vm7 =	vlt.s32 v3, $0x3D000  }
0x9f: {  	[tilespmem:$0x440] =	vst v10;
	v6 =	vld [tilespmem:$0x160];
	vm10 =	vlt.s32 v4, $0x7A000;
	v40 =	vadd.s32 v48, v28;
	v2 =	vnsel vm8, $0xFFF86000, v20  }
0xa0: {  	v10 =	vld [tilespmem:$0x180];
	[tilespmem:$0x430] =	vst v14;
	v21 =	vnsel vm12, $0xFFF49000, v8;
	vm13 =	vlt.s32 v60, $0x3D000;
	vm14 =	vlt.s32 v60, $0x7A000  }
0xa1: {  	[tilespmem:$0x650] =	vst v11;
	v9 =	vld [tilespmem:$0x1FF40];
	vm5 =	vlt.s32 v60, $0xB7000;
	vm8 =	vlt.s32 v3, $0x7A000;
	vm12 =	vlt.s32 v4, $0xB7000  }
0xa2: {  	v11 =	vld [tilespmem:$0x380];
	[tilespmem:$0x4D0] =	vst v42;
	v42 =	vadd.s32 v53, v24;
	v45 =	vadd.s32 v52, v27;
	v20 =	vnsel vm11, $0xFFF49000, v2  }
0xa3: {  	[tilespmem:$0x680] =	vst v0;
	v0 =	vld [tilespmem:$0x1FFD0];
	v13 =	vsel vm13, $0x0, v31;
	vm11 =	vlt.s32 v3, $0xB7000;
	vm13 =	vlt.s32 v7, $0x3D000  }
0xa4: {  	[tilespmem:$0x470] =	vst v17;
	v48 =	vadd.s32 v57, v21;
	vm15 =	vlt.s32 v6, $0x3D000;
	v2 =	vnsel vm14, $0xFFF86000, v13  }
0xa5: {  	v19 =	vld [tilespmem:$0x3A0];
	[tilespmem:$0x4E0] =	vst v47;
	vm4 =	vlt.s32 v6, $0x7A000;
	vm6 =	vlt.s32 v6, $0xB7000;
	vm14 =	vlt.s32 v7, $0x7A000  }
0xa6: {  	v8 =	vld [tilespmem:$0x1FF60];
	[tilespmem:$0x620] =	vst v9;
	v1 =	vsel vm15, $0x0, v31;
	v13 =	vnsel vm5, $0xFFF49000, v2;
	v9 =	vsel vm7, $0x0, v31  }
0xa7: {  	[tilespmem:$0x4B0] =	vst v38;
	vm15 =	vlt.s32 v10, $0x3D000;
	vm5 =	vlt.s32 v7, $0xB7000;
	vm7 =	vlt.s32 v11, $0x3D000  }
0xa8: {  	[tilespmem:$0x6C0] =	vst v39;
	v39 =	vld [tilespmem:$0x3C0];
	v0 =	vadd.s32 v12, v0;
	v5 =	vnsel vm4, $0xFFF86000, v1;
	v2 =	vnsel vm8, $0xFFF86000, v9  }
0xa9: {  	[tilespmem:$0x4F0] =	vst v51;
	vm4 =	vlt.s32 v10, $0x7A000;
	v1 =	vsel vm7, $0x0, v31;
	vm8 =	vlt.s32 v11, $0x7A000  }
0xaa: {  	v63 =	vld [tilespmem:$0x3E0];
	[tilespmem:$0x490] =	vst v0;
	vm7 =	vlt.s32 v19, $0x3D000;
	v51 =	vadd.s32 v60, v13;
	v14 =	vnsel vm6, $0xFFF49000, v5  }
0xab: {  	v0 =	vld [tilespmem:$0x1FFE0];
	[tilespmem:$0x640] =	vst v8;
	v8 =	vsel vm9, $0x0, v31;
	vm6 =	vlt.s32 v10, $0xB7000;
	v1 =	vnsel vm8, $0xFFF86000, v1  }
0xac: {  	[tilespmem:$0x6B0] =	vst v22;
	v5 =	vld [tilespmem:$0x1FF70];
	vm9 =	vlt.s32 v11, $0xB7000;
	v54 =	vsel vm7, $0x0, v31;
	vm8 =	vlt.s32 v19, $0x7A000  }
0xad: {  	[tilespmem:$0x6D0] =	vst v43;
	v9 =	vld [tilespmem:$0x1FF80];
	vm7 =	vlt.s32 v39, $0x3D000;
	v1 =	vnsel vm9, $0xFFF49000, v1;
	v25 =	vnsel vm8, $0xFFF86000, v54  }
0xae: {  	v17 =	vld [tilespmem:$0x190];
	[tilespmem:$0x6E0] =	vst v50;
	vm9 =	vlt.s32 v19, $0xB7000;
	v49 =	vsel vm7, $0x0, v31;
	vm8 =	vlt.s32 v39, $0x7A000  }
0xaf: {  	v23 =	vld [tilespmem:$0x1B0];
	[tilespmem:$0x500] =	vst v32;
	v53 =	vadd.s32 v6, v14;
	vm7 =	vlt.s32 v63, $0x3D000;
	v25 =	vnsel vm9, $0xFFF49000, v25  }
0xb0: {  	[tilespmem:$0x6F0] =	vst v58;
	v52 =	vnsel vm8, $0xFFF86000, v49;
	vm9 =	vlt.s32 v39, $0xB7000;
	v0 =	vadd.s32 v15, v0;
	v15 =	vld [tilespmem:$0x1FFF0]  }
0xb1: {  	v44 =	vld [tilespmem:$0x1D0];
	v21 =	vsel vm7, $0x0, v31;
	vm8 =	vlt.s32 v63, $0x7A000;
	[tilespmem:$0x450] =	vst v5;
	v5 =	vnsel vm10, $0xFFF86000, v8  }
0xb2: {  	v54 =	vnsel vm9, $0xFFF49000, v52;
	vm9 =	vlt.s32 v63, $0xB7000;
	[tilespmem:$0x460] =	vst v9;
	v9 =	vnsel vm12, $0xFFF49000, v5;
	v5 =	vld [tilespmem:$0x1FF90]  }
0xb3: {  	[tilespmem:$0x510] =	vst v35;
	v12 =	vld [tilespmem:$0x390];
	v8 =	vnsel vm11, $0xFFF49000, v2;
	vm10 =	vlt.s32 v17, $0x3D000;
	vm11 =	vlt.s32 v17, $0x7A000  }
0xb4: {  	[tilespmem:$0x700] =	vst v33;
	vm12 =	vlt.s32 v17, $0xB7000;
	v55 =	vadd.s32 v3, v8;
	v58 =	vadd.s32 v4, v9  }
0xb5: {  	[tilespmem:$0x690] =	vst v0;
	v0 =	vadd.s32 v16, v15;
	v16 =	vsel vm10, $0x0, v31;
	vm10 =	vlt.s32 v23, $0x3D000  }
0xb6: {  	v26 =	vld [tilespmem:$0x3B0];
	[tilespmem:$0x520] =	vst v37;
	v9 =	vadd.s32 v11, v1;
	v16 =	vnsel vm11, $0xFFF86000, v16;
	v29 =	vsel vm10, $0x0, v31  }
0xb7: {  	vm11 =	vlt.s32 v23, $0x7A000;
	vm10 =	vlt.s32 v44, $0x3D000;
	[tilespmem:$0x660] =	vst v5;
	v5 =	vsel vm13, $0x0, v31  }
0xb8: {  	[tilespmem:$0x710] =	vst v36;
	v16 =	vnsel vm12, $0xFFF49000, v16;
	vm13 =	vlt.s32 v12, $0x3D000;
	v29 =	vnsel vm11, $0xFFF86000, v29  }
0xb9: {  	v50 =	vld [tilespmem:$0x3D0];
	[tilespmem:$0x530] =	vst v41;
	vm12 =	vlt.s32 v23, $0xB7000;
	vm11 =	vlt.s32 v44, $0x7A000;
	v2 =	vnsel vm14, $0xFFF86000, v5  }
0xba: {  	[tilespmem:$0x720] =	vst v40;
	v15 =	vld [tilespmem:$0x1A0];
	v5 =	vsel vm15, $0x0, v31;
	v38 =	vsel vm13, $0x0, v31;
	vm14 =	vlt.s32 v12, $0x7A000  }
0xbb: {  	[tilespmem:$0x730] =	vst v42;
	vm15 =	vlt.s32 v12, $0xB7000;
	v29 =	vnsel vm12, $0xFFF49000, v29;
	vm13 =	vlt.s32 v26, $0x3D000  }
0xbc: {  	[tilespmem:$0x540] =	vst v45;
	vm12 =	vlt.s32 v44, $0xB7000;
	v11 =	vadd.s32 v17, v16;
	v5 =	vnsel vm4, $0xFFF86000, v5  }
0xbd: {  	[tilespmem:$0x550] =	vst v48;
	v2 =	vnsel vm5, $0xFFF49000, v2;
	v18 =	vnsel vm14, $0xFFF86000, v38;
	v38 =	vsel vm13, $0x0, v31  }
0xbe: {  	v30 =	vld [tilespmem:$0x1C0];
	[tilespmem:$0x750] =	vst v51;
	vm14 =	vlt.s32 v26, $0x7A000;
	vm13 =	vlt.s32 v50, $0x3D000;
	v5 =	vnsel vm6, $0xFFF49000, v5  }
0xbf: {  	[tilespmem:$0x560] =	vst v53;
	v18 =	vnsel vm15, $0xFFF49000, v18;
	vm4 =	vlt.s32 v15, $0x3D000;
	vm5 =	vlt.s32 v15, $0x7A000  }
0xc0: {  	[tilespmem:$0x760] =	vst v55;
	vm6 =	vlt.s32 v15, $0xB7000;
	v28 =	vnsel vm14, $0xFFF86000, v38;
	vm15 =	vlt.s32 v26, $0xB7000  }
0xc1: {  	[tilespmem:$0x570] =	vst v58;
	v59 =	vadd.s32 v7, v2;
	v62 =	vsel vm13, $0x0, v31;
	vm14 =	vlt.s32 v50, $0x7A000  }
0xc2: {  	v57 =	vld [tilespmem:$0x1E0];
	[tilespmem:$0x780] =	vst v9;
	v7 =	vnsel vm8, $0xFFF86000, v21;
	v46 =	vsel vm4, $0x0, v31;
	v28 =	vnsel vm15, $0xFFF49000, v28  }
0xc3: {  	[tilespmem:$0x4A0] =	vst v0;
	vm4 =	vlt.s32 v30, $0x3D000;
	v61 =	vadd.s32 v10, v5;
	v10 =	vnsel vm14, $0xFFF86000, v62  }
0xc4: {  	[tilespmem:$0x590] =	vst v11;
	vm15 =	vlt.s32 v50, $0xB7000;
	v13 =	vadd.s32 v12, v18;
	v18 =	vadd.s32 v19, v25  }
0xc5: {  	[tilespmem:$0x770] =	vst v59;
	v19 =	vadd.s32 v23, v29;
	v7 =	vnsel vm9, $0xFFF49000, v7;
	v22 =	vnsel vm5, $0xFFF86000, v46  }
0xc6: {  	v16 =	vld [tilespmem:$0x1F0];
	v43 =	vsel vm4, $0x0, v31;
	vm5 =	vlt.s32 v30, $0x7A000;
	v46 =	vadd.s32 v56, v20;
	[tilespmem:$0x580] =	vst v61  }
0xc7: {  	v56 =	vsel vm10, $0x0, v31;
	v1 =	vnsel vm15, $0xFFF49000, v10;
	vm4 =	vlt.s32 v57, $0x3D000;
	[tilespmem:$0x790] =	vst v13  }
0xc8: {  	[tilespmem:$0x7A0] =	vst v18;
	v23 =	vadd.s32 v26, v28;
	v26 =	vadd.s32 v39, v54;
	v39 =	vadd.s32 v63, v7  }
0xc9: {  	[tilespmem:$0x5B0] =	vst v19;
	v22 =	vnsel vm6, $0xFFF49000, v22;
	v24 =	vnsel vm5, $0xFFF86000, v43;
	vm6 =	vlt.s32 v30, $0xB7000  }
0xca: {  	[tilespmem:$0x740] =	vst v46;
	v3 =	vnsel vm11, $0xFFF86000, v56;
	v14 =	vsel vm4, $0x0, v31;
	v17 =	vadd.s32 v15, v22;
	v22 =	vld [tilespmem:$0x3F0]  }
0xcb: {  	vm5 =	vlt.s32 v57, $0x7A000;
	[tilespmem:$0x7B0] =	vst v23;
	vm10 =	vlt.s32 v16, $0x3D000;
	vm11 =	vlt.s32 v16, $0x7A000  }
0xcc: {  	[tilespmem:$0x7C0] =	vst v26;
	v35 =	vadd.s32 v50, v1;
	v47 =	vnsel vm6, $0xFFF49000, v24;
	v60 =	vnsel vm12, $0xFFF49000, v3  }
0xcd: {  	[tilespmem:$0x7E0] =	vst v39;
	v3 =	vnsel vm5, $0xFFF86000, v14;
	vm6 =	vlt.s32 v57, $0xB7000;
	v27 =	vsel vm10, $0x0, v31  }
0xce: {  	vm12 =	vlt.s32 v16, $0xB7000;
	[tilespmem:$0x7D0] =	vst v35;
	v3 =	vnsel vm6, $0xFFF49000, v3;
	v25 =	vadd.s32 v30, v47  }
0xcf: {  	[tilespmem:$0x5A0] =	vst v17;
	v33 =	vadd.s32 v44, v60;
	v34 =	vnsel vm11, $0xFFF86000, v27;
	vm13 =	vlt.s32 v22, $0x3D000  }
0xd0: {  	[tilespmem:$0x5C0] =	vst v25;
	v36 =	vnsel vm12, $0xFFF49000, v34;
	vm14 =	vlt.s32 v22, $0x7A000;
	v38 =	vsel vm13, $0x0, v31  }
0xd1: {  	[tilespmem:$0x5D0] =	vst v33;
	v37 =	vadd.s32 v57, v3;
	vm15 =	vlt.s32 v22, $0xB7000;
	v2 =	vnsel vm14, $0xFFF86000, v38  }
0xd2: {  	[tilespmem:$0x5E0] =	vst v37;
	v40 =	vadd.s32 v16, v36;
	v41 =	vnsel vm15, $0xFFF49000, v2  }
0xd3: {  	[tilespmem:$0x5F0] =	vst v40;
	v42 =	vadd.s32 v22, v41  }
0xd4: {  	[tilespmem:$0x7F0] =	vst v42  }
0xd5: {  	[tilespmem:s18], [sflag:$0x1] =	stream.indirect.gather [hbm4b:s5+s10], $0x80, s17, s10, $0xb8;
	[tilespmem:$0x10C00] =	vst v63  }
0xd6: {  	_ = 	snop  }
0xd7: {  	[tilespmem:s20], [sflag:$0x1] =	stream.indirect.gather [hbm4b:s6+s10], $0x80, s19, s10, $0xb8;
	[tilespmem:$0x10C00] =	vst v63  }
0xd8: {  	_ =	swait.ge [sflag:s21], $0x4000  }
0xd9: {  	[sflag:s21] =	ssyncset.done $0x0  }
0xda: {  	[sflag:s21] =	ssyncadd.s32 $0xFFFFC000  }
0xdb: {  	_ =	swait.ge [sflag:s21], $0x4000  }
0xdc: {  	[sflag:s21] =	ssyncset.done $0x0  }
0xdd: {  	s13 =	rddreg [dreg:$0x7];
	[sflag:s21] =	ssyncadd.s32 $0xFFFFC000  }
0xde: {  	[hbm4b:s13+s2] =	stream.linear.scatter [tilespmem:s18], [sflag:$0x2], $0x4000, $0x38;
	[tilespmem:$0x10C00] =	vst v63  }
0xdf: {  	s14 =	rddreg [dreg:$0x8]  }
0xe0: {  	[hbm4b:s14+s2] =	stream.linear.scatter [tilespmem:s20], [sflag:$0x2], $0x4000, $0x38;
	[tilespmem:$0x10C00] =	vst v63  }
0xe1: {  	_ = 	snop  }
0xe2: {  	[tilespmem:s23], [sflag:$0x1] =	stream.indirect.gather [hbm4b:s5+s10], $0x80, s22, s10, $0xb8;
	[tilespmem:$0x10C00] =	vst v63  }
0xe3: {  	_ = 	snop  }
0xe4: {  	[tilespmem:s25], [sflag:$0x1] =	stream.indirect.gather [hbm4b:s6+s10], $0x80, s24, s10, $0xb8;
	[tilespmem:$0x10C00] =	vst v63  }
0xe5: {  	_ =	swait.ge [sflag:s21], $0x4000  }
0xe6: {  	[sflag:s21] =	ssyncset.done $0x0  }
0xe7: {  	[sflag:s21] =	ssyncadd.s32 $0xFFFFC000  }
0xe8: {  	_ =	swait.ge [sflag:s21], $0x4000  }
0xe9: {  	[sflag:s21] =	ssyncset.done $0x0  }
0xea: {  	s13 =	rddreg [dreg:$0x9];
	[sflag:s21] =	ssyncadd.s32 $0xFFFFC000  }
0xeb: {  	[hbm4b:s13+s2] =	stream.linear.scatter [tilespmem:s23], [sflag:$0x2], $0x4000, $0x38;
	[tilespmem:$0x10C00] =	vst v63  }
0xec: {  	s14 =	rddreg [dreg:$0xa]  }
0xed: {  	[hbm4b:s14+s2] =	stream.linear.scatter [tilespmem:s25], [sflag:$0x2], $0x4000, $0x38;
	[tilespmem:$0x10C00] =	vst v63  }
0xee: {  	_ =	swait.ge [sflag:s26], $0x4000  }
0xef: {  	[sflag:s26] =	ssyncset.done $0x0  }
0xf0: {  	[sflag:s26] =	ssyncadd.s32 $0xFFFFC000  }
0xf1: {  	_ =	swait.ge [sflag:s26], $0x4000  }
0xf2: {  	[sflag:s26] =	ssyncset.done $0x0  }
0xf3: {  	[sflag:s26] =	ssyncadd.s32 $0xFFFFC000  }
0xf4: {  	[tilespmem:s18], [sflag:$0x1] =	stream.indirect.gather [hbm4b:s5+s10], $0x80, s28, s10, $0xb8;
	[tilespmem:$0x10C00] =	vst v63  }
0xf5: {  	_ = 	snop  }
0xf6: {  	[tilespmem:s20], [sflag:$0x1] =	stream.indirect.gather [hbm4b:s6+s10], $0x80, s29, s10, $0xb8;
	[tilespmem:$0x10C00] =	vst v63  }
0xf7: {  	_ =	swait.ge [sflag:s21], $0x4000  }
0xf8: {  	[sflag:s21] =	ssyncset.done $0x0  }
0xf9: {  	[sflag:s21] =	ssyncadd.s32 $0xFFFFC000  }
0xfa: {  	_ =	swait.ge [sflag:s21], $0x4000  }
0xfb: {  	[sflag:s21] =	ssyncset.done $0x0  }
0xfc: {  	s13 =	rddreg [dreg:$0xb];
	[sflag:s21] =	ssyncadd.s32 $0xFFFFC000  }
0xfd: {  	[hbm4b:s13+s2] =	stream.linear.scatter [tilespmem:s18], [sflag:$0x2], $0x4000, $0x38;
	[tilespmem:$0x10C00] =	vst v63  }
0xfe: {  	s14 =	rddreg [dreg:$0xc]  }
0xff: {  	[hbm4b:s14+s2] =	stream.linear.scatter [tilespmem:s20], [sflag:$0x2], $0x4000, $0x38;
	[tilespmem:$0x10C00] =	vst v63  }
0x100: {  	_ =	swait.ge [sflag:s26], $0x4000  }
0x101: {  	[sflag:s26] =	ssyncset.done $0x0  }
0x102: {  	[sflag:s26] =	ssyncadd.s32 $0xFFFFC000  }
0x103: {  	_ =	swait.ge [sflag:s26], $0x4000  }
0x104: {  	[sflag:s26] =	ssyncset.done $0x0  }
0x105: {  	[sflag:s26] =	ssyncadd.s32 $0xFFFFC000  }
0x106: {  	[tilespmem:s23], [sflag:$0x1] =	stream.indirect.gather [hbm4b:s5+s10], $0x80, s30, s10, $0xb8;
	[tilespmem:$0x10C00] =	vst v63  }
0x107: {  	_ = 	snop  }
0x108: {  	[tilespmem:s25], [sflag:$0x1] =	stream.indirect.gather [hbm4b:s6+s10], $0x80, s31, s10, $0xb8;
	[tilespmem:$0x10C00] =	vst v63  }
0x109: {  	_ =	swait.ge [sflag:s21], $0x4000  }
0x10a: {  	[sflag:s21] =	ssyncset.done $0x0  }
0x10b: {  	[sflag:s21] =	ssyncadd.s32 $0xFFFFC000  }
0x10c: {  	_ =	swait.ge [sflag:s21], $0x4000  }
0x10d: {  	[sflag:s21] =	ssyncset.done $0x0  }
0x10e: {  	s12 =	rddreg [dreg:$0xd];
	[sflag:s21] =	ssyncadd.s32 $0xFFFFC000  }
0x10f: {  	[hbm4b:s12+s2] =	stream.linear.scatter [tilespmem:s23], [sflag:$0x2], $0x4000, $0x38;
	[tilespmem:$0x10C00] =	vst v63  }
0x110: {  	s13 =	rddreg [dreg:$0xe]  }
0x111: {  	[hbm4b:s13+s2] =	stream.linear.scatter [tilespmem:s25], [sflag:$0x2], $0x4000, $0x38;
	[tilespmem:$0x10C00] =	vst v63  }
0x112: {  	_ =	swait.ge [sflag:s0], $0x80  }
0x113: {  	[sflag:s0] =	ssyncset.done $0x0  }
0x114: {  	[sflag:s0] =	ssyncadd.s32 $0xFFFFFF80  }
0x115: {  	_ =	swait.ge [sflag:s0], $0x80  }
0x116: {  	[sflag:s0] =	ssyncset.done $0x0  }
0x117: {  	[sflag:s0] =	ssyncadd.s32 $0xFFFFFF80  }
0x118: {  	_ =	swait.ge [sflag:s0], $0x80  }
0x119: {  	[sflag:s0] =	ssyncset.done $0x0  }
0x11a: {  	[sflag:s0] =	ssyncadd.s32 $0xFFFFFF80  }
0x11b: {  	_ =	swait.ge [sflag:s0], $0x80  }
0x11c: {  	[sflag:s0] =	ssyncset.done $0x0  }
0x11d: {  	[sflag:s0] =	ssyncadd.s32 $0xFFFFFF80  }
0x11e: {  	_ =	swait.ge [sflag:s0], $0x80  }
0x11f: {  	[sflag:s0] =	ssyncset.done $0x0  }
0x120: {  	[sflag:s0] =	ssyncadd.s32 $0xFFFFFF80  }
0x121: {  	_ =	swait.ge [sflag:s0], $0x80  }
0x122: {  	[sflag:s0] =	ssyncset.done $0x0  }
0x123: {  	[sflag:s0] =	ssyncadd.s32 $0xFFFFFF80  }
0x124: {  	_ =	swait.ge [sflag:s0], $0x80  }
0x125: {  	[sflag:s0] =	ssyncset.done $0x0  }
0x126: {  	[sflag:s0] =	ssyncadd.s32 $0xFFFFFF80  }
0x127: {  	_ =	swait.ge [sflag:s0], $0x80  }
0x128: {  	[sflag:s0] =	ssyncset.done $0x0  }
0x129: {  	[sflag:s0] =	ssyncadd.s32 $0xFFFFFF80  }
0x12a: {  	v0 =	vld [tilespmem:$0x10800]  }
0x12b: {  	v43 =	vld [tilespmem:$0x10A00]  }
0x12c: {  	v2 =	vld [tilespmem:$0x10810]  }
0x12d: {  	v3 =	vld [tilespmem:$0x10A10]  }
0x12e: {  	v44 =	vld [tilespmem:$0x10820]  }
0x12f: {  	v45 =	vld [tilespmem:$0x10A20]  }
0x130: {  	v46 =	vld [tilespmem:$0x10830]  }
0x131: {  	v47 =	vld [tilespmem:$0x10A30]  }
0x132: {  	v48 =	vld [tilespmem:$0x10840]  }
0x133: {  	v49 =	vld [tilespmem:$0x10A40]  }
0x134: {  	v50 =	vld [tilespmem:$0x10850]  }
0x135: {  	v51 =	vld [tilespmem:$0x10A50]  }
0x136: {  	v52 =	vld [tilespmem:$0x10860]  }
0x137: {  	v53 =	vld [tilespmem:$0x10A60]  }
0x138: {  	v54 =	vld [tilespmem:$0x10870]  }
0x139: {  	v55 =	vld [tilespmem:$0x10A70]  }
0x13a: {  	v56 =	vld [tilespmem:$0x10880]  }
0x13b: {  	v57 =	vld [tilespmem:$0x10A80]  }
0x13c: {  	v58 =	vld [tilespmem:$0x10890]  }
0x13d: {  	v59 =	vld [tilespmem:$0x10A90]  }
0x13e: {  	v60 =	vld [tilespmem:$0x108A0]  }
0x13f: {  	v61 =	vld [tilespmem:$0x10AA0]  }
0x140: {  	v62 =	vld [tilespmem:$0x108B0]  }
0x141: {  	v63 =	vld [tilespmem:$0x10AB0]  }
0x142: {  	v24 =	vld [tilespmem:$0x108C0]  }
0x143: {  	v25 =	vld [tilespmem:$0x10AC0]  }
0x144: {  	v26 =	vld [tilespmem:$0x108D0]  }
0x145: {  	v27 =	vld [tilespmem:$0x10AD0]  }
0x146: {  	v28 =	vld [tilespmem:$0x108E0]  }
0x147: {  	v29 =	vld [tilespmem:$0x10AE0]  }
0x148: {  	v30 =	vld [tilespmem:$0x108F0]  }
0x149: {  	v32 =	vld [tilespmem:$0x10AF0]  }
0x14a: {  	v33 =	vld [tilespmem:$0x10900]  }
0x14b: {  	v34 =	vld [tilespmem:$0x10B00]  }
0x14c: {  	v40 =	vld [tilespmem:$0x10910]  }
0x14d: {  	v41 =	vld [tilespmem:$0x10B10]  }
0x14e: {  	v42 =	vld [tilespmem:$0x10920]  }
0x14f: {  	v22 =	vld [tilespmem:$0x10B80];
	v0 =	vadd.f32 v43, v0  }
0x150: {  	v39 =	vld [tilespmem:$0x10BA0];
	v2 =	vadd.f32 v3, v2  }
0x151: {  	v43 =	vld [tilespmem:$0x10B20];
	v44 =	vadd.f32 v45, v44;
	[tilespmem:$0x10800] =	vst v0  }
0x152: {  	v3 =	vld [tilespmem:$0x10930];
	v46 =	vadd.f32 v47, v46;
	[tilespmem:$0x10810] =	vst v2  }
0x153: {  	v45 =	vld [tilespmem:$0x10B30];
	v48 =	vadd.f32 v49, v48;
	[tilespmem:$0x10820] =	vst v44  }
0x154: {  	v47 =	vld [tilespmem:$0x10940];
	v50 =	vadd.f32 v51, v50;
	[tilespmem:$0x10830] =	vst v46  }
0x155: {  	v49 =	vld [tilespmem:$0x10B40];
	v52 =	vadd.f32 v53, v52;
	[tilespmem:$0x10840] =	vst v48  }
0x156: {  	v51 =	vld [tilespmem:$0x10950];
	v54 =	vadd.f32 v55, v54;
	[tilespmem:$0x10850] =	vst v50  }
0x157: {  	v53 =	vld [tilespmem:$0x10B50];
	v56 =	vadd.f32 v57, v56;
	[tilespmem:$0x10860] =	vst v52  }
0x158: {  	v55 =	vld [tilespmem:$0x10960];
	v58 =	vadd.f32 v59, v58;
	[tilespmem:$0x10870] =	vst v54  }
0x159: {  	v57 =	vld [tilespmem:$0x10B60];
	v60 =	vadd.f32 v61, v60;
	[tilespmem:$0x10880] =	vst v56  }
0x15a: {  	v59 =	vld [tilespmem:$0x10970];
	v62 =	vadd.f32 v63, v62;
	[tilespmem:$0x10890] =	vst v58  }
0x15b: {  	v61 =	vld [tilespmem:$0x10B70];
	v21 =	vadd.f32 v25, v24;
	[tilespmem:$0x108A0] =	vst v60  }
0x15c: {  	v63 =	vld [tilespmem:$0x10980];
	v23 =	vadd.f32 v27, v26;
	[tilespmem:$0x108B0] =	vst v62  }
0x15d: {  	v24 =	vld [tilespmem:$0x10990];
	v25 =	vadd.f32 v29, v28;
	[tilespmem:$0x108C0] =	vst v21  }
0x15e: {  	v26 =	vld [tilespmem:$0x10B90];
	v27 =	vadd.f32 v32, v30;
	[tilespmem:$0x108D0] =	vst v23  }
0x15f: {  	v32 =	vld [tilespmem:$0x109A0];
	v38 =	vadd.f32 v34, v33;
	[tilespmem:$0x108E0] =	vst v25  }
0x160: {  	v40 =	vadd.f32 v41, v40;
	v41 =	vld [tilespmem:$0x109B0];
	[tilespmem:$0x108F0] =	vst v27  }
0x161: {  	[tilespmem:$0x10900] =	vst v38;
	v42 =	vadd.f32 v43, v42;
	v43 =	vld [tilespmem:$0x10BB0]  }
0x162: {  	[tilespmem:$0x10910] =	vst v40;
	v44 =	vadd.f32 v45, v3;
	v45 =	vld [tilespmem:$0x109C0]  }
0x163: {  	v46 =	vadd.f32 v49, v47;
	v47 =	vld [tilespmem:$0x10BC0];
	[tilespmem:$0x10920] =	vst v42  }
0x164: {  	v48 =	vadd.f32 v53, v51;
	v49 =	vld [tilespmem:$0x109D0];
	[tilespmem:$0x10930] =	vst v44  }
0x165: {  	v50 =	vadd.f32 v57, v55;
	v51 =	vld [tilespmem:$0x10BD0];
	[tilespmem:$0x10940] =	vst v46  }
0x166: {  	v52 =	vadd.f32 v61, v59;
	v53 =	vld [tilespmem:$0x109E0];
	[tilespmem:$0x10950] =	vst v48  }
0x167: {  	v54 =	vadd.f32 v22, v63;
	v55 =	vld [tilespmem:$0x10BE0];
	[tilespmem:$0x10960] =	vst v50  }
0x168: {  	v56 =	vadd.f32 v26, v24;
	v57 =	vld [tilespmem:$0x109F0];
	[tilespmem:$0x10970] =	vst v52  }
0x169: {  	v58 =	vadd.f32 v39, v32;
	v59 =	vld [tilespmem:$0x10BF0];
	[tilespmem:$0x10980] =	vst v54  }
0x16a: {  	[tilespmem:$0x10990] =	vst v56;
	v1 =	vadd.f32 v43, v41  }
0x16b: {  	[tilespmem:$0x109A0] =	vst v58;
	v60 =	vadd.f32 v47, v45  }
0x16c: {  	v61 =	vadd.f32 v51, v49;
	[tilespmem:$0x109B0] =	vst v1  }
0x16d: {  	v62 =	vadd.f32 v55, v53;
	[tilespmem:$0x109C0] =	vst v60  }
0x16e: {  	v63 =	vadd.f32 v59, v57;
	[tilespmem:$0x109D0] =	vst v61  }
0x16f: {  	[tilespmem:$0x109E0] =	vst v62  }
0x170: {  	s14 =	rddreg [dreg:$0xf];
	[tilespmem:$0x109F0] =	vst v63  }
0x171: {  	[hbm4b:s14+s2] =	stream.linear.scatter [tilespmem:s11], [sflag:$0x4], $0x200, $0x38;
	[tilespmem:$0x10C00] =	vst v63  }
0x172: {  	_ =	swait.ge [sflag:s8], $0x200  }
0x173: {  	[sflag:s8] =	ssyncset.done $0x0  }
0x174: {  	[sflag:s8] =	ssyncadd.s32 $0xFFFFFE00  }
0x175: {  	_ =	swait.ge [sflag:s26], $0x4000  }
0x176: {  	[sflag:s26] =	ssyncset.done $0x0  }
0x177: {  	[sflag:s26] =	ssyncadd.s32 $0xFFFFC000  }
0x178: {  	_ =	swait.ge [sflag:s26], $0x4000  }
0x179: {  	[sflag:s26] =	ssyncset.done $0x0  }
0x17a: {  	[sflag:s26] =	ssyncadd.s32 $0xFFFFC000  }
0x17b: {  	p0 =	sne.s32 s7, $0x1;
	_ =	swait.ge [sflag:s26], $0x4000  }
.Ltmp0:
0x17c: {  	[sflag:s26] =	ssyncset.done $0x0;
	(pc) =	sbr.rel @p0 .LBB2_1-.Ltmp0, $4  }
0x17d: {  	[sflag:s26] =	ssyncadd.s32 $0xFFFFC000  }
0x17e: {  	_ =	swait.ge [sflag:s26], $0x4000  }
0x17f: {  	[sflag:s26] =	ssyncset.done $0x0  }
0x180: {  	s7 =	sadd.s32 $0xFFFFFFFF, s7;
	[sflag:s26] =	ssyncadd.s32 $0xFFFFC000  }
0x181: {  	_ =	sfence.sel $0x180000  }
0x182: {  	[bflag:$0x0] =	sbarrier.arrive $0xFFFF  }
0x183: {  	_ =	strace $0x90000047  }
0x184: {  	s0 =	stileid.u32;
	[bflag:$0x2] =	sbarrier.arrive $0xFFFF  }
0x185: {  	p0 =	sne.s32 s0, $0x0;
	s0 =	rddreg [dreg:$0x4]  }
0x186: {  	s0 =	sadd.s32 @!p0 $0x100000, s0  }
0x187: {  	[sflag:s0] =	ssyncadd.tile.s32 @!p0 $0x1;
	_ =	shalt  }
.Lfunc_end2:
_tile_overlayer_lowered:
.L_overlay_start_2:
0x188: {  	(tag) =	ssettag $0x2  }
0x189: {  	s0 =	rddreg [dreg:$0x0];
	s2 =	stileid.u32  }
0x18a: {  	s1 =	rddreg [dreg:$0x1];
	p0 =	sne.s32 s2, $0x0  }
0x18b: {  	s3 =	rddreg [dreg:$0x2];
	[bflag:$0x3] =	sbarrier.arrive $0xFFFF;
	s2 =	simm.s32 @!p0 $0x1C04  }
0x18c: {  	[timem:s3], [sflag:s2] =	dma.local @!p0 [hbm:s0], s1  }
0x18d: {  	s0 =	simm.s32 @!p0 $0x4  }
0x18e: {  	_ =	swait.ge @!p0 [sflag:s0], s1  }
0x18f: {  	s1 =	ssub.s32 @!p0 $0x0, s1;
	[sflag:s0] =	ssyncset.done @!p0 $0x0  }
0x190: {  	[sflag:s0] =	ssyncadd.s32 @!p0 s1  }
0x191: {  	[bflag:$0x3] =	sbarrier.arrive $0xFFFF  }
0x192: {  	_ =	shalt  }

</sc_bundles>
